<compile_context>
chip_gen: v7x
topology: tpu7x:2x2x1
jax: 0.10.2.dev20260603
libtpu: 0.0.44.dev20260713+nightly
codegen_flags: <defaults>
</compile_context>

<pallas_src>
import functools

import jax
import jax.numpy as jnp
from jax import lax
from jax.experimental import pallas as pl
from jax.experimental.pallas import tpu as pltpu
from jax.experimental.pallas import tpu_sc as plsc

BATCH = 16384
HIST = 50
EMBED = 32
VOCAB = 1000000
PADW = 128
N = BATCH * HIST
NC, NS = 2, 16
NW = NC * NS
GRP = 128
NBLK = BATCH // GRP
NGRP = HIST * NBLK
G = NGRP // NW
R = 8
NCH = G // R
NPAIR = (NCH - 1) // 2

_MESH = plsc.VectorSubcoreMesh(
    core_axis_name="c", subcore_axis_name="s", num_cores=NC, num_subcores=NS
)



_LW = 4096
_LGRID = (VOCAB + _LW - 1) // _LW


def _linearize_body(t_ref, o_ref):
    xt = jnp.transpose(t_ref[...])
    x3 = xt.reshape(_LW // 4, 4, EMBED)
    o_ref[...] = jnp.concatenate([x3[:, t, :] for t in range(4)], axis=1)


def _linearize(table_t):
    return pl.pallas_call(
        _linearize_body,
        grid=(_LGRID,),
        in_specs=[pl.BlockSpec((EMBED, _LW), lambda i: (0, i))],
        out_specs=pl.BlockSpec((_LW // 4, 4 * EMBED), lambda i: (i, 0)),
        out_shape=jax.ShapeDtypeStruct((VOCAB // 4, 4 * EMBED), jnp.float32),
    )(table_t)



@functools.partial(
    pl.kernel,
    out_type=jax.ShapeDtypeStruct((HIST, BATCH, PADW), jnp.float32),
    mesh=_MESH,
    scratch_types=[
        pltpu.VMEM((G, GRP), jnp.int32),
        pltpu.VMEM((2, R, GRP, EMBED), jnp.float32),
        pltpu.SemaphoreType.DMA,
        pltpu.SemaphoreType.DMA,
        pltpu.SemaphoreType.DMA,
        pltpu.SemaphoreType.DMA,
    ],
    compiler_params=pltpu.CompilerParams(use_tc_tiling_on_sc=False),
)
def _sc_gather(idx_hbm, table_hbm, out_hbm, idx_v, bufs, gsa, gsb, wsa, wsb):
    wid = lax.axis_index("s") * NC + lax.axis_index("c")
    pltpu.sync_copy(idx_hbm.at[wid], idx_v)

    def fire_g(c, half, sem):
        for b in range(R):
            pltpu.async_copy(
                table_hbm.at[idx_v.at[c * R + b]], bufs.at[half, b], sem
            )

    def drain_g(half, sem):
        for b in range(R):
            pltpu.make_async_copy(
                table_hbm.at[idx_v.at[0]], bufs.at[half, b], sem
            ).wait()

    def _dst(c, b):
        gid = wid * G + c * R + b
        h = gid // NBLK
        b0 = (gid % NBLK) * GRP
        return out_hbm.at[h, pl.ds(b0, GRP), pl.ds(0, EMBED)]

    def fire_w(c, half, sem):
        for b in range(R):
            pltpu.async_copy(bufs.at[half, b], _dst(c, b), sem)

    def drain_w(half, sem):
        for b in range(R):
            pltpu.make_async_copy(bufs.at[half, b], _dst(0, b), sem).wait()

    fire_g(0, 0, gsa)

    def body(s, carry):
        c0 = 2 * s

        @pl.when(s > 0)
        def _():
            drain_w(1, wsb)

        fire_g(c0 + 1, 1, gsb)
        drain_g(0, gsa)
        fire_w(c0, 0, wsa)
        drain_w(0, wsa)
        fire_g(c0 + 2, 0, gsa)
        drain_g(1, gsb)
        fire_w(c0 + 1, 1, wsb)
        return carry

    lax.fori_loop(0, NPAIR, body, 0)

    drain_w(1, wsb)
    drain_g(0, gsa)
    fire_w(NCH - 1, 0, wsa)
    drain_w(0, wsa)



_OB = 2048
_OGRID = (HIST, BATCH // _OB)


def _out_body(g_ref, o_ref):
    x = g_ref[0]
    o_ref[0] = jnp.transpose(x[:, :EMBED])


def _slice_transpose(g3p):
    return pl.pallas_call(
        _out_body,
        grid=_OGRID,
        in_specs=[pl.BlockSpec((1, _OB, PADW), lambda h, j: (h, j, 0))],
        out_specs=pl.BlockSpec((1, EMBED, _OB), lambda h, j: (h, 0, j)),
        out_shape=jax.ShapeDtypeStruct((HIST, EMBED, BATCH), jnp.float32),
    )(g3p)


def kernel(indices, table):
    tbl = _linearize(table.T).reshape(VOCAB, EMBED)
    idx = indices.T.reshape(NW, G, GRP)
    g3p = _sc_gather(idx, tbl)
    out3 = _slice_transpose(g3p)
    return jnp.transpose(out3, (2, 0, 1))

# --- scband reference (transcript-rebuilt; emitter-appended) ---
"""Pipeline reference for scband-net-85023172591920 (READ-ONLY COPY).

The authoritative reference and input builder live on the scoring server;
editing this copy changes nothing except your own understanding.
"""

import jax, jax.numpy as jnp
import numpy as np

VOCAB = 1000000
EMBED = 32
BATCH = 16384
HIST = 50

def setup_inputs(seed: int = 0) -> dict:
    key = jax.random.key(seed)
    k1, k2 = jax.random.split(key)
    indices = jax.random.randint(k1, (BATCH, HIST), 0, VOCAB, dtype=jnp.int32)
    table = jax.random.normal(k2, (VOCAB, EMBED), dtype=jnp.float32) * 0.02
    return {"indices": indices, "table": table}

def reference(indices, table):
    # Keras Embedding layer forward: row gather from the embedding table
    return jnp.take(table, indices, axis=0)

if __name__ == "__main__":
    import jax
    _d = setup_inputs()
    print(jax.jit(kernel)(*tuple(_d.values())))

</pallas_src>

<mosaic_0001>
#map = affine_map<(d0, d1) -> (0, 0, 0)>
#map1 = affine_map<(d0, d1) -> (0, 0)>
module attributes {stable_mosaic.version = 14 : i64} {
  func.func @_sc_gather(%arg0: i32, %arg1: i32, %arg2: memref<32x200x128xi32, #tpu.memory_space<hbm>>, %arg3: memref<1000000x32xf32, #tpu.memory_space<hbm>>, %arg4: memref<50x16384x128xf32, #tpu.memory_space<hbm>>, %arg5: memref<200x128xi32, #tpu.memory_space<vmem>>, %arg6: memref<2x8x128x32xf32, #tpu.memory_space<vmem>>, %arg7: memref<!tpu.dma_semaphore, #tpu.memory_space<semaphore_mem>>, %arg8: memref<!tpu.dma_semaphore, #tpu.memory_space<semaphore_mem>>, %arg9: memref<!tpu.dma_semaphore, #tpu.memory_space<semaphore_mem>>, %arg10: memref<!tpu.dma_semaphore, #tpu.memory_space<semaphore_mem>>) attributes {dimension_semantics = [#tpu.dimension_semantics<core_parallel>, #tpu.dimension_semantics<subcore_parallel>], iteration_bounds = array<i64: 2, 16>, scalar_prefetch = 0 : i64, scratch_operands = 6 : i64, tpu.core_type = #tpu.core_type<sc_vector_subcore>, window_params = [{transform_indices = #map}, {transform_indices = #map1}, {transform_indices = #map}]} {
    %mul3A = arith.constant 2 : i32
    %mul3A_0 = arith.muli %arg1, %mul3A : i32
    %add3A = arith.addi %mul3A_0, %arg0 : i32
    "tpu.region"() ({
      %run_scoped3A = tpu.sem_alloc : memref<!tpu.dma_semaphore, #tpu.memory_space<semaphore_mem>>
      %dma_start3A_1738 = arith.constant 0 : i32
      %dma_start3A_1739 = arith.constant 0 : i32
      %dma_start3A_1740 = tpu.memref_slice %arg2[%add3A, %dma_start3A_1738, %dma_start3A_1739] : memref<32x200x128xi32, #tpu.memory_space<hbm>> -> memref<1x200x128xi32, #tpu.memory_space<hbm>>
      %dma_start3A_1741 = tpu.memref_squeeze %dma_start3A_1740 : memref<1x200x128xi32, #tpu.memory_space<hbm>> -> memref<200x128xi32, #tpu.memory_space<hbm>>
      %dma_start3A_1742 = arith.constant 0 : i32
      %dma_start3A_1743 = arith.constant 0 : i32
      %dma_start3A_1744 = tpu.memref_slice %arg2[%add3A, %dma_start3A_1742, %dma_start3A_1743] : memref<32x200x128xi32, #tpu.memory_space<hbm>> -> memref<1x200x128xi32, #tpu.memory_space<hbm>>
      %dma_start3A_1745 = tpu.memref_squeeze %dma_start3A_1744 : memref<1x200x128xi32, #tpu.memory_space<hbm>> -> memref<200x128xi32, #tpu.memory_space<hbm>>
      tpu.enqueue_dma source(%dma_start3A_1745 : memref<200x128xi32, #tpu.memory_space<hbm>>) target(%arg5 : memref<200x128xi32, #tpu.memory_space<vmem>>) target_semaphore(%run_scoped3A : memref<!tpu.dma_semaphore, #tpu.memory_space<semaphore_mem>>)
      %dma_wait3A_1746 = arith.constant 0 : i32
      %dma_wait3A_1747 = arith.constant 0 : i32
      %dma_wait3A_1748 = tpu.memref_slice %arg2[%add3A, %dma_wait3A_1746, %dma_wait3A_1747] : memref<32x200x128xi32, #tpu.memory_space<hbm>> -> memref<1x200x128xi32, #tpu.memory_space<hbm>>
      %dma_wait3A_1749 = tpu.memref_squeeze %dma_wait3A_1748 : memref<1x200x128xi32, #tpu.memory_space<hbm>> -> memref<200x128xi32, #tpu.memory_space<hbm>>
      %dma_wait3A_1750 = arith.constant 0 : i32
      %dma_wait3A_1751 = arith.constant 0 : i32
      %dma_wait3A_1752 = tpu.memref_slice %arg2[%add3A, %dma_wait3A_1750, %dma_wait3A_1751] : memref<32x200x128xi32, #tpu.memory_space<hbm>> -> memref<1x200x128xi32, #tpu.memory_space<hbm>>
      %dma_wait3A_1753 = tpu.memref_squeeze %dma_wait3A_1752 : memref<1x200x128xi32, #tpu.memory_space<hbm>> -> memref<200x128xi32, #tpu.memory_space<hbm>>
      tpu.wait_dma2 semaphore(%run_scoped3A : memref<!tpu.dma_semaphore, #tpu.memory_space<semaphore_mem>>) src(%dma_wait3A_1753 : memref<200x128xi32, #tpu.memory_space<hbm>>) dst(%arg5 : memref<200x128xi32, #tpu.memory_space<vmem>>)
      tpu.yield
    }) : () -> ()
    %dma_start3A = arith.constant 0 : i32
    %dma_start3A_1 = arith.constant 0 : i32
    %dma_start3A_2 = arith.constant 0 : i32
    %dma_start3A_3 = arith.constant 0 : i32
    %dma_start3A_4 = arith.constant 0 : i32
    %dma_start3A_5 = tpu.memref_slice %arg6[%dma_start3A_1, %dma_start3A_2, %dma_start3A_3, %dma_start3A_4] : memref<2x8x128x32xf32, #tpu.memory_space<vmem>> -> memref<1x1x128x32xf32, #tpu.memory_space<vmem>>
    %dma_start3A_6 = tpu.memref_squeeze %dma_start3A_5 : memref<1x1x128x32xf32, #tpu.memory_space<vmem>> -> memref<128x32xf32, #tpu.memory_space<vmem>>
    %dma_start3A_7 = arith.constant 0 : i32
    %dma_start3A_8 = tpu.memref_slice %arg5[%dma_start3A, %dma_start3A_7] : memref<200x128xi32, #tpu.memory_space<vmem>> -> memref<1x128xi32, #tpu.memory_space<vmem>>
    %dma_start3A_9 = tpu.memref_squeeze %dma_start3A_8 : memref<1x128xi32, #tpu.memory_space<vmem>> -> memref<128xi32, #tpu.memory_space<vmem>>
    %dma_start3A_10 = arith.constant 0 : i32
    %dma_start3A_11 = arith.constant 0 : i32
    %dma_start3A_12 = tpu.memref_slice %arg3[%dma_start3A_10, %dma_start3A_11] : memref<1000000x32xf32, #tpu.memory_space<hbm>> -> memref<1000000x32xf32, #tpu.memory_space<hbm>>
    tpu.enqueue_indirect_dma source(%dma_start3A_12 : memref<1000000x32xf32, #tpu.memory_space<hbm>>) target(%dma_start3A_6 : memref<128x32xf32, #tpu.memory_space<vmem>>) offsets(%dma_start3A_9 : memref<128xi32, #tpu.memory_space<vmem>>) semaphore(%arg7 : memref<!tpu.dma_semaphore, #tpu.memory_space<semaphore_mem>>)
    %dma_start3A_13 = arith.constant 1 : i32
    %dma_start3A_14 = arith.constant 0 : i32
    %dma_start3A_15 = arith.constant 1 : i32
    %dma_start3A_16 = arith.constant 0 : i32
    %dma_start3A_17 = arith.constant 0 : i32
    %dma_start3A_18 = tpu.memref_slice %arg6[%dma_start3A_14, %dma_start3A_15, %dma_start3A_16, %dma_start3A_17] : memref<2x8x128x32xf32, #tpu.memory_space<vmem>> -> memref<1x1x128x32xf32, #tpu.memory_space<vmem>>
    %dma_start3A_19 = tpu.memref_squeeze %dma_start3A_18 : memref<1x1x128x32xf32, #tpu.memory_space<vmem>> -> memref<128x32xf32, #tpu.memory_space<vmem>>
    %dma_start3A_20 = arith.constant 0 : i32
    %dma_start3A_21 = tpu.memref_slice %arg5[%dma_start3A_13, %dma_start3A_20] : memref<200x128xi32, #tpu.memory_space<vmem>> -> memref<1x128xi32, #tpu.memory_space<vmem>>
    %dma_start3A_22 = tpu.memref_squeeze %dma_start3A_21 : memref<1x128xi32, #tpu.memory_space<vmem>> -> memref<128xi32, #tpu.memory_space<vmem>>
    %dma_start3A_23 = arith.constant 0 : i32
    %dma_start3A_24 = arith.constant 0 : i32
    %dma_start3A_25 = tpu.memref_slice %arg3[%dma_start3A_23, %dma_start3A_24] : memref<1000000x32xf32, #tpu.memory_space<hbm>> -> memref<1000000x32xf32, #tpu.memory_space<hbm>>
    tpu.enqueue_indirect_dma source(%dma_start3A_25 : memref<1000000x32xf32, #tpu.memory_space<hbm>>) target(%dma_start3A_19 : memref<128x32xf32, #tpu.memory_space<vmem>>) offsets(%dma_start3A_22 : memref<128xi32, #tpu.memory_space<vmem>>) semaphore(%arg7 : memref<!tpu.dma_semaphore, #tpu.memory_space<semaphore_mem>>)
    %dma_start3A_26 = arith.constant 2 : i32
    %dma_start3A_27 = arith.constant 0 : i32
    %dma_start3A_28 = arith.constant 2 : i32
    %dma_start3A_29 = arith.constant 0 : i32
    %dma_start3A_30 = arith.constant 0 : i32
    %dma_start3A_31 = tpu.memref_slice %arg6[%dma_start3A_27, %dma_start3A_28, %dma_start3A_29, %dma_start3A_30] : memref<2x8x128x32xf32, #tpu.memory_space<vmem>> -> memref<1x1x128x32xf32, #tpu.memory_space<vmem>>
    %dma_start3A_32 = tpu.memref_squeeze %dma_start3A_31 : memref<1x1x128x32xf32, #tpu.memory_space<vmem>> -> memref<128x32xf32, #tpu.memory_space<vmem>>
    %dma_start3A_33 = arith.constant 0 : i32
    %dma_start3A_34 = tpu.memref_slice %arg5[%dma_start3A_26, %dma_start3A_33] : memref<200x128xi32, #tpu.memory_space<vmem>> -> memref<1x128xi32, #tpu.memory_space<vmem>>
    %dma_start3A_35 = tpu.memref_squeeze %dma_start3A_34 : memref<1x128xi32, #tpu.memory_space<vmem>> -> memref<128xi32, #tpu.memory_space<vmem>>
    %dma_start3A_36 = arith.constant 0 : i32
    %dma_start3A_37 = arith.constant 0 : i32
    %dma_start3A_38 = tpu.memref_slice %arg3[%dma_start3A_36, %dma_start3A_37] : memref<1000000x32xf32, #tpu.memory_space<hbm>> -> memref<1000000x32xf32, #tpu.memory_space<hbm>>
    tpu.enqueue_indirect_dma source(%dma_start3A_38 : memref<1000000x32xf32, #tpu.memory_space<hbm>>) target(%dma_start3A_32 : memref<128x32xf32, #tpu.memory_space<vmem>>) offsets(%dma_start3A_35 : memref<128xi32, #tpu.memory_space<vmem>>) semaphore(%arg7 : memref<!tpu.dma_semaphore, #tpu.memory_space<semaphore_mem>>)
    %dma_start3A_39 = arith.constant 3 : i32
    %dma_start3A_40 = arith.constant 0 : i32
    %dma_start3A_41 = arith.constant 3 : i32
    %dma_start3A_42 = arith.constant 0 : i32
    %dma_start3A_43 = arith.constant 0 : i32
    %dma_start3A_44 = tpu.memref_slice %arg6[%dma_start3A_40, %dma_start3A_41, %dma_start3A_42, %dma_start3A_43] : memref<2x8x128x32xf32, #tpu.memory_space<vmem>> -> memref<1x1x128x32xf32, #tpu.memory_space<vmem>>
    %dma_start3A_45 = tpu.memref_squeeze %dma_start3A_44 : memref<1x1x128x32xf32, #tpu.memory_space<vmem>> -> memref<128x32xf32, #tpu.memory_space<vmem>>
    %dma_start3A_46 = arith.constant 0 : i32
    %dma_start3A_47 = tpu.memref_slice %arg5[%dma_start3A_39, %dma_start3A_46] : memref<200x128xi32, #tpu.memory_space<vmem>> -> memref<1x128xi32, #tpu.memory_space<vmem>>
    %dma_start3A_48 = tpu.memref_squeeze %dma_start3A_47 : memref<1x128xi32, #tpu.memory_space<vmem>> -> memref<128xi32, #tpu.memory_space<vmem>>
    %dma_start3A_49 = arith.constant 0 : i32
    %dma_start3A_50 = arith.constant 0 : i32
    %dma_start3A_51 = tpu.memref_slice %arg3[%dma_start3A_49, %dma_start3A_50] : memref<1000000x32xf32, #tpu.memory_space<hbm>> -> memref<1000000x32xf32, #tpu.memory_space<hbm>>
    tpu.enqueue_indirect_dma source(%dma_start3A_51 : memref<1000000x32xf32, #tpu.memory_space<hbm>>) target(%dma_start3A_45 : memref<128x32xf32, #tpu.memory_space<vmem>>) offsets(%dma_start3A_48 : memref<128xi32, #tpu.memory_space<vmem>>) semaphore(%arg7 : memref<!tpu.dma_semaphore, #tpu.memory_space<semaphore_mem>>)
    %dma_start3A_52 = arith.constant 4 : i32
    %dma_start3A_53 = arith.constant 0 : i32
    %dma_start3A_54 = arith.constant 4 : i32
    %dma_start3A_55 = arith.constant 0 : i32
    %dma_start3A_56 = arith.constant 0 : i32
    %dma_start3A_57 = tpu.memref_slice %arg6[%dma_start3A_53, %dma_start3A_54, %dma_start3A_55, %dma_start3A_56] : memref<2x8x128x32xf32, #tpu.memory_space<vmem>> -> memref<1x1x128x32xf32, #tpu.memory_space<vmem>>
    %dma_start3A_58 = tpu.memref_squeeze %dma_start3A_57 : memref<1x1x128x32xf32, #tpu.memory_space<vmem>> -> memref<128x32xf32, #tpu.memory_space<vmem>>
    %dma_start3A_59 = arith.constant 0 : i32
    %dma_start3A_60 = tpu.memref_slice %arg5[%dma_start3A_52, %dma_start3A_59] : memref<200x128xi32, #tpu.memory_space<vmem>> -> memref<1x128xi32, #tpu.memory_space<vmem>>
    %dma_start3A_61 = tpu.memref_squeeze %dma_start3A_60 : memref<1x128xi32, #tpu.memory_space<vmem>> -> memref<128xi32, #tpu.memory_space<vmem>>
    %dma_start3A_62 = arith.constant 0 : i32
    %dma_start3A_63 = arith.constant 0 : i32
    %dma_start3A_64 = tpu.memref_slice %arg3[%dma_start3A_62, %dma_start3A_63] : memref<1000000x32xf32, #tpu.memory_space<hbm>> -> memref<1000000x32xf32, #tpu.memory_space<hbm>>
    tpu.enqueue_indirect_dma source(%dma_start3A_64 : memref<1000000x32xf32, #tpu.memory_space<hbm>>) target(%dma_start3A_58 : memref<128x32xf32, #tpu.memory_space<vmem>>) offsets(%dma_start3A_61 : memref<128xi32, #tpu.memory_space<vmem>>) semaphore(%arg7 : memref<!tpu.dma_semaphore, #tpu.memory_space<semaphore_mem>>)
    %dma_start3A_65 = arith.constant 5 : i32
    %dma_start3A_66 = arith.constant 0 : i32
    %dma_start3A_67 = arith.constant 5 : i32
    %dma_start3A_68 = arith.constant 0 : i32
    %dma_start3A_69 = arith.constant 0 : i32
    %dma_start3A_70 = tpu.memref_slice %arg6[%dma_start3A_66, %dma_start3A_67, %dma_start3A_68, %dma_start3A_69] : memref<2x8x128x32xf32, #tpu.memory_space<vmem>> -> memref<1x1x128x32xf32, #tpu.memory_space<vmem>>
    %dma_start3A_71 = tpu.memref_squeeze %dma_start3A_70 : memref<1x1x128x32xf32, #tpu.memory_space<vmem>> -> memref<128x32xf32, #tpu.memory_space<vmem>>
    %dma_start3A_72 = arith.constant 0 : i32
    %dma_start3A_73 = tpu.memref_slice %arg5[%dma_start3A_65, %dma_start3A_72] : memref<200x128xi32, #tpu.memory_space<vmem>> -> memref<1x128xi32, #tpu.memory_space<vmem>>
    %dma_start3A_74 = tpu.memref_squeeze %dma_start3A_73 : memref<1x128xi32, #tpu.memory_space<vmem>> -> memref<128xi32, #tpu.memory_space<vmem>>
    %dma_start3A_75 = arith.constant 0 : i32
    %dma_start3A_76 = arith.constant 0 : i32
    %dma_start3A_77 = tpu.memref_slice %arg3[%dma_start3A_75, %dma_start3A_76] : memref<1000000x32xf32, #tpu.memory_space<hbm>> -> memref<1000000x32xf32, #tpu.memory_space<hbm>>
    tpu.enqueue_indirect_dma source(%dma_start3A_77 : memref<1000000x32xf32, #tpu.memory_space<hbm>>) target(%dma_start3A_71 : memref<128x32xf32, #tpu.memory_space<vmem>>) offsets(%dma_start3A_74 : memref<128xi32, #tpu.memory_space<vmem>>) semaphore(%arg7 : memref<!tpu.dma_semaphore, #tpu.memory_space<semaphore_mem>>)
    %dma_start3A_78 = arith.constant 6 : i32
    %dma_start3A_79 = arith.constant 0 : i32
    %dma_start3A_80 = arith.constant 6 : i32
    %dma_start3A_81 = arith.constant 0 : i32
    %dma_start3A_82 = arith.constant 0 : i32
    %dma_start3A_83 = tpu.memref_slice %arg6[%dma_start3A_79, %dma_start3A_80, %dma_start3A_81, %dma_start3A_82] : memref<2x8x128x32xf32, #tpu.memory_space<vmem>> -> memref<1x1x128x32xf32, #tpu.memory_space<vmem>>
    %dma_start3A_84 = tpu.memref_squeeze %dma_start3A_83 : memref<1x1x128x32xf32, #tpu.memory_space<vmem>> -> memref<128x32xf32, #tpu.memory_space<vmem>>
    %dma_start3A_85 = arith.constant 0 : i32
    %dma_start3A_86 = tpu.memref_slice %arg5[%dma_start3A_78, %dma_start3A_85] : memref<200x128xi32, #tpu.memory_space<vmem>> -> memref<1x128xi32, #tpu.memory_space<vmem>>
    %dma_start3A_87 = tpu.memref_squeeze %dma_start3A_86 : memref<1x128xi32, #tpu.memory_space<vmem>> -> memref<128xi32, #tpu.memory_space<vmem>>
    %dma_start3A_88 = arith.constant 0 : i32
    %dma_start3A_89 = arith.constant 0 : i32
    %dma_start3A_90 = tpu.memref_slice %arg3[%dma_start3A_88, %dma_start3A_89] : memref<1000000x32xf32, #tpu.memory_space<hbm>> -> memref<1000000x32xf32, #tpu.memory_space<hbm>>
    tpu.enqueue_indirect_dma source(%dma_start3A_90 : memref<1000000x32xf32, #tpu.memory_space<hbm>>) target(%dma_start3A_84 : memref<128x32xf32, #tpu.memory_space<vmem>>) offsets(%dma_start3A_87 : memref<128xi32, #tpu.memory_space<vmem>>) semaphore(%arg7 : memref<!tpu.dma_semaphore, #tpu.memory_space<semaphore_mem>>)
    %dma_start3A_91 = arith.constant 7 : i32
    %dma_start3A_92 = arith.constant 0 : i32
    %dma_start3A_93 = arith.constant 7 : i32
    %dma_start3A_94 = arith.constant 0 : i32
    %dma_start3A_95 = arith.constant 0 : i32
    %dma_start3A_96 = tpu.memref_slice %arg6[%dma_start3A_92, %dma_start3A_93, %dma_start3A_94, %dma_start3A_95] : memref<2x8x128x32xf32, #tpu.memory_space<vmem>> -> memref<1x1x128x32xf32, #tpu.memory_space<vmem>>
    %dma_start3A_97 = tpu.memref_squeeze %dma_start3A_96 : memref<1x1x128x32xf32, #tpu.memory_space<vmem>> -> memref<128x32xf32, #tpu.memory_space<vmem>>
    %dma_start3A_98 = arith.constant 0 : i32
    %dma_start3A_99 = tpu.memref_slice %arg5[%dma_start3A_91, %dma_start3A_98] : memref<200x128xi32, #tpu.memory_space<vmem>> -> memref<1x128xi32, #tpu.memory_space<vmem>>
    %dma_start3A_100 = tpu.memref_squeeze %dma_start3A_99 : memref<1x128xi32, #tpu.memory_space<vmem>> -> memref<128xi32, #tpu.memory_space<vmem>>
    %dma_start3A_101 = arith.constant 0 : i32
    %dma_start3A_102 = arith.constant 0 : i32
    %dma_start3A_103 = tpu.memref_slice %arg3[%dma_start3A_101, %dma_start3A_102] : memref<1000000x32xf32, #tpu.memory_space<hbm>> -> memref<1000000x32xf32, #tpu.memory_space<hbm>>
    tpu.enqueue_indirect_dma source(%dma_start3A_103 : memref<1000000x32xf32, #tpu.memory_space<hbm>>) target(%dma_start3A_97 : memref<128x32xf32, #tpu.memory_space<vmem>>) offsets(%dma_start3A_100 : memref<128xi32, #tpu.memory_space<vmem>>) semaphore(%arg7 : memref<!tpu.dma_semaphore, #tpu.memory_space<semaphore_mem>>)
    %scan3A = arith.constant 0 : i32
    %scan3A_104 = arith.constant 0 : i32
    %scan3A_105 = arith.constant 12 : i32
    %scan3A_106 = arith.addi %scan3A_104, %scan3A_105 : i32
    %scan3A_107 = arith.constant 1 : i32
    scf.for %scan3A_1738 = %scan3A_104 to %scan3A_106 step %scan3A_107  : i32 {
      %mul3A_1739 = arith.constant 2 : i32
      %mul3A_1740 = arith.muli %mul3A_1739, %scan3A_1738 : i32
      %gt3A = arith.constant 0 : i32
      %gt3A_1741 = arith.cmpi sgt, %scan3A_1738, %gt3A : i32
      %convert_element_type3A = arith.extui %gt3A_1741 : i1 to i32
      %cond3A = arith.constant 0 : i32
      %cond3A_1742 = arith.cmpi ne, %convert_element_type3A, %cond3A : i32
      scf.if %cond3A_1742 {
        %mul3A_3765 = arith.constant 200 : i32
        %mul3A_3766 = arith.muli %add3A, %mul3A_3765 : i32
        %add3A_3767 = arith.constant 0 : i32
        %add3A_3768 = arith.addi %mul3A_3766, %add3A_3767 : i32
        %add3A_3769 = arith.constant 0 : i32
        %add3A_3770 = arith.addi %add3A_3768, %add3A_3769 : i32
        %jit3A_3771 = arith.constant 128 : i32
        %div3A_3772 = arith.divsi %add3A_3770, %jit3A_3771 : i32
        %sign3A_3773 = arith.constant 0 : i32
        %sign3A_3774 = arith.cmpi sgt, %add3A_3770, %sign3A_3773 : i32
        %sign3A_3775 = arith.extui %sign3A_3774 : i1 to i32
        %sign3A_3776 = arith.constant 0 : i32
        %sign3A_3777 = arith.cmpi slt, %add3A_3770, %sign3A_3776 : i32
        %sign3A_3778 = arith.extui %sign3A_3777 : i1 to i32
        %sign3A_3779 = arith.subi %sign3A_3775, %sign3A_3778 : i32
        %sign3A_3780 = arith.constant 0 : i32
        %sign3A_3781 = arith.cmpi sgt, %jit3A_3771, %sign3A_3780 : i32
        %sign3A_3782 = arith.extui %sign3A_3781 : i1 to i32
        %sign3A_3783 = arith.constant 0 : i32
        %sign3A_3784 = arith.cmpi slt, %jit3A_3771, %sign3A_3783 : i32
        %sign3A_3785 = arith.extui %sign3A_3784 : i1 to i32
        %sign3A_3786 = arith.subi %sign3A_3782, %sign3A_3785 : i32
        %ne3A_3787 = arith.cmpi ne, %sign3A_3779, %sign3A_3786 : i32
        %rem3A_3788 = arith.remsi %add3A_3770, %jit3A_3771 : i32
        %ne3A_3789 = arith.constant 0 : i32
        %ne3A_3790 = arith.cmpi ne, %rem3A_3788, %ne3A_3789 : i32
        %and3A_3791 = arith.andi %ne3A_3787, %ne3A_3790 : i1
        %sub3A_3792 = arith.constant 1 : i32
        %sub3A_3793 = arith.subi %div3A_3772, %sub3A_3792 : i32
        %select_n3A_3794 = arith.select %and3A_3791, %sub3A_3793, %div3A_3772 : i32
        %jit3A_3795 = arith.constant 128 : i32
        %eq3A_3796 = arith.constant 0 : i32
        %eq3A_3797 = arith.cmpi eq, %jit3A_3795, %eq3A_3796 : i32
        %jit3A_3798 = arith.constant 1 : i32
        %select_n3A_3799 = arith.select %eq3A_3797, %jit3A_3798, %jit3A_3795 : i32
        %rem3A_3800 = arith.remsi %add3A_3770, %select_n3A_3799 : i32
        %ne3A_3801 = arith.constant 0 : i32
        %ne3A_3802 = arith.cmpi ne, %rem3A_3800, %ne3A_3801 : i32
        %lt3A_3803 = arith.constant 0 : i32
        %lt3A_3804 = arith.cmpi slt, %rem3A_3800, %lt3A_3803 : i32
        %lt3A_3805 = arith.constant 0 : i32
        %lt3A_3806 = arith.cmpi slt, %select_n3A_3799, %lt3A_3805 : i32
        %ne3A_3807 = arith.xori %lt3A_3804, %lt3A_3806 : i1
        %and3A_3808 = arith.andi %ne3A_3807, %ne3A_3802 : i1
        %add3A_3809 = arith.addi %rem3A_3800, %select_n3A_3799 : i32
        %select_n3A_3810 = arith.select %and3A_3808, %add3A_3809, %rem3A_3800 : i32
        %mul3A_3811 = arith.constant 128 : i32
        %mul3A_3812 = arith.muli %select_n3A_3810, %mul3A_3811 : i32
        %dma_wait3A_3813 = arith.constant 1 : i32
        %dma_wait3A_3814 = arith.constant 0 : i32
        %dma_wait3A_3815 = arith.constant 0 : i32
        %dma_wait3A_3816 = arith.constant 0 : i32
        %dma_wait3A_3817 = tpu.memref_slice %arg6[%dma_wait3A_3813, %dma_wait3A_3814, %dma_wait3A_3815, %dma_wait3A_3816] : memref<2x8x128x32xf32, #tpu.memory_space<vmem>> -> memref<1x1x128x32xf32, #tpu.memory_space<vmem>>
        %dma_wait3A_3818 = tpu.memref_squeeze %dma_wait3A_3817 : memref<1x1x128x32xf32, #tpu.memory_space<vmem>> -> memref<128x32xf32, #tpu.memory_space<vmem>>
        %dma_wait3A_3819 = arith.constant 0 : i32
        %dma_wait3A_3820 = tpu.memref_slice %arg4[%select_n3A_3794, %mul3A_3812, %dma_wait3A_3819] : memref<50x16384x128xf32, #tpu.memory_space<hbm>> -> memref<1x128x32xf32, #tpu.memory_space<hbm>>
        %dma_wait3A_3821 = tpu.memref_squeeze %dma_wait3A_3820 : memref<1x128x32xf32, #tpu.memory_space<hbm>> -> memref<128x32xf32, #tpu.memory_space<hbm>>
        %dma_wait3A_3822 = arith.constant 0 : i32
        %dma_wait3A_3823 = tpu.memref_slice %arg4[%select_n3A_3794, %mul3A_3812, %dma_wait3A_3822] : memref<50x16384x128xf32, #tpu.memory_space<hbm>> -> memref<1x128x32xf32, #tpu.memory_space<hbm>>
        %dma_wait3A_3824 = tpu.memref_squeeze %dma_wait3A_3823 : memref<1x128x32xf32, #tpu.memory_space<hbm>> -> memref<128x32xf32, #tpu.memory_space<hbm>>
        %dma_wait3A_3825 = arith.constant 0 : i32
        %dma_wait3A_3826 = arith.constant 0 : i32
        %dma_wait3A_3827 = tpu.memref_slice %arg6[%dma_wait3A_3813, %dma_wait3A_3814, %dma_wait3A_3825, %dma_wait3A_3826] : memref<2x8x128x32xf32, #tpu.memory_space<vmem>> -> memref<1x1x128x32xf32, #tpu.memory_space<vmem>>
        %dma_wait3A_3828 = tpu.memref_squeeze %dma_wait3A_3827 : memref<1x1x128x32xf32, #tpu.memory_space<vmem>> -> memref<128x32xf32, #tpu.memory_space<vmem>>
        tpu.wait_dma2 semaphore(%arg10 : memref<!tpu.dma_semaphore, #tpu.memory_space<semaphore_mem>>) src(%dma_wait3A_3828 : memref<128x32xf32, #tpu.memory_space<vmem>>) dst(%dma_wait3A_3824 : memref<128x32xf32, #tpu.memory_space<hbm>>)
        %mul3A_3829 = arith.constant 200 : i32
        %mul3A_3830 = arith.muli %add3A, %mul3A_3829 : i32
        %add3A_3831 = arith.constant 0 : i32
        %add3A_3832 = arith.addi %mul3A_3830, %add3A_3831 : i32
        %add3A_3833 = arith.constant 1 : i32
        %add3A_3834 = arith.addi %add3A_3832, %add3A_3833 : i32
        %jit3A_3835 = arith.constant 128 : i32
        %div3A_3836 = arith.divsi %add3A_3834, %jit3A_3835 : i32
        %sign3A_3837 = arith.constant 0 : i32
        %sign3A_3838 = arith.cmpi sgt, %add3A_3834, %sign3A_3837 : i32
        %sign3A_3839 = arith.extui %sign3A_3838 : i1 to i32
        %sign3A_3840 = arith.constant 0 : i32
        %sign3A_3841 = arith.cmpi slt, %add3A_3834, %sign3A_3840 : i32
        %sign3A_3842 = arith.extui %sign3A_3841 : i1 to i32
        %sign3A_3843 = arith.subi %sign3A_3839, %sign3A_3842 : i32
        %sign3A_3844 = arith.constant 0 : i32
        %sign3A_3845 = arith.cmpi sgt, %jit3A_3835, %sign3A_3844 : i32
        %sign3A_3846 = arith.extui %sign3A_3845 : i1 to i32
        %sign3A_3847 = arith.constant 0 : i32
        %sign3A_3848 = arith.cmpi slt, %jit3A_3835, %sign3A_3847 : i32
        %sign3A_3849 = arith.extui %sign3A_3848 : i1 to i32
        %sign3A_3850 = arith.subi %sign3A_3846, %sign3A_3849 : i32
        %ne3A_3851 = arith.cmpi ne, %sign3A_3843, %sign3A_3850 : i32
        %rem3A_3852 = arith.remsi %add3A_3834, %jit3A_3835 : i32
        %ne3A_3853 = arith.constant 0 : i32
        %ne3A_3854 = arith.cmpi ne, %rem3A_3852, %ne3A_3853 : i32
        %and3A_3855 = arith.andi %ne3A_3851, %ne3A_3854 : i1
        %sub3A_3856 = arith.constant 1 : i32
        %sub3A_3857 = arith.subi %div3A_3836, %sub3A_3856 : i32
        %select_n3A_3858 = arith.select %and3A_3855, %sub3A_3857, %div3A_3836 : i32
        %jit3A_3859 = arith.constant 128 : i32
        %eq3A_3860 = arith.constant 0 : i32
        %eq3A_3861 = arith.cmpi eq, %jit3A_3859, %eq3A_3860 : i32
        %jit3A_3862 = arith.constant 1 : i32
        %select_n3A_3863 = arith.select %eq3A_3861, %jit3A_3862, %jit3A_3859 : i32
        %rem3A_3864 = arith.remsi %add3A_3834, %select_n3A_3863 : i32
        %ne3A_3865 = arith.constant 0 : i32
        %ne3A_3866 = arith.cmpi ne, %rem3A_3864, %ne3A_3865 : i32
        %lt3A_3867 = arith.constant 0 : i32
        %lt3A_3868 = arith.cmpi slt, %rem3A_3864, %lt3A_3867 : i32
        %lt3A_3869 = arith.constant 0 : i32
        %lt3A_3870 = arith.cmpi slt, %select_n3A_3863, %lt3A_3869 : i32
        %ne3A_3871 = arith.xori %lt3A_3868, %lt3A_3870 : i1
        %and3A_3872 = arith.andi %ne3A_3871, %ne3A_3866 : i1
        %add3A_3873 = arith.addi %rem3A_3864, %select_n3A_3863 : i32
        %select_n3A_3874 = arith.select %and3A_3872, %add3A_3873, %rem3A_3864 : i32
        %mul3A_3875 = arith.constant 128 : i32
        %mul3A_3876 = arith.muli %select_n3A_3874, %mul3A_3875 : i32
        %dma_wait3A_3877 = arith.constant 1 : i32
        %dma_wait3A_3878 = arith.constant 1 : i32
        %dma_wait3A_3879 = arith.constant 0 : i32
        %dma_wait3A_3880 = arith.constant 0 : i32
        %dma_wait3A_3881 = tpu.memref_slice %arg6[%dma_wait3A_3877, %dma_wait3A_3878, %dma_wait3A_3879, %dma_wait3A_3880] : memref<2x8x128x32xf32, #tpu.memory_space<vmem>> -> memref<1x1x128x32xf32, #tpu.memory_space<vmem>>
        %dma_wait3A_3882 = tpu.memref_squeeze %dma_wait3A_3881 : memref<1x1x128x32xf32, #tpu.memory_space<vmem>> -> memref<128x32xf32, #tpu.memory_space<vmem>>
        %dma_wait3A_3883 = arith.constant 0 : i32
        %dma_wait3A_3884 = tpu.memref_slice %arg4[%select_n3A_3858, %mul3A_3876, %dma_wait3A_3883] : memref<50x16384x128xf32, #tpu.memory_space<hbm>> -> memref<1x128x32xf32, #tpu.memory_space<hbm>>
        %dma_wait3A_3885 = tpu.memref_squeeze %dma_wait3A_3884 : memref<1x128x32xf32, #tpu.memory_space<hbm>> -> memref<128x32xf32, #tpu.memory_space<hbm>>
        %dma_wait3A_3886 = arith.constant 0 : i32
        %dma_wait3A_3887 = tpu.memref_slice %arg4[%select_n3A_3858, %mul3A_3876, %dma_wait3A_3886] : memref<50x16384x128xf32, #tpu.memory_space<hbm>> -> memref<1x128x32xf32, #tpu.memory_space<hbm>>
        %dma_wait3A_3888 = tpu.memref_squeeze %dma_wait3A_3887 : memref<1x128x32xf32, #tpu.memory_space<hbm>> -> memref<128x32xf32, #tpu.memory_space<hbm>>
        %dma_wait3A_3889 = arith.constant 0 : i32
        %dma_wait3A_3890 = arith.constant 0 : i32
        %dma_wait3A_3891 = tpu.memref_slice %arg6[%dma_wait3A_3877, %dma_wait3A_3878, %dma_wait3A_3889, %dma_wait3A_3890] : memref<2x8x128x32xf32, #tpu.memory_space<vmem>> -> memref<1x1x128x32xf32, #tpu.memory_space<vmem>>
        %dma_wait3A_3892 = tpu.memref_squeeze %dma_wait3A_3891 : memref<1x1x128x32xf32, #tpu.memory_space<vmem>> -> memref<128x32xf32, #tpu.memory_space<vmem>>
        tpu.wait_dma2 semaphore(%arg10 : memref<!tpu.dma_semaphore, #tpu.memory_space<semaphore_mem>>) src(%dma_wait3A_3892 : memref<128x32xf32, #tpu.memory_space<vmem>>) dst(%dma_wait3A_3888 : memref<128x32xf32, #tpu.memory_space<hbm>>)
        %mul3A_3893 = arith.constant 200 : i32
        %mul3A_3894 = arith.muli %add3A, %mul3A_3893 : i32
        %add3A_3895 = arith.constant 0 : i32
        %add3A_3896 = arith.addi %mul3A_3894, %add3A_3895 : i32
        %add3A_3897 = arith.constant 2 : i32
        %add3A_3898 = arith.addi %add3A_3896, %add3A_3897 : i32
        %jit3A_3899 = arith.constant 128 : i32
        %div3A_3900 = arith.divsi %add3A_3898, %jit3A_3899 : i32
        %sign3A_3901 = arith.constant 0 : i32
        %sign3A_3902 = arith.cmpi sgt, %add3A_3898, %sign3A_3901 : i32
        %sign3A_3903 = arith.extui %sign3A_3902 : i1 to i32
        %sign3A_3904 = arith.constant 0 : i32
        %sign3A_3905 = arith.cmpi slt, %add3A_3898, %sign3A_3904 : i32
        %sign3A_3906 = arith.extui %sign3A_3905 : i1 to i32
        %sign3A_3907 = arith.subi %sign3A_3903, %sign3A_3906 : i32
        %sign3A_3908 = arith.constant 0 : i32
        %sign3A_3909 = arith.cmpi sgt, %jit3A_3899, %sign3A_3908 : i32
        %sign3A_3910 = arith.extui %sign3A_3909 : i1 to i32
        %sign3A_3911 = arith.constant 0 : i32
        %sign3A_3912 = arith.cmpi slt, %jit3A_3899, %sign3A_3911 : i32
        %sign3A_3913 = arith.extui %sign3A_3912 : i1 to i32
        %sign3A_3914 = arith.subi %sign3A_3910, %sign3A_3913 : i32
        %ne3A_3915 = arith.cmpi ne, %sign3A_3907, %sign3A_3914 : i32
        %rem3A_3916 = arith.remsi %add3A_3898, %jit3A_3899 : i32
        %ne3A_3917 = arith.constant 0 : i32
        %ne3A_3918 = arith.cmpi ne, %rem3A_3916, %ne3A_3917 : i32
        %and3A_3919 = arith.andi %ne3A_3915, %ne3A_3918 : i1
        %sub3A_3920 = arith.constant 1 : i32
        %sub3A_3921 = arith.subi %div3A_3900, %sub3A_3920 : i32
        %select_n3A_3922 = arith.select %and3A_3919, %sub3A_3921, %div3A_3900 : i32
        %jit3A_3923 = arith.constant 128 : i32
        %eq3A_3924 = arith.constant 0 : i32
        %eq3A_3925 = arith.cmpi eq, %jit3A_3923, %eq3A_3924 : i32
        %jit3A_3926 = arith.constant 1 : i32
        %select_n3A_3927 = arith.select %eq3A_3925, %jit3A_3926, %jit3A_3923 : i32
        %rem3A_3928 = arith.remsi %add3A_3898, %select_n3A_3927 : i32
        %ne3A_3929 = arith.constant 0 : i32
        %ne3A_3930 = arith.cmpi ne, %rem3A_3928, %ne3A_3929 : i32
        %lt3A_3931 = arith.constant 0 : i32
        %lt3A_3932 = arith.cmpi slt, %rem3A_3928, %lt3A_3931 : i32
        %lt3A_3933 = arith.constant 0 : i32
        %lt3A_3934 = arith.cmpi slt, %select_n3A_3927, %lt3A_3933 : i32
        %ne3A_3935 = arith.xori %lt3A_3932, %lt3A_3934 : i1
        %and3A_3936 = arith.andi %ne3A_3935, %ne3A_3930 : i1
        %add3A_3937 = arith.addi %rem3A_3928, %select_n3A_3927 : i32
        %select_n3A_3938 = arith.select %and3A_3936, %add3A_3937, %rem3A_3928 : i32
        %mul3A_3939 = arith.constant 128 : i32
        %mul3A_3940 = arith.muli %select_n3A_3938, %mul3A_3939 : i32
        %dma_wait3A_3941 = arith.constant 1 : i32
        %dma_wait3A_3942 = arith.constant 2 : i32
        %dma_wait3A_3943 = arith.constant 0 : i32
        %dma_wait3A_3944 = arith.constant 0 : i32
        %dma_wait3A_3945 = tpu.memref_slice %arg6[%dma_wait3A_3941, %dma_wait3A_3942, %dma_wait3A_3943, %dma_wait3A_3944] : memref<2x8x128x32xf32, #tpu.memory_space<vmem>> -> memref<1x1x128x32xf32, #tpu.memory_space<vmem>>
        %dma_wait3A_3946 = tpu.memref_squeeze %dma_wait3A_3945 : memref<1x1x128x32xf32, #tpu.memory_space<vmem>> -> memref<128x32xf32, #tpu.memory_space<vmem>>
        %dma_wait3A_3947 = arith.constant 0 : i32
        %dma_wait3A_3948 = tpu.memref_slice %arg4[%select_n3A_3922, %mul3A_3940, %dma_wait3A_3947] : memref<50x16384x128xf32, #tpu.memory_space<hbm>> -> memref<1x128x32xf32, #tpu.memory_space<hbm>>
        %dma_wait3A_3949 = tpu.memref_squeeze %dma_wait3A_3948 : memref<1x128x32xf32, #tpu.memory_space<hbm>> -> memref<128x32xf32, #tpu.memory_space<hbm>>
        %dma_wait3A_3950 = arith.constant 0 : i32
        %dma_wait3A_3951 = tpu.memref_slice %arg4[%select_n3A_3922, %mul3A_3940, %dma_wait3A_3950] : memref<50x16384x128xf32, #tpu.memory_space<hbm>> -> memref<1x128x32xf32, #tpu.memory_space<hbm>>
        %dma_wait3A_3952 = tpu.memref_squeeze %dma_wait3A_3951 : memref<1x128x32xf32, #tpu.memory_space<hbm>> -> memref<128x32xf32, #tpu.memory_space<hbm>>
        %dma_wait3A_3953 = arith.constant 0 : i32
        %dma_wait3A_3954 = arith.constant 0 : i32
        %dma_wait3A_3955 = tpu.memref_slice %arg6[%dma_wait3A_3941, %dma_wait3A_3942, %dma_wait3A_3953, %dma_wait3A_3954] : memref<2x8x128x32xf32, #tpu.memory_space<vmem>> -> memref<1x1x128x32xf32, #tpu.memory_space<vmem>>
        %dma_wait3A_3956 = tpu.memref_squeeze %dma_wait3A_3955 : memref<1x1x128x32xf32, #tpu.memory_space<vmem>> -> memref<128x32xf32, #tpu.memory_space<vmem>>
        tpu.wait_dma2 semaphore(%arg10 : memref<!tpu.dma_semaphore, #tpu.memory_space<semaphore_mem>>) src(%dma_wait3A_3956 : memref<128x32xf32, #tpu.memory_space<vmem>>) dst(%dma_wait3A_3952 : memref<128x32xf32, #tpu.memory_space<hbm>>)
        %mul3A_3957 = arith.constant 200 : i32
        %mul3A_3958 = arith.muli %add3A, %mul3A_3957 : i32
        %add3A_3959 = arith.constant 0 : i32
        %add3A_3960 = arith.addi %mul3A_3958, %add3A_3959 : i32
        %add3A_3961 = arith.constant 3 : i32
        %add3A_3962 = arith.addi %add3A_3960, %add3A_3961 : i32
        %jit3A_3963 = arith.constant 128 : i32
        %div3A_3964 = arith.divsi %add3A_3962, %jit3A_3963 : i32
        %sign3A_3965 = arith.constant 0 : i32
        %sign3A_3966 = arith.cmpi sgt, %add3A_3962, %sign3A_3965 : i32
        %sign3A_3967 = arith.extui %sign3A_3966 : i1 to i32
        %sign3A_3968 = arith.constant 0 : i32
        %sign3A_3969 = arith.cmpi slt, %add3A_3962, %sign3A_3968 : i32
        %sign3A_3970 = arith.extui %sign3A_3969 : i1 to i32
        %sign3A_3971 = arith.subi %sign3A_3967, %sign3A_3970 : i32
        %sign3A_3972 = arith.constant 0 : i32
        %sign3A_3973 = arith.cmpi sgt, %jit3A_3963, %sign3A_3972 : i32
        %sign3A_3974 = arith.extui %sign3A_3973 : i1 to i32
        %sign3A_3975 = arith.constant 0 : i32
        %sign3A_3976 = arith.cmpi slt, %jit3A_3963, %sign3A_3975 : i32
        %sign3A_3977 = arith.extui %sign3A_3976 : i1 to i32
        %sign3A_3978 = arith.subi %sign3A_3974, %sign3A_3977 : i32
        %ne3A_3979 = arith.cmpi ne, %sign3A_3971, %sign3A_3978 : i32
        %rem3A_3980 = arith.remsi %add3A_3962, %jit3A_3963 : i32
        %ne3A_3981 = arith.constant 0 : i32
        %ne3A_3982 = arith.cmpi ne, %rem3A_3980, %ne3A_3981 : i32
        %and3A_3983 = arith.andi %ne3A_3979, %ne3A_3982 : i1
        %sub3A_3984 = arith.constant 1 : i32
        %sub3A_3985 = arith.subi %div3A_3964, %sub3A_3984 : i32
        %select_n3A_3986 = arith.select %and3A_3983, %sub3A_3985, %div3A_3964 : i32
        %jit3A_3987 = arith.constant 128 : i32
        %eq3A_3988 = arith.constant 0 : i32
        %eq3A_3989 = arith.cmpi eq, %jit3A_3987, %eq3A_3988 : i32
        %jit3A_3990 = arith.constant 1 : i32
        %select_n3A_3991 = arith.select %eq3A_3989, %jit3A_3990, %jit3A_3987 : i32
        %rem3A_3992 = arith.remsi %add3A_3962, %select_n3A_3991 : i32
        %ne3A_3993 = arith.constant 0 : i32
        %ne3A_3994 = arith.cmpi ne, %rem3A_3992, %ne3A_3993 : i32
        %lt3A_3995 = arith.constant 0 : i32
        %lt3A_3996 = arith.cmpi slt, %rem3A_3992, %lt3A_3995 : i32
        %lt3A_3997 = arith.constant 0 : i32
        %lt3A_3998 = arith.cmpi slt, %select_n3A_3991, %lt3A_3997 : i32
        %ne3A_3999 = arith.xori %lt3A_3996, %lt3A_3998 : i1
        %and3A_4000 = arith.andi %ne3A_3999, %ne3A_3994 : i1
        %add3A_4001 = arith.addi %rem3A_3992, %select_n3A_3991 : i32
        %select_n3A_4002 = arith.select %and3A_4000, %add3A_4001, %rem3A_3992 : i32
        %mul3A_4003 = arith.constant 128 : i32
        %mul3A_4004 = arith.muli %select_n3A_4002, %mul3A_4003 : i32
        %dma_wait3A_4005 = arith.constant 1 : i32
        %dma_wait3A_4006 = arith.constant 3 : i32
        %dma_wait3A_4007 = arith.constant 0 : i32
        %dma_wait3A_4008 = arith.constant 0 : i32
        %dma_wait3A_4009 = tpu.memref_slice %arg6[%dma_wait3A_4005, %dma_wait3A_4006, %dma_wait3A_4007, %dma_wait3A_4008] : memref<2x8x128x32xf32, #tpu.memory_space<vmem>> -> memref<1x1x128x32xf32, #tpu.memory_space<vmem>>
        %dma_wait3A_4010 = tpu.memref_squeeze %dma_wait3A_4009 : memref<1x1x128x32xf32, #tpu.memory_space<vmem>> -> memref<128x32xf32, #tpu.memory_space<vmem>>
        %dma_wait3A_4011 = arith.constant 0 : i32
        %dma_wait3A_4012 = tpu.memref_slice %arg4[%select_n3A_3986, %mul3A_4004, %dma_wait3A_4011] : memref<50x16384x128xf32, #tpu.memory_space<hbm>> -> memref<1x128x32xf32, #tpu.memory_space<hbm>>
        %dma_wait3A_4013 = tpu.memref_squeeze %dma_wait3A_4012 : memref<1x128x32xf32, #tpu.memory_space<hbm>> -> memref<128x32xf32, #tpu.memory_space<hbm>>
        %dma_wait3A_4014 = arith.constant 0 : i32
        %dma_wait3A_4015 = tpu.memref_slice %arg4[%select_n3A_3986, %mul3A_4004, %dma_wait3A_4014] : memref<50x16384x128xf32, #tpu.memory_space<hbm>> -> memref<1x128x32xf32, #tpu.memory_space<hbm>>
        %dma_wait3A_4016 = tpu.memref_squeeze %dma_wait3A_4015 : memref<1x128x32xf32, #tpu.memory_space<hbm>> -> memref<128x32xf32, #tpu.memory_space<hbm>>
        %dma_wait3A_4017 = arith.constant 0 : i32
        %dma_wait3A_4018 = arith.constant 0 : i32
        %dma_wait3A_4019 = tpu.memref_slice %arg6[%dma_wait3A_4005, %dma_wait3A_4006, %dma_wait3A_4017, %dma_wait3A_4018] : memref<2x8x128x32xf32, #tpu.memory_space<vmem>> -> memref<1x1x128x32xf32, #tpu.memory_space<vmem>>
        %dma_wait3A_4020 = tpu.memref_squeeze %dma_wait3A_4019 : memref<1x1x128x32xf32, #tpu.memory_space<vmem>> -> memref<128x32xf32, #tpu.memory_space<vmem>>
        tpu.wait_dma2 semaphore(%arg10 : memref<!tpu.dma_semaphore, #tpu.memory_space<semaphore_mem>>) src(%dma_wait3A_4020 : memref<128x32xf32, #tpu.memory_space<vmem>>) dst(%dma_wait3A_4016 : memref<128x32xf32, #tpu.memory_space<hbm>>)
        %mul3A_4021 = arith.constant 200 : i32
        %mul3A_4022 = arith.muli %add3A, %mul3A_4021 : i32
        %add3A_4023 = arith.constant 0 : i32
        %add3A_4024 = arith.addi %mul3A_4022, %add3A_4023 : i32
        %add3A_4025 = arith.constant 4 : i32
        %add3A_4026 = arith.addi %add3A_4024, %add3A_4025 : i32
        %jit3A_4027 = arith.constant 128 : i32
        %div3A_4028 = arith.divsi %add3A_4026, %jit3A_4027 : i32
        %sign3A_4029 = arith.constant 0 : i32
        %sign3A_4030 = arith.cmpi sgt, %add3A_4026, %sign3A_4029 : i32
        %sign3A_4031 = arith.extui %sign3A_4030 : i1 to i32
        %sign3A_4032 = arith.constant 0 : i32
        %sign3A_4033 = arith.cmpi slt, %add3A_4026, %sign3A_4032 : i32
        %sign3A_4034 = arith.extui %sign3A_4033 : i1 to i32
        %sign3A_4035 = arith.subi %sign3A_4031, %sign3A_4034 : i32
        %sign3A_4036 = arith.constant 0 : i32
        %sign3A_4037 = arith.cmpi sgt, %jit3A_4027, %sign3A_4036 : i32
        %sign3A_4038 = arith.extui %sign3A_4037 : i1 to i32
        %sign3A_4039 = arith.constant 0 : i32
        %sign3A_4040 = arith.cmpi slt, %jit3A_4027, %sign3A_4039 : i32
        %sign3A_4041 = arith.extui %sign3A_4040 : i1 to i32
        %sign3A_4042 = arith.subi %sign3A_4038, %sign3A_4041 : i32
        %ne3A_4043 = arith.cmpi ne, %sign3A_4035, %sign3A_4042 : i32
        %rem3A_4044 = arith.remsi %add3A_4026, %jit3A_4027 : i32
        %ne3A_4045 = arith.constant 0 : i32
        %ne3A_4046 = arith.cmpi ne, %rem3A_4044, %ne3A_4045 : i32
        %and3A_4047 = arith.andi %ne3A_4043, %ne3A_4046 : i1
        %sub3A_4048 = arith.constant 1 : i32
        %sub3A_4049 = arith.subi %div3A_4028, %sub3A_4048 : i32
        %select_n3A_4050 = arith.select %and3A_4047, %sub3A_4049, %div3A_4028 : i32
        %jit3A_4051 = arith.constant 128 : i32
        %eq3A_4052 = arith.constant 0 : i32
        %eq3A_4053 = arith.cmpi eq, %jit3A_4051, %eq3A_4052 : i32
        %jit3A_4054 = arith.constant 1 : i32
        %select_n3A_4055 = arith.select %eq3A_4053, %jit3A_4054, %jit3A_4051 : i32
        %rem3A_4056 = arith.remsi %add3A_4026, %select_n3A_4055 : i32
        %ne3A_4057 = arith.constant 0 : i32
        %ne3A_4058 = arith.cmpi ne, %rem3A_4056, %ne3A_4057 : i32
        %lt3A_4059 = arith.constant 0 : i32
        %lt3A_4060 = arith.cmpi slt, %rem3A_4056, %lt3A_4059 : i32
        %lt3A_4061 = arith.constant 0 : i32
        %lt3A_4062 = arith.cmpi slt, %select_n3A_4055, %lt3A_4061 : i32
        %ne3A_4063 = arith.xori %lt3A_4060, %lt3A_4062 : i1
        %and3A_4064 = arith.andi %ne3A_4063, %ne3A_4058 : i1
        %add3A_4065 = arith.addi %rem3A_4056, %select_n3A_4055 : i32
        %select_n3A_4066 = arith.select %and3A_4064, %add3A_4065, %rem3A_4056 : i32
        %mul3A_4067 = arith.constant 128 : i32
        %mul3A_4068 = arith.muli %select_n3A_4066, %mul3A_4067 : i32
        %dma_wait3A_4069 = arith.constant 1 : i32
        %dma_wait3A_4070 = arith.constant 4 : i32
        %dma_wait3A_4071 = arith.constant 0 : i32
        %dma_wait3A_4072 = arith.constant 0 : i32
        %dma_wait3A_4073 = tpu.memref_slice %arg6[%dma_wait3A_4069, %dma_wait3A_4070, %dma_wait3A_4071, %dma_wait3A_4072] : memref<2x8x128x32xf32, #tpu.memory_space<vmem>> -> memref<1x1x128x32xf32, #tpu.memory_space<vmem>>
        %dma_wait3A_4074 = tpu.memref_squeeze %dma_wait3A_4073 : memref<1x1x128x32xf32, #tpu.memory_space<vmem>> -> memref<128x32xf32, #tpu.memory_space<vmem>>
        %dma_wait3A_4075 = arith.constant 0 : i32
        %dma_wait3A_4076 = tpu.memref_slice %arg4[%select_n3A_4050, %mul3A_4068, %dma_wait3A_4075] : memref<50x16384x128xf32, #tpu.memory_space<hbm>> -> memref<1x128x32xf32, #tpu.memory_space<hbm>>
        %dma_wait3A_4077 = tpu.memref_squeeze %dma_wait3A_4076 : memref<1x128x32xf32, #tpu.memory_space<hbm>> -> memref<128x32xf32, #tpu.memory_space<hbm>>
        %dma_wait3A_4078 = arith.constant 0 : i32
        %dma_wait3A_4079 = tpu.memref_slice %arg4[%select_n3A_4050, %mul3A_4068, %dma_wait3A_4078] : memref<50x16384x128xf32, #tpu.memory_space<hbm>> -> memref<1x128x32xf32, #tpu.memory_space<hbm>>
        %dma_wait3A_4080 = tpu.memref_squeeze %dma_wait3A_4079 : memref<1x128x32xf32, #tpu.memory_space<hbm>> -> memref<128x32xf32, #tpu.memory_space<hbm>>
        %dma_wait3A_4081 = arith.constant 0 : i32
        %dma_wait3A_4082 = arith.constant 0 : i32
        %dma_wait3A_4083 = tpu.memref_slice %arg6[%dma_wait3A_4069, %dma_wait3A_4070, %dma_wait3A_4081, %dma_wait3A_4082] : memref<2x8x128x32xf32, #tpu.memory_space<vmem>> -> memref<1x1x128x32xf32, #tpu.memory_space<vmem>>
        %dma_wait3A_4084 = tpu.memref_squeeze %dma_wait3A_4083 : memref<1x1x128x32xf32, #tpu.memory_space<vmem>> -> memref<128x32xf32, #tpu.memory_space<vmem>>
        tpu.wait_dma2 semaphore(%arg10 : memref<!tpu.dma_semaphore, #tpu.memory_space<semaphore_mem>>) src(%dma_wait3A_4084 : memref<128x32xf32, #tpu.memory_space<vmem>>) dst(%dma_wait3A_4080 : memref<128x32xf32, #tpu.memory_space<hbm>>)
        %mul3A_4085 = arith.constant 200 : i32
        %mul3A_4086 = arith.muli %add3A, %mul3A_4085 : i32
        %add3A_4087 = arith.constant 0 : i32
        %add3A_4088 = arith.addi %mul3A_4086, %add3A_4087 : i32
        %add3A_4089 = arith.constant 5 : i32
        %add3A_4090 = arith.addi %add3A_4088, %add3A_4089 : i32
        %jit3A_4091 = arith.constant 128 : i32
        %div3A_4092 = arith.divsi %add3A_4090, %jit3A_4091 : i32
        %sign3A_4093 = arith.constant 0 : i32
        %sign3A_4094 = arith.cmpi sgt, %add3A_4090, %sign3A_4093 : i32
        %sign3A_4095 = arith.extui %sign3A_4094 : i1 to i32
        %sign3A_4096 = arith.constant 0 : i32
        %sign3A_4097 = arith.cmpi slt, %add3A_4090, %sign3A_4096 : i32
        %sign3A_4098 = arith.extui %sign3A_4097 : i1 to i32
        %sign3A_4099 = arith.subi %sign3A_4095, %sign3A_4098 : i32
        %sign3A_4100 = arith.constant 0 : i32
        %sign3A_4101 = arith.cmpi sgt, %jit3A_4091, %sign3A_4100 : i32
        %sign3A_4102 = arith.extui %sign3A_4101 : i1 to i32
        %sign3A_4103 = arith.constant 0 : i32
        %sign3A_4104 = arith.cmpi slt, %jit3A_4091, %sign3A_4103 : i32
        %sign3A_4105 = arith.extui %sign3A_4104 : i1 to i32
        %sign3A_4106 = arith.subi %sign3A_4102, %sign3A_4105 : i32
        %ne3A_4107 = arith.cmpi ne, %sign3A_4099, %sign3A_4106 : i32
        %rem3A_4108 = arith.remsi %add3A_4090, %jit3A_4091 : i32
        %ne3A_4109 = arith.constant 0 : i32
        %ne3A_4110 = arith.cmpi ne, %rem3A_4108, %ne3A_4109 : i32
        %and3A_4111 = arith.andi %ne3A_4107, %ne3A_4110 : i1
        %sub3A_4112 = arith.constant 1 : i32
        %sub3A_4113 = arith.subi %div3A_4092, %sub3A_4112 : i32
        %select_n3A_4114 = arith.select %and3A_4111, %sub3A_4113, %div3A_4092 : i32
        %jit3A_4115 = arith.constant 128 : i32
        %eq3A_4116 = arith.constant 0 : i32
        %eq3A_4117 = arith.cmpi eq, %jit3A_4115, %eq3A_4116 : i32
        %jit3A_4118 = arith.constant 1 : i32
        %select_n3A_4119 = arith.select %eq3A_4117, %jit3A_4118, %jit3A_4115 : i32
        %rem3A_4120 = arith.remsi %add3A_4090, %select_n3A_4119 : i32
        %ne3A_4121 = arith.constant 0 : i32
        %ne3A_4122 = arith.cmpi ne, %rem3A_4120, %ne3A_4121 : i32
        %lt3A_4123 = arith.constant 0 : i32
        %lt3A_4124 = arith.cmpi slt, %rem3A_4120, %lt3A_4123 : i32
        %lt3A_4125 = arith.constant 0 : i32
        %lt3A_4126 = arith.cmpi slt, %select_n3A_4119, %lt3A_4125 : i32
        %ne3A_4127 = arith.xori %lt3A_4124, %lt3A_4126 : i1
        %and3A_4128 = arith.andi %ne3A_4127, %ne3A_4122 : i1
        %add3A_4129 = arith.addi %rem3A_4120, %select_n3A_4119 : i32
        %select_n3A_4130 = arith.select %and3A_4128, %add3A_4129, %rem3A_4120 : i32
        %mul3A_4131 = arith.constant 128 : i32
        %mul3A_4132 = arith.muli %select_n3A_4130, %mul3A_4131 : i32
        %dma_wait3A_4133 = arith.constant 1 : i32
        %dma_wait3A_4134 = arith.constant 5 : i32
        %dma_wait3A_4135 = arith.constant 0 : i32
        %dma_wait3A_4136 = arith.constant 0 : i32
        %dma_wait3A_4137 = tpu.memref_slice %arg6[%dma_wait3A_4133, %dma_wait3A_4134, %dma_wait3A_4135, %dma_wait3A_4136] : memref<2x8x128x32xf32, #tpu.memory_space<vmem>> -> memref<1x1x128x32xf32, #tpu.memory_space<vmem>>
        %dma_wait3A_4138 = tpu.memref_squeeze %dma_wait3A_4137 : memref<1x1x128x32xf32, #tpu.memory_space<vmem>> -> memref<128x32xf32, #tpu.memory_space<vmem>>
        %dma_wait3A_4139 = arith.constant 0 : i32
        %dma_wait3A_4140 = tpu.memref_slice %arg4[%select_n3A_4114, %mul3A_4132, %dma_wait3A_4139] : memref<50x16384x128xf32, #tpu.memory_space<hbm>> -> memref<1x128x32xf32, #tpu.memory_space<hbm>>
        %dma_wait3A_4141 = tpu.memref_squeeze %dma_wait3A_4140 : memref<1x128x32xf32, #tpu.memory_space<hbm>> -> memref<128x32xf32, #tpu.memory_space<hbm>>
        %dma_wait3A_4142 = arith.constant 0 : i32
        %dma_wait3A_4143 = tpu.memref_slice %arg4[%select_n3A_4114, %mul3A_4132, %dma_wait3A_4142] : memref<50x16384x128xf32, #tpu.memory_space<hbm>> -> memref<1x128x32xf32, #tpu.memory_space<hbm>>
        %dma_wait3A_4144 = tpu.memref_squeeze %dma_wait3A_4143 : memref<1x128x32xf32, #tpu.memory_space<hbm>> -> memref<128x32xf32, #tpu.memory_space<hbm>>
        %dma_wait3A_4145 = arith.constant 0 : i32
        %dma_wait3A_4146 = arith.constant 0 : i32
        %dma_wait3A_4147 = tpu.memref_slice %arg6[%dma_wait3A_4133, %dma_wait3A_4134, %dma_wait3A_4145, %dma_wait3A_4146] : memref<2x8x128x32xf32, #tpu.memory_space<vmem>> -> memref<1x1x128x32xf32, #tpu.memory_space<vmem>>
        %dma_wait3A_4148 = tpu.memref_squeeze %dma_wait3A_4147 : memref<1x1x128x32xf32, #tpu.memory_space<vmem>> -> memref<128x32xf32, #tpu.memory_space<vmem>>
        tpu.wait_dma2 semaphore(%arg10 : memref<!tpu.dma_semaphore, #tpu.memory_space<semaphore_mem>>) src(%dma_wait3A_4148 : memref<128x32xf32, #tpu.memory_space<vmem>>) dst(%dma_wait3A_4144 : memref<128x32xf32, #tpu.memory_space<hbm>>)
        %mul3A_4149 = arith.constant 200 : i32
        %mul3A_4150 = arith.muli %add3A, %mul3A_4149 : i32
        %add3A_4151 = arith.constant 0 : i32
        %add3A_4152 = arith.addi %mul3A_4150, %add3A_4151 : i32
        %add3A_4153 = arith.constant 6 : i32
        %add3A_4154 = arith.addi %add3A_4152, %add3A_4153 : i32
        %jit3A_4155 = arith.constant 128 : i32
        %div3A_4156 = arith.divsi %add3A_4154, %jit3A_4155 : i32
        %sign3A_4157 = arith.constant 0 : i32
        %sign3A_4158 = arith.cmpi sgt, %add3A_4154, %sign3A_4157 : i32
        %sign3A_4159 = arith.extui %sign3A_4158 : i1 to i32
        %sign3A_4160 = arith.constant 0 : i32
        %sign3A_4161 = arith.cmpi slt, %add3A_4154, %sign3A_4160 : i32
        %sign3A_4162 = arith.extui %sign3A_4161 : i1 to i32
        %sign3A_4163 = arith.subi %sign3A_4159, %sign3A_4162 : i32
        %sign3A_4164 = arith.constant 0 : i32
        %sign3A_4165 = arith.cmpi sgt, %jit3A_4155, %sign3A_4164 : i32
        %sign3A_4166 = arith.extui %sign3A_4165 : i1 to i32
        %sign3A_4167 = arith.constant 0 : i32
        %sign3A_4168 = arith.cmpi slt, %jit3A_4155, %sign3A_4167 : i32
        %sign3A_4169 = arith.extui %sign3A_4168 : i1 to i32
        %sign3A_4170 = arith.subi %sign3A_4166, %sign3A_4169 : i32
        %ne3A_4171 = arith.cmpi ne, %sign3A_4163, %sign3A_4170 : i32
        %rem3A_4172 = arith.remsi %add3A_4154, %jit3A_4155 : i32
        %ne3A_4173 = arith.constant 0 : i32
        %ne3A_4174 = arith.cmpi ne, %rem3A_4172, %ne3A_4173 : i32
        %and3A_4175 = arith.andi %ne3A_4171, %ne3A_4174 : i1
        %sub3A_4176 = arith.constant 1 : i32
        %sub3A_4177 = arith.subi %div3A_4156, %sub3A_4176 : i32
        %select_n3A_4178 = arith.select %and3A_4175, %sub3A_4177, %div3A_4156 : i32
        %jit3A_4179 = arith.constant 128 : i32
        %eq3A_4180 = arith.constant 0 : i32
        %eq3A_4181 = arith.cmpi eq, %jit3A_4179, %eq3A_4180 : i32
        %jit3A_4182 = arith.constant 1 : i32
        %select_n3A_4183 = arith.select %eq3A_4181, %jit3A_4182, %jit3A_4179 : i32
        %rem3A_4184 = arith.remsi %add3A_4154, %select_n3A_4183 : i32
        %ne3A_4185 = arith.constant 0 : i32
        %ne3A_4186 = arith.cmpi ne, %rem3A_4184, %ne3A_4185 : i32
        %lt3A_4187 = arith.constant 0 : i32
        %lt3A_4188 = arith.cmpi slt, %rem3A_4184, %lt3A_4187 : i32
        %lt3A_4189 = arith.constant 0 : i32
        %lt3A_4190 = arith.cmpi slt, %select_n3A_4183, %lt3A_4189 : i32
        %ne3A_4191 = arith.xori %lt3A_4188, %lt3A_4190 : i1
        %and3A_4192 = arith.andi %ne3A_4191, %ne3A_4186 : i1
        %add3A_4193 = arith.addi %rem3A_4184, %select_n3A_4183 : i32
        %select_n3A_4194 = arith.select %and3A_4192, %add3A_4193, %rem3A_4184 : i32
        %mul3A_4195 = arith.constant 128 : i32
        %mul3A_4196 = arith.muli %select_n3A_4194, %mul3A_4195 : i32
        %dma_wait3A_4197 = arith.constant 1 : i32
        %dma_wait3A_4198 = arith.constant 6 : i32
        %dma_wait3A_4199 = arith.constant 0 : i32
        %dma_wait3A_4200 = arith.constant 0 : i32
        %dma_wait3A_4201 = tpu.memref_slice %arg6[%dma_wait3A_4197, %dma_wait3A_4198, %dma_wait3A_4199, %dma_wait3A_4200] : memref<2x8x128x32xf32, #tpu.memory_space<vmem>> -> memref<1x1x128x32xf32, #tpu.memory_space<vmem>>
        %dma_wait3A_4202 = tpu.memref_squeeze %dma_wait3A_4201 : memref<1x1x128x32xf32, #tpu.memory_space<vmem>> -> memref<128x32xf32, #tpu.memory_space<vmem>>
        %dma_wait3A_4203 = arith.constant 0 : i32
        %dma_wait3A_4204 = tpu.memref_slice %arg4[%select_n3A_4178, %mul3A_4196, %dma_wait3A_4203] : memref<50x16384x128xf32, #tpu.memory_space<hbm>> -> memref<1x128x32xf32, #tpu.memory_space<hbm>>
        %dma_wait3A_4205 = tpu.memref_squeeze %dma_wait3A_4204 : memref<1x128x32xf32, #tpu.memory_space<hbm>> -> memref<128x32xf32, #tpu.memory_space<hbm>>
        %dma_wait3A_4206 = arith.constant 0 : i32
        %dma_wait3A_4207 = tpu.memref_slice %arg4[%select_n3A_4178, %mul3A_4196, %dma_wait3A_4206] : memref<50x16384x128xf32, #tpu.memory_space<hbm>> -> memref<1x128x32xf32, #tpu.memory_space<hbm>>
        %dma_wait3A_4208 = tpu.memref_squeeze %dma_wait3A_4207 : memref<1x128x32xf32, #tpu.memory_space<hbm>> -> memref<128x32xf32, #tpu.memory_space<hbm>>
        %dma_wait3A_4209 = arith.constant 0 : i32
        %dma_wait3A_4210 = arith.constant 0 : i32
        %dma_wait3A_4211 = tpu.memref_slice %arg6[%dma_wait3A_4197, %dma_wait3A_4198, %dma_wait3A_4209, %dma_wait3A_4210] : memref<2x8x128x32xf32, #tpu.memory_space<vmem>> -> memref<1x1x128x32xf32, #tpu.memory_space<vmem>>
        %dma_wait3A_4212 = tpu.memref_squeeze %dma_wait3A_4211 : memref<1x1x128x32xf32, #tpu.memory_space<vmem>> -> memref<128x32xf32, #tpu.memory_space<vmem>>
        tpu.wait_dma2 semaphore(%arg10 : memref<!tpu.dma_semaphore, #tpu.memory_space<semaphore_mem>>) src(%dma_wait3A_4212 : memref<128x32xf32, #tpu.memory_space<vmem>>) dst(%dma_wait3A_4208 : memref<128x32xf32, #tpu.memory_space<hbm>>)
        %mul3A_4213 = arith.constant 200 : i32
        %mul3A_4214 = arith.muli %add3A, %mul3A_4213 : i32
        %add3A_4215 = arith.constant 0 : i32
        %add3A_4216 = arith.addi %mul3A_4214, %add3A_4215 : i32
        %add3A_4217 = arith.constant 7 : i32
        %add3A_4218 = arith.addi %add3A_4216, %add3A_4217 : i32
        %jit3A_4219 = arith.constant 128 : i32
        %div3A_4220 = arith.divsi %add3A_4218, %jit3A_4219 : i32
        %sign3A_4221 = arith.constant 0 : i32
        %sign3A_4222 = arith.cmpi sgt, %add3A_4218, %sign3A_4221 : i32
        %sign3A_4223 = arith.extui %sign3A_4222 : i1 to i32
        %sign3A_4224 = arith.constant 0 : i32
        %sign3A_4225 = arith.cmpi slt, %add3A_4218, %sign3A_4224 : i32
        %sign3A_4226 = arith.extui %sign3A_4225 : i1 to i32
        %sign3A_4227 = arith.subi %sign3A_4223, %sign3A_4226 : i32
        %sign3A_4228 = arith.constant 0 : i32
        %sign3A_4229 = arith.cmpi sgt, %jit3A_4219, %sign3A_4228 : i32
        %sign3A_4230 = arith.extui %sign3A_4229 : i1 to i32
        %sign3A_4231 = arith.constant 0 : i32
        %sign3A_4232 = arith.cmpi slt, %jit3A_4219, %sign3A_4231 : i32
        %sign3A_4233 = arith.extui %sign3A_4232 : i1 to i32
        %sign3A_4234 = arith.subi %sign3A_4230, %sign3A_4233 : i32
        %ne3A_4235 = arith.cmpi ne, %sign3A_4227, %sign3A_4234 : i32
        %rem3A_4236 = arith.remsi %add3A_4218, %jit3A_4219 : i32
        %ne3A_4237 = arith.constant 0 : i32
        %ne3A_4238 = arith.cmpi ne, %rem3A_4236, %ne3A_4237 : i32
        %and3A_4239 = arith.andi %ne3A_4235, %ne3A_4238 : i1
        %sub3A_4240 = arith.constant 1 : i32
        %sub3A_4241 = arith.subi %div3A_4220, %sub3A_4240 : i32
        %select_n3A_4242 = arith.select %and3A_4239, %sub3A_4241, %div3A_4220 : i32
        %jit3A_4243 = arith.constant 128 : i32
        %eq3A_4244 = arith.constant 0 : i32
        %eq3A_4245 = arith.cmpi eq, %jit3A_4243, %eq3A_4244 : i32
        %jit3A_4246 = arith.constant 1 : i32
        %select_n3A_4247 = arith.select %eq3A_4245, %jit3A_4246, %jit3A_4243 : i32
        %rem3A_4248 = arith.remsi %add3A_4218, %select_n3A_4247 : i32
        %ne3A_4249 = arith.constant 0 : i32
        %ne3A_4250 = arith.cmpi ne, %rem3A_4248, %ne3A_4249 : i32
        %lt3A_4251 = arith.constant 0 : i32
        %lt3A_4252 = arith.cmpi slt, %rem3A_4248, %lt3A_4251 : i32
        %lt3A_4253 = arith.constant 0 : i32
        %lt3A_4254 = arith.cmpi slt, %select_n3A_4247, %lt3A_4253 : i32
        %ne3A_4255 = arith.xori %lt3A_4252, %lt3A_4254 : i1
        %and3A_4256 = arith.andi %ne3A_4255, %ne3A_4250 : i1
        %add3A_4257 = arith.addi %rem3A_4248, %select_n3A_4247 : i32
        %select_n3A_4258 = arith.select %and3A_4256, %add3A_4257, %rem3A_4248 : i32
        %mul3A_4259 = arith.constant 128 : i32
        %mul3A_4260 = arith.muli %select_n3A_4258, %mul3A_4259 : i32
        %dma_wait3A_4261 = arith.constant 1 : i32
        %dma_wait3A_4262 = arith.constant 7 : i32
        %dma_wait3A_4263 = arith.constant 0 : i32
        %dma_wait3A_4264 = arith.constant 0 : i32
        %dma_wait3A_4265 = tpu.memref_slice %arg6[%dma_wait3A_4261, %dma_wait3A_4262, %dma_wait3A_4263, %dma_wait3A_4264] : memref<2x8x128x32xf32, #tpu.memory_space<vmem>> -> memref<1x1x128x32xf32, #tpu.memory_space<vmem>>
        %dma_wait3A_4266 = tpu.memref_squeeze %dma_wait3A_4265 : memref<1x1x128x32xf32, #tpu.memory_space<vmem>> -> memref<128x32xf32, #tpu.memory_space<vmem>>
        %dma_wait3A_4267 = arith.constant 0 : i32
        %dma_wait3A_4268 = tpu.memref_slice %arg4[%select_n3A_4242, %mul3A_4260, %dma_wait3A_4267] : memref<50x16384x128xf32, #tpu.memory_space<hbm>> -> memref<1x128x32xf32, #tpu.memory_space<hbm>>
        %dma_wait3A_4269 = tpu.memref_squeeze %dma_wait3A_4268 : memref<1x128x32xf32, #tpu.memory_space<hbm>> -> memref<128x32xf32, #tpu.memory_space<hbm>>
        %dma_wait3A_4270 = arith.constant 0 : i32
        %dma_wait3A_4271 = tpu.memref_slice %arg4[%select_n3A_4242, %mul3A_4260, %dma_wait3A_4270] : memref<50x16384x128xf32, #tpu.memory_space<hbm>> -> memref<1x128x32xf32, #tpu.memory_space<hbm>>
        %dma_wait3A_4272 = tpu.memref_squeeze %dma_wait3A_4271 : memref<1x128x32xf32, #tpu.memory_space<hbm>> -> memref<128x32xf32, #tpu.memory_space<hbm>>
        %dma_wait3A_4273 = arith.constant 0 : i32
        %dma_wait3A_4274 = arith.constant 0 : i32
        %dma_wait3A_4275 = tpu.memref_slice %arg6[%dma_wait3A_4261, %dma_wait3A_4262, %dma_wait3A_4273, %dma_wait3A_4274] : memref<2x8x128x32xf32, #tpu.memory_space<vmem>> -> memref<1x1x128x32xf32, #tpu.memory_space<vmem>>
        %dma_wait3A_4276 = tpu.memref_squeeze %dma_wait3A_4275 : memref<1x1x128x32xf32, #tpu.memory_space<vmem>> -> memref<128x32xf32, #tpu.memory_space<vmem>>
        tpu.wait_dma2 semaphore(%arg10 : memref<!tpu.dma_semaphore, #tpu.memory_space<semaphore_mem>>) src(%dma_wait3A_4276 : memref<128x32xf32, #tpu.memory_space<vmem>>) dst(%dma_wait3A_4272 : memref<128x32xf32, #tpu.memory_space<hbm>>)
      } else {
      }
      %add3A_1743 = arith.constant 1 : i32
      %add3A_1744 = arith.addi %mul3A_1740, %add3A_1743 : i32
      %mul3A_1745 = arith.constant 8 : i32
      %mul3A_1746 = arith.muli %add3A_1744, %mul3A_1745 : i32
      %add3A_1747 = arith.constant 0 : i32
      %add3A_1748 = arith.addi %mul3A_1746, %add3A_1747 : i32
      %dma_start3A_1749 = arith.constant 1 : i32
      %dma_start3A_1750 = arith.constant 0 : i32
      %dma_start3A_1751 = arith.constant 0 : i32
      %dma_start3A_1752 = arith.constant 0 : i32
      %dma_start3A_1753 = tpu.memref_slice %arg6[%dma_start3A_1749, %dma_start3A_1750, %dma_start3A_1751, %dma_start3A_1752] : memref<2x8x128x32xf32, #tpu.memory_space<vmem>> -> memref<1x1x128x32xf32, #tpu.memory_space<vmem>>
      %dma_start3A_1754 = tpu.memref_squeeze %dma_start3A_1753 : memref<1x1x128x32xf32, #tpu.memory_space<vmem>> -> memref<128x32xf32, #tpu.memory_space<vmem>>
      %dma_start3A_1755 = arith.constant 0 : i32
      %dma_start3A_1756 = tpu.memref_slice %arg5[%add3A_1748, %dma_start3A_1755] : memref<200x128xi32, #tpu.memory_space<vmem>> -> memref<1x128xi32, #tpu.memory_space<vmem>>
      %dma_start3A_1757 = tpu.memref_squeeze %dma_start3A_1756 : memref<1x128xi32, #tpu.memory_space<vmem>> -> memref<128xi32, #tpu.memory_space<vmem>>
      %dma_start3A_1758 = arith.constant 0 : i32
      %dma_start3A_1759 = arith.constant 0 : i32
      %dma_start3A_1760 = tpu.memref_slice %arg3[%dma_start3A_1758, %dma_start3A_1759] : memref<1000000x32xf32, #tpu.memory_space<hbm>> -> memref<1000000x32xf32, #tpu.memory_space<hbm>>
      tpu.enqueue_indirect_dma source(%dma_start3A_1760 : memref<1000000x32xf32, #tpu.memory_space<hbm>>) target(%dma_start3A_1754 : memref<128x32xf32, #tpu.memory_space<vmem>>) offsets(%dma_start3A_1757 : memref<128xi32, #tpu.memory_space<vmem>>) semaphore(%arg8 : memref<!tpu.dma_semaphore, #tpu.memory_space<semaphore_mem>>)
      %mul3A_1761 = arith.constant 8 : i32
      %mul3A_1762 = arith.muli %add3A_1744, %mul3A_1761 : i32
      %add3A_1763 = arith.constant 1 : i32
      %add3A_1764 = arith.addi %mul3A_1762, %add3A_1763 : i32
      %dma_start3A_1765 = arith.constant 1 : i32
      %dma_start3A_1766 = arith.constant 1 : i32
      %dma_start3A_1767 = arith.constant 0 : i32
      %dma_start3A_1768 = arith.constant 0 : i32
      %dma_start3A_1769 = tpu.memref_slice %arg6[%dma_start3A_1765, %dma_start3A_1766, %dma_start3A_1767, %dma_start3A_1768] : memref<2x8x128x32xf32, #tpu.memory_space<vmem>> -> memref<1x1x128x32xf32, #tpu.memory_space<vmem>>
      %dma_start3A_1770 = tpu.memref_squeeze %dma_start3A_1769 : memref<1x1x128x32xf32, #tpu.memory_space<vmem>> -> memref<128x32xf32, #tpu.memory_space<vmem>>
      %dma_start3A_1771 = arith.constant 0 : i32
      %dma_start3A_1772 = tpu.memref_slice %arg5[%add3A_1764, %dma_start3A_1771] : memref<200x128xi32, #tpu.memory_space<vmem>> -> memref<1x128xi32, #tpu.memory_space<vmem>>
      %dma_start3A_1773 = tpu.memref_squeeze %dma_start3A_1772 : memref<1x128xi32, #tpu.memory_space<vmem>> -> memref<128xi32, #tpu.memory_space<vmem>>
      %dma_start3A_1774 = arith.constant 0 : i32
      %dma_start3A_1775 = arith.constant 0 : i32
      %dma_start3A_1776 = tpu.memref_slice %arg3[%dma_start3A_1774, %dma_start3A_1775] : memref<1000000x32xf32, #tpu.memory_space<hbm>> -> memref<1000000x32xf32, #tpu.memory_space<hbm>>
      tpu.enqueue_indirect_dma source(%dma_start3A_1776 : memref<1000000x32xf32, #tpu.memory_space<hbm>>) target(%dma_start3A_1770 : memref<128x32xf32, #tpu.memory_space<vmem>>) offsets(%dma_start3A_1773 : memref<128xi32, #tpu.memory_space<vmem>>) semaphore(%arg8 : memref<!tpu.dma_semaphore, #tpu.memory_space<semaphore_mem>>)
      %mul3A_1777 = arith.constant 8 : i32
      %mul3A_1778 = arith.muli %add3A_1744, %mul3A_1777 : i32
      %add3A_1779 = arith.constant 2 : i32
      %add3A_1780 = arith.addi %mul3A_1778, %add3A_1779 : i32
      %dma_start3A_1781 = arith.constant 1 : i32
      %dma_start3A_1782 = arith.constant 2 : i32
      %dma_start3A_1783 = arith.constant 0 : i32
      %dma_start3A_1784 = arith.constant 0 : i32
      %dma_start3A_1785 = tpu.memref_slice %arg6[%dma_start3A_1781, %dma_start3A_1782, %dma_start3A_1783, %dma_start3A_1784] : memref<2x8x128x32xf32, #tpu.memory_space<vmem>> -> memref<1x1x128x32xf32, #tpu.memory_space<vmem>>
      %dma_start3A_1786 = tpu.memref_squeeze %dma_start3A_1785 : memref<1x1x128x32xf32, #tpu.memory_space<vmem>> -> memref<128x32xf32, #tpu.memory_space<vmem>>
      %dma_start3A_1787 = arith.constant 0 : i32
      %dma_start3A_1788 = tpu.memref_slice %arg5[%add3A_1780, %dma_start3A_1787] : memref<200x128xi32, #tpu.memory_space<vmem>> -> memref<1x128xi32, #tpu.memory_space<vmem>>
      %dma_start3A_1789 = tpu.memref_squeeze %dma_start3A_1788 : memref<1x128xi32, #tpu.memory_space<vmem>> -> memref<128xi32, #tpu.memory_space<vmem>>
      %dma_start3A_1790 = arith.constant 0 : i32
      %dma_start3A_1791 = arith.constant 0 : i32
      %dma_start3A_1792 = tpu.memref_slice %arg3[%dma_start3A_1790, %dma_start3A_1791] : memref<1000000x32xf32, #tpu.memory_space<hbm>> -> memref<1000000x32xf32, #tpu.memory_space<hbm>>
      tpu.enqueue_indirect_dma source(%dma_start3A_1792 : memref<1000000x32xf32, #tpu.memory_space<hbm>>) target(%dma_start3A_1786 : memref<128x32xf32, #tpu.memory_space<vmem>>) offsets(%dma_start3A_1789 : memref<128xi32, #tpu.memory_space<vmem>>) semaphore(%arg8 : memref<!tpu.dma_semaphore, #tpu.memory_space<semaphore_mem>>)
      %mul3A_1793 = arith.constant 8 : i32
      %mul3A_1794 = arith.muli %add3A_1744, %mul3A_1793 : i32
      %add3A_1795 = arith.constant 3 : i32
      %add3A_1796 = arith.addi %mul3A_1794, %add3A_1795 : i32
      %dma_start3A_1797 = arith.constant 1 : i32
      %dma_start3A_1798 = arith.constant 3 : i32
      %dma_start3A_1799 = arith.constant 0 : i32
      %dma_start3A_1800 = arith.constant 0 : i32
      %dma_start3A_1801 = tpu.memref_slice %arg6[%dma_start3A_1797, %dma_start3A_1798, %dma_start3A_1799, %dma_start3A_1800] : memref<2x8x128x32xf32, #tpu.memory_space<vmem>> -> memref<1x1x128x32xf32, #tpu.memory_space<vmem>>
      %dma_start3A_1802 = tpu.memref_squeeze %dma_start3A_1801 : memref<1x1x128x32xf32, #tpu.memory_space<vmem>> -> memref<128x32xf32, #tpu.memory_space<vmem>>
      %dma_start3A_1803 = arith.constant 0 : i32
      %dma_start3A_1804 = tpu.memref_slice %arg5[%add3A_1796, %dma_start3A_1803] : memref<200x128xi32, #tpu.memory_space<vmem>> -> memref<1x128xi32, #tpu.memory_space<vmem>>
      %dma_start3A_1805 = tpu.memref_squeeze %dma_start3A_1804 : memref<1x128xi32, #tpu.memory_space<vmem>> -> memref<128xi32, #tpu.memory_space<vmem>>
      %dma_start3A_1806 = arith.constant 0 : i32
      %dma_start3A_1807 = arith.constant 0 : i32
      %dma_start3A_1808 = tpu.memref_slice %arg3[%dma_start3A_1806, %dma_start3A_1807] : memref<1000000x32xf32, #tpu.memory_space<hbm>> -> memref<1000000x32xf32, #tpu.memory_space<hbm>>
      tpu.enqueue_indirect_dma source(%dma_start3A_1808 : memref<1000000x32xf32, #tpu.memory_space<hbm>>) target(%dma_start3A_1802 : memref<128x32xf32, #tpu.memory_space<vmem>>) offsets(%dma_start3A_1805 : memref<128xi32, #tpu.memory_space<vmem>>) semaphore(%arg8 : memref<!tpu.dma_semaphore, #tpu.memory_space<semaphore_mem>>)
      %mul3A_1809 = arith.constant 8 : i32
      %mul3A_1810 = arith.muli %add3A_1744, %mul3A_1809 : i32
      %add3A_1811 = arith.constant 4 : i32
      %add3A_1812 = arith.addi %mul3A_1810, %add3A_1811 : i32
      %dma_start3A_1813 = arith.constant 1 : i32
      %dma_start3A_1814 = arith.constant 4 : i32
      %dma_start3A_1815 = arith.constant 0 : i32
      %dma_start3A_1816 = arith.constant 0 : i32
      %dma_start3A_1817 = tpu.memref_slice %arg6[%dma_start3A_1813, %dma_start3A_1814, %dma_start3A_1815, %dma_start3A_1816] : memref<2x8x128x32xf32, #tpu.memory_space<vmem>> -> memref<1x1x128x32xf32, #tpu.memory_space<vmem>>
      %dma_start3A_1818 = tpu.memref_squeeze %dma_start3A_1817 : memref<1x1x128x32xf32, #tpu.memory_space<vmem>> -> memref<128x32xf32, #tpu.memory_space<vmem>>
      %dma_start3A_1819 = arith.constant 0 : i32
      %dma_start3A_1820 = tpu.memref_slice %arg5[%add3A_1812, %dma_start3A_1819] : memref<200x128xi32, #tpu.memory_space<vmem>> -> memref<1x128xi32, #tpu.memory_space<vmem>>
      %dma_start3A_1821 = tpu.memref_squeeze %dma_start3A_1820 : memref<1x128xi32, #tpu.memory_space<vmem>> -> memref<128xi32, #tpu.memory_space<vmem>>
      %dma_start3A_1822 = arith.constant 0 : i32
      %dma_start3A_1823 = arith.constant 0 : i32
      %dma_start3A_1824 = tpu.memref_slice %arg3[%dma_start3A_1822, %dma_start3A_1823] : memref<1000000x32xf32, #tpu.memory_space<hbm>> -> memref<1000000x32xf32, #tpu.memory_space<hbm>>
      tpu.enqueue_indirect_dma source(%dma_start3A_1824 : memref<1000000x32xf32, #tpu.memory_space<hbm>>) target(%dma_start3A_1818 : memref<128x32xf32, #tpu.memory_space<vmem>>) offsets(%dma_start3A_1821 : memref<128xi32, #tpu.memory_space<vmem>>) semaphore(%arg8 : memref<!tpu.dma_semaphore, #tpu.memory_space<semaphore_mem>>)
      %mul3A_1825 = arith.constant 8 : i32
      %mul3A_1826 = arith.muli %add3A_1744, %mul3A_1825 : i32
      %add3A_1827 = arith.constant 5 : i32
      %add3A_1828 = arith.addi %mul3A_1826, %add3A_1827 : i32
      %dma_start3A_1829 = arith.constant 1 : i32
      %dma_start3A_1830 = arith.constant 5 : i32
      %dma_start3A_1831 = arith.constant 0 : i32
      %dma_start3A_1832 = arith.constant 0 : i32
      %dma_start3A_1833 = tpu.memref_slice %arg6[%dma_start3A_1829, %dma_start3A_1830, %dma_start3A_1831, %dma_start3A_1832] : memref<2x8x128x32xf32, #tpu.memory_space<vmem>> -> memref<1x1x128x32xf32, #tpu.memory_space<vmem>>
      %dma_start3A_1834 = tpu.memref_squeeze %dma_start3A_1833 : memref<1x1x128x32xf32, #tpu.memory_space<vmem>> -> memref<128x32xf32, #tpu.memory_space<vmem>>
      %dma_start3A_1835 = arith.constant 0 : i32
      %dma_start3A_1836 = tpu.memref_slice %arg5[%add3A_1828, %dma_start3A_1835] : memref<200x128xi32, #tpu.memory_space<vmem>> -> memref<1x128xi32, #tpu.memory_space<vmem>>
      %dma_start3A_1837 = tpu.memref_squeeze %dma_start3A_1836 : memref<1x128xi32, #tpu.memory_space<vmem>> -> memref<128xi32, #tpu.memory_space<vmem>>
      %dma_start3A_1838 = arith.constant 0 : i32
      %dma_start3A_1839 = arith.constant 0 : i32
      %dma_start3A_1840 = tpu.memref_slice %arg3[%dma_start3A_1838, %dma_start3A_1839] : memref<1000000x32xf32, #tpu.memory_space<hbm>> -> memref<1000000x32xf32, #tpu.memory_space<hbm>>
      tpu.enqueue_indirect_dma source(%dma_start3A_1840 : memref<1000000x32xf32, #tpu.memory_space<hbm>>) target(%dma_start3A_1834 : memref<128x32xf32, #tpu.memory_space<vmem>>) offsets(%dma_start3A_1837 : memref<128xi32, #tpu.memory_space<vmem>>) semaphore(%arg8 : memref<!tpu.dma_semaphore, #tpu.memory_space<semaphore_mem>>)
      %mul3A_1841 = arith.constant 8 : i32
      %mul3A_1842 = arith.muli %add3A_1744, %mul3A_1841 : i32
      %add3A_1843 = arith.constant 6 : i32
      %add3A_1844 = arith.addi %mul3A_1842, %add3A_1843 : i32
      %dma_start3A_1845 = arith.constant 1 : i32
      %dma_start3A_1846 = arith.constant 6 : i32
      %dma_start3A_1847 = arith.constant 0 : i32
      %dma_start3A_1848 = arith.constant 0 : i32
      %dma_start3A_1849 = tpu.memref_slice %arg6[%dma_start3A_1845, %dma_start3A_1846, %dma_start3A_1847, %dma_start3A_1848] : memref<2x8x128x32xf32, #tpu.memory_space<vmem>> -> memref<1x1x128x32xf32, #tpu.memory_space<vmem>>
      %dma_start3A_1850 = tpu.memref_squeeze %dma_start3A_1849 : memref<1x1x128x32xf32, #tpu.memory_space<vmem>> -> memref<128x32xf32, #tpu.memory_space<vmem>>
      %dma_start3A_1851 = arith.constant 0 : i32
      %dma_start3A_1852 = tpu.memref_slice %arg5[%add3A_1844, %dma_start3A_1851] : memref<200x128xi32, #tpu.memory_space<vmem>> -> memref<1x128xi32, #tpu.memory_space<vmem>>
      %dma_start3A_1853 = tpu.memref_squeeze %dma_start3A_1852 : memref<1x128xi32, #tpu.memory_space<vmem>> -> memref<128xi32, #tpu.memory_space<vmem>>
      %dma_start3A_1854 = arith.constant 0 : i32
      %dma_start3A_1855 = arith.constant 0 : i32
      %dma_start3A_1856 = tpu.memref_slice %arg3[%dma_start3A_1854, %dma_start3A_1855] : memref<1000000x32xf32, #tpu.memory_space<hbm>> -> memref<1000000x32xf32, #tpu.memory_space<hbm>>
      tpu.enqueue_indirect_dma source(%dma_start3A_1856 : memref<1000000x32xf32, #tpu.memory_space<hbm>>) target(%dma_start3A_1850 : memref<128x32xf32, #tpu.memory_space<vmem>>) offsets(%dma_start3A_1853 : memref<128xi32, #tpu.memory_space<vmem>>) semaphore(%arg8 : memref<!tpu.dma_semaphore, #tpu.memory_space<semaphore_mem>>)
      %mul3A_1857 = arith.constant 8 : i32
      %mul3A_1858 = arith.muli %add3A_1744, %mul3A_1857 : i32
      %add3A_1859 = arith.constant 7 : i32
      %add3A_1860 = arith.addi %mul3A_1858, %add3A_1859 : i32
      %dma_start3A_1861 = arith.constant 1 : i32
      %dma_start3A_1862 = arith.constant 7 : i32
      %dma_start3A_1863 = arith.constant 0 : i32
      %dma_start3A_1864 = arith.constant 0 : i32
      %dma_start3A_1865 = tpu.memref_slice %arg6[%dma_start3A_1861, %dma_start3A_1862, %dma_start3A_1863, %dma_start3A_1864] : memref<2x8x128x32xf32, #tpu.memory_space<vmem>> -> memref<1x1x128x32xf32, #tpu.memory_space<vmem>>
      %dma_start3A_1866 = tpu.memref_squeeze %dma_start3A_1865 : memref<1x1x128x32xf32, #tpu.memory_space<vmem>> -> memref<128x32xf32, #tpu.memory_space<vmem>>
      %dma_start3A_1867 = arith.constant 0 : i32
      %dma_start3A_1868 = tpu.memref_slice %arg5[%add3A_1860, %dma_start3A_1867] : memref<200x128xi32, #tpu.memory_space<vmem>> -> memref<1x128xi32, #tpu.memory_space<vmem>>
      %dma_start3A_1869 = tpu.memref_squeeze %dma_start3A_1868 : memref<1x128xi32, #tpu.memory_space<vmem>> -> memref<128xi32, #tpu.memory_space<vmem>>
      %dma_start3A_1870 = arith.constant 0 : i32
      %dma_start3A_1871 = arith.constant 0 : i32
      %dma_start3A_1872 = tpu.memref_slice %arg3[%dma_start3A_1870, %dma_start3A_1871] : memref<1000000x32xf32, #tpu.memory_space<hbm>> -> memref<1000000x32xf32, #tpu.memory_space<hbm>>
      tpu.enqueue_indirect_dma source(%dma_start3A_1872 : memref<1000000x32xf32, #tpu.memory_space<hbm>>) target(%dma_start3A_1866 : memref<128x32xf32, #tpu.memory_space<vmem>>) offsets(%dma_start3A_1869 : memref<128xi32, #tpu.memory_space<vmem>>) semaphore(%arg8 : memref<!tpu.dma_semaphore, #tpu.memory_space<semaphore_mem>>)
      %dma_wait3A_1873 = arith.constant 0 : i32
      %dma_wait3A_1874 = arith.constant 0 : i32
      %dma_wait3A_1875 = arith.constant 0 : i32
      %dma_wait3A_1876 = arith.constant 0 : i32
      %dma_wait3A_1877 = arith.constant 0 : i32
      %dma_wait3A_1878 = tpu.memref_slice %arg6[%dma_wait3A_1874, %dma_wait3A_1875, %dma_wait3A_1876, %dma_wait3A_1877] : memref<2x8x128x32xf32, #tpu.memory_space<vmem>> -> memref<1x1x128x32xf32, #tpu.memory_space<vmem>>
      %dma_wait3A_1879 = tpu.memref_squeeze %dma_wait3A_1878 : memref<1x1x128x32xf32, #tpu.memory_space<vmem>> -> memref<128x32xf32, #tpu.memory_space<vmem>>
      %dma_wait3A_1880 = arith.constant 0 : i32
      %dma_wait3A_1881 = tpu.memref_slice %arg5[%dma_wait3A_1873, %dma_wait3A_1880] : memref<200x128xi32, #tpu.memory_space<vmem>> -> memref<1x128xi32, #tpu.memory_space<vmem>>
      %dma_wait3A_1882 = tpu.memref_squeeze %dma_wait3A_1881 : memref<1x128xi32, #tpu.memory_space<vmem>> -> memref<128xi32, #tpu.memory_space<vmem>>
      %dma_wait3A_1883 = arith.constant 0 : i32
      %dma_wait3A_1884 = arith.constant 0 : i32
      %dma_wait3A_1885 = tpu.memref_slice %arg3[%dma_wait3A_1883, %dma_wait3A_1884] : memref<1000000x32xf32, #tpu.memory_space<hbm>> -> memref<1000000x32xf32, #tpu.memory_space<hbm>>
      tpu.wait_indirect_dma semaphore(%arg7 : memref<!tpu.dma_semaphore, #tpu.memory_space<semaphore_mem>>) src(%dma_wait3A_1885 : memref<1000000x32xf32, #tpu.memory_space<hbm>>) dst(%dma_wait3A_1879 : memref<128x32xf32, #tpu.memory_space<vmem>>)
      %dma_wait3A_1886 = arith.constant 0 : i32
      %dma_wait3A_1887 = arith.constant 0 : i32
      %dma_wait3A_1888 = arith.constant 1 : i32
      %dma_wait3A_1889 = arith.constant 0 : i32
      %dma_wait3A_1890 = arith.constant 0 : i32
      %dma_wait3A_1891 = tpu.memref_slice %arg6[%dma_wait3A_1887, %dma_wait3A_1888, %dma_wait3A_1889, %dma_wait3A_1890] : memref<2x8x128x32xf32, #tpu.memory_space<vmem>> -> memref<1x1x128x32xf32, #tpu.memory_space<vmem>>
      %dma_wait3A_1892 = tpu.memref_squeeze %dma_wait3A_1891 : memref<1x1x128x32xf32, #tpu.memory_space<vmem>> -> memref<128x32xf32, #tpu.memory_space<vmem>>
      %dma_wait3A_1893 = arith.constant 0 : i32
      %dma_wait3A_1894 = tpu.memref_slice %arg5[%dma_wait3A_1886, %dma_wait3A_1893] : memref<200x128xi32, #tpu.memory_space<vmem>> -> memref<1x128xi32, #tpu.memory_space<vmem>>
      %dma_wait3A_1895 = tpu.memref_squeeze %dma_wait3A_1894 : memref<1x128xi32, #tpu.memory_space<vmem>> -> memref<128xi32, #tpu.memory_space<vmem>>
      %dma_wait3A_1896 = arith.constant 0 : i32
      %dma_wait3A_1897 = arith.constant 0 : i32
      %dma_wait3A_1898 = tpu.memref_slice %arg3[%dma_wait3A_1896, %dma_wait3A_1897] : memref<1000000x32xf32, #tpu.memory_space<hbm>> -> memref<1000000x32xf32, #tpu.memory_space<hbm>>
      tpu.wait_indirect_dma semaphore(%arg7 : memref<!tpu.dma_semaphore, #tpu.memory_space<semaphore_mem>>) src(%dma_wait3A_1898 : memref<1000000x32xf32, #tpu.memory_space<hbm>>) dst(%dma_wait3A_1892 : memref<128x32xf32, #tpu.memory_space<vmem>>)
      %dma_wait3A_1899 = arith.constant 0 : i32
      %dma_wait3A_1900 = arith.constant 0 : i32
      %dma_wait3A_1901 = arith.constant 2 : i32
      %dma_wait3A_1902 = arith.constant 0 : i32
      %dma_wait3A_1903 = arith.constant 0 : i32
      %dma_wait3A_1904 = tpu.memref_slice %arg6[%dma_wait3A_1900, %dma_wait3A_1901, %dma_wait3A_1902, %dma_wait3A_1903] : memref<2x8x128x32xf32, #tpu.memory_space<vmem>> -> memref<1x1x128x32xf32, #tpu.memory_space<vmem>>
      %dma_wait3A_1905 = tpu.memref_squeeze %dma_wait3A_1904 : memref<1x1x128x32xf32, #tpu.memory_space<vmem>> -> memref<128x32xf32, #tpu.memory_space<vmem>>
      %dma_wait3A_1906 = arith.constant 0 : i32
      %dma_wait3A_1907 = tpu.memref_slice %arg5[%dma_wait3A_1899, %dma_wait3A_1906] : memref<200x128xi32, #tpu.memory_space<vmem>> -> memref<1x128xi32, #tpu.memory_space<vmem>>
      %dma_wait3A_1908 = tpu.memref_squeeze %dma_wait3A_1907 : memref<1x128xi32, #tpu.memory_space<vmem>> -> memref<128xi32, #tpu.memory_space<vmem>>
      %dma_wait3A_1909 = arith.constant 0 : i32
      %dma_wait3A_1910 = arith.constant 0 : i32
      %dma_wait3A_1911 = tpu.memref_slice %arg3[%dma_wait3A_1909, %dma_wait3A_1910] : memref<1000000x32xf32, #tpu.memory_space<hbm>> -> memref<1000000x32xf32, #tpu.memory_space<hbm>>
      tpu.wait_indirect_dma semaphore(%arg7 : memref<!tpu.dma_semaphore, #tpu.memory_space<semaphore_mem>>) src(%dma_wait3A_1911 : memref<1000000x32xf32, #tpu.memory_space<hbm>>) dst(%dma_wait3A_1905 : memref<128x32xf32, #tpu.memory_space<vmem>>)
      %dma_wait3A_1912 = arith.constant 0 : i32
      %dma_wait3A_1913 = arith.constant 0 : i32
      %dma_wait3A_1914 = arith.constant 3 : i32
      %dma_wait3A_1915 = arith.constant 0 : i32
      %dma_wait3A_1916 = arith.constant 0 : i32
      %dma_wait3A_1917 = tpu.memref_slice %arg6[%dma_wait3A_1913, %dma_wait3A_1914, %dma_wait3A_1915, %dma_wait3A_1916] : memref<2x8x128x32xf32, #tpu.memory_space<vmem>> -> memref<1x1x128x32xf32, #tpu.memory_space<vmem>>
      %dma_wait3A_1918 = tpu.memref_squeeze %dma_wait3A_1917 : memref<1x1x128x32xf32, #tpu.memory_space<vmem>> -> memref<128x32xf32, #tpu.memory_space<vmem>>
      %dma_wait3A_1919 = arith.constant 0 : i32
      %dma_wait3A_1920 = tpu.memref_slice %arg5[%dma_wait3A_1912, %dma_wait3A_1919] : memref<200x128xi32, #tpu.memory_space<vmem>> -> memref<1x128xi32, #tpu.memory_space<vmem>>
      %dma_wait3A_1921 = tpu.memref_squeeze %dma_wait3A_1920 : memref<1x128xi32, #tpu.memory_space<vmem>> -> memref<128xi32, #tpu.memory_space<vmem>>
      %dma_wait3A_1922 = arith.constant 0 : i32
      %dma_wait3A_1923 = arith.constant 0 : i32
      %dma_wait3A_1924 = tpu.memref_slice %arg3[%dma_wait3A_1922, %dma_wait3A_1923] : memref<1000000x32xf32, #tpu.memory_space<hbm>> -> memref<1000000x32xf32, #tpu.memory_space<hbm>>
      tpu.wait_indirect_dma semaphore(%arg7 : memref<!tpu.dma_semaphore, #tpu.memory_space<semaphore_mem>>) src(%dma_wait3A_1924 : memref<1000000x32xf32, #tpu.memory_space<hbm>>) dst(%dma_wait3A_1918 : memref<128x32xf32, #tpu.memory_space<vmem>>)
      %dma_wait3A_1925 = arith.constant 0 : i32
      %dma_wait3A_1926 = arith.constant 0 : i32
      %dma_wait3A_1927 = arith.constant 4 : i32
      %dma_wait3A_1928 = arith.constant 0 : i32
      %dma_wait3A_1929 = arith.constant 0 : i32
      %dma_wait3A_1930 = tpu.memref_slice %arg6[%dma_wait3A_1926, %dma_wait3A_1927, %dma_wait3A_1928, %dma_wait3A_1929] : memref<2x8x128x32xf32, #tpu.memory_space<vmem>> -> memref<1x1x128x32xf32, #tpu.memory_space<vmem>>
      %dma_wait3A_1931 = tpu.memref_squeeze %dma_wait3A_1930 : memref<1x1x128x32xf32, #tpu.memory_space<vmem>> -> memref<128x32xf32, #tpu.memory_space<vmem>>
      %dma_wait3A_1932 = arith.constant 0 : i32
      %dma_wait3A_1933 = tpu.memref_slice %arg5[%dma_wait3A_1925, %dma_wait3A_1932] : memref<200x128xi32, #tpu.memory_space<vmem>> -> memref<1x128xi32, #tpu.memory_space<vmem>>
      %dma_wait3A_1934 = tpu.memref_squeeze %dma_wait3A_1933 : memref<1x128xi32, #tpu.memory_space<vmem>> -> memref<128xi32, #tpu.memory_space<vmem>>
      %dma_wait3A_1935 = arith.constant 0 : i32
      %dma_wait3A_1936 = arith.constant 0 : i32
      %dma_wait3A_1937 = tpu.memref_slice %arg3[%dma_wait3A_1935, %dma_wait3A_1936] : memref<1000000x32xf32, #tpu.memory_space<hbm>> -> memref<1000000x32xf32, #tpu.memory_space<hbm>>
      tpu.wait_indirect_dma semaphore(%arg7 : memref<!tpu.dma_semaphore, #tpu.memory_space<semaphore_mem>>) src(%dma_wait3A_1937 : memref<1000000x32xf32, #tpu.memory_space<hbm>>) dst(%dma_wait3A_1931 : memref<128x32xf32, #tpu.memory_space<vmem>>)
      %dma_wait3A_1938 = arith.constant 0 : i32
      %dma_wait3A_1939 = arith.constant 0 : i32
      %dma_wait3A_1940 = arith.constant 5 : i32
      %dma_wait3A_1941 = arith.constant 0 : i32
      %dma_wait3A_1942 = arith.constant 0 : i32
      %dma_wait3A_1943 = tpu.memref_slice %arg6[%dma_wait3A_1939, %dma_wait3A_1940, %dma_wait3A_1941, %dma_wait3A_1942] : memref<2x8x128x32xf32, #tpu.memory_space<vmem>> -> memref<1x1x128x32xf32, #tpu.memory_space<vmem>>
      %dma_wait3A_1944 = tpu.memref_squeeze %dma_wait3A_1943 : memref<1x1x128x32xf32, #tpu.memory_space<vmem>> -> memref<128x32xf32, #tpu.memory_space<vmem>>
      %dma_wait3A_1945 = arith.constant 0 : i32
      %dma_wait3A_1946 = tpu.memref_slice %arg5[%dma_wait3A_1938, %dma_wait3A_1945] : memref<200x128xi32, #tpu.memory_space<vmem>> -> memref<1x128xi32, #tpu.memory_space<vmem>>
      %dma_wait3A_1947 = tpu.memref_squeeze %dma_wait3A_1946 : memref<1x128xi32, #tpu.memory_space<vmem>> -> memref<128xi32, #tpu.memory_space<vmem>>
      %dma_wait3A_1948 = arith.constant 0 : i32
      %dma_wait3A_1949 = arith.constant 0 : i32
      %dma_wait3A_1950 = tpu.memref_slice %arg3[%dma_wait3A_1948, %dma_wait3A_1949] : memref<1000000x32xf32, #tpu.memory_space<hbm>> -> memref<1000000x32xf32, #tpu.memory_space<hbm>>
      tpu.wait_indirect_dma semaphore(%arg7 : memref<!tpu.dma_semaphore, #tpu.memory_space<semaphore_mem>>) src(%dma_wait3A_1950 : memref<1000000x32xf32, #tpu.memory_space<hbm>>) dst(%dma_wait3A_1944 : memref<128x32xf32, #tpu.memory_space<vmem>>)
      %dma_wait3A_1951 = arith.constant 0 : i32
      %dma_wait3A_1952 = arith.constant 0 : i32
      %dma_wait3A_1953 = arith.constant 6 : i32
      %dma_wait3A_1954 = arith.constant 0 : i32
      %dma_wait3A_1955 = arith.constant 0 : i32
      %dma_wait3A_1956 = tpu.memref_slice %arg6[%dma_wait3A_1952, %dma_wait3A_1953, %dma_wait3A_1954, %dma_wait3A_1955] : memref<2x8x128x32xf32, #tpu.memory_space<vmem>> -> memref<1x1x128x32xf32, #tpu.memory_space<vmem>>
      %dma_wait3A_1957 = tpu.memref_squeeze %dma_wait3A_1956 : memref<1x1x128x32xf32, #tpu.memory_space<vmem>> -> memref<128x32xf32, #tpu.memory_space<vmem>>
      %dma_wait3A_1958 = arith.constant 0 : i32
      %dma_wait3A_1959 = tpu.memref_slice %arg5[%dma_wait3A_1951, %dma_wait3A_1958] : memref<200x128xi32, #tpu.memory_space<vmem>> -> memref<1x128xi32, #tpu.memory_space<vmem>>
      %dma_wait3A_1960 = tpu.memref_squeeze %dma_wait3A_1959 : memref<1x128xi32, #tpu.memory_space<vmem>> -> memref<128xi32, #tpu.memory_space<vmem>>
      %dma_wait3A_1961 = arith.constant 0 : i32
      %dma_wait3A_1962 = arith.constant 0 : i32
      %dma_wait3A_1963 = tpu.memref_slice %arg3[%dma_wait3A_1961, %dma_wait3A_1962] : memref<1000000x32xf32, #tpu.memory_space<hbm>> -> memref<1000000x32xf32, #tpu.memory_space<hbm>>
      tpu.wait_indirect_dma semaphore(%arg7 : memref<!tpu.dma_semaphore, #tpu.memory_space<semaphore_mem>>) src(%dma_wait3A_1963 : memref<1000000x32xf32, #tpu.memory_space<hbm>>) dst(%dma_wait3A_1957 : memref<128x32xf32, #tpu.memory_space<vmem>>)
      %dma_wait3A_1964 = arith.constant 0 : i32
      %dma_wait3A_1965 = arith.constant 0 : i32
      %dma_wait3A_1966 = arith.constant 7 : i32
      %dma_wait3A_1967 = arith.constant 0 : i32
      %dma_wait3A_1968 = arith.constant 0 : i32
      %dma_wait3A_1969 = tpu.memref_slice %arg6[%dma_wait3A_1965, %dma_wait3A_1966, %dma_wait3A_1967, %dma_wait3A_1968] : memref<2x8x128x32xf32, #tpu.memory_space<vmem>> -> memref<1x1x128x32xf32, #tpu.memory_space<vmem>>
      %dma_wait3A_1970 = tpu.memref_squeeze %dma_wait3A_1969 : memref<1x1x128x32xf32, #tpu.memory_space<vmem>> -> memref<128x32xf32, #tpu.memory_space<vmem>>
      %dma_wait3A_1971 = arith.constant 0 : i32
      %dma_wait3A_1972 = tpu.memref_slice %arg5[%dma_wait3A_1964, %dma_wait3A_1971] : memref<200x128xi32, #tpu.memory_space<vmem>> -> memref<1x128xi32, #tpu.memory_space<vmem>>
      %dma_wait3A_1973 = tpu.memref_squeeze %dma_wait3A_1972 : memref<1x128xi32, #tpu.memory_space<vmem>> -> memref<128xi32, #tpu.memory_space<vmem>>
      %dma_wait3A_1974 = arith.constant 0 : i32
      %dma_wait3A_1975 = arith.constant 0 : i32
      %dma_wait3A_1976 = tpu.memref_slice %arg3[%dma_wait3A_1974, %dma_wait3A_1975] : memref<1000000x32xf32, #tpu.memory_space<hbm>> -> memref<1000000x32xf32, #tpu.memory_space<hbm>>
      tpu.wait_indirect_dma semaphore(%arg7 : memref<!tpu.dma_semaphore, #tpu.memory_space<semaphore_mem>>) src(%dma_wait3A_1976 : memref<1000000x32xf32, #tpu.memory_space<hbm>>) dst(%dma_wait3A_1970 : memref<128x32xf32, #tpu.memory_space<vmem>>)
      %mul3A_1977 = arith.constant 200 : i32
      %mul3A_1978 = arith.muli %add3A, %mul3A_1977 : i32
      %mul3A_1979 = arith.constant 8 : i32
      %mul3A_1980 = arith.muli %mul3A_1740, %mul3A_1979 : i32
      %add3A_1981 = arith.addi %mul3A_1978, %mul3A_1980 : i32
      %add3A_1982 = arith.constant 0 : i32
      %add3A_1983 = arith.addi %add3A_1981, %add3A_1982 : i32
      %jit3A_1984 = arith.constant 128 : i32
      %div3A_1985 = arith.divsi %add3A_1983, %jit3A_1984 : i32
      %sign3A_1986 = arith.constant 0 : i32
      %sign3A_1987 = arith.cmpi sgt, %add3A_1983, %sign3A_1986 : i32
      %sign3A_1988 = arith.extui %sign3A_1987 : i1 to i32
      %sign3A_1989 = arith.constant 0 : i32
      %sign3A_1990 = arith.cmpi slt, %add3A_1983, %sign3A_1989 : i32
      %sign3A_1991 = arith.extui %sign3A_1990 : i1 to i32
      %sign3A_1992 = arith.subi %sign3A_1988, %sign3A_1991 : i32
      %sign3A_1993 = arith.constant 0 : i32
      %sign3A_1994 = arith.cmpi sgt, %jit3A_1984, %sign3A_1993 : i32
      %sign3A_1995 = arith.extui %sign3A_1994 : i1 to i32
      %sign3A_1996 = arith.constant 0 : i32
      %sign3A_1997 = arith.cmpi slt, %jit3A_1984, %sign3A_1996 : i32
      %sign3A_1998 = arith.extui %sign3A_1997 : i1 to i32
      %sign3A_1999 = arith.subi %sign3A_1995, %sign3A_1998 : i32
      %ne3A_2000 = arith.cmpi ne, %sign3A_1992, %sign3A_1999 : i32
      %rem3A_2001 = arith.remsi %add3A_1983, %jit3A_1984 : i32
      %ne3A_2002 = arith.constant 0 : i32
      %ne3A_2003 = arith.cmpi ne, %rem3A_2001, %ne3A_2002 : i32
      %and3A_2004 = arith.andi %ne3A_2000, %ne3A_2003 : i1
      %sub3A_2005 = arith.constant 1 : i32
      %sub3A_2006 = arith.subi %div3A_1985, %sub3A_2005 : i32
      %select_n3A_2007 = arith.select %and3A_2004, %sub3A_2006, %div3A_1985 : i32
      %jit3A_2008 = arith.constant 128 : i32
      %eq3A_2009 = arith.constant 0 : i32
      %eq3A_2010 = arith.cmpi eq, %jit3A_2008, %eq3A_2009 : i32
      %jit3A_2011 = arith.constant 1 : i32
      %select_n3A_2012 = arith.select %eq3A_2010, %jit3A_2011, %jit3A_2008 : i32
      %rem3A_2013 = arith.remsi %add3A_1983, %select_n3A_2012 : i32
      %ne3A_2014 = arith.constant 0 : i32
      %ne3A_2015 = arith.cmpi ne, %rem3A_2013, %ne3A_2014 : i32
      %lt3A_2016 = arith.constant 0 : i32
      %lt3A_2017 = arith.cmpi slt, %rem3A_2013, %lt3A_2016 : i32
      %lt3A_2018 = arith.constant 0 : i32
      %lt3A_2019 = arith.cmpi slt, %select_n3A_2012, %lt3A_2018 : i32
      %ne3A_2020 = arith.xori %lt3A_2017, %lt3A_2019 : i1
      %and3A_2021 = arith.andi %ne3A_2020, %ne3A_2015 : i1
      %add3A_2022 = arith.addi %rem3A_2013, %select_n3A_2012 : i32
      %select_n3A_2023 = arith.select %and3A_2021, %add3A_2022, %rem3A_2013 : i32
      %mul3A_2024 = arith.constant 128 : i32
      %mul3A_2025 = arith.muli %select_n3A_2023, %mul3A_2024 : i32
      %dma_start3A_2026 = arith.constant 0 : i32
      %dma_start3A_2027 = arith.constant 0 : i32
      %dma_start3A_2028 = arith.constant 0 : i32
      %dma_start3A_2029 = arith.constant 0 : i32
      %dma_start3A_2030 = tpu.memref_slice %arg6[%dma_start3A_2026, %dma_start3A_2027, %dma_start3A_2028, %dma_start3A_2029] : memref<2x8x128x32xf32, #tpu.memory_space<vmem>> -> memref<1x1x128x32xf32, #tpu.memory_space<vmem>>
      %dma_start3A_2031 = tpu.memref_squeeze %dma_start3A_2030 : memref<1x1x128x32xf32, #tpu.memory_space<vmem>> -> memref<128x32xf32, #tpu.memory_space<vmem>>
      %dma_start3A_2032 = arith.constant 0 : i32
      %dma_start3A_2033 = tpu.memref_slice %arg4[%select_n3A_2007, %mul3A_2025, %dma_start3A_2032] : memref<50x16384x128xf32, #tpu.memory_space<hbm>> -> memref<1x128x32xf32, #tpu.memory_space<hbm>>
      %dma_start3A_2034 = tpu.memref_squeeze %dma_start3A_2033 : memref<1x128x32xf32, #tpu.memory_space<hbm>> -> memref<128x32xf32, #tpu.memory_space<hbm>>
      %dma_start3A_2035 = arith.constant 0 : i32
      %dma_start3A_2036 = tpu.memref_slice %arg4[%select_n3A_2007, %mul3A_2025, %dma_start3A_2035] : memref<50x16384x128xf32, #tpu.memory_space<hbm>> -> memref<1x128x32xf32, #tpu.memory_space<hbm>>
      %dma_start3A_2037 = tpu.memref_squeeze %dma_start3A_2036 : memref<1x128x32xf32, #tpu.memory_space<hbm>> -> memref<128x32xf32, #tpu.memory_space<hbm>>
      %dma_start3A_2038 = arith.constant 0 : i32
      %dma_start3A_2039 = arith.constant 0 : i32
      %dma_start3A_2040 = tpu.memref_slice %arg6[%dma_start3A_2026, %dma_start3A_2027, %dma_start3A_2038, %dma_start3A_2039] : memref<2x8x128x32xf32, #tpu.memory_space<vmem>> -> memref<1x1x128x32xf32, #tpu.memory_space<vmem>>
      %dma_start3A_2041 = tpu.memref_squeeze %dma_start3A_2040 : memref<1x1x128x32xf32, #tpu.memory_space<vmem>> -> memref<128x32xf32, #tpu.memory_space<vmem>>
      tpu.enqueue_dma source(%dma_start3A_2041 : memref<128x32xf32, #tpu.memory_space<vmem>>) target(%dma_start3A_2037 : memref<128x32xf32, #tpu.memory_space<hbm>>) target_semaphore(%arg9 : memref<!tpu.dma_semaphore, #tpu.memory_space<semaphore_mem>>)
      %mul3A_2042 = arith.constant 200 : i32
      %mul3A_2043 = arith.muli %add3A, %mul3A_2042 : i32
      %mul3A_2044 = arith.constant 8 : i32
      %mul3A_2045 = arith.muli %mul3A_1740, %mul3A_2044 : i32
      %add3A_2046 = arith.addi %mul3A_2043, %mul3A_2045 : i32
      %add3A_2047 = arith.constant 1 : i32
      %add3A_2048 = arith.addi %add3A_2046, %add3A_2047 : i32
      %jit3A_2049 = arith.constant 128 : i32
      %div3A_2050 = arith.divsi %add3A_2048, %jit3A_2049 : i32
      %sign3A_2051 = arith.constant 0 : i32
      %sign3A_2052 = arith.cmpi sgt, %add3A_2048, %sign3A_2051 : i32
      %sign3A_2053 = arith.extui %sign3A_2052 : i1 to i32
      %sign3A_2054 = arith.constant 0 : i32
      %sign3A_2055 = arith.cmpi slt, %add3A_2048, %sign3A_2054 : i32
      %sign3A_2056 = arith.extui %sign3A_2055 : i1 to i32
      %sign3A_2057 = arith.subi %sign3A_2053, %sign3A_2056 : i32
      %sign3A_2058 = arith.constant 0 : i32
      %sign3A_2059 = arith.cmpi sgt, %jit3A_2049, %sign3A_2058 : i32
      %sign3A_2060 = arith.extui %sign3A_2059 : i1 to i32
      %sign3A_2061 = arith.constant 0 : i32
      %sign3A_2062 = arith.cmpi slt, %jit3A_2049, %sign3A_2061 : i32
      %sign3A_2063 = arith.extui %sign3A_2062 : i1 to i32
      %sign3A_2064 = arith.subi %sign3A_2060, %sign3A_2063 : i32
      %ne3A_2065 = arith.cmpi ne, %sign3A_2057, %sign3A_2064 : i32
      %rem3A_2066 = arith.remsi %add3A_2048, %jit3A_2049 : i32
      %ne3A_2067 = arith.constant 0 : i32
      %ne3A_2068 = arith.cmpi ne, %rem3A_2066, %ne3A_2067 : i32
      %and3A_2069 = arith.andi %ne3A_2065, %ne3A_2068 : i1
      %sub3A_2070 = arith.constant 1 : i32
      %sub3A_2071 = arith.subi %div3A_2050, %sub3A_2070 : i32
      %select_n3A_2072 = arith.select %and3A_2069, %sub3A_2071, %div3A_2050 : i32
      %jit3A_2073 = arith.constant 128 : i32
      %eq3A_2074 = arith.constant 0 : i32
      %eq3A_2075 = arith.cmpi eq, %jit3A_2073, %eq3A_2074 : i32
      %jit3A_2076 = arith.constant 1 : i32
      %select_n3A_2077 = arith.select %eq3A_2075, %jit3A_2076, %jit3A_2073 : i32
      %rem3A_2078 = arith.remsi %add3A_2048, %select_n3A_2077 : i32
      %ne3A_2079 = arith.constant 0 : i32
      %ne3A_2080 = arith.cmpi ne, %rem3A_2078, %ne3A_2079 : i32
      %lt3A_2081 = arith.constant 0 : i32
      %lt3A_2082 = arith.cmpi slt, %rem3A_2078, %lt3A_2081 : i32
      %lt3A_2083 = arith.constant 0 : i32
      %lt3A_2084 = arith.cmpi slt, %select_n3A_2077, %lt3A_2083 : i32
      %ne3A_2085 = arith.xori %lt3A_2082, %lt3A_2084 : i1
      %and3A_2086 = arith.andi %ne3A_2085, %ne3A_2080 : i1
      %add3A_2087 = arith.addi %rem3A_2078, %select_n3A_2077 : i32
      %select_n3A_2088 = arith.select %and3A_2086, %add3A_2087, %rem3A_2078 : i32
      %mul3A_2089 = arith.constant 128 : i32
      %mul3A_2090 = arith.muli %select_n3A_2088, %mul3A_2089 : i32
      %dma_start3A_2091 = arith.constant 0 : i32
      %dma_start3A_2092 = arith.constant 1 : i32
      %dma_start3A_2093 = arith.constant 0 : i32
      %dma_start3A_2094 = arith.constant 0 : i32
      %dma_start3A_2095 = tpu.memref_slice %arg6[%dma_start3A_2091, %dma_start3A_2092, %dma_start3A_2093, %dma_start3A_2094] : memref<2x8x128x32xf32, #tpu.memory_space<vmem>> -> memref<1x1x128x32xf32, #tpu.memory_space<vmem>>
      %dma_start3A_2096 = tpu.memref_squeeze %dma_start3A_2095 : memref<1x1x128x32xf32, #tpu.memory_space<vmem>> -> memref<128x32xf32, #tpu.memory_space<vmem>>
      %dma_start3A_2097 = arith.constant 0 : i32
      %dma_start3A_2098 = tpu.memref_slice %arg4[%select_n3A_2072, %mul3A_2090, %dma_start3A_2097] : memref<50x16384x128xf32, #tpu.memory_space<hbm>> -> memref<1x128x32xf32, #tpu.memory_space<hbm>>
      %dma_start3A_2099 = tpu.memref_squeeze %dma_start3A_2098 : memref<1x128x32xf32, #tpu.memory_space<hbm>> -> memref<128x32xf32, #tpu.memory_space<hbm>>
      %dma_start3A_2100 = arith.constant 0 : i32
      %dma_start3A_2101 = tpu.memref_slice %arg4[%select_n3A_2072, %mul3A_2090, %dma_start3A_2100] : memref<50x16384x128xf32, #tpu.memory_space<hbm>> -> memref<1x128x32xf32, #tpu.memory_space<hbm>>
      %dma_start3A_2102 = tpu.memref_squeeze %dma_start3A_2101 : memref<1x128x32xf32, #tpu.memory_space<hbm>> -> memref<128x32xf32, #tpu.memory_space<hbm>>
      %dma_start3A_2103 = arith.constant 0 : i32
      %dma_start3A_2104 = arith.constant 0 : i32
      %dma_start3A_2105 = tpu.memref_slice %arg6[%dma_start3A_2091, %dma_start3A_2092, %dma_start3A_2103, %dma_start3A_2104] : memref<2x8x128x32xf32, #tpu.memory_space<vmem>> -> memref<1x1x128x32xf32, #tpu.memory_space<vmem>>
      %dma_start3A_2106 = tpu.memref_squeeze %dma_start3A_2105 : memref<1x1x128x32xf32, #tpu.memory_space<vmem>> -> memref<128x32xf32, #tpu.memory_space<vmem>>
      tpu.enqueue_dma source(%dma_start3A_2106 : memref<128x32xf32, #tpu.memory_space<vmem>>) target(%dma_start3A_2102 : memref<128x32xf32, #tpu.memory_space<hbm>>) target_semaphore(%arg9 : memref<!tpu.dma_semaphore, #tpu.memory_space<semaphore_mem>>)
      %mul3A_2107 = arith.constant 200 : i32
      %mul3A_2108 = arith.muli %add3A, %mul3A_2107 : i32
      %mul3A_2109 = arith.constant 8 : i32
      %mul3A_2110 = arith.muli %mul3A_1740, %mul3A_2109 : i32
      %add3A_2111 = arith.addi %mul3A_2108, %mul3A_2110 : i32
      %add3A_2112 = arith.constant 2 : i32
      %add3A_2113 = arith.addi %add3A_2111, %add3A_2112 : i32
      %jit3A_2114 = arith.constant 128 : i32
      %div3A_2115 = arith.divsi %add3A_2113, %jit3A_2114 : i32
      %sign3A_2116 = arith.constant 0 : i32
      %sign3A_2117 = arith.cmpi sgt, %add3A_2113, %sign3A_2116 : i32
      %sign3A_2118 = arith.extui %sign3A_2117 : i1 to i32
      %sign3A_2119 = arith.constant 0 : i32
      %sign3A_2120 = arith.cmpi slt, %add3A_2113, %sign3A_2119 : i32
      %sign3A_2121 = arith.extui %sign3A_2120 : i1 to i32
      %sign3A_2122 = arith.subi %sign3A_2118, %sign3A_2121 : i32
      %sign3A_2123 = arith.constant 0 : i32
      %sign3A_2124 = arith.cmpi sgt, %jit3A_2114, %sign3A_2123 : i32
      %sign3A_2125 = arith.extui %sign3A_2124 : i1 to i32
      %sign3A_2126 = arith.constant 0 : i32
      %sign3A_2127 = arith.cmpi slt, %jit3A_2114, %sign3A_2126 : i32
      %sign3A_2128 = arith.extui %sign3A_2127 : i1 to i32
      %sign3A_2129 = arith.subi %sign3A_2125, %sign3A_2128 : i32
      %ne3A_2130 = arith.cmpi ne, %sign3A_2122, %sign3A_2129 : i32
      %rem3A_2131 = arith.remsi %add3A_2113, %jit3A_2114 : i32
      %ne3A_2132 = arith.constant 0 : i32
      %ne3A_2133 = arith.cmpi ne, %rem3A_2131, %ne3A_2132 : i32
      %and3A_2134 = arith.andi %ne3A_2130, %ne3A_2133 : i1
      %sub3A_2135 = arith.constant 1 : i32
      %sub3A_2136 = arith.subi %div3A_2115, %sub3A_2135 : i32
      %select_n3A_2137 = arith.select %and3A_2134, %sub3A_2136, %div3A_2115 : i32
      %jit3A_2138 = arith.constant 128 : i32
      %eq3A_2139 = arith.constant 0 : i32
      %eq3A_2140 = arith.cmpi eq, %jit3A_2138, %eq3A_2139 : i32
      %jit3A_2141 = arith.constant 1 : i32
      %select_n3A_2142 = arith.select %eq3A_2140, %jit3A_2141, %jit3A_2138 : i32
      %rem3A_2143 = arith.remsi %add3A_2113, %select_n3A_2142 : i32
      %ne3A_2144 = arith.constant 0 : i32
      %ne3A_2145 = arith.cmpi ne, %rem3A_2143, %ne3A_2144 : i32
      %lt3A_2146 = arith.constant 0 : i32
      %lt3A_2147 = arith.cmpi slt, %rem3A_2143, %lt3A_2146 : i32
      %lt3A_2148 = arith.constant 0 : i32
      %lt3A_2149 = arith.cmpi slt, %select_n3A_2142, %lt3A_2148 : i32
      %ne3A_2150 = arith.xori %lt3A_2147, %lt3A_2149 : i1
      %and3A_2151 = arith.andi %ne3A_2150, %ne3A_2145 : i1
      %add3A_2152 = arith.addi %rem3A_2143, %select_n3A_2142 : i32
      %select_n3A_2153 = arith.select %and3A_2151, %add3A_2152, %rem3A_2143 : i32
      %mul3A_2154 = arith.constant 128 : i32
      %mul3A_2155 = arith.muli %select_n3A_2153, %mul3A_2154 : i32
      %dma_start3A_2156 = arith.constant 0 : i32
      %dma_start3A_2157 = arith.constant 2 : i32
      %dma_start3A_2158 = arith.constant 0 : i32
      %dma_start3A_2159 = arith.constant 0 : i32
      %dma_start3A_2160 = tpu.memref_slice %arg6[%dma_start3A_2156, %dma_start3A_2157, %dma_start3A_2158, %dma_start3A_2159] : memref<2x8x128x32xf32, #tpu.memory_space<vmem>> -> memref<1x1x128x32xf32, #tpu.memory_space<vmem>>
      %dma_start3A_2161 = tpu.memref_squeeze %dma_start3A_2160 : memref<1x1x128x32xf32, #tpu.memory_space<vmem>> -> memref<128x32xf32, #tpu.memory_space<vmem>>
      %dma_start3A_2162 = arith.constant 0 : i32
      %dma_start3A_2163 = tpu.memref_slice %arg4[%select_n3A_2137, %mul3A_2155, %dma_start3A_2162] : memref<50x16384x128xf32, #tpu.memory_space<hbm>> -> memref<1x128x32xf32, #tpu.memory_space<hbm>>
      %dma_start3A_2164 = tpu.memref_squeeze %dma_start3A_2163 : memref<1x128x32xf32, #tpu.memory_space<hbm>> -> memref<128x32xf32, #tpu.memory_space<hbm>>
      %dma_start3A_2165 = arith.constant 0 : i32
      %dma_start3A_2166 = tpu.memref_slice %arg4[%select_n3A_2137, %mul3A_2155, %dma_start3A_2165] : memref<50x16384x128xf32, #tpu.memory_space<hbm>> -> memref<1x128x32xf32, #tpu.memory_space<hbm>>
      %dma_start3A_2167 = tpu.memref_squeeze %dma_start3A_2166 : memref<1x128x32xf32, #tpu.memory_space<hbm>> -> memref<128x32xf32, #tpu.memory_space<hbm>>
      %dma_start3A_2168 = arith.constant 0 : i32
      %dma_start3A_2169 = arith.constant 0 : i32
      %dma_start3A_2170 = tpu.memref_slice %arg6[%dma_start3A_2156, %dma_start3A_2157, %dma_start3A_2168, %dma_start3A_2169] : memref<2x8x128x32xf32, #tpu.memory_space<vmem>> -> memref<1x1x128x32xf32, #tpu.memory_space<vmem>>
      %dma_start3A_2171 = tpu.memref_squeeze %dma_start3A_2170 : memref<1x1x128x32xf32, #tpu.memory_space<vmem>> -> memref<128x32xf32, #tpu.memory_space<vmem>>
      tpu.enqueue_dma source(%dma_start3A_2171 : memref<128x32xf32, #tpu.memory_space<vmem>>) target(%dma_start3A_2167 : memref<128x32xf32, #tpu.memory_space<hbm>>) target_semaphore(%arg9 : memref<!tpu.dma_semaphore, #tpu.memory_space<semaphore_mem>>)
      %mul3A_2172 = arith.constant 200 : i32
      %mul3A_2173 = arith.muli %add3A, %mul3A_2172 : i32
      %mul3A_2174 = arith.constant 8 : i32
      %mul3A_2175 = arith.muli %mul3A_1740, %mul3A_2174 : i32
      %add3A_2176 = arith.addi %mul3A_2173, %mul3A_2175 : i32
      %add3A_2177 = arith.constant 3 : i32
      %add3A_2178 = arith.addi %add3A_2176, %add3A_2177 : i32
      %jit3A_2179 = arith.constant 128 : i32
      %div3A_2180 = arith.divsi %add3A_2178, %jit3A_2179 : i32
      %sign3A_2181 = arith.constant 0 : i32
      %sign3A_2182 = arith.cmpi sgt, %add3A_2178, %sign3A_2181 : i32
      %sign3A_2183 = arith.extui %sign3A_2182 : i1 to i32
      %sign3A_2184 = arith.constant 0 : i32
      %sign3A_2185 = arith.cmpi slt, %add3A_2178, %sign3A_2184 : i32
      %sign3A_2186 = arith.extui %sign3A_2185 : i1 to i32
      %sign3A_2187 = arith.subi %sign3A_2183, %sign3A_2186 : i32
      %sign3A_2188 = arith.constant 0 : i32
      %sign3A_2189 = arith.cmpi sgt, %jit3A_2179, %sign3A_2188 : i32
      %sign3A_2190 = arith.extui %sign3A_2189 : i1 to i32
      %sign3A_2191 = arith.constant 0 : i32
      %sign3A_2192 = arith.cmpi slt, %jit3A_2179, %sign3A_2191 : i32
      %sign3A_2193 = arith.extui %sign3A_2192 : i1 to i32
      %sign3A_2194 = arith.subi %sign3A_2190, %sign3A_2193 : i32
      %ne3A_2195 = arith.cmpi ne, %sign3A_2187, %sign3A_2194 : i32
      %rem3A_2196 = arith.remsi %add3A_2178, %jit3A_2179 : i32
      %ne3A_2197 = arith.constant 0 : i32
      %ne3A_2198 = arith.cmpi ne, %rem3A_2196, %ne3A_2197 : i32
      %and3A_2199 = arith.andi %ne3A_2195, %ne3A_2198 : i1
      %sub3A_2200 = arith.constant 1 : i32
      %sub3A_2201 = arith.subi %div3A_2180, %sub3A_2200 : i32
      %select_n3A_2202 = arith.select %and3A_2199, %sub3A_2201, %div3A_2180 : i32
      %jit3A_2203 = arith.constant 128 : i32
      %eq3A_2204 = arith.constant 0 : i32
      %eq3A_2205 = arith.cmpi eq, %jit3A_2203, %eq3A_2204 : i32
      %jit3A_2206 = arith.constant 1 : i32
      %select_n3A_2207 = arith.select %eq3A_2205, %jit3A_2206, %jit3A_2203 : i32
      %rem3A_2208 = arith.remsi %add3A_2178, %select_n3A_2207 : i32
      %ne3A_2209 = arith.constant 0 : i32
      %ne3A_2210 = arith.cmpi ne, %rem3A_2208, %ne3A_2209 : i32
      %lt3A_2211 = arith.constant 0 : i32
      %lt3A_2212 = arith.cmpi slt, %rem3A_2208, %lt3A_2211 : i32
      %lt3A_2213 = arith.constant 0 : i32
      %lt3A_2214 = arith.cmpi slt, %select_n3A_2207, %lt3A_2213 : i32
      %ne3A_2215 = arith.xori %lt3A_2212, %lt3A_2214 : i1
      %and3A_2216 = arith.andi %ne3A_2215, %ne3A_2210 : i1
      %add3A_2217 = arith.addi %rem3A_2208, %select_n3A_2207 : i32
      %select_n3A_2218 = arith.select %and3A_2216, %add3A_2217, %rem3A_2208 : i32
      %mul3A_2219 = arith.constant 128 : i32
      %mul3A_2220 = arith.muli %select_n3A_2218, %mul3A_2219 : i32
      %dma_start3A_2221 = arith.constant 0 : i32
      %dma_start3A_2222 = arith.constant 3 : i32
      %dma_start3A_2223 = arith.constant 0 : i32
      %dma_start3A_2224 = arith.constant 0 : i32
      %dma_start3A_2225 = tpu.memref_slice %arg6[%dma_start3A_2221, %dma_start3A_2222, %dma_start3A_2223, %dma_start3A_2224] : memref<2x8x128x32xf32, #tpu.memory_space<vmem>> -> memref<1x1x128x32xf32, #tpu.memory_space<vmem>>
      %dma_start3A_2226 = tpu.memref_squeeze %dma_start3A_2225 : memref<1x1x128x32xf32, #tpu.memory_space<vmem>> -> memref<128x32xf32, #tpu.memory_space<vmem>>
      %dma_start3A_2227 = arith.constant 0 : i32
      %dma_start3A_2228 = tpu.memref_slice %arg4[%select_n3A_2202, %mul3A_2220, %dma_start3A_2227] : memref<50x16384x128xf32, #tpu.memory_space<hbm>> -> memref<1x128x32xf32, #tpu.memory_space<hbm>>
      %dma_start3A_2229 = tpu.memref_squeeze %dma_start3A_2228 : memref<1x128x32xf32, #tpu.memory_space<hbm>> -> memref<128x32xf32, #tpu.memory_space<hbm>>
      %dma_start3A_2230 = arith.constant 0 : i32
      %dma_start3A_2231 = tpu.memref_slice %arg4[%select_n3A_2202, %mul3A_2220, %dma_start3A_2230] : memref<50x16384x128xf32, #tpu.memory_space<hbm>> -> memref<1x128x32xf32, #tpu.memory_space<hbm>>
      %dma_start3A_2232 = tpu.memref_squeeze %dma_start3A_2231 : memref<1x128x32xf32, #tpu.memory_space<hbm>> -> memref<128x32xf32, #tpu.memory_space<hbm>>
      %dma_start3A_2233 = arith.constant 0 : i32
      %dma_start3A_2234 = arith.constant 0 : i32
      %dma_start3A_2235 = tpu.memref_slice %arg6[%dma_start3A_2221, %dma_start3A_2222, %dma_start3A_2233, %dma_start3A_2234] : memref<2x8x128x32xf32, #tpu.memory_space<vmem>> -> memref<1x1x128x32xf32, #tpu.memory_space<vmem>>
      %dma_start3A_2236 = tpu.memref_squeeze %dma_start3A_2235 : memref<1x1x128x32xf32, #tpu.memory_space<vmem>> -> memref<128x32xf32, #tpu.memory_space<vmem>>
      tpu.enqueue_dma source(%dma_start3A_2236 : memref<128x32xf32, #tpu.memory_space<vmem>>) target(%dma_start3A_2232 : memref<128x32xf32, #tpu.memory_space<hbm>>) target_semaphore(%arg9 : memref<!tpu.dma_semaphore, #tpu.memory_space<semaphore_mem>>)
      %mul3A_2237 = arith.constant 200 : i32
      %mul3A_2238 = arith.muli %add3A, %mul3A_2237 : i32
      %mul3A_2239 = arith.constant 8 : i32
      %mul3A_2240 = arith.muli %mul3A_1740, %mul3A_2239 : i32
      %add3A_2241 = arith.addi %mul3A_2238, %mul3A_2240 : i32
      %add3A_2242 = arith.constant 4 : i32
      %add3A_2243 = arith.addi %add3A_2241, %add3A_2242 : i32
      %jit3A_2244 = arith.constant 128 : i32
      %div3A_2245 = arith.divsi %add3A_2243, %jit3A_2244 : i32
      %sign3A_2246 = arith.constant 0 : i32
      %sign3A_2247 = arith.cmpi sgt, %add3A_2243, %sign3A_2246 : i32
      %sign3A_2248 = arith.extui %sign3A_2247 : i1 to i32
      %sign3A_2249 = arith.constant 0 : i32
      %sign3A_2250 = arith.cmpi slt, %add3A_2243, %sign3A_2249 : i32
      %sign3A_2251 = arith.extui %sign3A_2250 : i1 to i32
      %sign3A_2252 = arith.subi %sign3A_2248, %sign3A_2251 : i32
      %sign3A_2253 = arith.constant 0 : i32
      %sign3A_2254 = arith.cmpi sgt, %jit3A_2244, %sign3A_2253 : i32
      %sign3A_2255 = arith.extui %sign3A_2254 : i1 to i32
      %sign3A_2256 = arith.constant 0 : i32
      %sign3A_2257 = arith.cmpi slt, %jit3A_2244, %sign3A_2256 : i32
      %sign3A_2258 = arith.extui %sign3A_2257 : i1 to i32
      %sign3A_2259 = arith.subi %sign3A_2255, %sign3A_2258 : i32
      %ne3A_2260 = arith.cmpi ne, %sign3A_2252, %sign3A_2259 : i32
      %rem3A_2261 = arith.remsi %add3A_2243, %jit3A_2244 : i32
      %ne3A_2262 = arith.constant 0 : i32
      %ne3A_2263 = arith.cmpi ne, %rem3A_2261, %ne3A_2262 : i32
      %and3A_2264 = arith.andi %ne3A_2260, %ne3A_2263 : i1
      %sub3A_2265 = arith.constant 1 : i32
      %sub3A_2266 = arith.subi %div3A_2245, %sub3A_2265 : i32
      %select_n3A_2267 = arith.select %and3A_2264, %sub3A_2266, %div3A_2245 : i32
      %jit3A_2268 = arith.constant 128 : i32
      %eq3A_2269 = arith.constant 0 : i32
      %eq3A_2270 = arith.cmpi eq, %jit3A_2268, %eq3A_2269 : i32
      %jit3A_2271 = arith.constant 1 : i32
      %select_n3A_2272 = arith.select %eq3A_2270, %jit3A_2271, %jit3A_2268 : i32
      %rem3A_2273 = arith.remsi %add3A_2243, %select_n3A_2272 : i32
      %ne3A_2274 = arith.constant 0 : i32
      %ne3A_2275 = arith.cmpi ne, %rem3A_2273, %ne3A_2274 : i32
      %lt3A_2276 = arith.constant 0 : i32
      %lt3A_2277 = arith.cmpi slt, %rem3A_2273, %lt3A_2276 : i32
      %lt3A_2278 = arith.constant 0 : i32
      %lt3A_2279 = arith.cmpi slt, %select_n3A_2272, %lt3A_2278 : i32
      %ne3A_2280 = arith.xori %lt3A_2277, %lt3A_2279 : i1
      %and3A_2281 = arith.andi %ne3A_2280, %ne3A_2275 : i1
      %add3A_2282 = arith.addi %rem3A_2273, %select_n3A_2272 : i32
      %select_n3A_2283 = arith.select %and3A_2281, %add3A_2282, %rem3A_2273 : i32
      %mul3A_2284 = arith.constant 128 : i32
      %mul3A_2285 = arith.muli %select_n3A_2283, %mul3A_2284 : i32
      %dma_start3A_2286 = arith.constant 0 : i32
      %dma_start3A_2287 = arith.constant 4 : i32
      %dma_start3A_2288 = arith.constant 0 : i32
      %dma_start3A_2289 = arith.constant 0 : i32
      %dma_start3A_2290 = tpu.memref_slice %arg6[%dma_start3A_2286, %dma_start3A_2287, %dma_start3A_2288, %dma_start3A_2289] : memref<2x8x128x32xf32, #tpu.memory_space<vmem>> -> memref<1x1x128x32xf32, #tpu.memory_space<vmem>>
      %dma_start3A_2291 = tpu.memref_squeeze %dma_start3A_2290 : memref<1x1x128x32xf32, #tpu.memory_space<vmem>> -> memref<128x32xf32, #tpu.memory_space<vmem>>
      %dma_start3A_2292 = arith.constant 0 : i32
      %dma_start3A_2293 = tpu.memref_slice %arg4[%select_n3A_2267, %mul3A_2285, %dma_start3A_2292] : memref<50x16384x128xf32, #tpu.memory_space<hbm>> -> memref<1x128x32xf32, #tpu.memory_space<hbm>>
      %dma_start3A_2294 = tpu.memref_squeeze %dma_start3A_2293 : memref<1x128x32xf32, #tpu.memory_space<hbm>> -> memref<128x32xf32, #tpu.memory_space<hbm>>
      %dma_start3A_2295 = arith.constant 0 : i32
      %dma_start3A_2296 = tpu.memref_slice %arg4[%select_n3A_2267, %mul3A_2285, %dma_start3A_2295] : memref<50x16384x128xf32, #tpu.memory_space<hbm>> -> memref<1x128x32xf32, #tpu.memory_space<hbm>>
      %dma_start3A_2297 = tpu.memref_squeeze %dma_start3A_2296 : memref<1x128x32xf32, #tpu.memory_space<hbm>> -> memref<128x32xf32, #tpu.memory_space<hbm>>
      %dma_start3A_2298 = arith.constant 0 : i32
      %dma_start3A_2299 = arith.constant 0 : i32
      %dma_start3A_2300 = tpu.memref_slice %arg6[%dma_start3A_2286, %dma_start3A_2287, %dma_start3A_2298, %dma_start3A_2299] : memref<2x8x128x32xf32, #tpu.memory_space<vmem>> -> memref<1x1x128x32xf32, #tpu.memory_space<vmem>>
      %dma_start3A_2301 = tpu.memref_squeeze %dma_start3A_2300 : memref<1x1x128x32xf32, #tpu.memory_space<vmem>> -> memref<128x32xf32, #tpu.memory_space<vmem>>
      tpu.enqueue_dma source(%dma_start3A_2301 : memref<128x32xf32, #tpu.memory_space<vmem>>) target(%dma_start3A_2297 : memref<128x32xf32, #tpu.memory_space<hbm>>) target_semaphore(%arg9 : memref<!tpu.dma_semaphore, #tpu.memory_space<semaphore_mem>>)
      %mul3A_2302 = arith.constant 200 : i32
      %mul3A_2303 = arith.muli %add3A, %mul3A_2302 : i32
      %mul3A_2304 = arith.constant 8 : i32
      %mul3A_2305 = arith.muli %mul3A_1740, %mul3A_2304 : i32
      %add3A_2306 = arith.addi %mul3A_2303, %mul3A_2305 : i32
      %add3A_2307 = arith.constant 5 : i32
      %add3A_2308 = arith.addi %add3A_2306, %add3A_2307 : i32
      %jit3A_2309 = arith.constant 128 : i32
      %div3A_2310 = arith.divsi %add3A_2308, %jit3A_2309 : i32
      %sign3A_2311 = arith.constant 0 : i32
      %sign3A_2312 = arith.cmpi sgt, %add3A_2308, %sign3A_2311 : i32
      %sign3A_2313 = arith.extui %sign3A_2312 : i1 to i32
      %sign3A_2314 = arith.constant 0 : i32
      %sign3A_2315 = arith.cmpi slt, %add3A_2308, %sign3A_2314 : i32
      %sign3A_2316 = arith.extui %sign3A_2315 : i1 to i32
      %sign3A_2317 = arith.subi %sign3A_2313, %sign3A_2316 : i32
      %sign3A_2318 = arith.constant 0 : i32
      %sign3A_2319 = arith.cmpi sgt, %jit3A_2309, %sign3A_2318 : i32
      %sign3A_2320 = arith.extui %sign3A_2319 : i1 to i32
      %sign3A_2321 = arith.constant 0 : i32
      %sign3A_2322 = arith.cmpi slt, %jit3A_2309, %sign3A_2321 : i32
      %sign3A_2323 = arith.extui %sign3A_2322 : i1 to i32
      %sign3A_2324 = arith.subi %sign3A_2320, %sign3A_2323 : i32
      %ne3A_2325 = arith.cmpi ne, %sign3A_2317, %sign3A_2324 : i32
      %rem3A_2326 = arith.remsi %add3A_2308, %jit3A_2309 : i32
      %ne3A_2327 = arith.constant 0 : i32
      %ne3A_2328 = arith.cmpi ne, %rem3A_2326, %ne3A_2327 : i32
      %and3A_2329 = arith.andi %ne3A_2325, %ne3A_2328 : i1
      %sub3A_2330 = arith.constant 1 : i32
      %sub3A_2331 = arith.subi %div3A_2310, %sub3A_2330 : i32
      %select_n3A_2332 = arith.select %and3A_2329, %sub3A_2331, %div3A_2310 : i32
      %jit3A_2333 = arith.constant 128 : i32
      %eq3A_2334 = arith.constant 0 : i32
      %eq3A_2335 = arith.cmpi eq, %jit3A_2333, %eq3A_2334 : i32
      %jit3A_2336 = arith.constant 1 : i32
      %select_n3A_2337 = arith.select %eq3A_2335, %jit3A_2336, %jit3A_2333 : i32
      %rem3A_2338 = arith.remsi %add3A_2308, %select_n3A_2337 : i32
      %ne3A_2339 = arith.constant 0 : i32
      %ne3A_2340 = arith.cmpi ne, %rem3A_2338, %ne3A_2339 : i32
      %lt3A_2341 = arith.constant 0 : i32
      %lt3A_2342 = arith.cmpi slt, %rem3A_2338, %lt3A_2341 : i32
      %lt3A_2343 = arith.constant 0 : i32
      %lt3A_2344 = arith.cmpi slt, %select_n3A_2337, %lt3A_2343 : i32
      %ne3A_2345 = arith.xori %lt3A_2342, %lt3A_2344 : i1
      %and3A_2346 = arith.andi %ne3A_2345, %ne3A_2340 : i1
      %add3A_2347 = arith.addi %rem3A_2338, %select_n3A_2337 : i32
      %select_n3A_2348 = arith.select %and3A_2346, %add3A_2347, %rem3A_2338 : i32
      %mul3A_2349 = arith.constant 128 : i32
      %mul3A_2350 = arith.muli %select_n3A_2348, %mul3A_2349 : i32
      %dma_start3A_2351 = arith.constant 0 : i32
      %dma_start3A_2352 = arith.constant 5 : i32
      %dma_start3A_2353 = arith.constant 0 : i32
      %dma_start3A_2354 = arith.constant 0 : i32
      %dma_start3A_2355 = tpu.memref_slice %arg6[%dma_start3A_2351, %dma_start3A_2352, %dma_start3A_2353, %dma_start3A_2354] : memref<2x8x128x32xf32, #tpu.memory_space<vmem>> -> memref<1x1x128x32xf32, #tpu.memory_space<vmem>>
      %dma_start3A_2356 = tpu.memref_squeeze %dma_start3A_2355 : memref<1x1x128x32xf32, #tpu.memory_space<vmem>> -> memref<128x32xf32, #tpu.memory_space<vmem>>
      %dma_start3A_2357 = arith.constant 0 : i32
      %dma_start3A_2358 = tpu.memref_slice %arg4[%select_n3A_2332, %mul3A_2350, %dma_start3A_2357] : memref<50x16384x128xf32, #tpu.memory_space<hbm>> -> memref<1x128x32xf32, #tpu.memory_space<hbm>>
      %dma_start3A_2359 = tpu.memref_squeeze %dma_start3A_2358 : memref<1x128x32xf32, #tpu.memory_space<hbm>> -> memref<128x32xf32, #tpu.memory_space<hbm>>
      %dma_start3A_2360 = arith.constant 0 : i32
      %dma_start3A_2361 = tpu.memref_slice %arg4[%select_n3A_2332, %mul3A_2350, %dma_start3A_2360] : memref<50x16384x128xf32, #tpu.memory_space<hbm>> -> memref<1x128x32xf32, #tpu.memory_space<hbm>>
      %dma_start3A_2362 = tpu.memref_squeeze %dma_start3A_2361 : memref<1x128x32xf32, #tpu.memory_space<hbm>> -> memref<128x32xf32, #tpu.memory_space<hbm>>
      %dma_start3A_2363 = arith.constant 0 : i32
      %dma_start3A_2364 = arith.constant 0 : i32
      %dma_start3A_2365 = tpu.memref_slice %arg6[%dma_start3A_2351, %dma_start3A_2352, %dma_start3A_2363, %dma_start3A_2364] : memref<2x8x128x32xf32, #tpu.memory_space<vmem>> -> memref<1x1x128x32xf32, #tpu.memory_space<vmem>>
      %dma_start3A_2366 = tpu.memref_squeeze %dma_start3A_2365 : memref<1x1x128x32xf32, #tpu.memory_space<vmem>> -> memref<128x32xf32, #tpu.memory_space<vmem>>
      tpu.enqueue_dma source(%dma_start3A_2366 : memref<128x32xf32, #tpu.memory_space<vmem>>) target(%dma_start3A_2362 : memref<128x32xf32, #tpu.memory_space<hbm>>) target_semaphore(%arg9 : memref<!tpu.dma_semaphore, #tpu.memory_space<semaphore_mem>>)
      %mul3A_2367 = arith.constant 200 : i32
      %mul3A_2368 = arith.muli %add3A, %mul3A_2367 : i32
      %mul3A_2369 = arith.constant 8 : i32
      %mul3A_2370 = arith.muli %mul3A_1740, %mul3A_2369 : i32
      %add3A_2371 = arith.addi %mul3A_2368, %mul3A_2370 : i32
      %add3A_2372 = arith.constant 6 : i32
      %add3A_2373 = arith.addi %add3A_2371, %add3A_2372 : i32
      %jit3A_2374 = arith.constant 128 : i32
      %div3A_2375 = arith.divsi %add3A_2373, %jit3A_2374 : i32
      %sign3A_2376 = arith.constant 0 : i32
      %sign3A_2377 = arith.cmpi sgt, %add3A_2373, %sign3A_2376 : i32
      %sign3A_2378 = arith.extui %sign3A_2377 : i1 to i32
      %sign3A_2379 = arith.constant 0 : i32
      %sign3A_2380 = arith.cmpi slt, %add3A_2373, %sign3A_2379 : i32
      %sign3A_2381 = arith.extui %sign3A_2380 : i1 to i32
      %sign3A_2382 = arith.subi %sign3A_2378, %sign3A_2381 : i32
      %sign3A_2383 = arith.constant 0 : i32
      %sign3A_2384 = arith.cmpi sgt, %jit3A_2374, %sign3A_2383 : i32
      %sign3A_2385 = arith.extui %sign3A_2384 : i1 to i32
      %sign3A_2386 = arith.constant 0 : i32
      %sign3A_2387 = arith.cmpi slt, %jit3A_2374, %sign3A_2386 : i32
      %sign3A_2388 = arith.extui %sign3A_2387 : i1 to i32
      %sign3A_2389 = arith.subi %sign3A_2385, %sign3A_2388 : i32
      %ne3A_2390 = arith.cmpi ne, %sign3A_2382, %sign3A_2389 : i32
      %rem3A_2391 = arith.remsi %add3A_2373, %jit3A_2374 : i32
      %ne3A_2392 = arith.constant 0 : i32
      %ne3A_2393 = arith.cmpi ne, %rem3A_2391, %ne3A_2392 : i32
      %and3A_2394 = arith.andi %ne3A_2390, %ne3A_2393 : i1
      %sub3A_2395 = arith.constant 1 : i32
      %sub3A_2396 = arith.subi %div3A_2375, %sub3A_2395 : i32
      %select_n3A_2397 = arith.select %and3A_2394, %sub3A_2396, %div3A_2375 : i32
      %jit3A_2398 = arith.constant 128 : i32
      %eq3A_2399 = arith.constant 0 : i32
      %eq3A_2400 = arith.cmpi eq, %jit3A_2398, %eq3A_2399 : i32
      %jit3A_2401 = arith.constant 1 : i32
      %select_n3A_2402 = arith.select %eq3A_2400, %jit3A_2401, %jit3A_2398 : i32
      %rem3A_2403 = arith.remsi %add3A_2373, %select_n3A_2402 : i32
      %ne3A_2404 = arith.constant 0 : i32
      %ne3A_2405 = arith.cmpi ne, %rem3A_2403, %ne3A_2404 : i32
      %lt3A_2406 = arith.constant 0 : i32
      %lt3A_2407 = arith.cmpi slt, %rem3A_2403, %lt3A_2406 : i32
      %lt3A_2408 = arith.constant 0 : i32
      %lt3A_2409 = arith.cmpi slt, %select_n3A_2402, %lt3A_2408 : i32
      %ne3A_2410 = arith.xori %lt3A_2407, %lt3A_2409 : i1
      %and3A_2411 = arith.andi %ne3A_2410, %ne3A_2405 : i1
      %add3A_2412 = arith.addi %rem3A_2403, %select_n3A_2402 : i32
      %select_n3A_2413 = arith.select %and3A_2411, %add3A_2412, %rem3A_2403 : i32
      %mul3A_2414 = arith.constant 128 : i32
      %mul3A_2415 = arith.muli %select_n3A_2413, %mul3A_2414 : i32
      %dma_start3A_2416 = arith.constant 0 : i32
      %dma_start3A_2417 = arith.constant 6 : i32
      %dma_start3A_2418 = arith.constant 0 : i32
      %dma_start3A_2419 = arith.constant 0 : i32
      %dma_start3A_2420 = tpu.memref_slice %arg6[%dma_start3A_2416, %dma_start3A_2417, %dma_start3A_2418, %dma_start3A_2419] : memref<2x8x128x32xf32, #tpu.memory_space<vmem>> -> memref<1x1x128x32xf32, #tpu.memory_space<vmem>>
      %dma_start3A_2421 = tpu.memref_squeeze %dma_start3A_2420 : memref<1x1x128x32xf32, #tpu.memory_space<vmem>> -> memref<128x32xf32, #tpu.memory_space<vmem>>
      %dma_start3A_2422 = arith.constant 0 : i32
      %dma_start3A_2423 = tpu.memref_slice %arg4[%select_n3A_2397, %mul3A_2415, %dma_start3A_2422] : memref<50x16384x128xf32, #tpu.memory_space<hbm>> -> memref<1x128x32xf32, #tpu.memory_space<hbm>>
      %dma_start3A_2424 = tpu.memref_squeeze %dma_start3A_2423 : memref<1x128x32xf32, #tpu.memory_space<hbm>> -> memref<128x32xf32, #tpu.memory_space<hbm>>
      %dma_start3A_2425 = arith.constant 0 : i32
      %dma_start3A_2426 = tpu.memref_slice %arg4[%select_n3A_2397, %mul3A_2415, %dma_start3A_2425] : memref<50x16384x128xf32, #tpu.memory_space<hbm>> -> memref<1x128x32xf32, #tpu.memory_space<hbm>>
      %dma_start3A_2427 = tpu.memref_squeeze %dma_start3A_2426 : memref<1x128x32xf32, #tpu.memory_space<hbm>> -> memref<128x32xf32, #tpu.memory_space<hbm>>
      %dma_start3A_2428 = arith.constant 0 : i32
      %dma_start3A_2429 = arith.constant 0 : i32
      %dma_start3A_2430 = tpu.memref_slice %arg6[%dma_start3A_2416, %dma_start3A_2417, %dma_start3A_2428, %dma_start3A_2429] : memref<2x8x128x32xf32, #tpu.memory_space<vmem>> -> memref<1x1x128x32xf32, #tpu.memory_space<vmem>>
      %dma_start3A_2431 = tpu.memref_squeeze %dma_start3A_2430 : memref<1x1x128x32xf32, #tpu.memory_space<vmem>> -> memref<128x32xf32, #tpu.memory_space<vmem>>
      tpu.enqueue_dma source(%dma_start3A_2431 : memref<128x32xf32, #tpu.memory_space<vmem>>) target(%dma_start3A_2427 : memref<128x32xf32, #tpu.memory_space<hbm>>) target_semaphore(%arg9 : memref<!tpu.dma_semaphore, #tpu.memory_space<semaphore_mem>>)
      %mul3A_2432 = arith.constant 200 : i32
      %mul3A_2433 = arith.muli %add3A, %mul3A_2432 : i32
      %mul3A_2434 = arith.constant 8 : i32
      %mul3A_2435 = arith.muli %mul3A_1740, %mul3A_2434 : i32
      %add3A_2436 = arith.addi %mul3A_2433, %mul3A_2435 : i32
      %add3A_2437 = arith.constant 7 : i32
      %add3A_2438 = arith.addi %add3A_2436, %add3A_2437 : i32
      %jit3A_2439 = arith.constant 128 : i32
      %div3A_2440 = arith.divsi %add3A_2438, %jit3A_2439 : i32
      %sign3A_2441 = arith.constant 0 : i32
      %sign3A_2442 = arith.cmpi sgt, %add3A_2438, %sign3A_2441 : i32
      %sign3A_2443 = arith.extui %sign3A_2442 : i1 to i32
      %sign3A_2444 = arith.constant 0 : i32
      %sign3A_2445 = arith.cmpi slt, %add3A_2438, %sign3A_2444 : i32
      %sign3A_2446 = arith.extui %sign3A_2445 : i1 to i32
      %sign3A_2447 = arith.subi %sign3A_2443, %sign3A_2446 : i32
      %sign3A_2448 = arith.constant 0 : i32
      %sign3A_2449 = arith.cmpi sgt, %jit3A_2439, %sign3A_2448 : i32
      %sign3A_2450 = arith.extui %sign3A_2449 : i1 to i32
      %sign3A_2451 = arith.constant 0 : i32
      %sign3A_2452 = arith.cmpi slt, %jit3A_2439, %sign3A_2451 : i32
      %sign3A_2453 = arith.extui %sign3A_2452 : i1 to i32
      %sign3A_2454 = arith.subi %sign3A_2450, %sign3A_2453 : i32
      %ne3A_2455 = arith.cmpi ne, %sign3A_2447, %sign3A_2454 : i32
      %rem3A_2456 = arith.remsi %add3A_2438, %jit3A_2439 : i32
      %ne3A_2457 = arith.constant 0 : i32
      %ne3A_2458 = arith.cmpi ne, %rem3A_2456, %ne3A_2457 : i32
      %and3A_2459 = arith.andi %ne3A_2455, %ne3A_2458 : i1
      %sub3A_2460 = arith.constant 1 : i32
      %sub3A_2461 = arith.subi %div3A_2440, %sub3A_2460 : i32
      %select_n3A_2462 = arith.select %and3A_2459, %sub3A_2461, %div3A_2440 : i32
      %jit3A_2463 = arith.constant 128 : i32
      %eq3A_2464 = arith.constant 0 : i32
      %eq3A_2465 = arith.cmpi eq, %jit3A_2463, %eq3A_2464 : i32
      %jit3A_2466 = arith.constant 1 : i32
      %select_n3A_2467 = arith.select %eq3A_2465, %jit3A_2466, %jit3A_2463 : i32
      %rem3A_2468 = arith.remsi %add3A_2438, %select_n3A_2467 : i32
      %ne3A_2469 = arith.constant 0 : i32
      %ne3A_2470 = arith.cmpi ne, %rem3A_2468, %ne3A_2469 : i32
      %lt3A_2471 = arith.constant 0 : i32
      %lt3A_2472 = arith.cmpi slt, %rem3A_2468, %lt3A_2471 : i32
      %lt3A_2473 = arith.constant 0 : i32
      %lt3A_2474 = arith.cmpi slt, %select_n3A_2467, %lt3A_2473 : i32
      %ne3A_2475 = arith.xori %lt3A_2472, %lt3A_2474 : i1
      %and3A_2476 = arith.andi %ne3A_2475, %ne3A_2470 : i1
      %add3A_2477 = arith.addi %rem3A_2468, %select_n3A_2467 : i32
      %select_n3A_2478 = arith.select %and3A_2476, %add3A_2477, %rem3A_2468 : i32
      %mul3A_2479 = arith.constant 128 : i32
      %mul3A_2480 = arith.muli %select_n3A_2478, %mul3A_2479 : i32
      %dma_start3A_2481 = arith.constant 0 : i32
      %dma_start3A_2482 = arith.constant 7 : i32
      %dma_start3A_2483 = arith.constant 0 : i32
      %dma_start3A_2484 = arith.constant 0 : i32
      %dma_start3A_2485 = tpu.memref_slice %arg6[%dma_start3A_2481, %dma_start3A_2482, %dma_start3A_2483, %dma_start3A_2484] : memref<2x8x128x32xf32, #tpu.memory_space<vmem>> -> memref<1x1x128x32xf32, #tpu.memory_space<vmem>>
      %dma_start3A_2486 = tpu.memref_squeeze %dma_start3A_2485 : memref<1x1x128x32xf32, #tpu.memory_space<vmem>> -> memref<128x32xf32, #tpu.memory_space<vmem>>
      %dma_start3A_2487 = arith.constant 0 : i32
      %dma_start3A_2488 = tpu.memref_slice %arg4[%select_n3A_2462, %mul3A_2480, %dma_start3A_2487] : memref<50x16384x128xf32, #tpu.memory_space<hbm>> -> memref<1x128x32xf32, #tpu.memory_space<hbm>>
      %dma_start3A_2489 = tpu.memref_squeeze %dma_start3A_2488 : memref<1x128x32xf32, #tpu.memory_space<hbm>> -> memref<128x32xf32, #tpu.memory_space<hbm>>
      %dma_start3A_2490 = arith.constant 0 : i32
      %dma_start3A_2491 = tpu.memref_slice %arg4[%select_n3A_2462, %mul3A_2480, %dma_start3A_2490] : memref<50x16384x128xf32, #tpu.memory_space<hbm>> -> memref<1x128x32xf32, #tpu.memory_space<hbm>>
      %dma_start3A_2492 = tpu.memref_squeeze %dma_start3A_2491 : memref<1x128x32xf32, #tpu.memory_space<hbm>> -> memref<128x32xf32, #tpu.memory_space<hbm>>
      %dma_start3A_2493 = arith.constant 0 : i32
      %dma_start3A_2494 = arith.constant 0 : i32
      %dma_start3A_2495 = tpu.memref_slice %arg6[%dma_start3A_2481, %dma_start3A_2482, %dma_start3A_2493, %dma_start3A_2494] : memref<2x8x128x32xf32, #tpu.memory_space<vmem>> -> memref<1x1x128x32xf32, #tpu.memory_space<vmem>>
      %dma_start3A_2496 = tpu.memref_squeeze %dma_start3A_2495 : memref<1x1x128x32xf32, #tpu.memory_space<vmem>> -> memref<128x32xf32, #tpu.memory_space<vmem>>
      tpu.enqueue_dma source(%dma_start3A_2496 : memref<128x32xf32, #tpu.memory_space<vmem>>) target(%dma_start3A_2492 : memref<128x32xf32, #tpu.memory_space<hbm>>) target_semaphore(%arg9 : memref<!tpu.dma_semaphore, #tpu.memory_space<semaphore_mem>>)
      %mul3A_2497 = arith.constant 200 : i32
      %mul3A_2498 = arith.muli %add3A, %mul3A_2497 : i32
      %add3A_2499 = arith.constant 0 : i32
      %add3A_2500 = arith.addi %mul3A_2498, %add3A_2499 : i32
      %add3A_2501 = arith.constant 0 : i32
      %add3A_2502 = arith.addi %add3A_2500, %add3A_2501 : i32
      %jit3A_2503 = arith.constant 128 : i32
      %div3A_2504 = arith.divsi %add3A_2502, %jit3A_2503 : i32
      %sign3A_2505 = arith.constant 0 : i32
      %sign3A_2506 = arith.cmpi sgt, %add3A_2502, %sign3A_2505 : i32
      %sign3A_2507 = arith.extui %sign3A_2506 : i1 to i32
      %sign3A_2508 = arith.constant 0 : i32
      %sign3A_2509 = arith.cmpi slt, %add3A_2502, %sign3A_2508 : i32
      %sign3A_2510 = arith.extui %sign3A_2509 : i1 to i32
      %sign3A_2511 = arith.subi %sign3A_2507, %sign3A_2510 : i32
      %sign3A_2512 = arith.constant 0 : i32
      %sign3A_2513 = arith.cmpi sgt, %jit3A_2503, %sign3A_2512 : i32
      %sign3A_2514 = arith.extui %sign3A_2513 : i1 to i32
      %sign3A_2515 = arith.constant 0 : i32
      %sign3A_2516 = arith.cmpi slt, %jit3A_2503, %sign3A_2515 : i32
      %sign3A_2517 = arith.extui %sign3A_2516 : i1 to i32
      %sign3A_2518 = arith.subi %sign3A_2514, %sign3A_2517 : i32
      %ne3A_2519 = arith.cmpi ne, %sign3A_2511, %sign3A_2518 : i32
      %rem3A_2520 = arith.remsi %add3A_2502, %jit3A_2503 : i32
      %ne3A_2521 = arith.constant 0 : i32
      %ne3A_2522 = arith.cmpi ne, %rem3A_2520, %ne3A_2521 : i32
      %and3A_2523 = arith.andi %ne3A_2519, %ne3A_2522 : i1
      %sub3A_2524 = arith.constant 1 : i32
      %sub3A_2525 = arith.subi %div3A_2504, %sub3A_2524 : i32
      %select_n3A_2526 = arith.select %and3A_2523, %sub3A_2525, %div3A_2504 : i32
      %jit3A_2527 = arith.constant 128 : i32
      %eq3A_2528 = arith.constant 0 : i32
      %eq3A_2529 = arith.cmpi eq, %jit3A_2527, %eq3A_2528 : i32
      %jit3A_2530 = arith.constant 1 : i32
      %select_n3A_2531 = arith.select %eq3A_2529, %jit3A_2530, %jit3A_2527 : i32
      %rem3A_2532 = arith.remsi %add3A_2502, %select_n3A_2531 : i32
      %ne3A_2533 = arith.constant 0 : i32
      %ne3A_2534 = arith.cmpi ne, %rem3A_2532, %ne3A_2533 : i32
      %lt3A_2535 = arith.constant 0 : i32
      %lt3A_2536 = arith.cmpi slt, %rem3A_2532, %lt3A_2535 : i32
      %lt3A_2537 = arith.constant 0 : i32
      %lt3A_2538 = arith.cmpi slt, %select_n3A_2531, %lt3A_2537 : i32
      %ne3A_2539 = arith.xori %lt3A_2536, %lt3A_2538 : i1
      %and3A_2540 = arith.andi %ne3A_2539, %ne3A_2534 : i1
      %add3A_2541 = arith.addi %rem3A_2532, %select_n3A_2531 : i32
      %select_n3A_2542 = arith.select %and3A_2540, %add3A_2541, %rem3A_2532 : i32
      %mul3A_2543 = arith.constant 128 : i32
      %mul3A_2544 = arith.muli %select_n3A_2542, %mul3A_2543 : i32
      %dma_wait3A_2545 = arith.constant 0 : i32
      %dma_wait3A_2546 = arith.constant 0 : i32
      %dma_wait3A_2547 = arith.constant 0 : i32
      %dma_wait3A_2548 = arith.constant 0 : i32
      %dma_wait3A_2549 = tpu.memref_slice %arg6[%dma_wait3A_2545, %dma_wait3A_2546, %dma_wait3A_2547, %dma_wait3A_2548] : memref<2x8x128x32xf32, #tpu.memory_space<vmem>> -> memref<1x1x128x32xf32, #tpu.memory_space<vmem>>
      %dma_wait3A_2550 = tpu.memref_squeeze %dma_wait3A_2549 : memref<1x1x128x32xf32, #tpu.memory_space<vmem>> -> memref<128x32xf32, #tpu.memory_space<vmem>>
      %dma_wait3A_2551 = arith.constant 0 : i32
      %dma_wait3A_2552 = tpu.memref_slice %arg4[%select_n3A_2526, %mul3A_2544, %dma_wait3A_2551] : memref<50x16384x128xf32, #tpu.memory_space<hbm>> -> memref<1x128x32xf32, #tpu.memory_space<hbm>>
      %dma_wait3A_2553 = tpu.memref_squeeze %dma_wait3A_2552 : memref<1x128x32xf32, #tpu.memory_space<hbm>> -> memref<128x32xf32, #tpu.memory_space<hbm>>
      %dma_wait3A_2554 = arith.constant 0 : i32
      %dma_wait3A_2555 = tpu.memref_slice %arg4[%select_n3A_2526, %mul3A_2544, %dma_wait3A_2554] : memref<50x16384x128xf32, #tpu.memory_space<hbm>> -> memref<1x128x32xf32, #tpu.memory_space<hbm>>
      %dma_wait3A_2556 = tpu.memref_squeeze %dma_wait3A_2555 : memref<1x128x32xf32, #tpu.memory_space<hbm>> -> memref<128x32xf32, #tpu.memory_space<hbm>>
      %dma_wait3A_2557 = arith.constant 0 : i32
      %dma_wait3A_2558 = arith.constant 0 : i32
      %dma_wait3A_2559 = tpu.memref_slice %arg6[%dma_wait3A_2545, %dma_wait3A_2546, %dma_wait3A_2557, %dma_wait3A_2558] : memref<2x8x128x32xf32, #tpu.memory_space<vmem>> -> memref<1x1x128x32xf32, #tpu.memory_space<vmem>>
      %dma_wait3A_2560 = tpu.memref_squeeze %dma_wait3A_2559 : memref<1x1x128x32xf32, #tpu.memory_space<vmem>> -> memref<128x32xf32, #tpu.memory_space<vmem>>
      tpu.wait_dma2 semaphore(%arg9 : memref<!tpu.dma_semaphore, #tpu.memory_space<semaphore_mem>>) src(%dma_wait3A_2560 : memref<128x32xf32, #tpu.memory_space<vmem>>) dst(%dma_wait3A_2556 : memref<128x32xf32, #tpu.memory_space<hbm>>)
      %mul3A_2561 = arith.constant 200 : i32
      %mul3A_2562 = arith.muli %add3A, %mul3A_2561 : i32
      %add3A_2563 = arith.constant 0 : i32
      %add3A_2564 = arith.addi %mul3A_2562, %add3A_2563 : i32
      %add3A_2565 = arith.constant 1 : i32
      %add3A_2566 = arith.addi %add3A_2564, %add3A_2565 : i32
      %jit3A_2567 = arith.constant 128 : i32
      %div3A_2568 = arith.divsi %add3A_2566, %jit3A_2567 : i32
      %sign3A_2569 = arith.constant 0 : i32
      %sign3A_2570 = arith.cmpi sgt, %add3A_2566, %sign3A_2569 : i32
      %sign3A_2571 = arith.extui %sign3A_2570 : i1 to i32
      %sign3A_2572 = arith.constant 0 : i32
      %sign3A_2573 = arith.cmpi slt, %add3A_2566, %sign3A_2572 : i32
      %sign3A_2574 = arith.extui %sign3A_2573 : i1 to i32
      %sign3A_2575 = arith.subi %sign3A_2571, %sign3A_2574 : i32
      %sign3A_2576 = arith.constant 0 : i32
      %sign3A_2577 = arith.cmpi sgt, %jit3A_2567, %sign3A_2576 : i32
      %sign3A_2578 = arith.extui %sign3A_2577 : i1 to i32
      %sign3A_2579 = arith.constant 0 : i32
      %sign3A_2580 = arith.cmpi slt, %jit3A_2567, %sign3A_2579 : i32
      %sign3A_2581 = arith.extui %sign3A_2580 : i1 to i32
      %sign3A_2582 = arith.subi %sign3A_2578, %sign3A_2581 : i32
      %ne3A_2583 = arith.cmpi ne, %sign3A_2575, %sign3A_2582 : i32
      %rem3A_2584 = arith.remsi %add3A_2566, %jit3A_2567 : i32
      %ne3A_2585 = arith.constant 0 : i32
      %ne3A_2586 = arith.cmpi ne, %rem3A_2584, %ne3A_2585 : i32
      %and3A_2587 = arith.andi %ne3A_2583, %ne3A_2586 : i1
      %sub3A_2588 = arith.constant 1 : i32
      %sub3A_2589 = arith.subi %div3A_2568, %sub3A_2588 : i32
      %select_n3A_2590 = arith.select %and3A_2587, %sub3A_2589, %div3A_2568 : i32
      %jit3A_2591 = arith.constant 128 : i32
      %eq3A_2592 = arith.constant 0 : i32
      %eq3A_2593 = arith.cmpi eq, %jit3A_2591, %eq3A_2592 : i32
      %jit3A_2594 = arith.constant 1 : i32
      %select_n3A_2595 = arith.select %eq3A_2593, %jit3A_2594, %jit3A_2591 : i32
      %rem3A_2596 = arith.remsi %add3A_2566, %select_n3A_2595 : i32
      %ne3A_2597 = arith.constant 0 : i32
      %ne3A_2598 = arith.cmpi ne, %rem3A_2596, %ne3A_2597 : i32
      %lt3A_2599 = arith.constant 0 : i32
      %lt3A_2600 = arith.cmpi slt, %rem3A_2596, %lt3A_2599 : i32
      %lt3A_2601 = arith.constant 0 : i32
      %lt3A_2602 = arith.cmpi slt, %select_n3A_2595, %lt3A_2601 : i32
      %ne3A_2603 = arith.xori %lt3A_2600, %lt3A_2602 : i1
      %and3A_2604 = arith.andi %ne3A_2603, %ne3A_2598 : i1
      %add3A_2605 = arith.addi %rem3A_2596, %select_n3A_2595 : i32
      %select_n3A_2606 = arith.select %and3A_2604, %add3A_2605, %rem3A_2596 : i32
      %mul3A_2607 = arith.constant 128 : i32
      %mul3A_2608 = arith.muli %select_n3A_2606, %mul3A_2607 : i32
      %dma_wait3A_2609 = arith.constant 0 : i32
      %dma_wait3A_2610 = arith.constant 1 : i32
      %dma_wait3A_2611 = arith.constant 0 : i32
      %dma_wait3A_2612 = arith.constant 0 : i32
      %dma_wait3A_2613 = tpu.memref_slice %arg6[%dma_wait3A_2609, %dma_wait3A_2610, %dma_wait3A_2611, %dma_wait3A_2612] : memref<2x8x128x32xf32, #tpu.memory_space<vmem>> -> memref<1x1x128x32xf32, #tpu.memory_space<vmem>>
      %dma_wait3A_2614 = tpu.memref_squeeze %dma_wait3A_2613 : memref<1x1x128x32xf32, #tpu.memory_space<vmem>> -> memref<128x32xf32, #tpu.memory_space<vmem>>
      %dma_wait3A_2615 = arith.constant 0 : i32
      %dma_wait3A_2616 = tpu.memref_slice %arg4[%select_n3A_2590, %mul3A_2608, %dma_wait3A_2615] : memref<50x16384x128xf32, #tpu.memory_space<hbm>> -> memref<1x128x32xf32, #tpu.memory_space<hbm>>
      %dma_wait3A_2617 = tpu.memref_squeeze %dma_wait3A_2616 : memref<1x128x32xf32, #tpu.memory_space<hbm>> -> memref<128x32xf32, #tpu.memory_space<hbm>>
      %dma_wait3A_2618 = arith.constant 0 : i32
      %dma_wait3A_2619 = tpu.memref_slice %arg4[%select_n3A_2590, %mul3A_2608, %dma_wait3A_2618] : memref<50x16384x128xf32, #tpu.memory_space<hbm>> -> memref<1x128x32xf32, #tpu.memory_space<hbm>>
      %dma_wait3A_2620 = tpu.memref_squeeze %dma_wait3A_2619 : memref<1x128x32xf32, #tpu.memory_space<hbm>> -> memref<128x32xf32, #tpu.memory_space<hbm>>
      %dma_wait3A_2621 = arith.constant 0 : i32
      %dma_wait3A_2622 = arith.constant 0 : i32
      %dma_wait3A_2623 = tpu.memref_slice %arg6[%dma_wait3A_2609, %dma_wait3A_2610, %dma_wait3A_2621, %dma_wait3A_2622] : memref<2x8x128x32xf32, #tpu.memory_space<vmem>> -> memref<1x1x128x32xf32, #tpu.memory_space<vmem>>
      %dma_wait3A_2624 = tpu.memref_squeeze %dma_wait3A_2623 : memref<1x1x128x32xf32, #tpu.memory_space<vmem>> -> memref<128x32xf32, #tpu.memory_space<vmem>>
      tpu.wait_dma2 semaphore(%arg9 : memref<!tpu.dma_semaphore, #tpu.memory_space<semaphore_mem>>) src(%dma_wait3A_2624 : memref<128x32xf32, #tpu.memory_space<vmem>>) dst(%dma_wait3A_2620 : memref<128x32xf32, #tpu.memory_space<hbm>>)
      %mul3A_2625 = arith.constant 200 : i32
      %mul3A_2626 = arith.muli %add3A, %mul3A_2625 : i32
      %add3A_2627 = arith.constant 0 : i32
      %add3A_2628 = arith.addi %mul3A_2626, %add3A_2627 : i32
      %add3A_2629 = arith.constant 2 : i32
      %add3A_2630 = arith.addi %add3A_2628, %add3A_2629 : i32
      %jit3A_2631 = arith.constant 128 : i32
      %div3A_2632 = arith.divsi %add3A_2630, %jit3A_2631 : i32
      %sign3A_2633 = arith.constant 0 : i32
      %sign3A_2634 = arith.cmpi sgt, %add3A_2630, %sign3A_2633 : i32
      %sign3A_2635 = arith.extui %sign3A_2634 : i1 to i32
      %sign3A_2636 = arith.constant 0 : i32
      %sign3A_2637 = arith.cmpi slt, %add3A_2630, %sign3A_2636 : i32
      %sign3A_2638 = arith.extui %sign3A_2637 : i1 to i32
      %sign3A_2639 = arith.subi %sign3A_2635, %sign3A_2638 : i32
      %sign3A_2640 = arith.constant 0 : i32
      %sign3A_2641 = arith.cmpi sgt, %jit3A_2631, %sign3A_2640 : i32
      %sign3A_2642 = arith.extui %sign3A_2641 : i1 to i32
      %sign3A_2643 = arith.constant 0 : i32
      %sign3A_2644 = arith.cmpi slt, %jit3A_2631, %sign3A_2643 : i32
      %sign3A_2645 = arith.extui %sign3A_2644 : i1 to i32
      %sign3A_2646 = arith.subi %sign3A_2642, %sign3A_2645 : i32
      %ne3A_2647 = arith.cmpi ne, %sign3A_2639, %sign3A_2646 : i32
      %rem3A_2648 = arith.remsi %add3A_2630, %jit3A_2631 : i32
      %ne3A_2649 = arith.constant 0 : i32
      %ne3A_2650 = arith.cmpi ne, %rem3A_2648, %ne3A_2649 : i32
      %and3A_2651 = arith.andi %ne3A_2647, %ne3A_2650 : i1
      %sub3A_2652 = arith.constant 1 : i32
      %sub3A_2653 = arith.subi %div3A_2632, %sub3A_2652 : i32
      %select_n3A_2654 = arith.select %and3A_2651, %sub3A_2653, %div3A_2632 : i32
      %jit3A_2655 = arith.constant 128 : i32
      %eq3A_2656 = arith.constant 0 : i32
      %eq3A_2657 = arith.cmpi eq, %jit3A_2655, %eq3A_2656 : i32
      %jit3A_2658 = arith.constant 1 : i32
      %select_n3A_2659 = arith.select %eq3A_2657, %jit3A_2658, %jit3A_2655 : i32
      %rem3A_2660 = arith.remsi %add3A_2630, %select_n3A_2659 : i32
      %ne3A_2661 = arith.constant 0 : i32
      %ne3A_2662 = arith.cmpi ne, %rem3A_2660, %ne3A_2661 : i32
      %lt3A_2663 = arith.constant 0 : i32
      %lt3A_2664 = arith.cmpi slt, %rem3A_2660, %lt3A_2663 : i32
      %lt3A_2665 = arith.constant 0 : i32
      %lt3A_2666 = arith.cmpi slt, %select_n3A_2659, %lt3A_2665 : i32
      %ne3A_2667 = arith.xori %lt3A_2664, %lt3A_2666 : i1
      %and3A_2668 = arith.andi %ne3A_2667, %ne3A_2662 : i1
      %add3A_2669 = arith.addi %rem3A_2660, %select_n3A_2659 : i32
      %select_n3A_2670 = arith.select %and3A_2668, %add3A_2669, %rem3A_2660 : i32
      %mul3A_2671 = arith.constant 128 : i32
      %mul3A_2672 = arith.muli %select_n3A_2670, %mul3A_2671 : i32
      %dma_wait3A_2673 = arith.constant 0 : i32
      %dma_wait3A_2674 = arith.constant 2 : i32
      %dma_wait3A_2675 = arith.constant 0 : i32
      %dma_wait3A_2676 = arith.constant 0 : i32
      %dma_wait3A_2677 = tpu.memref_slice %arg6[%dma_wait3A_2673, %dma_wait3A_2674, %dma_wait3A_2675, %dma_wait3A_2676] : memref<2x8x128x32xf32, #tpu.memory_space<vmem>> -> memref<1x1x128x32xf32, #tpu.memory_space<vmem>>
      %dma_wait3A_2678 = tpu.memref_squeeze %dma_wait3A_2677 : memref<1x1x128x32xf32, #tpu.memory_space<vmem>> -> memref<128x32xf32, #tpu.memory_space<vmem>>
      %dma_wait3A_2679 = arith.constant 0 : i32
      %dma_wait3A_2680 = tpu.memref_slice %arg4[%select_n3A_2654, %mul3A_2672, %dma_wait3A_2679] : memref<50x16384x128xf32, #tpu.memory_space<hbm>> -> memref<1x128x32xf32, #tpu.memory_space<hbm>>
      %dma_wait3A_2681 = tpu.memref_squeeze %dma_wait3A_2680 : memref<1x128x32xf32, #tpu.memory_space<hbm>> -> memref<128x32xf32, #tpu.memory_space<hbm>>
      %dma_wait3A_2682 = arith.constant 0 : i32
      %dma_wait3A_2683 = tpu.memref_slice %arg4[%select_n3A_2654, %mul3A_2672, %dma_wait3A_2682] : memref<50x16384x128xf32, #tpu.memory_space<hbm>> -> memref<1x128x32xf32, #tpu.memory_space<hbm>>
      %dma_wait3A_2684 = tpu.memref_squeeze %dma_wait3A_2683 : memref<1x128x32xf32, #tpu.memory_space<hbm>> -> memref<128x32xf32, #tpu.memory_space<hbm>>
      %dma_wait3A_2685 = arith.constant 0 : i32
      %dma_wait3A_2686 = arith.constant 0 : i32
      %dma_wait3A_2687 = tpu.memref_slice %arg6[%dma_wait3A_2673, %dma_wait3A_2674, %dma_wait3A_2685, %dma_wait3A_2686] : memref<2x8x128x32xf32, #tpu.memory_space<vmem>> -> memref<1x1x128x32xf32, #tpu.memory_space<vmem>>
      %dma_wait3A_2688 = tpu.memref_squeeze %dma_wait3A_2687 : memref<1x1x128x32xf32, #tpu.memory_space<vmem>> -> memref<128x32xf32, #tpu.memory_space<vmem>>
      tpu.wait_dma2 semaphore(%arg9 : memref<!tpu.dma_semaphore, #tpu.memory_space<semaphore_mem>>) src(%dma_wait3A_2688 : memref<128x32xf32, #tpu.memory_space<vmem>>) dst(%dma_wait3A_2684 : memref<128x32xf32, #tpu.memory_space<hbm>>)
      %mul3A_2689 = arith.constant 200 : i32
      %mul3A_2690 = arith.muli %add3A, %mul3A_2689 : i32
      %add3A_2691 = arith.constant 0 : i32
      %add3A_2692 = arith.addi %mul3A_2690, %add3A_2691 : i32
      %add3A_2693 = arith.constant 3 : i32
      %add3A_2694 = arith.addi %add3A_2692, %add3A_2693 : i32
      %jit3A_2695 = arith.constant 128 : i32
      %div3A_2696 = arith.divsi %add3A_2694, %jit3A_2695 : i32
      %sign3A_2697 = arith.constant 0 : i32
      %sign3A_2698 = arith.cmpi sgt, %add3A_2694, %sign3A_2697 : i32
      %sign3A_2699 = arith.extui %sign3A_2698 : i1 to i32
      %sign3A_2700 = arith.constant 0 : i32
      %sign3A_2701 = arith.cmpi slt, %add3A_2694, %sign3A_2700 : i32
      %sign3A_2702 = arith.extui %sign3A_2701 : i1 to i32
      %sign3A_2703 = arith.subi %sign3A_2699, %sign3A_2702 : i32
      %sign3A_2704 = arith.constant 0 : i32
      %sign3A_2705 = arith.cmpi sgt, %jit3A_2695, %sign3A_2704 : i32
      %sign3A_2706 = arith.extui %sign3A_2705 : i1 to i32
      %sign3A_2707 = arith.constant 0 : i32
      %sign3A_2708 = arith.cmpi slt, %jit3A_2695, %sign3A_2707 : i32
      %sign3A_2709 = arith.extui %sign3A_2708 : i1 to i32
      %sign3A_2710 = arith.subi %sign3A_2706, %sign3A_2709 : i32
      %ne3A_2711 = arith.cmpi ne, %sign3A_2703, %sign3A_2710 : i32
      %rem3A_2712 = arith.remsi %add3A_2694, %jit3A_2695 : i32
      %ne3A_2713 = arith.constant 0 : i32
      %ne3A_2714 = arith.cmpi ne, %rem3A_2712, %ne3A_2713 : i32
      %and3A_2715 = arith.andi %ne3A_2711, %ne3A_2714 : i1
      %sub3A_2716 = arith.constant 1 : i32
      %sub3A_2717 = arith.subi %div3A_2696, %sub3A_2716 : i32
      %select_n3A_2718 = arith.select %and3A_2715, %sub3A_2717, %div3A_2696 : i32
      %jit3A_2719 = arith.constant 128 : i32
      %eq3A_2720 = arith.constant 0 : i32
      %eq3A_2721 = arith.cmpi eq, %jit3A_2719, %eq3A_2720 : i32
      %jit3A_2722 = arith.constant 1 : i32
      %select_n3A_2723 = arith.select %eq3A_2721, %jit3A_2722, %jit3A_2719 : i32
      %rem3A_2724 = arith.remsi %add3A_2694, %select_n3A_2723 : i32
      %ne3A_2725 = arith.constant 0 : i32
      %ne3A_2726 = arith.cmpi ne, %rem3A_2724, %ne3A_2725 : i32
      %lt3A_2727 = arith.constant 0 : i32
      %lt3A_2728 = arith.cmpi slt, %rem3A_2724, %lt3A_2727 : i32
      %lt3A_2729 = arith.constant 0 : i32
      %lt3A_2730 = arith.cmpi slt, %select_n3A_2723, %lt3A_2729 : i32
      %ne3A_2731 = arith.xori %lt3A_2728, %lt3A_2730 : i1
      %and3A_2732 = arith.andi %ne3A_2731, %ne3A_2726 : i1
      %add3A_2733 = arith.addi %rem3A_2724, %select_n3A_2723 : i32
      %select_n3A_2734 = arith.select %and3A_2732, %add3A_2733, %rem3A_2724 : i32
      %mul3A_2735 = arith.constant 128 : i32
      %mul3A_2736 = arith.muli %select_n3A_2734, %mul3A_2735 : i32
      %dma_wait3A_2737 = arith.constant 0 : i32
      %dma_wait3A_2738 = arith.constant 3 : i32
      %dma_wait3A_2739 = arith.constant 0 : i32
      %dma_wait3A_2740 = arith.constant 0 : i32
      %dma_wait3A_2741 = tpu.memref_slice %arg6[%dma_wait3A_2737, %dma_wait3A_2738, %dma_wait3A_2739, %dma_wait3A_2740] : memref<2x8x128x32xf32, #tpu.memory_space<vmem>> -> memref<1x1x128x32xf32, #tpu.memory_space<vmem>>
      %dma_wait3A_2742 = tpu.memref_squeeze %dma_wait3A_2741 : memref<1x1x128x32xf32, #tpu.memory_space<vmem>> -> memref<128x32xf32, #tpu.memory_space<vmem>>
      %dma_wait3A_2743 = arith.constant 0 : i32
      %dma_wait3A_2744 = tpu.memref_slice %arg4[%select_n3A_2718, %mul3A_2736, %dma_wait3A_2743] : memref<50x16384x128xf32, #tpu.memory_space<hbm>> -> memref<1x128x32xf32, #tpu.memory_space<hbm>>
      %dma_wait3A_2745 = tpu.memref_squeeze %dma_wait3A_2744 : memref<1x128x32xf32, #tpu.memory_space<hbm>> -> memref<128x32xf32, #tpu.memory_space<hbm>>
      %dma_wait3A_2746 = arith.constant 0 : i32
      %dma_wait3A_2747 = tpu.memref_slice %arg4[%select_n3A_2718, %mul3A_2736, %dma_wait3A_2746] : memref<50x16384x128xf32, #tpu.memory_space<hbm>> -> memref<1x128x32xf32, #tpu.memory_space<hbm>>
      %dma_wait3A_2748 = tpu.memref_squeeze %dma_wait3A_2747 : memref<1x128x32xf32, #tpu.memory_space<hbm>> -> memref<128x32xf32, #tpu.memory_space<hbm>>
      %dma_wait3A_2749 = arith.constant 0 : i32
      %dma_wait3A_2750 = arith.constant 0 : i32
      %dma_wait3A_2751 = tpu.memref_slice %arg6[%dma_wait3A_2737, %dma_wait3A_2738, %dma_wait3A_2749, %dma_wait3A_2750] : memref<2x8x128x32xf32, #tpu.memory_space<vmem>> -> memref<1x1x128x32xf32, #tpu.memory_space<vmem>>
      %dma_wait3A_2752 = tpu.memref_squeeze %dma_wait3A_2751 : memref<1x1x128x32xf32, #tpu.memory_space<vmem>> -> memref<128x32xf32, #tpu.memory_space<vmem>>
      tpu.wait_dma2 semaphore(%arg9 : memref<!tpu.dma_semaphore, #tpu.memory_space<semaphore_mem>>) src(%dma_wait3A_2752 : memref<128x32xf32, #tpu.memory_space<vmem>>) dst(%dma_wait3A_2748 : memref<128x32xf32, #tpu.memory_space<hbm>>)
      %mul3A_2753 = arith.constant 200 : i32
      %mul3A_2754 = arith.muli %add3A, %mul3A_2753 : i32
      %add3A_2755 = arith.constant 0 : i32
      %add3A_2756 = arith.addi %mul3A_2754, %add3A_2755 : i32
      %add3A_2757 = arith.constant 4 : i32
      %add3A_2758 = arith.addi %add3A_2756, %add3A_2757 : i32
      %jit3A_2759 = arith.constant 128 : i32
      %div3A_2760 = arith.divsi %add3A_2758, %jit3A_2759 : i32
      %sign3A_2761 = arith.constant 0 : i32
      %sign3A_2762 = arith.cmpi sgt, %add3A_2758, %sign3A_2761 : i32
      %sign3A_2763 = arith.extui %sign3A_2762 : i1 to i32
      %sign3A_2764 = arith.constant 0 : i32
      %sign3A_2765 = arith.cmpi slt, %add3A_2758, %sign3A_2764 : i32
      %sign3A_2766 = arith.extui %sign3A_2765 : i1 to i32
      %sign3A_2767 = arith.subi %sign3A_2763, %sign3A_2766 : i32
      %sign3A_2768 = arith.constant 0 : i32
      %sign3A_2769 = arith.cmpi sgt, %jit3A_2759, %sign3A_2768 : i32
      %sign3A_2770 = arith.extui %sign3A_2769 : i1 to i32
      %sign3A_2771 = arith.constant 0 : i32
      %sign3A_2772 = arith.cmpi slt, %jit3A_2759, %sign3A_2771 : i32
      %sign3A_2773 = arith.extui %sign3A_2772 : i1 to i32
      %sign3A_2774 = arith.subi %sign3A_2770, %sign3A_2773 : i32
      %ne3A_2775 = arith.cmpi ne, %sign3A_2767, %sign3A_2774 : i32
      %rem3A_2776 = arith.remsi %add3A_2758, %jit3A_2759 : i32
      %ne3A_2777 = arith.constant 0 : i32
      %ne3A_2778 = arith.cmpi ne, %rem3A_2776, %ne3A_2777 : i32
      %and3A_2779 = arith.andi %ne3A_2775, %ne3A_2778 : i1
      %sub3A_2780 = arith.constant 1 : i32
      %sub3A_2781 = arith.subi %div3A_2760, %sub3A_2780 : i32
      %select_n3A_2782 = arith.select %and3A_2779, %sub3A_2781, %div3A_2760 : i32
      %jit3A_2783 = arith.constant 128 : i32
      %eq3A_2784 = arith.constant 0 : i32
      %eq3A_2785 = arith.cmpi eq, %jit3A_2783, %eq3A_2784 : i32
      %jit3A_2786 = arith.constant 1 : i32
      %select_n3A_2787 = arith.select %eq3A_2785, %jit3A_2786, %jit3A_2783 : i32
      %rem3A_2788 = arith.remsi %add3A_2758, %select_n3A_2787 : i32
      %ne3A_2789 = arith.constant 0 : i32
      %ne3A_2790 = arith.cmpi ne, %rem3A_2788, %ne3A_2789 : i32
      %lt3A_2791 = arith.constant 0 : i32
      %lt3A_2792 = arith.cmpi slt, %rem3A_2788, %lt3A_2791 : i32
      %lt3A_2793 = arith.constant 0 : i32
      %lt3A_2794 = arith.cmpi slt, %select_n3A_2787, %lt3A_2793 : i32
      %ne3A_2795 = arith.xori %lt3A_2792, %lt3A_2794 : i1
      %and3A_2796 = arith.andi %ne3A_2795, %ne3A_2790 : i1
      %add3A_2797 = arith.addi %rem3A_2788, %select_n3A_2787 : i32
      %select_n3A_2798 = arith.select %and3A_2796, %add3A_2797, %rem3A_2788 : i32
      %mul3A_2799 = arith.constant 128 : i32
      %mul3A_2800 = arith.muli %select_n3A_2798, %mul3A_2799 : i32
      %dma_wait3A_2801 = arith.constant 0 : i32
      %dma_wait3A_2802 = arith.constant 4 : i32
      %dma_wait3A_2803 = arith.constant 0 : i32
      %dma_wait3A_2804 = arith.constant 0 : i32
      %dma_wait3A_2805 = tpu.memref_slice %arg6[%dma_wait3A_2801, %dma_wait3A_2802, %dma_wait3A_2803, %dma_wait3A_2804] : memref<2x8x128x32xf32, #tpu.memory_space<vmem>> -> memref<1x1x128x32xf32, #tpu.memory_space<vmem>>
      %dma_wait3A_2806 = tpu.memref_squeeze %dma_wait3A_2805 : memref<1x1x128x32xf32, #tpu.memory_space<vmem>> -> memref<128x32xf32, #tpu.memory_space<vmem>>
      %dma_wait3A_2807 = arith.constant 0 : i32
      %dma_wait3A_2808 = tpu.memref_slice %arg4[%select_n3A_2782, %mul3A_2800, %dma_wait3A_2807] : memref<50x16384x128xf32, #tpu.memory_space<hbm>> -> memref<1x128x32xf32, #tpu.memory_space<hbm>>
      %dma_wait3A_2809 = tpu.memref_squeeze %dma_wait3A_2808 : memref<1x128x32xf32, #tpu.memory_space<hbm>> -> memref<128x32xf32, #tpu.memory_space<hbm>>
      %dma_wait3A_2810 = arith.constant 0 : i32
      %dma_wait3A_2811 = tpu.memref_slice %arg4[%select_n3A_2782, %mul3A_2800, %dma_wait3A_2810] : memref<50x16384x128xf32, #tpu.memory_space<hbm>> -> memref<1x128x32xf32, #tpu.memory_space<hbm>>
      %dma_wait3A_2812 = tpu.memref_squeeze %dma_wait3A_2811 : memref<1x128x32xf32, #tpu.memory_space<hbm>> -> memref<128x32xf32, #tpu.memory_space<hbm>>
      %dma_wait3A_2813 = arith.constant 0 : i32
      %dma_wait3A_2814 = arith.constant 0 : i32
      %dma_wait3A_2815 = tpu.memref_slice %arg6[%dma_wait3A_2801, %dma_wait3A_2802, %dma_wait3A_2813, %dma_wait3A_2814] : memref<2x8x128x32xf32, #tpu.memory_space<vmem>> -> memref<1x1x128x32xf32, #tpu.memory_space<vmem>>
      %dma_wait3A_2816 = tpu.memref_squeeze %dma_wait3A_2815 : memref<1x1x128x32xf32, #tpu.memory_space<vmem>> -> memref<128x32xf32, #tpu.memory_space<vmem>>
      tpu.wait_dma2 semaphore(%arg9 : memref<!tpu.dma_semaphore, #tpu.memory_space<semaphore_mem>>) src(%dma_wait3A_2816 : memref<128x32xf32, #tpu.memory_space<vmem>>) dst(%dma_wait3A_2812 : memref<128x32xf32, #tpu.memory_space<hbm>>)
      %mul3A_2817 = arith.constant 200 : i32
      %mul3A_2818 = arith.muli %add3A, %mul3A_2817 : i32
      %add3A_2819 = arith.constant 0 : i32
      %add3A_2820 = arith.addi %mul3A_2818, %add3A_2819 : i32
      %add3A_2821 = arith.constant 5 : i32
      %add3A_2822 = arith.addi %add3A_2820, %add3A_2821 : i32
      %jit3A_2823 = arith.constant 128 : i32
      %div3A_2824 = arith.divsi %add3A_2822, %jit3A_2823 : i32
      %sign3A_2825 = arith.constant 0 : i32
      %sign3A_2826 = arith.cmpi sgt, %add3A_2822, %sign3A_2825 : i32
      %sign3A_2827 = arith.extui %sign3A_2826 : i1 to i32
      %sign3A_2828 = arith.constant 0 : i32
      %sign3A_2829 = arith.cmpi slt, %add3A_2822, %sign3A_2828 : i32
      %sign3A_2830 = arith.extui %sign3A_2829 : i1 to i32
      %sign3A_2831 = arith.subi %sign3A_2827, %sign3A_2830 : i32
      %sign3A_2832 = arith.constant 0 : i32
      %sign3A_2833 = arith.cmpi sgt, %jit3A_2823, %sign3A_2832 : i32
      %sign3A_2834 = arith.extui %sign3A_2833 : i1 to i32
      %sign3A_2835 = arith.constant 0 : i32
      %sign3A_2836 = arith.cmpi slt, %jit3A_2823, %sign3A_2835 : i32
      %sign3A_2837 = arith.extui %sign3A_2836 : i1 to i32
      %sign3A_2838 = arith.subi %sign3A_2834, %sign3A_2837 : i32
      %ne3A_2839 = arith.cmpi ne, %sign3A_2831, %sign3A_2838 : i32
      %rem3A_2840 = arith.remsi %add3A_2822, %jit3A_2823 : i32
      %ne3A_2841 = arith.constant 0 : i32
      %ne3A_2842 = arith.cmpi ne, %rem3A_2840, %ne3A_2841 : i32
      %and3A_2843 = arith.andi %ne3A_2839, %ne3A_2842 : i1
      %sub3A_2844 = arith.constant 1 : i32
      %sub3A_2845 = arith.subi %div3A_2824, %sub3A_2844 : i32
      %select_n3A_2846 = arith.select %and3A_2843, %sub3A_2845, %div3A_2824 : i32
      %jit3A_2847 = arith.constant 128 : i32
      %eq3A_2848 = arith.constant 0 : i32
      %eq3A_2849 = arith.cmpi eq, %jit3A_2847, %eq3A_2848 : i32
      %jit3A_2850 = arith.constant 1 : i32
      %select_n3A_2851 = arith.select %eq3A_2849, %jit3A_2850, %jit3A_2847 : i32
      %rem3A_2852 = arith.remsi %add3A_2822, %select_n3A_2851 : i32
      %ne3A_2853 = arith.constant 0 : i32
      %ne3A_2854 = arith.cmpi ne, %rem3A_2852, %ne3A_2853 : i32
      %lt3A_2855 = arith.constant 0 : i32
      %lt3A_2856 = arith.cmpi slt, %rem3A_2852, %lt3A_2855 : i32
      %lt3A_2857 = arith.constant 0 : i32
      %lt3A_2858 = arith.cmpi slt, %select_n3A_2851, %lt3A_2857 : i32
      %ne3A_2859 = arith.xori %lt3A_2856, %lt3A_2858 : i1
      %and3A_2860 = arith.andi %ne3A_2859, %ne3A_2854 : i1
      %add3A_2861 = arith.addi %rem3A_2852, %select_n3A_2851 : i32
      %select_n3A_2862 = arith.select %and3A_2860, %add3A_2861, %rem3A_2852 : i32
      %mul3A_2863 = arith.constant 128 : i32
      %mul3A_2864 = arith.muli %select_n3A_2862, %mul3A_2863 : i32
      %dma_wait3A_2865 = arith.constant 0 : i32
      %dma_wait3A_2866 = arith.constant 5 : i32
      %dma_wait3A_2867 = arith.constant 0 : i32
      %dma_wait3A_2868 = arith.constant 0 : i32
      %dma_wait3A_2869 = tpu.memref_slice %arg6[%dma_wait3A_2865, %dma_wait3A_2866, %dma_wait3A_2867, %dma_wait3A_2868] : memref<2x8x128x32xf32, #tpu.memory_space<vmem>> -> memref<1x1x128x32xf32, #tpu.memory_space<vmem>>
      %dma_wait3A_2870 = tpu.memref_squeeze %dma_wait3A_2869 : memref<1x1x128x32xf32, #tpu.memory_space<vmem>> -> memref<128x32xf32, #tpu.memory_space<vmem>>
      %dma_wait3A_2871 = arith.constant 0 : i32
      %dma_wait3A_2872 = tpu.memref_slice %arg4[%select_n3A_2846, %mul3A_2864, %dma_wait3A_2871] : memref<50x16384x128xf32, #tpu.memory_space<hbm>> -> memref<1x128x32xf32, #tpu.memory_space<hbm>>
      %dma_wait3A_2873 = tpu.memref_squeeze %dma_wait3A_2872 : memref<1x128x32xf32, #tpu.memory_space<hbm>> -> memref<128x32xf32, #tpu.memory_space<hbm>>
      %dma_wait3A_2874 = arith.constant 0 : i32
      %dma_wait3A_2875 = tpu.memref_slice %arg4[%select_n3A_2846, %mul3A_2864, %dma_wait3A_2874] : memref<50x16384x128xf32, #tpu.memory_space<hbm>> -> memref<1x128x32xf32, #tpu.memory_space<hbm>>
      %dma_wait3A_2876 = tpu.memref_squeeze %dma_wait3A_2875 : memref<1x128x32xf32, #tpu.memory_space<hbm>> -> memref<128x32xf32, #tpu.memory_space<hbm>>
      %dma_wait3A_2877 = arith.constant 0 : i32
      %dma_wait3A_2878 = arith.constant 0 : i32
      %dma_wait3A_2879 = tpu.memref_slice %arg6[%dma_wait3A_2865, %dma_wait3A_2866, %dma_wait3A_2877, %dma_wait3A_2878] : memref<2x8x128x32xf32, #tpu.memory_space<vmem>> -> memref<1x1x128x32xf32, #tpu.memory_space<vmem>>
      %dma_wait3A_2880 = tpu.memref_squeeze %dma_wait3A_2879 : memref<1x1x128x32xf32, #tpu.memory_space<vmem>> -> memref<128x32xf32, #tpu.memory_space<vmem>>
      tpu.wait_dma2 semaphore(%arg9 : memref<!tpu.dma_semaphore, #tpu.memory_space<semaphore_mem>>) src(%dma_wait3A_2880 : memref<128x32xf32, #tpu.memory_space<vmem>>) dst(%dma_wait3A_2876 : memref<128x32xf32, #tpu.memory_space<hbm>>)
      %mul3A_2881 = arith.constant 200 : i32
      %mul3A_2882 = arith.muli %add3A, %mul3A_2881 : i32
      %add3A_2883 = arith.constant 0 : i32
      %add3A_2884 = arith.addi %mul3A_2882, %add3A_2883 : i32
      %add3A_2885 = arith.constant 6 : i32
      %add3A_2886 = arith.addi %add3A_2884, %add3A_2885 : i32
      %jit3A_2887 = arith.constant 128 : i32
      %div3A_2888 = arith.divsi %add3A_2886, %jit3A_2887 : i32
      %sign3A_2889 = arith.constant 0 : i32
      %sign3A_2890 = arith.cmpi sgt, %add3A_2886, %sign3A_2889 : i32
      %sign3A_2891 = arith.extui %sign3A_2890 : i1 to i32
      %sign3A_2892 = arith.constant 0 : i32
      %sign3A_2893 = arith.cmpi slt, %add3A_2886, %sign3A_2892 : i32
      %sign3A_2894 = arith.extui %sign3A_2893 : i1 to i32
      %sign3A_2895 = arith.subi %sign3A_2891, %sign3A_2894 : i32
      %sign3A_2896 = arith.constant 0 : i32
      %sign3A_2897 = arith.cmpi sgt, %jit3A_2887, %sign3A_2896 : i32
      %sign3A_2898 = arith.extui %sign3A_2897 : i1 to i32
      %sign3A_2899 = arith.constant 0 : i32
      %sign3A_2900 = arith.cmpi slt, %jit3A_2887, %sign3A_2899 : i32
      %sign3A_2901 = arith.extui %sign3A_2900 : i1 to i32
      %sign3A_2902 = arith.subi %sign3A_2898, %sign3A_2901 : i32
      %ne3A_2903 = arith.cmpi ne, %sign3A_2895, %sign3A_2902 : i32
      %rem3A_2904 = arith.remsi %add3A_2886, %jit3A_2887 : i32
      %ne3A_2905 = arith.constant 0 : i32
      %ne3A_2906 = arith.cmpi ne, %rem3A_2904, %ne3A_2905 : i32
      %and3A_2907 = arith.andi %ne3A_2903, %ne3A_2906 : i1
      %sub3A_2908 = arith.constant 1 : i32
      %sub3A_2909 = arith.subi %div3A_2888, %sub3A_2908 : i32
      %select_n3A_2910 = arith.select %and3A_2907, %sub3A_2909, %div3A_2888 : i32
      %jit3A_2911 = arith.constant 128 : i32
      %eq3A_2912 = arith.constant 0 : i32
      %eq3A_2913 = arith.cmpi eq, %jit3A_2911, %eq3A_2912 : i32
      %jit3A_2914 = arith.constant 1 : i32
      %select_n3A_2915 = arith.select %eq3A_2913, %jit3A_2914, %jit3A_2911 : i32
      %rem3A_2916 = arith.remsi %add3A_2886, %select_n3A_2915 : i32
      %ne3A_2917 = arith.constant 0 : i32
      %ne3A_2918 = arith.cmpi ne, %rem3A_2916, %ne3A_2917 : i32
      %lt3A_2919 = arith.constant 0 : i32
      %lt3A_2920 = arith.cmpi slt, %rem3A_2916, %lt3A_2919 : i32
      %lt3A_2921 = arith.constant 0 : i32
      %lt3A_2922 = arith.cmpi slt, %select_n3A_2915, %lt3A_2921 : i32
      %ne3A_2923 = arith.xori %lt3A_2920, %lt3A_2922 : i1
      %and3A_2924 = arith.andi %ne3A_2923, %ne3A_2918 : i1
      %add3A_2925 = arith.addi %rem3A_2916, %select_n3A_2915 : i32
      %select_n3A_2926 = arith.select %and3A_2924, %add3A_2925, %rem3A_2916 : i32
      %mul3A_2927 = arith.constant 128 : i32
      %mul3A_2928 = arith.muli %select_n3A_2926, %mul3A_2927 : i32
      %dma_wait3A_2929 = arith.constant 0 : i32
      %dma_wait3A_2930 = arith.constant 6 : i32
      %dma_wait3A_2931 = arith.constant 0 : i32
      %dma_wait3A_2932 = arith.constant 0 : i32
      %dma_wait3A_2933 = tpu.memref_slice %arg6[%dma_wait3A_2929, %dma_wait3A_2930, %dma_wait3A_2931, %dma_wait3A_2932] : memref<2x8x128x32xf32, #tpu.memory_space<vmem>> -> memref<1x1x128x32xf32, #tpu.memory_space<vmem>>
      %dma_wait3A_2934 = tpu.memref_squeeze %dma_wait3A_2933 : memref<1x1x128x32xf32, #tpu.memory_space<vmem>> -> memref<128x32xf32, #tpu.memory_space<vmem>>
      %dma_wait3A_2935 = arith.constant 0 : i32
      %dma_wait3A_2936 = tpu.memref_slice %arg4[%select_n3A_2910, %mul3A_2928, %dma_wait3A_2935] : memref<50x16384x128xf32, #tpu.memory_space<hbm>> -> memref<1x128x32xf32, #tpu.memory_space<hbm>>
      %dma_wait3A_2937 = tpu.memref_squeeze %dma_wait3A_2936 : memref<1x128x32xf32, #tpu.memory_space<hbm>> -> memref<128x32xf32, #tpu.memory_space<hbm>>
      %dma_wait3A_2938 = arith.constant 0 : i32
      %dma_wait3A_2939 = tpu.memref_slice %arg4[%select_n3A_2910, %mul3A_2928, %dma_wait3A_2938] : memref<50x16384x128xf32, #tpu.memory_space<hbm>> -> memref<1x128x32xf32, #tpu.memory_space<hbm>>
      %dma_wait3A_2940 = tpu.memref_squeeze %dma_wait3A_2939 : memref<1x128x32xf32, #tpu.memory_space<hbm>> -> memref<128x32xf32, #tpu.memory_space<hbm>>
      %dma_wait3A_2941 = arith.constant 0 : i32
      %dma_wait3A_2942 = arith.constant 0 : i32
      %dma_wait3A_2943 = tpu.memref_slice %arg6[%dma_wait3A_2929, %dma_wait3A_2930, %dma_wait3A_2941, %dma_wait3A_2942] : memref<2x8x128x32xf32, #tpu.memory_space<vmem>> -> memref<1x1x128x32xf32, #tpu.memory_space<vmem>>
      %dma_wait3A_2944 = tpu.memref_squeeze %dma_wait3A_2943 : memref<1x1x128x32xf32, #tpu.memory_space<vmem>> -> memref<128x32xf32, #tpu.memory_space<vmem>>
      tpu.wait_dma2 semaphore(%arg9 : memref<!tpu.dma_semaphore, #tpu.memory_space<semaphore_mem>>) src(%dma_wait3A_2944 : memref<128x32xf32, #tpu.memory_space<vmem>>) dst(%dma_wait3A_2940 : memref<128x32xf32, #tpu.memory_space<hbm>>)
      %mul3A_2945 = arith.constant 200 : i32
      %mul3A_2946 = arith.muli %add3A, %mul3A_2945 : i32
      %add3A_2947 = arith.constant 0 : i32
      %add3A_2948 = arith.addi %mul3A_2946, %add3A_2947 : i32
      %add3A_2949 = arith.constant 7 : i32
      %add3A_2950 = arith.addi %add3A_2948, %add3A_2949 : i32
      %jit3A_2951 = arith.constant 128 : i32
      %div3A_2952 = arith.divsi %add3A_2950, %jit3A_2951 : i32
      %sign3A_2953 = arith.constant 0 : i32
      %sign3A_2954 = arith.cmpi sgt, %add3A_2950, %sign3A_2953 : i32
      %sign3A_2955 = arith.extui %sign3A_2954 : i1 to i32
      %sign3A_2956 = arith.constant 0 : i32
      %sign3A_2957 = arith.cmpi slt, %add3A_2950, %sign3A_2956 : i32
      %sign3A_2958 = arith.extui %sign3A_2957 : i1 to i32
      %sign3A_2959 = arith.subi %sign3A_2955, %sign3A_2958 : i32
      %sign3A_2960 = arith.constant 0 : i32
      %sign3A_2961 = arith.cmpi sgt, %jit3A_2951, %sign3A_2960 : i32
      %sign3A_2962 = arith.extui %sign3A_2961 : i1 to i32
      %sign3A_2963 = arith.constant 0 : i32
      %sign3A_2964 = arith.cmpi slt, %jit3A_2951, %sign3A_2963 : i32
      %sign3A_2965 = arith.extui %sign3A_2964 : i1 to i32
      %sign3A_2966 = arith.subi %sign3A_2962, %sign3A_2965 : i32
      %ne3A_2967 = arith.cmpi ne, %sign3A_2959, %sign3A_2966 : i32
      %rem3A_2968 = arith.remsi %add3A_2950, %jit3A_2951 : i32
      %ne3A_2969 = arith.constant 0 : i32
      %ne3A_2970 = arith.cmpi ne, %rem3A_2968, %ne3A_2969 : i32
      %and3A_2971 = arith.andi %ne3A_2967, %ne3A_2970 : i1
      %sub3A_2972 = arith.constant 1 : i32
      %sub3A_2973 = arith.subi %div3A_2952, %sub3A_2972 : i32
      %select_n3A_2974 = arith.select %and3A_2971, %sub3A_2973, %div3A_2952 : i32
      %jit3A_2975 = arith.constant 128 : i32
      %eq3A_2976 = arith.constant 0 : i32
      %eq3A_2977 = arith.cmpi eq, %jit3A_2975, %eq3A_2976 : i32
      %jit3A_2978 = arith.constant 1 : i32
      %select_n3A_2979 = arith.select %eq3A_2977, %jit3A_2978, %jit3A_2975 : i32
      %rem3A_2980 = arith.remsi %add3A_2950, %select_n3A_2979 : i32
      %ne3A_2981 = arith.constant 0 : i32
      %ne3A_2982 = arith.cmpi ne, %rem3A_2980, %ne3A_2981 : i32
      %lt3A_2983 = arith.constant 0 : i32
      %lt3A_2984 = arith.cmpi slt, %rem3A_2980, %lt3A_2983 : i32
      %lt3A_2985 = arith.constant 0 : i32
      %lt3A_2986 = arith.cmpi slt, %select_n3A_2979, %lt3A_2985 : i32
      %ne3A_2987 = arith.xori %lt3A_2984, %lt3A_2986 : i1
      %and3A_2988 = arith.andi %ne3A_2987, %ne3A_2982 : i1
      %add3A_2989 = arith.addi %rem3A_2980, %select_n3A_2979 : i32
      %select_n3A_2990 = arith.select %and3A_2988, %add3A_2989, %rem3A_2980 : i32
      %mul3A_2991 = arith.constant 128 : i32
      %mul3A_2992 = arith.muli %select_n3A_2990, %mul3A_2991 : i32
      %dma_wait3A_2993 = arith.constant 0 : i32
      %dma_wait3A_2994 = arith.constant 7 : i32
      %dma_wait3A_2995 = arith.constant 0 : i32
      %dma_wait3A_2996 = arith.constant 0 : i32
      %dma_wait3A_2997 = tpu.memref_slice %arg6[%dma_wait3A_2993, %dma_wait3A_2994, %dma_wait3A_2995, %dma_wait3A_2996] : memref<2x8x128x32xf32, #tpu.memory_space<vmem>> -> memref<1x1x128x32xf32, #tpu.memory_space<vmem>>
      %dma_wait3A_2998 = tpu.memref_squeeze %dma_wait3A_2997 : memref<1x1x128x32xf32, #tpu.memory_space<vmem>> -> memref<128x32xf32, #tpu.memory_space<vmem>>
      %dma_wait3A_2999 = arith.constant 0 : i32
      %dma_wait3A_3000 = tpu.memref_slice %arg4[%select_n3A_2974, %mul3A_2992, %dma_wait3A_2999] : memref<50x16384x128xf32, #tpu.memory_space<hbm>> -> memref<1x128x32xf32, #tpu.memory_space<hbm>>
      %dma_wait3A_3001 = tpu.memref_squeeze %dma_wait3A_3000 : memref<1x128x32xf32, #tpu.memory_space<hbm>> -> memref<128x32xf32, #tpu.memory_space<hbm>>
      %dma_wait3A_3002 = arith.constant 0 : i32
      %dma_wait3A_3003 = tpu.memref_slice %arg4[%select_n3A_2974, %mul3A_2992, %dma_wait3A_3002] : memref<50x16384x128xf32, #tpu.memory_space<hbm>> -> memref<1x128x32xf32, #tpu.memory_space<hbm>>
      %dma_wait3A_3004 = tpu.memref_squeeze %dma_wait3A_3003 : memref<1x128x32xf32, #tpu.memory_space<hbm>> -> memref<128x32xf32, #tpu.memory_space<hbm>>
      %dma_wait3A_3005 = arith.constant 0 : i32
      %dma_wait3A_3006 = arith.constant 0 : i32
      %dma_wait3A_3007 = tpu.memref_slice %arg6[%dma_wait3A_2993, %dma_wait3A_2994, %dma_wait3A_3005, %dma_wait3A_3006] : memref<2x8x128x32xf32, #tpu.memory_space<vmem>> -> memref<1x1x128x32xf32, #tpu.memory_space<vmem>>
      %dma_wait3A_3008 = tpu.memref_squeeze %dma_wait3A_3007 : memref<1x1x128x32xf32, #tpu.memory_space<vmem>> -> memref<128x32xf32, #tpu.memory_space<vmem>>
      tpu.wait_dma2 semaphore(%arg9 : memref<!tpu.dma_semaphore, #tpu.memory_space<semaphore_mem>>) src(%dma_wait3A_3008 : memref<128x32xf32, #tpu.memory_space<vmem>>) dst(%dma_wait3A_3004 : memref<128x32xf32, #tpu.memory_space<hbm>>)
      %add3A_3009 = arith.constant 2 : i32
      %add3A_3010 = arith.addi %mul3A_1740, %add3A_3009 : i32
      %mul3A_3011 = arith.constant 8 : i32
      %mul3A_3012 = arith.muli %add3A_3010, %mul3A_3011 : i32
      %add3A_3013 = arith.constant 0 : i32
      %add3A_3014 = arith.addi %mul3A_3012, %add3A_3013 : i32
      %dma_start3A_3015 = arith.constant 0 : i32
      %dma_start3A_3016 = arith.constant 0 : i32
      %dma_start3A_3017 = arith.constant 0 : i32
      %dma_start3A_3018 = arith.constant 0 : i32
      %dma_start3A_3019 = tpu.memref_slice %arg6[%dma_start3A_3015, %dma_start3A_3016, %dma_start3A_3017, %dma_start3A_3018] : memref<2x8x128x32xf32, #tpu.memory_space<vmem>> -> memref<1x1x128x32xf32, #tpu.memory_space<vmem>>
      %dma_start3A_3020 = tpu.memref_squeeze %dma_start3A_3019 : memref<1x1x128x32xf32, #tpu.memory_space<vmem>> -> memref<128x32xf32, #tpu.memory_space<vmem>>
      %dma_start3A_3021 = arith.constant 0 : i32
      %dma_start3A_3022 = tpu.memref_slice %arg5[%add3A_3014, %dma_start3A_3021] : memref<200x128xi32, #tpu.memory_space<vmem>> -> memref<1x128xi32, #tpu.memory_space<vmem>>
      %dma_start3A_3023 = tpu.memref_squeeze %dma_start3A_3022 : memref<1x128xi32, #tpu.memory_space<vmem>> -> memref<128xi32, #tpu.memory_space<vmem>>
      %dma_start3A_3024 = arith.constant 0 : i32
      %dma_start3A_3025 = arith.constant 0 : i32
      %dma_start3A_3026 = tpu.memref_slice %arg3[%dma_start3A_3024, %dma_start3A_3025] : memref<1000000x32xf32, #tpu.memory_space<hbm>> -> memref<1000000x32xf32, #tpu.memory_space<hbm>>
      tpu.enqueue_indirect_dma source(%dma_start3A_3026 : memref<1000000x32xf32, #tpu.memory_space<hbm>>) target(%dma_start3A_3020 : memref<128x32xf32, #tpu.memory_space<vmem>>) offsets(%dma_start3A_3023 : memref<128xi32, #tpu.memory_space<vmem>>) semaphore(%arg7 : memref<!tpu.dma_semaphore, #tpu.memory_space<semaphore_mem>>)
      %mul3A_3027 = arith.constant 8 : i32
      %mul3A_3028 = arith.muli %add3A_3010, %mul3A_3027 : i32
      %add3A_3029 = arith.constant 1 : i32
      %add3A_3030 = arith.addi %mul3A_3028, %add3A_3029 : i32
      %dma_start3A_3031 = arith.constant 0 : i32
      %dma_start3A_3032 = arith.constant 1 : i32
      %dma_start3A_3033 = arith.constant 0 : i32
      %dma_start3A_3034 = arith.constant 0 : i32
      %dma_start3A_3035 = tpu.memref_slice %arg6[%dma_start3A_3031, %dma_start3A_3032, %dma_start3A_3033, %dma_start3A_3034] : memref<2x8x128x32xf32, #tpu.memory_space<vmem>> -> memref<1x1x128x32xf32, #tpu.memory_space<vmem>>
      %dma_start3A_3036 = tpu.memref_squeeze %dma_start3A_3035 : memref<1x1x128x32xf32, #tpu.memory_space<vmem>> -> memref<128x32xf32, #tpu.memory_space<vmem>>
      %dma_start3A_3037 = arith.constant 0 : i32
      %dma_start3A_3038 = tpu.memref_slice %arg5[%add3A_3030, %dma_start3A_3037] : memref<200x128xi32, #tpu.memory_space<vmem>> -> memref<1x128xi32, #tpu.memory_space<vmem>>
      %dma_start3A_3039 = tpu.memref_squeeze %dma_start3A_3038 : memref<1x128xi32, #tpu.memory_space<vmem>> -> memref<128xi32, #tpu.memory_space<vmem>>
      %dma_start3A_3040 = arith.constant 0 : i32
      %dma_start3A_3041 = arith.constant 0 : i32
      %dma_start3A_3042 = tpu.memref_slice %arg3[%dma_start3A_3040, %dma_start3A_3041] : memref<1000000x32xf32, #tpu.memory_space<hbm>> -> memref<1000000x32xf32, #tpu.memory_space<hbm>>
      tpu.enqueue_indirect_dma source(%dma_start3A_3042 : memref<1000000x32xf32, #tpu.memory_space<hbm>>) target(%dma_start3A_3036 : memref<128x32xf32, #tpu.memory_space<vmem>>) offsets(%dma_start3A_3039 : memref<128xi32, #tpu.memory_space<vmem>>) semaphore(%arg7 : memref<!tpu.dma_semaphore, #tpu.memory_space<semaphore_mem>>)
      %mul3A_3043 = arith.constant 8 : i32
      %mul3A_3044 = arith.muli %add3A_3010, %mul3A_3043 : i32
      %add3A_3045 = arith.constant 2 : i32
      %add3A_3046 = arith.addi %mul3A_3044, %add3A_3045 : i32
      %dma_start3A_3047 = arith.constant 0 : i32
      %dma_start3A_3048 = arith.constant 2 : i32
      %dma_start3A_3049 = arith.constant 0 : i32
      %dma_start3A_3050 = arith.constant 0 : i32
      %dma_start3A_3051 = tpu.memref_slice %arg6[%dma_start3A_3047, %dma_start3A_3048, %dma_start3A_3049, %dma_start3A_3050] : memref<2x8x128x32xf32, #tpu.memory_space<vmem>> -> memref<1x1x128x32xf32, #tpu.memory_space<vmem>>
      %dma_start3A_3052 = tpu.memref_squeeze %dma_start3A_3051 : memref<1x1x128x32xf32, #tpu.memory_space<vmem>> -> memref<128x32xf32, #tpu.memory_space<vmem>>
      %dma_start3A_3053 = arith.constant 0 : i32
      %dma_start3A_3054 = tpu.memref_slice %arg5[%add3A_3046, %dma_start3A_3053] : memref<200x128xi32, #tpu.memory_space<vmem>> -> memref<1x128xi32, #tpu.memory_space<vmem>>
      %dma_start3A_3055 = tpu.memref_squeeze %dma_start3A_3054 : memref<1x128xi32, #tpu.memory_space<vmem>> -> memref<128xi32, #tpu.memory_space<vmem>>
      %dma_start3A_3056 = arith.constant 0 : i32
      %dma_start3A_3057 = arith.constant 0 : i32
      %dma_start3A_3058 = tpu.memref_slice %arg3[%dma_start3A_3056, %dma_start3A_3057] : memref<1000000x32xf32, #tpu.memory_space<hbm>> -> memref<1000000x32xf32, #tpu.memory_space<hbm>>
      tpu.enqueue_indirect_dma source(%dma_start3A_3058 : memref<1000000x32xf32, #tpu.memory_space<hbm>>) target(%dma_start3A_3052 : memref<128x32xf32, #tpu.memory_space<vmem>>) offsets(%dma_start3A_3055 : memref<128xi32, #tpu.memory_space<vmem>>) semaphore(%arg7 : memref<!tpu.dma_semaphore, #tpu.memory_space<semaphore_mem>>)
      %mul3A_3059 = arith.constant 8 : i32
      %mul3A_3060 = arith.muli %add3A_3010, %mul3A_3059 : i32
      %add3A_3061 = arith.constant 3 : i32
      %add3A_3062 = arith.addi %mul3A_3060, %add3A_3061 : i32
      %dma_start3A_3063 = arith.constant 0 : i32
      %dma_start3A_3064 = arith.constant 3 : i32
      %dma_start3A_3065 = arith.constant 0 : i32
      %dma_start3A_3066 = arith.constant 0 : i32
      %dma_start3A_3067 = tpu.memref_slice %arg6[%dma_start3A_3063, %dma_start3A_3064, %dma_start3A_3065, %dma_start3A_3066] : memref<2x8x128x32xf32, #tpu.memory_space<vmem>> -> memref<1x1x128x32xf32, #tpu.memory_space<vmem>>
      %dma_start3A_3068 = tpu.memref_squeeze %dma_start3A_3067 : memref<1x1x128x32xf32, #tpu.memory_space<vmem>> -> memref<128x32xf32, #tpu.memory_space<vmem>>
      %dma_start3A_3069 = arith.constant 0 : i32
      %dma_start3A_3070 = tpu.memref_slice %arg5[%add3A_3062, %dma_start3A_3069] : memref<200x128xi32, #tpu.memory_space<vmem>> -> memref<1x128xi32, #tpu.memory_space<vmem>>
      %dma_start3A_3071 = tpu.memref_squeeze %dma_start3A_3070 : memref<1x128xi32, #tpu.memory_space<vmem>> -> memref<128xi32, #tpu.memory_space<vmem>>
      %dma_start3A_3072 = arith.constant 0 : i32
      %dma_start3A_3073 = arith.constant 0 : i32
      %dma_start3A_3074 = tpu.memref_slice %arg3[%dma_start3A_3072, %dma_start3A_3073] : memref<1000000x32xf32, #tpu.memory_space<hbm>> -> memref<1000000x32xf32, #tpu.memory_space<hbm>>
      tpu.enqueue_indirect_dma source(%dma_start3A_3074 : memref<1000000x32xf32, #tpu.memory_space<hbm>>) target(%dma_start3A_3068 : memref<128x32xf32, #tpu.memory_space<vmem>>) offsets(%dma_start3A_3071 : memref<128xi32, #tpu.memory_space<vmem>>) semaphore(%arg7 : memref<!tpu.dma_semaphore, #tpu.memory_space<semaphore_mem>>)
      %mul3A_3075 = arith.constant 8 : i32
      %mul3A_3076 = arith.muli %add3A_3010, %mul3A_3075 : i32
      %add3A_3077 = arith.constant 4 : i32
      %add3A_3078 = arith.addi %mul3A_3076, %add3A_3077 : i32
      %dma_start3A_3079 = arith.constant 0 : i32
      %dma_start3A_3080 = arith.constant 4 : i32
      %dma_start3A_3081 = arith.constant 0 : i32
      %dma_start3A_3082 = arith.constant 0 : i32
      %dma_start3A_3083 = tpu.memref_slice %arg6[%dma_start3A_3079, %dma_start3A_3080, %dma_start3A_3081, %dma_start3A_3082] : memref<2x8x128x32xf32, #tpu.memory_space<vmem>> -> memref<1x1x128x32xf32, #tpu.memory_space<vmem>>
      %dma_start3A_3084 = tpu.memref_squeeze %dma_start3A_3083 : memref<1x1x128x32xf32, #tpu.memory_space<vmem>> -> memref<128x32xf32, #tpu.memory_space<vmem>>
      %dma_start3A_3085 = arith.constant 0 : i32
      %dma_start3A_3086 = tpu.memref_slice %arg5[%add3A_3078, %dma_start3A_3085] : memref<200x128xi32, #tpu.memory_space<vmem>> -> memref<1x128xi32, #tpu.memory_space<vmem>>
      %dma_start3A_3087 = tpu.memref_squeeze %dma_start3A_3086 : memref<1x128xi32, #tpu.memory_space<vmem>> -> memref<128xi32, #tpu.memory_space<vmem>>
      %dma_start3A_3088 = arith.constant 0 : i32
      %dma_start3A_3089 = arith.constant 0 : i32
      %dma_start3A_3090 = tpu.memref_slice %arg3[%dma_start3A_3088, %dma_start3A_3089] : memref<1000000x32xf32, #tpu.memory_space<hbm>> -> memref<1000000x32xf32, #tpu.memory_space<hbm>>
      tpu.enqueue_indirect_dma source(%dma_start3A_3090 : memref<1000000x32xf32, #tpu.memory_space<hbm>>) target(%dma_start3A_3084 : memref<128x32xf32, #tpu.memory_space<vmem>>) offsets(%dma_start3A_3087 : memref<128xi32, #tpu.memory_space<vmem>>) semaphore(%arg7 : memref<!tpu.dma_semaphore, #tpu.memory_space<semaphore_mem>>)
      %mul3A_3091 = arith.constant 8 : i32
      %mul3A_3092 = arith.muli %add3A_3010, %mul3A_3091 : i32
      %add3A_3093 = arith.constant 5 : i32
      %add3A_3094 = arith.addi %mul3A_3092, %add3A_3093 : i32
      %dma_start3A_3095 = arith.constant 0 : i32
      %dma_start3A_3096 = arith.constant 5 : i32
      %dma_start3A_3097 = arith.constant 0 : i32
      %dma_start3A_3098 = arith.constant 0 : i32
      %dma_start3A_3099 = tpu.memref_slice %arg6[%dma_start3A_3095, %dma_start3A_3096, %dma_start3A_3097, %dma_start3A_3098] : memref<2x8x128x32xf32, #tpu.memory_space<vmem>> -> memref<1x1x128x32xf32, #tpu.memory_space<vmem>>
      %dma_start3A_3100 = tpu.memref_squeeze %dma_start3A_3099 : memref<1x1x128x32xf32, #tpu.memory_space<vmem>> -> memref<128x32xf32, #tpu.memory_space<vmem>>
      %dma_start3A_3101 = arith.constant 0 : i32
      %dma_start3A_3102 = tpu.memref_slice %arg5[%add3A_3094, %dma_start3A_3101] : memref<200x128xi32, #tpu.memory_space<vmem>> -> memref<1x128xi32, #tpu.memory_space<vmem>>
      %dma_start3A_3103 = tpu.memref_squeeze %dma_start3A_3102 : memref<1x128xi32, #tpu.memory_space<vmem>> -> memref<128xi32, #tpu.memory_space<vmem>>
      %dma_start3A_3104 = arith.constant 0 : i32
      %dma_start3A_3105 = arith.constant 0 : i32
      %dma_start3A_3106 = tpu.memref_slice %arg3[%dma_start3A_3104, %dma_start3A_3105] : memref<1000000x32xf32, #tpu.memory_space<hbm>> -> memref<1000000x32xf32, #tpu.memory_space<hbm>>
      tpu.enqueue_indirect_dma source(%dma_start3A_3106 : memref<1000000x32xf32, #tpu.memory_space<hbm>>) target(%dma_start3A_3100 : memref<128x32xf32, #tpu.memory_space<vmem>>) offsets(%dma_start3A_3103 : memref<128xi32, #tpu.memory_space<vmem>>) semaphore(%arg7 : memref<!tpu.dma_semaphore, #tpu.memory_space<semaphore_mem>>)
      %mul3A_3107 = arith.constant 8 : i32
      %mul3A_3108 = arith.muli %add3A_3010, %mul3A_3107 : i32
      %add3A_3109 = arith.constant 6 : i32
      %add3A_3110 = arith.addi %mul3A_3108, %add3A_3109 : i32
      %dma_start3A_3111 = arith.constant 0 : i32
      %dma_start3A_3112 = arith.constant 6 : i32
      %dma_start3A_3113 = arith.constant 0 : i32
      %dma_start3A_3114 = arith.constant 0 : i32
      %dma_start3A_3115 = tpu.memref_slice %arg6[%dma_start3A_3111, %dma_start3A_3112, %dma_start3A_3113, %dma_start3A_3114] : memref<2x8x128x32xf32, #tpu.memory_space<vmem>> -> memref<1x1x128x32xf32, #tpu.memory_space<vmem>>
      %dma_start3A_3116 = tpu.memref_squeeze %dma_start3A_3115 : memref<1x1x128x32xf32, #tpu.memory_space<vmem>> -> memref<128x32xf32, #tpu.memory_space<vmem>>
      %dma_start3A_3117 = arith.constant 0 : i32
      %dma_start3A_3118 = tpu.memref_slice %arg5[%add3A_3110, %dma_start3A_3117] : memref<200x128xi32, #tpu.memory_space<vmem>> -> memref<1x128xi32, #tpu.memory_space<vmem>>
      %dma_start3A_3119 = tpu.memref_squeeze %dma_start3A_3118 : memref<1x128xi32, #tpu.memory_space<vmem>> -> memref<128xi32, #tpu.memory_space<vmem>>
      %dma_start3A_3120 = arith.constant 0 : i32
      %dma_start3A_3121 = arith.constant 0 : i32
      %dma_start3A_3122 = tpu.memref_slice %arg3[%dma_start3A_3120, %dma_start3A_3121] : memref<1000000x32xf32, #tpu.memory_space<hbm>> -> memref<1000000x32xf32, #tpu.memory_space<hbm>>
      tpu.enqueue_indirect_dma source(%dma_start3A_3122 : memref<1000000x32xf32, #tpu.memory_space<hbm>>) target(%dma_start3A_3116 : memref<128x32xf32, #tpu.memory_space<vmem>>) offsets(%dma_start3A_3119 : memref<128xi32, #tpu.memory_space<vmem>>) semaphore(%arg7 : memref<!tpu.dma_semaphore, #tpu.memory_space<semaphore_mem>>)
      %mul3A_3123 = arith.constant 8 : i32
      %mul3A_3124 = arith.muli %add3A_3010, %mul3A_3123 : i32
      %add3A_3125 = arith.constant 7 : i32
      %add3A_3126 = arith.addi %mul3A_3124, %add3A_3125 : i32
      %dma_start3A_3127 = arith.constant 0 : i32
      %dma_start3A_3128 = arith.constant 7 : i32
      %dma_start3A_3129 = arith.constant 0 : i32
      %dma_start3A_3130 = arith.constant 0 : i32
      %dma_start3A_3131 = tpu.memref_slice %arg6[%dma_start3A_3127, %dma_start3A_3128, %dma_start3A_3129, %dma_start3A_3130] : memref<2x8x128x32xf32, #tpu.memory_space<vmem>> -> memref<1x1x128x32xf32, #tpu.memory_space<vmem>>
      %dma_start3A_3132 = tpu.memref_squeeze %dma_start3A_3131 : memref<1x1x128x32xf32, #tpu.memory_space<vmem>> -> memref<128x32xf32, #tpu.memory_space<vmem>>
      %dma_start3A_3133 = arith.constant 0 : i32
      %dma_start3A_3134 = tpu.memref_slice %arg5[%add3A_3126, %dma_start3A_3133] : memref<200x128xi32, #tpu.memory_space<vmem>> -> memref<1x128xi32, #tpu.memory_space<vmem>>
      %dma_start3A_3135 = tpu.memref_squeeze %dma_start3A_3134 : memref<1x128xi32, #tpu.memory_space<vmem>> -> memref<128xi32, #tpu.memory_space<vmem>>
      %dma_start3A_3136 = arith.constant 0 : i32
      %dma_start3A_3137 = arith.constant 0 : i32
      %dma_start3A_3138 = tpu.memref_slice %arg3[%dma_start3A_3136, %dma_start3A_3137] : memref<1000000x32xf32, #tpu.memory_space<hbm>> -> memref<1000000x32xf32, #tpu.memory_space<hbm>>
      tpu.enqueue_indirect_dma source(%dma_start3A_3138 : memref<1000000x32xf32, #tpu.memory_space<hbm>>) target(%dma_start3A_3132 : memref<128x32xf32, #tpu.memory_space<vmem>>) offsets(%dma_start3A_3135 : memref<128xi32, #tpu.memory_space<vmem>>) semaphore(%arg7 : memref<!tpu.dma_semaphore, #tpu.memory_space<semaphore_mem>>)
      %dma_wait3A_3139 = arith.constant 0 : i32
      %dma_wait3A_3140 = arith.constant 1 : i32
      %dma_wait3A_3141 = arith.constant 0 : i32
      %dma_wait3A_3142 = arith.constant 0 : i32
      %dma_wait3A_3143 = arith.constant 0 : i32
      %dma_wait3A_3144 = tpu.memref_slice %arg6[%dma_wait3A_3140, %dma_wait3A_3141, %dma_wait3A_3142, %dma_wait3A_3143] : memref<2x8x128x32xf32, #tpu.memory_space<vmem>> -> memref<1x1x128x32xf32, #tpu.memory_space<vmem>>
      %dma_wait3A_3145 = tpu.memref_squeeze %dma_wait3A_3144 : memref<1x1x128x32xf32, #tpu.memory_space<vmem>> -> memref<128x32xf32, #tpu.memory_space<vmem>>
      %dma_wait3A_3146 = arith.constant 0 : i32
      %dma_wait3A_3147 = tpu.memref_slice %arg5[%dma_wait3A_3139, %dma_wait3A_3146] : memref<200x128xi32, #tpu.memory_space<vmem>> -> memref<1x128xi32, #tpu.memory_space<vmem>>
      %dma_wait3A_3148 = tpu.memref_squeeze %dma_wait3A_3147 : memref<1x128xi32, #tpu.memory_space<vmem>> -> memref<128xi32, #tpu.memory_space<vmem>>
      %dma_wait3A_3149 = arith.constant 0 : i32
      %dma_wait3A_3150 = arith.constant 0 : i32
      %dma_wait3A_3151 = tpu.memref_slice %arg3[%dma_wait3A_3149, %dma_wait3A_3150] : memref<1000000x32xf32, #tpu.memory_space<hbm>> -> memref<1000000x32xf32, #tpu.memory_space<hbm>>
      tpu.wait_indirect_dma semaphore(%arg8 : memref<!tpu.dma_semaphore, #tpu.memory_space<semaphore_mem>>) src(%dma_wait3A_3151 : memref<1000000x32xf32, #tpu.memory_space<hbm>>) dst(%dma_wait3A_3145 : memref<128x32xf32, #tpu.memory_space<vmem>>)
      %dma_wait3A_3152 = arith.constant 0 : i32
      %dma_wait3A_3153 = arith.constant 1 : i32
      %dma_wait3A_3154 = arith.constant 1 : i32
      %dma_wait3A_3155 = arith.constant 0 : i32
      %dma_wait3A_3156 = arith.constant 0 : i32
      %dma_wait3A_3157 = tpu.memref_slice %arg6[%dma_wait3A_3153, %dma_wait3A_3154, %dma_wait3A_3155, %dma_wait3A_3156] : memref<2x8x128x32xf32, #tpu.memory_space<vmem>> -> memref<1x1x128x32xf32, #tpu.memory_space<vmem>>
      %dma_wait3A_3158 = tpu.memref_squeeze %dma_wait3A_3157 : memref<1x1x128x32xf32, #tpu.memory_space<vmem>> -> memref<128x32xf32, #tpu.memory_space<vmem>>
      %dma_wait3A_3159 = arith.constant 0 : i32
      %dma_wait3A_3160 = tpu.memref_slice %arg5[%dma_wait3A_3152, %dma_wait3A_3159] : memref<200x128xi32, #tpu.memory_space<vmem>> -> memref<1x128xi32, #tpu.memory_space<vmem>>
      %dma_wait3A_3161 = tpu.memref_squeeze %dma_wait3A_3160 : memref<1x128xi32, #tpu.memory_space<vmem>> -> memref<128xi32, #tpu.memory_space<vmem>>
      %dma_wait3A_3162 = arith.constant 0 : i32
      %dma_wait3A_3163 = arith.constant 0 : i32
      %dma_wait3A_3164 = tpu.memref_slice %arg3[%dma_wait3A_3162, %dma_wait3A_3163] : memref<1000000x32xf32, #tpu.memory_space<hbm>> -> memref<1000000x32xf32, #tpu.memory_space<hbm>>
      tpu.wait_indirect_dma semaphore(%arg8 : memref<!tpu.dma_semaphore, #tpu.memory_space<semaphore_mem>>) src(%dma_wait3A_3164 : memref<1000000x32xf32, #tpu.memory_space<hbm>>) dst(%dma_wait3A_3158 : memref<128x32xf32, #tpu.memory_space<vmem>>)
      %dma_wait3A_3165 = arith.constant 0 : i32
      %dma_wait3A_3166 = arith.constant 1 : i32
      %dma_wait3A_3167 = arith.constant 2 : i32
      %dma_wait3A_3168 = arith.constant 0 : i32
      %dma_wait3A_3169 = arith.constant 0 : i32
      %dma_wait3A_3170 = tpu.memref_slice %arg6[%dma_wait3A_3166, %dma_wait3A_3167, %dma_wait3A_3168, %dma_wait3A_3169] : memref<2x8x128x32xf32, #tpu.memory_space<vmem>> -> memref<1x1x128x32xf32, #tpu.memory_space<vmem>>
      %dma_wait3A_3171 = tpu.memref_squeeze %dma_wait3A_3170 : memref<1x1x128x32xf32, #tpu.memory_space<vmem>> -> memref<128x32xf32, #tpu.memory_space<vmem>>
      %dma_wait3A_3172 = arith.constant 0 : i32
      %dma_wait3A_3173 = tpu.memref_slice %arg5[%dma_wait3A_3165, %dma_wait3A_3172] : memref<200x128xi32, #tpu.memory_space<vmem>> -> memref<1x128xi32, #tpu.memory_space<vmem>>
      %dma_wait3A_3174 = tpu.memref_squeeze %dma_wait3A_3173 : memref<1x128xi32, #tpu.memory_space<vmem>> -> memref<128xi32, #tpu.memory_space<vmem>>
      %dma_wait3A_3175 = arith.constant 0 : i32
      %dma_wait3A_3176 = arith.constant 0 : i32
      %dma_wait3A_3177 = tpu.memref_slice %arg3[%dma_wait3A_3175, %dma_wait3A_3176] : memref<1000000x32xf32, #tpu.memory_space<hbm>> -> memref<1000000x32xf32, #tpu.memory_space<hbm>>
      tpu.wait_indirect_dma semaphore(%arg8 : memref<!tpu.dma_semaphore, #tpu.memory_space<semaphore_mem>>) src(%dma_wait3A_3177 : memref<1000000x32xf32, #tpu.memory_space<hbm>>) dst(%dma_wait3A_3171 : memref<128x32xf32, #tpu.memory_space<vmem>>)
      %dma_wait3A_3178 = arith.constant 0 : i32
      %dma_wait3A_3179 = arith.constant 1 : i32
      %dma_wait3A_3180 = arith.constant 3 : i32
      %dma_wait3A_3181 = arith.constant 0 : i32
      %dma_wait3A_3182 = arith.constant 0 : i32
      %dma_wait3A_3183 = tpu.memref_slice %arg6[%dma_wait3A_3179, %dma_wait3A_3180, %dma_wait3A_3181, %dma_wait3A_3182] : memref<2x8x128x32xf32, #tpu.memory_space<vmem>> -> memref<1x1x128x32xf32, #tpu.memory_space<vmem>>
      %dma_wait3A_3184 = tpu.memref_squeeze %dma_wait3A_3183 : memref<1x1x128x32xf32, #tpu.memory_space<vmem>> -> memref<128x32xf32, #tpu.memory_space<vmem>>
      %dma_wait3A_3185 = arith.constant 0 : i32
      %dma_wait3A_3186 = tpu.memref_slice %arg5[%dma_wait3A_3178, %dma_wait3A_3185] : memref<200x128xi32, #tpu.memory_space<vmem>> -> memref<1x128xi32, #tpu.memory_space<vmem>>
      %dma_wait3A_3187 = tpu.memref_squeeze %dma_wait3A_3186 : memref<1x128xi32, #tpu.memory_space<vmem>> -> memref<128xi32, #tpu.memory_space<vmem>>
      %dma_wait3A_3188 = arith.constant 0 : i32
      %dma_wait3A_3189 = arith.constant 0 : i32
      %dma_wait3A_3190 = tpu.memref_slice %arg3[%dma_wait3A_3188, %dma_wait3A_3189] : memref<1000000x32xf32, #tpu.memory_space<hbm>> -> memref<1000000x32xf32, #tpu.memory_space<hbm>>
      tpu.wait_indirect_dma semaphore(%arg8 : memref<!tpu.dma_semaphore, #tpu.memory_space<semaphore_mem>>) src(%dma_wait3A_3190 : memref<1000000x32xf32, #tpu.memory_space<hbm>>) dst(%dma_wait3A_3184 : memref<128x32xf32, #tpu.memory_space<vmem>>)
      %dma_wait3A_3191 = arith.constant 0 : i32
      %dma_wait3A_3192 = arith.constant 1 : i32
      %dma_wait3A_3193 = arith.constant 4 : i32
      %dma_wait3A_3194 = arith.constant 0 : i32
      %dma_wait3A_3195 = arith.constant 0 : i32
      %dma_wait3A_3196 = tpu.memref_slice %arg6[%dma_wait3A_3192, %dma_wait3A_3193, %dma_wait3A_3194, %dma_wait3A_3195] : memref<2x8x128x32xf32, #tpu.memory_space<vmem>> -> memref<1x1x128x32xf32, #tpu.memory_space<vmem>>
      %dma_wait3A_3197 = tpu.memref_squeeze %dma_wait3A_3196 : memref<1x1x128x32xf32, #tpu.memory_space<vmem>> -> memref<128x32xf32, #tpu.memory_space<vmem>>
      %dma_wait3A_3198 = arith.constant 0 : i32
      %dma_wait3A_3199 = tpu.memref_slice %arg5[%dma_wait3A_3191, %dma_wait3A_3198] : memref<200x128xi32, #tpu.memory_space<vmem>> -> memref<1x128xi32, #tpu.memory_space<vmem>>
      %dma_wait3A_3200 = tpu.memref_squeeze %dma_wait3A_3199 : memref<1x128xi32, #tpu.memory_space<vmem>> -> memref<128xi32, #tpu.memory_space<vmem>>
      %dma_wait3A_3201 = arith.constant 0 : i32
      %dma_wait3A_3202 = arith.constant 0 : i32
      %dma_wait3A_3203 = tpu.memref_slice %arg3[%dma_wait3A_3201, %dma_wait3A_3202] : memref<1000000x32xf32, #tpu.memory_space<hbm>> -> memref<1000000x32xf32, #tpu.memory_space<hbm>>
      tpu.wait_indirect_dma semaphore(%arg8 : memref<!tpu.dma_semaphore, #tpu.memory_space<semaphore_mem>>) src(%dma_wait3A_3203 : memref<1000000x32xf32, #tpu.memory_space<hbm>>) dst(%dma_wait3A_3197 : memref<128x32xf32, #tpu.memory_space<vmem>>)
      %dma_wait3A_3204 = arith.constant 0 : i32
      %dma_wait3A_3205 = arith.constant 1 : i32
      %dma_wait3A_3206 = arith.constant 5 : i32
      %dma_wait3A_3207 = arith.constant 0 : i32
      %dma_wait3A_3208 = arith.constant 0 : i32
      %dma_wait3A_3209 = tpu.memref_slice %arg6[%dma_wait3A_3205, %dma_wait3A_3206, %dma_wait3A_3207, %dma_wait3A_3208] : memref<2x8x128x32xf32, #tpu.memory_space<vmem>> -> memref<1x1x128x32xf32, #tpu.memory_space<vmem>>
      %dma_wait3A_3210 = tpu.memref_squeeze %dma_wait3A_3209 : memref<1x1x128x32xf32, #tpu.memory_space<vmem>> -> memref<128x32xf32, #tpu.memory_space<vmem>>
      %dma_wait3A_3211 = arith.constant 0 : i32
      %dma_wait3A_3212 = tpu.memref_slice %arg5[%dma_wait3A_3204, %dma_wait3A_3211] : memref<200x128xi32, #tpu.memory_space<vmem>> -> memref<1x128xi32, #tpu.memory_space<vmem>>
      %dma_wait3A_3213 = tpu.memref_squeeze %dma_wait3A_3212 : memref<1x128xi32, #tpu.memory_space<vmem>> -> memref<128xi32, #tpu.memory_space<vmem>>
      %dma_wait3A_3214 = arith.constant 0 : i32
      %dma_wait3A_3215 = arith.constant 0 : i32
      %dma_wait3A_3216 = tpu.memref_slice %arg3[%dma_wait3A_3214, %dma_wait3A_3215] : memref<1000000x32xf32, #tpu.memory_space<hbm>> -> memref<1000000x32xf32, #tpu.memory_space<hbm>>
      tpu.wait_indirect_dma semaphore(%arg8 : memref<!tpu.dma_semaphore, #tpu.memory_space<semaphore_mem>>) src(%dma_wait3A_3216 : memref<1000000x32xf32, #tpu.memory_space<hbm>>) dst(%dma_wait3A_3210 : memref<128x32xf32, #tpu.memory_space<vmem>>)
      %dma_wait3A_3217 = arith.constant 0 : i32
      %dma_wait3A_3218 = arith.constant 1 : i32
      %dma_wait3A_3219 = arith.constant 6 : i32
      %dma_wait3A_3220 = arith.constant 0 : i32
      %dma_wait3A_3221 = arith.constant 0 : i32
      %dma_wait3A_3222 = tpu.memref_slice %arg6[%dma_wait3A_3218, %dma_wait3A_3219, %dma_wait3A_3220, %dma_wait3A_3221] : memref<2x8x128x32xf32, #tpu.memory_space<vmem>> -> memref<1x1x128x32xf32, #tpu.memory_space<vmem>>
      %dma_wait3A_3223 = tpu.memref_squeeze %dma_wait3A_3222 : memref<1x1x128x32xf32, #tpu.memory_space<vmem>> -> memref<128x32xf32, #tpu.memory_space<vmem>>
      %dma_wait3A_3224 = arith.constant 0 : i32
      %dma_wait3A_3225 = tpu.memref_slice %arg5[%dma_wait3A_3217, %dma_wait3A_3224] : memref<200x128xi32, #tpu.memory_space<vmem>> -> memref<1x128xi32, #tpu.memory_space<vmem>>
      %dma_wait3A_3226 = tpu.memref_squeeze %dma_wait3A_3225 : memref<1x128xi32, #tpu.memory_space<vmem>> -> memref<128xi32, #tpu.memory_space<vmem>>
      %dma_wait3A_3227 = arith.constant 0 : i32
      %dma_wait3A_3228 = arith.constant 0 : i32
      %dma_wait3A_3229 = tpu.memref_slice %arg3[%dma_wait3A_3227, %dma_wait3A_3228] : memref<1000000x32xf32, #tpu.memory_space<hbm>> -> memref<1000000x32xf32, #tpu.memory_space<hbm>>
      tpu.wait_indirect_dma semaphore(%arg8 : memref<!tpu.dma_semaphore, #tpu.memory_space<semaphore_mem>>) src(%dma_wait3A_3229 : memref<1000000x32xf32, #tpu.memory_space<hbm>>) dst(%dma_wait3A_3223 : memref<128x32xf32, #tpu.memory_space<vmem>>)
      %dma_wait3A_3230 = arith.constant 0 : i32
      %dma_wait3A_3231 = arith.constant 1 : i32
      %dma_wait3A_3232 = arith.constant 7 : i32
      %dma_wait3A_3233 = arith.constant 0 : i32
      %dma_wait3A_3234 = arith.constant 0 : i32
      %dma_wait3A_3235 = tpu.memref_slice %arg6[%dma_wait3A_3231, %dma_wait3A_3232, %dma_wait3A_3233, %dma_wait3A_3234] : memref<2x8x128x32xf32, #tpu.memory_space<vmem>> -> memref<1x1x128x32xf32, #tpu.memory_space<vmem>>
      %dma_wait3A_3236 = tpu.memref_squeeze %dma_wait3A_3235 : memref<1x1x128x32xf32, #tpu.memory_space<vmem>> -> memref<128x32xf32, #tpu.memory_space<vmem>>
      %dma_wait3A_3237 = arith.constant 0 : i32
      %dma_wait3A_3238 = tpu.memref_slice %arg5[%dma_wait3A_3230, %dma_wait3A_3237] : memref<200x128xi32, #tpu.memory_space<vmem>> -> memref<1x128xi32, #tpu.memory_space<vmem>>
      %dma_wait3A_3239 = tpu.memref_squeeze %dma_wait3A_3238 : memref<1x128xi32, #tpu.memory_space<vmem>> -> memref<128xi32, #tpu.memory_space<vmem>>
      %dma_wait3A_3240 = arith.constant 0 : i32
      %dma_wait3A_3241 = arith.constant 0 : i32
      %dma_wait3A_3242 = tpu.memref_slice %arg3[%dma_wait3A_3240, %dma_wait3A_3241] : memref<1000000x32xf32, #tpu.memory_space<hbm>> -> memref<1000000x32xf32, #tpu.memory_space<hbm>>
      tpu.wait_indirect_dma semaphore(%arg8 : memref<!tpu.dma_semaphore, #tpu.memory_space<semaphore_mem>>) src(%dma_wait3A_3242 : memref<1000000x32xf32, #tpu.memory_space<hbm>>) dst(%dma_wait3A_3236 : memref<128x32xf32, #tpu.memory_space<vmem>>)
      %add3A_3243 = arith.constant 1 : i32
      %add3A_3244 = arith.addi %mul3A_1740, %add3A_3243 : i32
      %mul3A_3245 = arith.constant 200 : i32
      %mul3A_3246 = arith.muli %add3A, %mul3A_3245 : i32
      %mul3A_3247 = arith.constant 8 : i32
      %mul3A_3248 = arith.muli %add3A_3244, %mul3A_3247 : i32
      %add3A_3249 = arith.addi %mul3A_3246, %mul3A_3248 : i32
      %add3A_3250 = arith.constant 0 : i32
      %add3A_3251 = arith.addi %add3A_3249, %add3A_3250 : i32
      %jit3A_3252 = arith.constant 128 : i32
      %div3A_3253 = arith.divsi %add3A_3251, %jit3A_3252 : i32
      %sign3A_3254 = arith.constant 0 : i32
      %sign3A_3255 = arith.cmpi sgt, %add3A_3251, %sign3A_3254 : i32
      %sign3A_3256 = arith.extui %sign3A_3255 : i1 to i32
      %sign3A_3257 = arith.constant 0 : i32
      %sign3A_3258 = arith.cmpi slt, %add3A_3251, %sign3A_3257 : i32
      %sign3A_3259 = arith.extui %sign3A_3258 : i1 to i32
      %sign3A_3260 = arith.subi %sign3A_3256, %sign3A_3259 : i32
      %sign3A_3261 = arith.constant 0 : i32
      %sign3A_3262 = arith.cmpi sgt, %jit3A_3252, %sign3A_3261 : i32
      %sign3A_3263 = arith.extui %sign3A_3262 : i1 to i32
      %sign3A_3264 = arith.constant 0 : i32
      %sign3A_3265 = arith.cmpi slt, %jit3A_3252, %sign3A_3264 : i32
      %sign3A_3266 = arith.extui %sign3A_3265 : i1 to i32
      %sign3A_3267 = arith.subi %sign3A_3263, %sign3A_3266 : i32
      %ne3A_3268 = arith.cmpi ne, %sign3A_3260, %sign3A_3267 : i32
      %rem3A_3269 = arith.remsi %add3A_3251, %jit3A_3252 : i32
      %ne3A_3270 = arith.constant 0 : i32
      %ne3A_3271 = arith.cmpi ne, %rem3A_3269, %ne3A_3270 : i32
      %and3A_3272 = arith.andi %ne3A_3268, %ne3A_3271 : i1
      %sub3A_3273 = arith.constant 1 : i32
      %sub3A_3274 = arith.subi %div3A_3253, %sub3A_3273 : i32
      %select_n3A_3275 = arith.select %and3A_3272, %sub3A_3274, %div3A_3253 : i32
      %jit3A_3276 = arith.constant 128 : i32
      %eq3A_3277 = arith.constant 0 : i32
      %eq3A_3278 = arith.cmpi eq, %jit3A_3276, %eq3A_3277 : i32
      %jit3A_3279 = arith.constant 1 : i32
      %select_n3A_3280 = arith.select %eq3A_3278, %jit3A_3279, %jit3A_3276 : i32
      %rem3A_3281 = arith.remsi %add3A_3251, %select_n3A_3280 : i32
      %ne3A_3282 = arith.constant 0 : i32
      %ne3A_3283 = arith.cmpi ne, %rem3A_3281, %ne3A_3282 : i32
      %lt3A_3284 = arith.constant 0 : i32
      %lt3A_3285 = arith.cmpi slt, %rem3A_3281, %lt3A_3284 : i32
      %lt3A_3286 = arith.constant 0 : i32
      %lt3A_3287 = arith.cmpi slt, %select_n3A_3280, %lt3A_3286 : i32
      %ne3A_3288 = arith.xori %lt3A_3285, %lt3A_3287 : i1
      %and3A_3289 = arith.andi %ne3A_3288, %ne3A_3283 : i1
      %add3A_3290 = arith.addi %rem3A_3281, %select_n3A_3280 : i32
      %select_n3A_3291 = arith.select %and3A_3289, %add3A_3290, %rem3A_3281 : i32
      %mul3A_3292 = arith.constant 128 : i32
      %mul3A_3293 = arith.muli %select_n3A_3291, %mul3A_3292 : i32
      %dma_start3A_3294 = arith.constant 1 : i32
      %dma_start3A_3295 = arith.constant 0 : i32
      %dma_start3A_3296 = arith.constant 0 : i32
      %dma_start3A_3297 = arith.constant 0 : i32
      %dma_start3A_3298 = tpu.memref_slice %arg6[%dma_start3A_3294, %dma_start3A_3295, %dma_start3A_3296, %dma_start3A_3297] : memref<2x8x128x32xf32, #tpu.memory_space<vmem>> -> memref<1x1x128x32xf32, #tpu.memory_space<vmem>>
      %dma_start3A_3299 = tpu.memref_squeeze %dma_start3A_3298 : memref<1x1x128x32xf32, #tpu.memory_space<vmem>> -> memref<128x32xf32, #tpu.memory_space<vmem>>
      %dma_start3A_3300 = arith.constant 0 : i32
      %dma_start3A_3301 = tpu.memref_slice %arg4[%select_n3A_3275, %mul3A_3293, %dma_start3A_3300] : memref<50x16384x128xf32, #tpu.memory_space<hbm>> -> memref<1x128x32xf32, #tpu.memory_space<hbm>>
      %dma_start3A_3302 = tpu.memref_squeeze %dma_start3A_3301 : memref<1x128x32xf32, #tpu.memory_space<hbm>> -> memref<128x32xf32, #tpu.memory_space<hbm>>
      %dma_start3A_3303 = arith.constant 0 : i32
      %dma_start3A_3304 = tpu.memref_slice %arg4[%select_n3A_3275, %mul3A_3293, %dma_start3A_3303] : memref<50x16384x128xf32, #tpu.memory_space<hbm>> -> memref<1x128x32xf32, #tpu.memory_space<hbm>>
      %dma_start3A_3305 = tpu.memref_squeeze %dma_start3A_3304 : memref<1x128x32xf32, #tpu.memory_space<hbm>> -> memref<128x32xf32, #tpu.memory_space<hbm>>
      %dma_start3A_3306 = arith.constant 0 : i32
      %dma_start3A_3307 = arith.constant 0 : i32
      %dma_start3A_3308 = tpu.memref_slice %arg6[%dma_start3A_3294, %dma_start3A_3295, %dma_start3A_3306, %dma_start3A_3307] : memref<2x8x128x32xf32, #tpu.memory_space<vmem>> -> memref<1x1x128x32xf32, #tpu.memory_space<vmem>>
      %dma_start3A_3309 = tpu.memref_squeeze %dma_start3A_3308 : memref<1x1x128x32xf32, #tpu.memory_space<vmem>> -> memref<128x32xf32, #tpu.memory_space<vmem>>
      tpu.enqueue_dma source(%dma_start3A_3309 : memref<128x32xf32, #tpu.memory_space<vmem>>) target(%dma_start3A_3305 : memref<128x32xf32, #tpu.memory_space<hbm>>) target_semaphore(%arg10 : memref<!tpu.dma_semaphore, #tpu.memory_space<semaphore_mem>>)
      %mul3A_3310 = arith.constant 200 : i32
      %mul3A_3311 = arith.muli %add3A, %mul3A_3310 : i32
      %mul3A_3312 = arith.constant 8 : i32
      %mul3A_3313 = arith.muli %add3A_3244, %mul3A_3312 : i32
      %add3A_3314 = arith.addi %mul3A_3311, %mul3A_3313 : i32
      %add3A_3315 = arith.constant 1 : i32
      %add3A_3316 = arith.addi %add3A_3314, %add3A_3315 : i32
      %jit3A_3317 = arith.constant 128 : i32
      %div3A_3318 = arith.divsi %add3A_3316, %jit3A_3317 : i32
      %sign3A_3319 = arith.constant 0 : i32
      %sign3A_3320 = arith.cmpi sgt, %add3A_3316, %sign3A_3319 : i32
      %sign3A_3321 = arith.extui %sign3A_3320 : i1 to i32
      %sign3A_3322 = arith.constant 0 : i32
      %sign3A_3323 = arith.cmpi slt, %add3A_3316, %sign3A_3322 : i32
      %sign3A_3324 = arith.extui %sign3A_3323 : i1 to i32
      %sign3A_3325 = arith.subi %sign3A_3321, %sign3A_3324 : i32
      %sign3A_3326 = arith.constant 0 : i32
      %sign3A_3327 = arith.cmpi sgt, %jit3A_3317, %sign3A_3326 : i32
      %sign3A_3328 = arith.extui %sign3A_3327 : i1 to i32
      %sign3A_3329 = arith.constant 0 : i32
      %sign3A_3330 = arith.cmpi slt, %jit3A_3317, %sign3A_3329 : i32
      %sign3A_3331 = arith.extui %sign3A_3330 : i1 to i32
      %sign3A_3332 = arith.subi %sign3A_3328, %sign3A_3331 : i32
      %ne3A_3333 = arith.cmpi ne, %sign3A_3325, %sign3A_3332 : i32
      %rem3A_3334 = arith.remsi %add3A_3316, %jit3A_3317 : i32
      %ne3A_3335 = arith.constant 0 : i32
      %ne3A_3336 = arith.cmpi ne, %rem3A_3334, %ne3A_3335 : i32
      %and3A_3337 = arith.andi %ne3A_3333, %ne3A_3336 : i1
      %sub3A_3338 = arith.constant 1 : i32
      %sub3A_3339 = arith.subi %div3A_3318, %sub3A_3338 : i32
      %select_n3A_3340 = arith.select %and3A_3337, %sub3A_3339, %div3A_3318 : i32
      %jit3A_3341 = arith.constant 128 : i32
      %eq3A_3342 = arith.constant 0 : i32
      %eq3A_3343 = arith.cmpi eq, %jit3A_3341, %eq3A_3342 : i32
      %jit3A_3344 = arith.constant 1 : i32
      %select_n3A_3345 = arith.select %eq3A_3343, %jit3A_3344, %jit3A_3341 : i32
      %rem3A_3346 = arith.remsi %add3A_3316, %select_n3A_3345 : i32
      %ne3A_3347 = arith.constant 0 : i32
      %ne3A_3348 = arith.cmpi ne, %rem3A_3346, %ne3A_3347 : i32
      %lt3A_3349 = arith.constant 0 : i32
      %lt3A_3350 = arith.cmpi slt, %rem3A_3346, %lt3A_3349 : i32
      %lt3A_3351 = arith.constant 0 : i32
      %lt3A_3352 = arith.cmpi slt, %select_n3A_3345, %lt3A_3351 : i32
      %ne3A_3353 = arith.xori %lt3A_3350, %lt3A_3352 : i1
      %and3A_3354 = arith.andi %ne3A_3353, %ne3A_3348 : i1
      %add3A_3355 = arith.addi %rem3A_3346, %select_n3A_3345 : i32
      %select_n3A_3356 = arith.select %and3A_3354, %add3A_3355, %rem3A_3346 : i32
      %mul3A_3357 = arith.constant 128 : i32
      %mul3A_3358 = arith.muli %select_n3A_3356, %mul3A_3357 : i32
      %dma_start3A_3359 = arith.constant 1 : i32
      %dma_start3A_3360 = arith.constant 1 : i32
      %dma_start3A_3361 = arith.constant 0 : i32
      %dma_start3A_3362 = arith.constant 0 : i32
      %dma_start3A_3363 = tpu.memref_slice %arg6[%dma_start3A_3359, %dma_start3A_3360, %dma_start3A_3361, %dma_start3A_3362] : memref<2x8x128x32xf32, #tpu.memory_space<vmem>> -> memref<1x1x128x32xf32, #tpu.memory_space<vmem>>
      %dma_start3A_3364 = tpu.memref_squeeze %dma_start3A_3363 : memref<1x1x128x32xf32, #tpu.memory_space<vmem>> -> memref<128x32xf32, #tpu.memory_space<vmem>>
      %dma_start3A_3365 = arith.constant 0 : i32
      %dma_start3A_3366 = tpu.memref_slice %arg4[%select_n3A_3340, %mul3A_3358, %dma_start3A_3365] : memref<50x16384x128xf32, #tpu.memory_space<hbm>> -> memref<1x128x32xf32, #tpu.memory_space<hbm>>
      %dma_start3A_3367 = tpu.memref_squeeze %dma_start3A_3366 : memref<1x128x32xf32, #tpu.memory_space<hbm>> -> memref<128x32xf32, #tpu.memory_space<hbm>>
      %dma_start3A_3368 = arith.constant 0 : i32
      %dma_start3A_3369 = tpu.memref_slice %arg4[%select_n3A_3340, %mul3A_3358, %dma_start3A_3368] : memref<50x16384x128xf32, #tpu.memory_space<hbm>> -> memref<1x128x32xf32, #tpu.memory_space<hbm>>
      %dma_start3A_3370 = tpu.memref_squeeze %dma_start3A_3369 : memref<1x128x32xf32, #tpu.memory_space<hbm>> -> memref<128x32xf32, #tpu.memory_space<hbm>>
      %dma_start3A_3371 = arith.constant 0 : i32
      %dma_start3A_3372 = arith.constant 0 : i32
      %dma_start3A_3373 = tpu.memref_slice %arg6[%dma_start3A_3359, %dma_start3A_3360, %dma_start3A_3371, %dma_start3A_3372] : memref<2x8x128x32xf32, #tpu.memory_space<vmem>> -> memref<1x1x128x32xf32, #tpu.memory_space<vmem>>
      %dma_start3A_3374 = tpu.memref_squeeze %dma_start3A_3373 : memref<1x1x128x32xf32, #tpu.memory_space<vmem>> -> memref<128x32xf32, #tpu.memory_space<vmem>>
      tpu.enqueue_dma source(%dma_start3A_3374 : memref<128x32xf32, #tpu.memory_space<vmem>>) target(%dma_start3A_3370 : memref<128x32xf32, #tpu.memory_space<hbm>>) target_semaphore(%arg10 : memref<!tpu.dma_semaphore, #tpu.memory_space<semaphore_mem>>)
      %mul3A_3375 = arith.constant 200 : i32
      %mul3A_3376 = arith.muli %add3A, %mul3A_3375 : i32
      %mul3A_3377 = arith.constant 8 : i32
      %mul3A_3378 = arith.muli %add3A_3244, %mul3A_3377 : i32
      %add3A_3379 = arith.addi %mul3A_3376, %mul3A_3378 : i32
      %add3A_3380 = arith.constant 2 : i32
      %add3A_3381 = arith.addi %add3A_3379, %add3A_3380 : i32
      %jit3A_3382 = arith.constant 128 : i32
      %div3A_3383 = arith.divsi %add3A_3381, %jit3A_3382 : i32
      %sign3A_3384 = arith.constant 0 : i32
      %sign3A_3385 = arith.cmpi sgt, %add3A_3381, %sign3A_3384 : i32
      %sign3A_3386 = arith.extui %sign3A_3385 : i1 to i32
      %sign3A_3387 = arith.constant 0 : i32
      %sign3A_3388 = arith.cmpi slt, %add3A_3381, %sign3A_3387 : i32
      %sign3A_3389 = arith.extui %sign3A_3388 : i1 to i32
      %sign3A_3390 = arith.subi %sign3A_3386, %sign3A_3389 : i32
      %sign3A_3391 = arith.constant 0 : i32
      %sign3A_3392 = arith.cmpi sgt, %jit3A_3382, %sign3A_3391 : i32
      %sign3A_3393 = arith.extui %sign3A_3392 : i1 to i32
      %sign3A_3394 = arith.constant 0 : i32
      %sign3A_3395 = arith.cmpi slt, %jit3A_3382, %sign3A_3394 : i32
      %sign3A_3396 = arith.extui %sign3A_3395 : i1 to i32
      %sign3A_3397 = arith.subi %sign3A_3393, %sign3A_3396 : i32
      %ne3A_3398 = arith.cmpi ne, %sign3A_3390, %sign3A_3397 : i32
      %rem3A_3399 = arith.remsi %add3A_3381, %jit3A_3382 : i32
      %ne3A_3400 = arith.constant 0 : i32
      %ne3A_3401 = arith.cmpi ne, %rem3A_3399, %ne3A_3400 : i32
      %and3A_3402 = arith.andi %ne3A_3398, %ne3A_3401 : i1
      %sub3A_3403 = arith.constant 1 : i32
      %sub3A_3404 = arith.subi %div3A_3383, %sub3A_3403 : i32
      %select_n3A_3405 = arith.select %and3A_3402, %sub3A_3404, %div3A_3383 : i32
      %jit3A_3406 = arith.constant 128 : i32
      %eq3A_3407 = arith.constant 0 : i32
      %eq3A_3408 = arith.cmpi eq, %jit3A_3406, %eq3A_3407 : i32
      %jit3A_3409 = arith.constant 1 : i32
      %select_n3A_3410 = arith.select %eq3A_3408, %jit3A_3409, %jit3A_3406 : i32
      %rem3A_3411 = arith.remsi %add3A_3381, %select_n3A_3410 : i32
      %ne3A_3412 = arith.constant 0 : i32
      %ne3A_3413 = arith.cmpi ne, %rem3A_3411, %ne3A_3412 : i32
      %lt3A_3414 = arith.constant 0 : i32
      %lt3A_3415 = arith.cmpi slt, %rem3A_3411, %lt3A_3414 : i32
      %lt3A_3416 = arith.constant 0 : i32
      %lt3A_3417 = arith.cmpi slt, %select_n3A_3410, %lt3A_3416 : i32
      %ne3A_3418 = arith.xori %lt3A_3415, %lt3A_3417 : i1
      %and3A_3419 = arith.andi %ne3A_3418, %ne3A_3413 : i1
      %add3A_3420 = arith.addi %rem3A_3411, %select_n3A_3410 : i32
      %select_n3A_3421 = arith.select %and3A_3419, %add3A_3420, %rem3A_3411 : i32
      %mul3A_3422 = arith.constant 128 : i32
      %mul3A_3423 = arith.muli %select_n3A_3421, %mul3A_3422 : i32
      %dma_start3A_3424 = arith.constant 1 : i32
      %dma_start3A_3425 = arith.constant 2 : i32
      %dma_start3A_3426 = arith.constant 0 : i32
      %dma_start3A_3427 = arith.constant 0 : i32
      %dma_start3A_3428 = tpu.memref_slice %arg6[%dma_start3A_3424, %dma_start3A_3425, %dma_start3A_3426, %dma_start3A_3427] : memref<2x8x128x32xf32, #tpu.memory_space<vmem>> -> memref<1x1x128x32xf32, #tpu.memory_space<vmem>>
      %dma_start3A_3429 = tpu.memref_squeeze %dma_start3A_3428 : memref<1x1x128x32xf32, #tpu.memory_space<vmem>> -> memref<128x32xf32, #tpu.memory_space<vmem>>
      %dma_start3A_3430 = arith.constant 0 : i32
      %dma_start3A_3431 = tpu.memref_slice %arg4[%select_n3A_3405, %mul3A_3423, %dma_start3A_3430] : memref<50x16384x128xf32, #tpu.memory_space<hbm>> -> memref<1x128x32xf32, #tpu.memory_space<hbm>>
      %dma_start3A_3432 = tpu.memref_squeeze %dma_start3A_3431 : memref<1x128x32xf32, #tpu.memory_space<hbm>> -> memref<128x32xf32, #tpu.memory_space<hbm>>
      %dma_start3A_3433 = arith.constant 0 : i32
      %dma_start3A_3434 = tpu.memref_slice %arg4[%select_n3A_3405, %mul3A_3423, %dma_start3A_3433] : memref<50x16384x128xf32, #tpu.memory_space<hbm>> -> memref<1x128x32xf32, #tpu.memory_space<hbm>>
      %dma_start3A_3435 = tpu.memref_squeeze %dma_start3A_3434 : memref<1x128x32xf32, #tpu.memory_space<hbm>> -> memref<128x32xf32, #tpu.memory_space<hbm>>
      %dma_start3A_3436 = arith.constant 0 : i32
      %dma_start3A_3437 = arith.constant 0 : i32
      %dma_start3A_3438 = tpu.memref_slice %arg6[%dma_start3A_3424, %dma_start3A_3425, %dma_start3A_3436, %dma_start3A_3437] : memref<2x8x128x32xf32, #tpu.memory_space<vmem>> -> memref<1x1x128x32xf32, #tpu.memory_space<vmem>>
      %dma_start3A_3439 = tpu.memref_squeeze %dma_start3A_3438 : memref<1x1x128x32xf32, #tpu.memory_space<vmem>> -> memref<128x32xf32, #tpu.memory_space<vmem>>
      tpu.enqueue_dma source(%dma_start3A_3439 : memref<128x32xf32, #tpu.memory_space<vmem>>) target(%dma_start3A_3435 : memref<128x32xf32, #tpu.memory_space<hbm>>) target_semaphore(%arg10 : memref<!tpu.dma_semaphore, #tpu.memory_space<semaphore_mem>>)
      %mul3A_3440 = arith.constant 200 : i32
      %mul3A_3441 = arith.muli %add3A, %mul3A_3440 : i32
      %mul3A_3442 = arith.constant 8 : i32
      %mul3A_3443 = arith.muli %add3A_3244, %mul3A_3442 : i32
      %add3A_3444 = arith.addi %mul3A_3441, %mul3A_3443 : i32
      %add3A_3445 = arith.constant 3 : i32
      %add3A_3446 = arith.addi %add3A_3444, %add3A_3445 : i32
      %jit3A_3447 = arith.constant 128 : i32
      %div3A_3448 = arith.divsi %add3A_3446, %jit3A_3447 : i32
      %sign3A_3449 = arith.constant 0 : i32
      %sign3A_3450 = arith.cmpi sgt, %add3A_3446, %sign3A_3449 : i32
      %sign3A_3451 = arith.extui %sign3A_3450 : i1 to i32
      %sign3A_3452 = arith.constant 0 : i32
      %sign3A_3453 = arith.cmpi slt, %add3A_3446, %sign3A_3452 : i32
      %sign3A_3454 = arith.extui %sign3A_3453 : i1 to i32
      %sign3A_3455 = arith.subi %sign3A_3451, %sign3A_3454 : i32
      %sign3A_3456 = arith.constant 0 : i32
      %sign3A_3457 = arith.cmpi sgt, %jit3A_3447, %sign3A_3456 : i32
      %sign3A_3458 = arith.extui %sign3A_3457 : i1 to i32
      %sign3A_3459 = arith.constant 0 : i32
      %sign3A_3460 = arith.cmpi slt, %jit3A_3447, %sign3A_3459 : i32
      %sign3A_3461 = arith.extui %sign3A_3460 : i1 to i32
      %sign3A_3462 = arith.subi %sign3A_3458, %sign3A_3461 : i32
      %ne3A_3463 = arith.cmpi ne, %sign3A_3455, %sign3A_3462 : i32
      %rem3A_3464 = arith.remsi %add3A_3446, %jit3A_3447 : i32
      %ne3A_3465 = arith.constant 0 : i32
      %ne3A_3466 = arith.cmpi ne, %rem3A_3464, %ne3A_3465 : i32
      %and3A_3467 = arith.andi %ne3A_3463, %ne3A_3466 : i1
      %sub3A_3468 = arith.constant 1 : i32
      %sub3A_3469 = arith.subi %div3A_3448, %sub3A_3468 : i32
      %select_n3A_3470 = arith.select %and3A_3467, %sub3A_3469, %div3A_3448 : i32
      %jit3A_3471 = arith.constant 128 : i32
      %eq3A_3472 = arith.constant 0 : i32
      %eq3A_3473 = arith.cmpi eq, %jit3A_3471, %eq3A_3472 : i32
      %jit3A_3474 = arith.constant 1 : i32
      %select_n3A_3475 = arith.select %eq3A_3473, %jit3A_3474, %jit3A_3471 : i32
      %rem3A_3476 = arith.remsi %add3A_3446, %select_n3A_3475 : i32
      %ne3A_3477 = arith.constant 0 : i32
      %ne3A_3478 = arith.cmpi ne, %rem3A_3476, %ne3A_3477 : i32
      %lt3A_3479 = arith.constant 0 : i32
      %lt3A_3480 = arith.cmpi slt, %rem3A_3476, %lt3A_3479 : i32
      %lt3A_3481 = arith.constant 0 : i32
      %lt3A_3482 = arith.cmpi slt, %select_n3A_3475, %lt3A_3481 : i32
      %ne3A_3483 = arith.xori %lt3A_3480, %lt3A_3482 : i1
      %and3A_3484 = arith.andi %ne3A_3483, %ne3A_3478 : i1
      %add3A_3485 = arith.addi %rem3A_3476, %select_n3A_3475 : i32
      %select_n3A_3486 = arith.select %and3A_3484, %add3A_3485, %rem3A_3476 : i32
      %mul3A_3487 = arith.constant 128 : i32
      %mul3A_3488 = arith.muli %select_n3A_3486, %mul3A_3487 : i32
      %dma_start3A_3489 = arith.constant 1 : i32
      %dma_start3A_3490 = arith.constant 3 : i32
      %dma_start3A_3491 = arith.constant 0 : i32
      %dma_start3A_3492 = arith.constant 0 : i32
      %dma_start3A_3493 = tpu.memref_slice %arg6[%dma_start3A_3489, %dma_start3A_3490, %dma_start3A_3491, %dma_start3A_3492] : memref<2x8x128x32xf32, #tpu.memory_space<vmem>> -> memref<1x1x128x32xf32, #tpu.memory_space<vmem>>
      %dma_start3A_3494 = tpu.memref_squeeze %dma_start3A_3493 : memref<1x1x128x32xf32, #tpu.memory_space<vmem>> -> memref<128x32xf32, #tpu.memory_space<vmem>>
      %dma_start3A_3495 = arith.constant 0 : i32
      %dma_start3A_3496 = tpu.memref_slice %arg4[%select_n3A_3470, %mul3A_3488, %dma_start3A_3495] : memref<50x16384x128xf32, #tpu.memory_space<hbm>> -> memref<1x128x32xf32, #tpu.memory_space<hbm>>
      %dma_start3A_3497 = tpu.memref_squeeze %dma_start3A_3496 : memref<1x128x32xf32, #tpu.memory_space<hbm>> -> memref<128x32xf32, #tpu.memory_space<hbm>>
      %dma_start3A_3498 = arith.constant 0 : i32
      %dma_start3A_3499 = tpu.memref_slice %arg4[%select_n3A_3470, %mul3A_3488, %dma_start3A_3498] : memref<50x16384x128xf32, #tpu.memory_space<hbm>> -> memref<1x128x32xf32, #tpu.memory_space<hbm>>
      %dma_start3A_3500 = tpu.memref_squeeze %dma_start3A_3499 : memref<1x128x32xf32, #tpu.memory_space<hbm>> -> memref<128x32xf32, #tpu.memory_space<hbm>>
      %dma_start3A_3501 = arith.constant 0 : i32
      %dma_start3A_3502 = arith.constant 0 : i32
      %dma_start3A_3503 = tpu.memref_slice %arg6[%dma_start3A_3489, %dma_start3A_3490, %dma_start3A_3501, %dma_start3A_3502] : memref<2x8x128x32xf32, #tpu.memory_space<vmem>> -> memref<1x1x128x32xf32, #tpu.memory_space<vmem>>
      %dma_start3A_3504 = tpu.memref_squeeze %dma_start3A_3503 : memref<1x1x128x32xf32, #tpu.memory_space<vmem>> -> memref<128x32xf32, #tpu.memory_space<vmem>>
      tpu.enqueue_dma source(%dma_start3A_3504 : memref<128x32xf32, #tpu.memory_space<vmem>>) target(%dma_start3A_3500 : memref<128x32xf32, #tpu.memory_space<hbm>>) target_semaphore(%arg10 : memref<!tpu.dma_semaphore, #tpu.memory_space<semaphore_mem>>)
      %mul3A_3505 = arith.constant 200 : i32
      %mul3A_3506 = arith.muli %add3A, %mul3A_3505 : i32
      %mul3A_3507 = arith.constant 8 : i32
      %mul3A_3508 = arith.muli %add3A_3244, %mul3A_3507 : i32
      %add3A_3509 = arith.addi %mul3A_3506, %mul3A_3508 : i32
      %add3A_3510 = arith.constant 4 : i32
      %add3A_3511 = arith.addi %add3A_3509, %add3A_3510 : i32
      %jit3A_3512 = arith.constant 128 : i32
      %div3A_3513 = arith.divsi %add3A_3511, %jit3A_3512 : i32
      %sign3A_3514 = arith.constant 0 : i32
      %sign3A_3515 = arith.cmpi sgt, %add3A_3511, %sign3A_3514 : i32
      %sign3A_3516 = arith.extui %sign3A_3515 : i1 to i32
      %sign3A_3517 = arith.constant 0 : i32
      %sign3A_3518 = arith.cmpi slt, %add3A_3511, %sign3A_3517 : i32
      %sign3A_3519 = arith.extui %sign3A_3518 : i1 to i32
      %sign3A_3520 = arith.subi %sign3A_3516, %sign3A_3519 : i32
      %sign3A_3521 = arith.constant 0 : i32
      %sign3A_3522 = arith.cmpi sgt, %jit3A_3512, %sign3A_3521 : i32
      %sign3A_3523 = arith.extui %sign3A_3522 : i1 to i32
      %sign3A_3524 = arith.constant 0 : i32
      %sign3A_3525 = arith.cmpi slt, %jit3A_3512, %sign3A_3524 : i32
      %sign3A_3526 = arith.extui %sign3A_3525 : i1 to i32
      %sign3A_3527 = arith.subi %sign3A_3523, %sign3A_3526 : i32
      %ne3A_3528 = arith.cmpi ne, %sign3A_3520, %sign3A_3527 : i32
      %rem3A_3529 = arith.remsi %add3A_3511, %jit3A_3512 : i32
      %ne3A_3530 = arith.constant 0 : i32
      %ne3A_3531 = arith.cmpi ne, %rem3A_3529, %ne3A_3530 : i32
      %and3A_3532 = arith.andi %ne3A_3528, %ne3A_3531 : i1
      %sub3A_3533 = arith.constant 1 : i32
      %sub3A_3534 = arith.subi %div3A_3513, %sub3A_3533 : i32
      %select_n3A_3535 = arith.select %and3A_3532, %sub3A_3534, %div3A_3513 : i32
      %jit3A_3536 = arith.constant 128 : i32
      %eq3A_3537 = arith.constant 0 : i32
      %eq3A_3538 = arith.cmpi eq, %jit3A_3536, %eq3A_3537 : i32
      %jit3A_3539 = arith.constant 1 : i32
      %select_n3A_3540 = arith.select %eq3A_3538, %jit3A_3539, %jit3A_3536 : i32
      %rem3A_3541 = arith.remsi %add3A_3511, %select_n3A_3540 : i32
      %ne3A_3542 = arith.constant 0 : i32
      %ne3A_3543 = arith.cmpi ne, %rem3A_3541, %ne3A_3542 : i32
      %lt3A_3544 = arith.constant 0 : i32
      %lt3A_3545 = arith.cmpi slt, %rem3A_3541, %lt3A_3544 : i32
      %lt3A_3546 = arith.constant 0 : i32
      %lt3A_3547 = arith.cmpi slt, %select_n3A_3540, %lt3A_3546 : i32
      %ne3A_3548 = arith.xori %lt3A_3545, %lt3A_3547 : i1
      %and3A_3549 = arith.andi %ne3A_3548, %ne3A_3543 : i1
      %add3A_3550 = arith.addi %rem3A_3541, %select_n3A_3540 : i32
      %select_n3A_3551 = arith.select %and3A_3549, %add3A_3550, %rem3A_3541 : i32
      %mul3A_3552 = arith.constant 128 : i32
      %mul3A_3553 = arith.muli %select_n3A_3551, %mul3A_3552 : i32
      %dma_start3A_3554 = arith.constant 1 : i32
      %dma_start3A_3555 = arith.constant 4 : i32
      %dma_start3A_3556 = arith.constant 0 : i32
      %dma_start3A_3557 = arith.constant 0 : i32
      %dma_start3A_3558 = tpu.memref_slice %arg6[%dma_start3A_3554, %dma_start3A_3555, %dma_start3A_3556, %dma_start3A_3557] : memref<2x8x128x32xf32, #tpu.memory_space<vmem>> -> memref<1x1x128x32xf32, #tpu.memory_space<vmem>>
      %dma_start3A_3559 = tpu.memref_squeeze %dma_start3A_3558 : memref<1x1x128x32xf32, #tpu.memory_space<vmem>> -> memref<128x32xf32, #tpu.memory_space<vmem>>
      %dma_start3A_3560 = arith.constant 0 : i32
      %dma_start3A_3561 = tpu.memref_slice %arg4[%select_n3A_3535, %mul3A_3553, %dma_start3A_3560] : memref<50x16384x128xf32, #tpu.memory_space<hbm>> -> memref<1x128x32xf32, #tpu.memory_space<hbm>>
      %dma_start3A_3562 = tpu.memref_squeeze %dma_start3A_3561 : memref<1x128x32xf32, #tpu.memory_space<hbm>> -> memref<128x32xf32, #tpu.memory_space<hbm>>
      %dma_start3A_3563 = arith.constant 0 : i32
      %dma_start3A_3564 = tpu.memref_slice %arg4[%select_n3A_3535, %mul3A_3553, %dma_start3A_3563] : memref<50x16384x128xf32, #tpu.memory_space<hbm>> -> memref<1x128x32xf32, #tpu.memory_space<hbm>>
      %dma_start3A_3565 = tpu.memref_squeeze %dma_start3A_3564 : memref<1x128x32xf32, #tpu.memory_space<hbm>> -> memref<128x32xf32, #tpu.memory_space<hbm>>
      %dma_start3A_3566 = arith.constant 0 : i32
      %dma_start3A_3567 = arith.constant 0 : i32
      %dma_start3A_3568 = tpu.memref_slice %arg6[%dma_start3A_3554, %dma_start3A_3555, %dma_start3A_3566, %dma_start3A_3567] : memref<2x8x128x32xf32, #tpu.memory_space<vmem>> -> memref<1x1x128x32xf32, #tpu.memory_space<vmem>>
      %dma_start3A_3569 = tpu.memref_squeeze %dma_start3A_3568 : memref<1x1x128x32xf32, #tpu.memory_space<vmem>> -> memref<128x32xf32, #tpu.memory_space<vmem>>
      tpu.enqueue_dma source(%dma_start3A_3569 : memref<128x32xf32, #tpu.memory_space<vmem>>) target(%dma_start3A_3565 : memref<128x32xf32, #tpu.memory_space<hbm>>) target_semaphore(%arg10 : memref<!tpu.dma_semaphore, #tpu.memory_space<semaphore_mem>>)
      %mul3A_3570 = arith.constant 200 : i32
      %mul3A_3571 = arith.muli %add3A, %mul3A_3570 : i32
      %mul3A_3572 = arith.constant 8 : i32
      %mul3A_3573 = arith.muli %add3A_3244, %mul3A_3572 : i32
      %add3A_3574 = arith.addi %mul3A_3571, %mul3A_3573 : i32
      %add3A_3575 = arith.constant 5 : i32
      %add3A_3576 = arith.addi %add3A_3574, %add3A_3575 : i32
      %jit3A_3577 = arith.constant 128 : i32
      %div3A_3578 = arith.divsi %add3A_3576, %jit3A_3577 : i32
      %sign3A_3579 = arith.constant 0 : i32
      %sign3A_3580 = arith.cmpi sgt, %add3A_3576, %sign3A_3579 : i32
      %sign3A_3581 = arith.extui %sign3A_3580 : i1 to i32
      %sign3A_3582 = arith.constant 0 : i32
      %sign3A_3583 = arith.cmpi slt, %add3A_3576, %sign3A_3582 : i32
      %sign3A_3584 = arith.extui %sign3A_3583 : i1 to i32
      %sign3A_3585 = arith.subi %sign3A_3581, %sign3A_3584 : i32
      %sign3A_3586 = arith.constant 0 : i32
      %sign3A_3587 = arith.cmpi sgt, %jit3A_3577, %sign3A_3586 : i32
      %sign3A_3588 = arith.extui %sign3A_3587 : i1 to i32
      %sign3A_3589 = arith.constant 0 : i32
      %sign3A_3590 = arith.cmpi slt, %jit3A_3577, %sign3A_3589 : i32
      %sign3A_3591 = arith.extui %sign3A_3590 : i1 to i32
      %sign3A_3592 = arith.subi %sign3A_3588, %sign3A_3591 : i32
      %ne3A_3593 = arith.cmpi ne, %sign3A_3585, %sign3A_3592 : i32
      %rem3A_3594 = arith.remsi %add3A_3576, %jit3A_3577 : i32
      %ne3A_3595 = arith.constant 0 : i32
      %ne3A_3596 = arith.cmpi ne, %rem3A_3594, %ne3A_3595 : i32
      %and3A_3597 = arith.andi %ne3A_3593, %ne3A_3596 : i1
      %sub3A_3598 = arith.constant 1 : i32
      %sub3A_3599 = arith.subi %div3A_3578, %sub3A_3598 : i32
      %select_n3A_3600 = arith.select %and3A_3597, %sub3A_3599, %div3A_3578 : i32
      %jit3A_3601 = arith.constant 128 : i32
      %eq3A_3602 = arith.constant 0 : i32
      %eq3A_3603 = arith.cmpi eq, %jit3A_3601, %eq3A_3602 : i32
      %jit3A_3604 = arith.constant 1 : i32
      %select_n3A_3605 = arith.select %eq3A_3603, %jit3A_3604, %jit3A_3601 : i32
      %rem3A_3606 = arith.remsi %add3A_3576, %select_n3A_3605 : i32
      %ne3A_3607 = arith.constant 0 : i32
      %ne3A_3608 = arith.cmpi ne, %rem3A_3606, %ne3A_3607 : i32
      %lt3A_3609 = arith.constant 0 : i32
      %lt3A_3610 = arith.cmpi slt, %rem3A_3606, %lt3A_3609 : i32
      %lt3A_3611 = arith.constant 0 : i32
      %lt3A_3612 = arith.cmpi slt, %select_n3A_3605, %lt3A_3611 : i32
      %ne3A_3613 = arith.xori %lt3A_3610, %lt3A_3612 : i1
      %and3A_3614 = arith.andi %ne3A_3613, %ne3A_3608 : i1
      %add3A_3615 = arith.addi %rem3A_3606, %select_n3A_3605 : i32
      %select_n3A_3616 = arith.select %and3A_3614, %add3A_3615, %rem3A_3606 : i32
      %mul3A_3617 = arith.constant 128 : i32
      %mul3A_3618 = arith.muli %select_n3A_3616, %mul3A_3617 : i32
      %dma_start3A_3619 = arith.constant 1 : i32
      %dma_start3A_3620 = arith.constant 5 : i32
      %dma_start3A_3621 = arith.constant 0 : i32
      %dma_start3A_3622 = arith.constant 0 : i32
      %dma_start3A_3623 = tpu.memref_slice %arg6[%dma_start3A_3619, %dma_start3A_3620, %dma_start3A_3621, %dma_start3A_3622] : memref<2x8x128x32xf32, #tpu.memory_space<vmem>> -> memref<1x1x128x32xf32, #tpu.memory_space<vmem>>
      %dma_start3A_3624 = tpu.memref_squeeze %dma_start3A_3623 : memref<1x1x128x32xf32, #tpu.memory_space<vmem>> -> memref<128x32xf32, #tpu.memory_space<vmem>>
      %dma_start3A_3625 = arith.constant 0 : i32
      %dma_start3A_3626 = tpu.memref_slice %arg4[%select_n3A_3600, %mul3A_3618, %dma_start3A_3625] : memref<50x16384x128xf32, #tpu.memory_space<hbm>> -> memref<1x128x32xf32, #tpu.memory_space<hbm>>
      %dma_start3A_3627 = tpu.memref_squeeze %dma_start3A_3626 : memref<1x128x32xf32, #tpu.memory_space<hbm>> -> memref<128x32xf32, #tpu.memory_space<hbm>>
      %dma_start3A_3628 = arith.constant 0 : i32
      %dma_start3A_3629 = tpu.memref_slice %arg4[%select_n3A_3600, %mul3A_3618, %dma_start3A_3628] : memref<50x16384x128xf32, #tpu.memory_space<hbm>> -> memref<1x128x32xf32, #tpu.memory_space<hbm>>
      %dma_start3A_3630 = tpu.memref_squeeze %dma_start3A_3629 : memref<1x128x32xf32, #tpu.memory_space<hbm>> -> memref<128x32xf32, #tpu.memory_space<hbm>>
      %dma_start3A_3631 = arith.constant 0 : i32
      %dma_start3A_3632 = arith.constant 0 : i32
      %dma_start3A_3633 = tpu.memref_slice %arg6[%dma_start3A_3619, %dma_start3A_3620, %dma_start3A_3631, %dma_start3A_3632] : memref<2x8x128x32xf32, #tpu.memory_space<vmem>> -> memref<1x1x128x32xf32, #tpu.memory_space<vmem>>
      %dma_start3A_3634 = tpu.memref_squeeze %dma_start3A_3633 : memref<1x1x128x32xf32, #tpu.memory_space<vmem>> -> memref<128x32xf32, #tpu.memory_space<vmem>>
      tpu.enqueue_dma source(%dma_start3A_3634 : memref<128x32xf32, #tpu.memory_space<vmem>>) target(%dma_start3A_3630 : memref<128x32xf32, #tpu.memory_space<hbm>>) target_semaphore(%arg10 : memref<!tpu.dma_semaphore, #tpu.memory_space<semaphore_mem>>)
      %mul3A_3635 = arith.constant 200 : i32
      %mul3A_3636 = arith.muli %add3A, %mul3A_3635 : i32
      %mul3A_3637 = arith.constant 8 : i32
      %mul3A_3638 = arith.muli %add3A_3244, %mul3A_3637 : i32
      %add3A_3639 = arith.addi %mul3A_3636, %mul3A_3638 : i32
      %add3A_3640 = arith.constant 6 : i32
      %add3A_3641 = arith.addi %add3A_3639, %add3A_3640 : i32
      %jit3A_3642 = arith.constant 128 : i32
      %div3A_3643 = arith.divsi %add3A_3641, %jit3A_3642 : i32
      %sign3A_3644 = arith.constant 0 : i32
      %sign3A_3645 = arith.cmpi sgt, %add3A_3641, %sign3A_3644 : i32
      %sign3A_3646 = arith.extui %sign3A_3645 : i1 to i32
      %sign3A_3647 = arith.constant 0 : i32
      %sign3A_3648 = arith.cmpi slt, %add3A_3641, %sign3A_3647 : i32
      %sign3A_3649 = arith.extui %sign3A_3648 : i1 to i32
      %sign3A_3650 = arith.subi %sign3A_3646, %sign3A_3649 : i32
      %sign3A_3651 = arith.constant 0 : i32
      %sign3A_3652 = arith.cmpi sgt, %jit3A_3642, %sign3A_3651 : i32
      %sign3A_3653 = arith.extui %sign3A_3652 : i1 to i32
      %sign3A_3654 = arith.constant 0 : i32
      %sign3A_3655 = arith.cmpi slt, %jit3A_3642, %sign3A_3654 : i32
      %sign3A_3656 = arith.extui %sign3A_3655 : i1 to i32
      %sign3A_3657 = arith.subi %sign3A_3653, %sign3A_3656 : i32
      %ne3A_3658 = arith.cmpi ne, %sign3A_3650, %sign3A_3657 : i32
      %rem3A_3659 = arith.remsi %add3A_3641, %jit3A_3642 : i32
      %ne3A_3660 = arith.constant 0 : i32
      %ne3A_3661 = arith.cmpi ne, %rem3A_3659, %ne3A_3660 : i32
      %and3A_3662 = arith.andi %ne3A_3658, %ne3A_3661 : i1
      %sub3A_3663 = arith.constant 1 : i32
      %sub3A_3664 = arith.subi %div3A_3643, %sub3A_3663 : i32
      %select_n3A_3665 = arith.select %and3A_3662, %sub3A_3664, %div3A_3643 : i32
      %jit3A_3666 = arith.constant 128 : i32
      %eq3A_3667 = arith.constant 0 : i32
      %eq3A_3668 = arith.cmpi eq, %jit3A_3666, %eq3A_3667 : i32
      %jit3A_3669 = arith.constant 1 : i32
      %select_n3A_3670 = arith.select %eq3A_3668, %jit3A_3669, %jit3A_3666 : i32
      %rem3A_3671 = arith.remsi %add3A_3641, %select_n3A_3670 : i32
      %ne3A_3672 = arith.constant 0 : i32
      %ne3A_3673 = arith.cmpi ne, %rem3A_3671, %ne3A_3672 : i32
      %lt3A_3674 = arith.constant 0 : i32
      %lt3A_3675 = arith.cmpi slt, %rem3A_3671, %lt3A_3674 : i32
      %lt3A_3676 = arith.constant 0 : i32
      %lt3A_3677 = arith.cmpi slt, %select_n3A_3670, %lt3A_3676 : i32
      %ne3A_3678 = arith.xori %lt3A_3675, %lt3A_3677 : i1
      %and3A_3679 = arith.andi %ne3A_3678, %ne3A_3673 : i1
      %add3A_3680 = arith.addi %rem3A_3671, %select_n3A_3670 : i32
      %select_n3A_3681 = arith.select %and3A_3679, %add3A_3680, %rem3A_3671 : i32
      %mul3A_3682 = arith.constant 128 : i32
      %mul3A_3683 = arith.muli %select_n3A_3681, %mul3A_3682 : i32
      %dma_start3A_3684 = arith.constant 1 : i32
      %dma_start3A_3685 = arith.constant 6 : i32
      %dma_start3A_3686 = arith.constant 0 : i32
      %dma_start3A_3687 = arith.constant 0 : i32
      %dma_start3A_3688 = tpu.memref_slice %arg6[%dma_start3A_3684, %dma_start3A_3685, %dma_start3A_3686, %dma_start3A_3687] : memref<2x8x128x32xf32, #tpu.memory_space<vmem>> -> memref<1x1x128x32xf32, #tpu.memory_space<vmem>>
      %dma_start3A_3689 = tpu.memref_squeeze %dma_start3A_3688 : memref<1x1x128x32xf32, #tpu.memory_space<vmem>> -> memref<128x32xf32, #tpu.memory_space<vmem>>
      %dma_start3A_3690 = arith.constant 0 : i32
      %dma_start3A_3691 = tpu.memref_slice %arg4[%select_n3A_3665, %mul3A_3683, %dma_start3A_3690] : memref<50x16384x128xf32, #tpu.memory_space<hbm>> -> memref<1x128x32xf32, #tpu.memory_space<hbm>>
      %dma_start3A_3692 = tpu.memref_squeeze %dma_start3A_3691 : memref<1x128x32xf32, #tpu.memory_space<hbm>> -> memref<128x32xf32, #tpu.memory_space<hbm>>
      %dma_start3A_3693 = arith.constant 0 : i32
      %dma_start3A_3694 = tpu.memref_slice %arg4[%select_n3A_3665, %mul3A_3683, %dma_start3A_3693] : memref<50x16384x128xf32, #tpu.memory_space<hbm>> -> memref<1x128x32xf32, #tpu.memory_space<hbm>>
      %dma_start3A_3695 = tpu.memref_squeeze %dma_start3A_3694 : memref<1x128x32xf32, #tpu.memory_space<hbm>> -> memref<128x32xf32, #tpu.memory_space<hbm>>
      %dma_start3A_3696 = arith.constant 0 : i32
      %dma_start3A_3697 = arith.constant 0 : i32
      %dma_start3A_3698 = tpu.memref_slice %arg6[%dma_start3A_3684, %dma_start3A_3685, %dma_start3A_3696, %dma_start3A_3697] : memref<2x8x128x32xf32, #tpu.memory_space<vmem>> -> memref<1x1x128x32xf32, #tpu.memory_space<vmem>>
      %dma_start3A_3699 = tpu.memref_squeeze %dma_start3A_3698 : memref<1x1x128x32xf32, #tpu.memory_space<vmem>> -> memref<128x32xf32, #tpu.memory_space<vmem>>
      tpu.enqueue_dma source(%dma_start3A_3699 : memref<128x32xf32, #tpu.memory_space<vmem>>) target(%dma_start3A_3695 : memref<128x32xf32, #tpu.memory_space<hbm>>) target_semaphore(%arg10 : memref<!tpu.dma_semaphore, #tpu.memory_space<semaphore_mem>>)
      %mul3A_3700 = arith.constant 200 : i32
      %mul3A_3701 = arith.muli %add3A, %mul3A_3700 : i32
      %mul3A_3702 = arith.constant 8 : i32
      %mul3A_3703 = arith.muli %add3A_3244, %mul3A_3702 : i32
      %add3A_3704 = arith.addi %mul3A_3701, %mul3A_3703 : i32
      %add3A_3705 = arith.constant 7 : i32
      %add3A_3706 = arith.addi %add3A_3704, %add3A_3705 : i32
      %jit3A_3707 = arith.constant 128 : i32
      %div3A_3708 = arith.divsi %add3A_3706, %jit3A_3707 : i32
      %sign3A_3709 = arith.constant 0 : i32
      %sign3A_3710 = arith.cmpi sgt, %add3A_3706, %sign3A_3709 : i32
      %sign3A_3711 = arith.extui %sign3A_3710 : i1 to i32
      %sign3A_3712 = arith.constant 0 : i32
      %sign3A_3713 = arith.cmpi slt, %add3A_3706, %sign3A_3712 : i32
      %sign3A_3714 = arith.extui %sign3A_3713 : i1 to i32
      %sign3A_3715 = arith.subi %sign3A_3711, %sign3A_3714 : i32
      %sign3A_3716 = arith.constant 0 : i32
      %sign3A_3717 = arith.cmpi sgt, %jit3A_3707, %sign3A_3716 : i32
      %sign3A_3718 = arith.extui %sign3A_3717 : i1 to i32
      %sign3A_3719 = arith.constant 0 : i32
      %sign3A_3720 = arith.cmpi slt, %jit3A_3707, %sign3A_3719 : i32
      %sign3A_3721 = arith.extui %sign3A_3720 : i1 to i32
      %sign3A_3722 = arith.subi %sign3A_3718, %sign3A_3721 : i32
      %ne3A_3723 = arith.cmpi ne, %sign3A_3715, %sign3A_3722 : i32
      %rem3A_3724 = arith.remsi %add3A_3706, %jit3A_3707 : i32
      %ne3A_3725 = arith.constant 0 : i32
      %ne3A_3726 = arith.cmpi ne, %rem3A_3724, %ne3A_3725 : i32
      %and3A_3727 = arith.andi %ne3A_3723, %ne3A_3726 : i1
      %sub3A_3728 = arith.constant 1 : i32
      %sub3A_3729 = arith.subi %div3A_3708, %sub3A_3728 : i32
      %select_n3A_3730 = arith.select %and3A_3727, %sub3A_3729, %div3A_3708 : i32
      %jit3A_3731 = arith.constant 128 : i32
      %eq3A_3732 = arith.constant 0 : i32
      %eq3A_3733 = arith.cmpi eq, %jit3A_3731, %eq3A_3732 : i32
      %jit3A_3734 = arith.constant 1 : i32
      %select_n3A_3735 = arith.select %eq3A_3733, %jit3A_3734, %jit3A_3731 : i32
      %rem3A_3736 = arith.remsi %add3A_3706, %select_n3A_3735 : i32
      %ne3A_3737 = arith.constant 0 : i32
      %ne3A_3738 = arith.cmpi ne, %rem3A_3736, %ne3A_3737 : i32
      %lt3A_3739 = arith.constant 0 : i32
      %lt3A_3740 = arith.cmpi slt, %rem3A_3736, %lt3A_3739 : i32
      %lt3A_3741 = arith.constant 0 : i32
      %lt3A_3742 = arith.cmpi slt, %select_n3A_3735, %lt3A_3741 : i32
      %ne3A_3743 = arith.xori %lt3A_3740, %lt3A_3742 : i1
      %and3A_3744 = arith.andi %ne3A_3743, %ne3A_3738 : i1
      %add3A_3745 = arith.addi %rem3A_3736, %select_n3A_3735 : i32
      %select_n3A_3746 = arith.select %and3A_3744, %add3A_3745, %rem3A_3736 : i32
      %mul3A_3747 = arith.constant 128 : i32
      %mul3A_3748 = arith.muli %select_n3A_3746, %mul3A_3747 : i32
      %dma_start3A_3749 = arith.constant 1 : i32
      %dma_start3A_3750 = arith.constant 7 : i32
      %dma_start3A_3751 = arith.constant 0 : i32
      %dma_start3A_3752 = arith.constant 0 : i32
      %dma_start3A_3753 = tpu.memref_slice %arg6[%dma_start3A_3749, %dma_start3A_3750, %dma_start3A_3751, %dma_start3A_3752] : memref<2x8x128x32xf32, #tpu.memory_space<vmem>> -> memref<1x1x128x32xf32, #tpu.memory_space<vmem>>
      %dma_start3A_3754 = tpu.memref_squeeze %dma_start3A_3753 : memref<1x1x128x32xf32, #tpu.memory_space<vmem>> -> memref<128x32xf32, #tpu.memory_space<vmem>>
      %dma_start3A_3755 = arith.constant 0 : i32
      %dma_start3A_3756 = tpu.memref_slice %arg4[%select_n3A_3730, %mul3A_3748, %dma_start3A_3755] : memref<50x16384x128xf32, #tpu.memory_space<hbm>> -> memref<1x128x32xf32, #tpu.memory_space<hbm>>
      %dma_start3A_3757 = tpu.memref_squeeze %dma_start3A_3756 : memref<1x128x32xf32, #tpu.memory_space<hbm>> -> memref<128x32xf32, #tpu.memory_space<hbm>>
      %dma_start3A_3758 = arith.constant 0 : i32
      %dma_start3A_3759 = tpu.memref_slice %arg4[%select_n3A_3730, %mul3A_3748, %dma_start3A_3758] : memref<50x16384x128xf32, #tpu.memory_space<hbm>> -> memref<1x128x32xf32, #tpu.memory_space<hbm>>
      %dma_start3A_3760 = tpu.memref_squeeze %dma_start3A_3759 : memref<1x128x32xf32, #tpu.memory_space<hbm>> -> memref<128x32xf32, #tpu.memory_space<hbm>>
      %dma_start3A_3761 = arith.constant 0 : i32
      %dma_start3A_3762 = arith.constant 0 : i32
      %dma_start3A_3763 = tpu.memref_slice %arg6[%dma_start3A_3749, %dma_start3A_3750, %dma_start3A_3761, %dma_start3A_3762] : memref<2x8x128x32xf32, #tpu.memory_space<vmem>> -> memref<1x1x128x32xf32, #tpu.memory_space<vmem>>
      %dma_start3A_3764 = tpu.memref_squeeze %dma_start3A_3763 : memref<1x1x128x32xf32, #tpu.memory_space<vmem>> -> memref<128x32xf32, #tpu.memory_space<vmem>>
      tpu.enqueue_dma source(%dma_start3A_3764 : memref<128x32xf32, #tpu.memory_space<vmem>>) target(%dma_start3A_3760 : memref<128x32xf32, #tpu.memory_space<hbm>>) target_semaphore(%arg10 : memref<!tpu.dma_semaphore, #tpu.memory_space<semaphore_mem>>)
    }
    %scan3A_108 = arith.constant 12 : i32
    %mul3A_109 = arith.constant 200 : i32
    %mul3A_110 = arith.muli %add3A, %mul3A_109 : i32
    %add3A_111 = arith.constant 0 : i32
    %add3A_112 = arith.addi %mul3A_110, %add3A_111 : i32
    %add3A_113 = arith.constant 0 : i32
    %add3A_114 = arith.addi %add3A_112, %add3A_113 : i32
    %jit3A = arith.constant 128 : i32
    %div3A = arith.divsi %add3A_114, %jit3A : i32
    %sign3A = arith.constant 0 : i32
    %sign3A_115 = arith.cmpi sgt, %add3A_114, %sign3A : i32
    %sign3A_116 = arith.extui %sign3A_115 : i1 to i32
    %sign3A_117 = arith.constant 0 : i32
    %sign3A_118 = arith.cmpi slt, %add3A_114, %sign3A_117 : i32
    %sign3A_119 = arith.extui %sign3A_118 : i1 to i32
    %sign3A_120 = arith.subi %sign3A_116, %sign3A_119 : i32
    %sign3A_121 = arith.constant 0 : i32
    %sign3A_122 = arith.cmpi sgt, %jit3A, %sign3A_121 : i32
    %sign3A_123 = arith.extui %sign3A_122 : i1 to i32
    %sign3A_124 = arith.constant 0 : i32
    %sign3A_125 = arith.cmpi slt, %jit3A, %sign3A_124 : i32
    %sign3A_126 = arith.extui %sign3A_125 : i1 to i32
    %sign3A_127 = arith.subi %sign3A_123, %sign3A_126 : i32
    %ne3A = arith.cmpi ne, %sign3A_120, %sign3A_127 : i32
    %rem3A = arith.remsi %add3A_114, %jit3A : i32
    %ne3A_128 = arith.constant 0 : i32
    %ne3A_129 = arith.cmpi ne, %rem3A, %ne3A_128 : i32
    %and3A = arith.andi %ne3A, %ne3A_129 : i1
    %sub3A = arith.constant 1 : i32
    %sub3A_130 = arith.subi %div3A, %sub3A : i32
    %select_n3A = arith.select %and3A, %sub3A_130, %div3A : i32
    %jit3A_131 = arith.constant 128 : i32
    %eq3A = arith.constant 0 : i32
    %eq3A_132 = arith.cmpi eq, %jit3A_131, %eq3A : i32
    %jit3A_133 = arith.constant 1 : i32
    %select_n3A_134 = arith.select %eq3A_132, %jit3A_133, %jit3A_131 : i32
    %rem3A_135 = arith.remsi %add3A_114, %select_n3A_134 : i32
    %ne3A_136 = arith.constant 0 : i32
    %ne3A_137 = arith.cmpi ne, %rem3A_135, %ne3A_136 : i32
    %lt3A = arith.constant 0 : i32
    %lt3A_138 = arith.cmpi slt, %rem3A_135, %lt3A : i32
    %lt3A_139 = arith.constant 0 : i32
    %lt3A_140 = arith.cmpi slt, %select_n3A_134, %lt3A_139 : i32
    %ne3A_141 = arith.xori %lt3A_138, %lt3A_140 : i1
    %and3A_142 = arith.andi %ne3A_141, %ne3A_137 : i1
    %add3A_143 = arith.addi %rem3A_135, %select_n3A_134 : i32
    %select_n3A_144 = arith.select %and3A_142, %add3A_143, %rem3A_135 : i32
    %mul3A_145 = arith.constant 128 : i32
    %mul3A_146 = arith.muli %select_n3A_144, %mul3A_145 : i32
    %dma_wait3A = arith.constant 1 : i32
    %dma_wait3A_147 = arith.constant 0 : i32
    %dma_wait3A_148 = arith.constant 0 : i32
    %dma_wait3A_149 = arith.constant 0 : i32
    %dma_wait3A_150 = tpu.memref_slice %arg6[%dma_wait3A, %dma_wait3A_147, %dma_wait3A_148, %dma_wait3A_149] : memref<2x8x128x32xf32, #tpu.memory_space<vmem>> -> memref<1x1x128x32xf32, #tpu.memory_space<vmem>>
    %dma_wait3A_151 = tpu.memref_squeeze %dma_wait3A_150 : memref<1x1x128x32xf32, #tpu.memory_space<vmem>> -> memref<128x32xf32, #tpu.memory_space<vmem>>
    %dma_wait3A_152 = arith.constant 0 : i32
    %dma_wait3A_153 = tpu.memref_slice %arg4[%select_n3A, %mul3A_146, %dma_wait3A_152] : memref<50x16384x128xf32, #tpu.memory_space<hbm>> -> memref<1x128x32xf32, #tpu.memory_space<hbm>>
    %dma_wait3A_154 = tpu.memref_squeeze %dma_wait3A_153 : memref<1x128x32xf32, #tpu.memory_space<hbm>> -> memref<128x32xf32, #tpu.memory_space<hbm>>
    %dma_wait3A_155 = arith.constant 0 : i32
    %dma_wait3A_156 = tpu.memref_slice %arg4[%select_n3A, %mul3A_146, %dma_wait3A_155] : memref<50x16384x128xf32, #tpu.memory_space<hbm>> -> memref<1x128x32xf32, #tpu.memory_space<hbm>>
    %dma_wait3A_157 = tpu.memref_squeeze %dma_wait3A_156 : memref<1x128x32xf32, #tpu.memory_space<hbm>> -> memref<128x32xf32, #tpu.memory_space<hbm>>
    %dma_wait3A_158 = arith.constant 0 : i32
    %dma_wait3A_159 = arith.constant 0 : i32
    %dma_wait3A_160 = tpu.memref_slice %arg6[%dma_wait3A, %dma_wait3A_147, %dma_wait3A_158, %dma_wait3A_159] : memref<2x8x128x32xf32, #tpu.memory_space<vmem>> -> memref<1x1x128x32xf32, #tpu.memory_space<vmem>>
    %dma_wait3A_161 = tpu.memref_squeeze %dma_wait3A_160 : memref<1x1x128x32xf32, #tpu.memory_space<vmem>> -> memref<128x32xf32, #tpu.memory_space<vmem>>
    tpu.wait_dma2 semaphore(%arg10 : memref<!tpu.dma_semaphore, #tpu.memory_space<semaphore_mem>>) src(%dma_wait3A_161 : memref<128x32xf32, #tpu.memory_space<vmem>>) dst(%dma_wait3A_157 : memref<128x32xf32, #tpu.memory_space<hbm>>)
    %mul3A_162 = arith.constant 200 : i32
    %mul3A_163 = arith.muli %add3A, %mul3A_162 : i32
    %add3A_164 = arith.constant 0 : i32
    %add3A_165 = arith.addi %mul3A_163, %add3A_164 : i32
    %add3A_166 = arith.constant 1 : i32
    %add3A_167 = arith.addi %add3A_165, %add3A_166 : i32
    %jit3A_168 = arith.constant 128 : i32
    %div3A_169 = arith.divsi %add3A_167, %jit3A_168 : i32
    %sign3A_170 = arith.constant 0 : i32
    %sign3A_171 = arith.cmpi sgt, %add3A_167, %sign3A_170 : i32
    %sign3A_172 = arith.extui %sign3A_171 : i1 to i32
    %sign3A_173 = arith.constant 0 : i32
    %sign3A_174 = arith.cmpi slt, %add3A_167, %sign3A_173 : i32
    %sign3A_175 = arith.extui %sign3A_174 : i1 to i32
    %sign3A_176 = arith.subi %sign3A_172, %sign3A_175 : i32
    %sign3A_177 = arith.constant 0 : i32
    %sign3A_178 = arith.cmpi sgt, %jit3A_168, %sign3A_177 : i32
    %sign3A_179 = arith.extui %sign3A_178 : i1 to i32
    %sign3A_180 = arith.constant 0 : i32
    %sign3A_181 = arith.cmpi slt, %jit3A_168, %sign3A_180 : i32
    %sign3A_182 = arith.extui %sign3A_181 : i1 to i32
    %sign3A_183 = arith.subi %sign3A_179, %sign3A_182 : i32
    %ne3A_184 = arith.cmpi ne, %sign3A_176, %sign3A_183 : i32
    %rem3A_185 = arith.remsi %add3A_167, %jit3A_168 : i32
    %ne3A_186 = arith.constant 0 : i32
    %ne3A_187 = arith.cmpi ne, %rem3A_185, %ne3A_186 : i32
    %and3A_188 = arith.andi %ne3A_184, %ne3A_187 : i1
    %sub3A_189 = arith.constant 1 : i32
    %sub3A_190 = arith.subi %div3A_169, %sub3A_189 : i32
    %select_n3A_191 = arith.select %and3A_188, %sub3A_190, %div3A_169 : i32
    %jit3A_192 = arith.constant 128 : i32
    %eq3A_193 = arith.constant 0 : i32
    %eq3A_194 = arith.cmpi eq, %jit3A_192, %eq3A_193 : i32
    %jit3A_195 = arith.constant 1 : i32
    %select_n3A_196 = arith.select %eq3A_194, %jit3A_195, %jit3A_192 : i32
    %rem3A_197 = arith.remsi %add3A_167, %select_n3A_196 : i32
    %ne3A_198 = arith.constant 0 : i32
    %ne3A_199 = arith.cmpi ne, %rem3A_197, %ne3A_198 : i32
    %lt3A_200 = arith.constant 0 : i32
    %lt3A_201 = arith.cmpi slt, %rem3A_197, %lt3A_200 : i32
    %lt3A_202 = arith.constant 0 : i32
    %lt3A_203 = arith.cmpi slt, %select_n3A_196, %lt3A_202 : i32
    %ne3A_204 = arith.xori %lt3A_201, %lt3A_203 : i1
    %and3A_205 = arith.andi %ne3A_204, %ne3A_199 : i1
    %add3A_206 = arith.addi %rem3A_197, %select_n3A_196 : i32
    %select_n3A_207 = arith.select %and3A_205, %add3A_206, %rem3A_197 : i32
    %mul3A_208 = arith.constant 128 : i32
    %mul3A_209 = arith.muli %select_n3A_207, %mul3A_208 : i32
    %dma_wait3A_210 = arith.constant 1 : i32
    %dma_wait3A_211 = arith.constant 1 : i32
    %dma_wait3A_212 = arith.constant 0 : i32
    %dma_wait3A_213 = arith.constant 0 : i32
    %dma_wait3A_214 = tpu.memref_slice %arg6[%dma_wait3A_210, %dma_wait3A_211, %dma_wait3A_212, %dma_wait3A_213] : memref<2x8x128x32xf32, #tpu.memory_space<vmem>> -> memref<1x1x128x32xf32, #tpu.memory_space<vmem>>
    %dma_wait3A_215 = tpu.memref_squeeze %dma_wait3A_214 : memref<1x1x128x32xf32, #tpu.memory_space<vmem>> -> memref<128x32xf32, #tpu.memory_space<vmem>>
    %dma_wait3A_216 = arith.constant 0 : i32
    %dma_wait3A_217 = tpu.memref_slice %arg4[%select_n3A_191, %mul3A_209, %dma_wait3A_216] : memref<50x16384x128xf32, #tpu.memory_space<hbm>> -> memref<1x128x32xf32, #tpu.memory_space<hbm>>
    %dma_wait3A_218 = tpu.memref_squeeze %dma_wait3A_217 : memref<1x128x32xf32, #tpu.memory_space<hbm>> -> memref<128x32xf32, #tpu.memory_space<hbm>>
    %dma_wait3A_219 = arith.constant 0 : i32
    %dma_wait3A_220 = tpu.memref_slice %arg4[%select_n3A_191, %mul3A_209, %dma_wait3A_219] : memref<50x16384x128xf32, #tpu.memory_space<hbm>> -> memref<1x128x32xf32, #tpu.memory_space<hbm>>
    %dma_wait3A_221 = tpu.memref_squeeze %dma_wait3A_220 : memref<1x128x32xf32, #tpu.memory_space<hbm>> -> memref<128x32xf32, #tpu.memory_space<hbm>>
    %dma_wait3A_222 = arith.constant 0 : i32
    %dma_wait3A_223 = arith.constant 0 : i32
    %dma_wait3A_224 = tpu.memref_slice %arg6[%dma_wait3A_210, %dma_wait3A_211, %dma_wait3A_222, %dma_wait3A_223] : memref<2x8x128x32xf32, #tpu.memory_space<vmem>> -> memref<1x1x128x32xf32, #tpu.memory_space<vmem>>
    %dma_wait3A_225 = tpu.memref_squeeze %dma_wait3A_224 : memref<1x1x128x32xf32, #tpu.memory_space<vmem>> -> memref<128x32xf32, #tpu.memory_space<vmem>>
    tpu.wait_dma2 semaphore(%arg10 : memref<!tpu.dma_semaphore, #tpu.memory_space<semaphore_mem>>) src(%dma_wait3A_225 : memref<128x32xf32, #tpu.memory_space<vmem>>) dst(%dma_wait3A_221 : memref<128x32xf32, #tpu.memory_space<hbm>>)
    %mul3A_226 = arith.constant 200 : i32
    %mul3A_227 = arith.muli %add3A, %mul3A_226 : i32
    %add3A_228 = arith.constant 0 : i32
    %add3A_229 = arith.addi %mul3A_227, %add3A_228 : i32
    %add3A_230 = arith.constant 2 : i32
    %add3A_231 = arith.addi %add3A_229, %add3A_230 : i32
    %jit3A_232 = arith.constant 128 : i32
    %div3A_233 = arith.divsi %add3A_231, %jit3A_232 : i32
    %sign3A_234 = arith.constant 0 : i32
    %sign3A_235 = arith.cmpi sgt, %add3A_231, %sign3A_234 : i32
    %sign3A_236 = arith.extui %sign3A_235 : i1 to i32
    %sign3A_237 = arith.constant 0 : i32
    %sign3A_238 = arith.cmpi slt, %add3A_231, %sign3A_237 : i32
    %sign3A_239 = arith.extui %sign3A_238 : i1 to i32
    %sign3A_240 = arith.subi %sign3A_236, %sign3A_239 : i32
    %sign3A_241 = arith.constant 0 : i32
    %sign3A_242 = arith.cmpi sgt, %jit3A_232, %sign3A_241 : i32
    %sign3A_243 = arith.extui %sign3A_242 : i1 to i32
    %sign3A_244 = arith.constant 0 : i32
    %sign3A_245 = arith.cmpi slt, %jit3A_232, %sign3A_244 : i32
    %sign3A_246 = arith.extui %sign3A_245 : i1 to i32
    %sign3A_247 = arith.subi %sign3A_243, %sign3A_246 : i32
    %ne3A_248 = arith.cmpi ne, %sign3A_240, %sign3A_247 : i32
    %rem3A_249 = arith.remsi %add3A_231, %jit3A_232 : i32
    %ne3A_250 = arith.constant 0 : i32
    %ne3A_251 = arith.cmpi ne, %rem3A_249, %ne3A_250 : i32
    %and3A_252 = arith.andi %ne3A_248, %ne3A_251 : i1
    %sub3A_253 = arith.constant 1 : i32
    %sub3A_254 = arith.subi %div3A_233, %sub3A_253 : i32
    %select_n3A_255 = arith.select %and3A_252, %sub3A_254, %div3A_233 : i32
    %jit3A_256 = arith.constant 128 : i32
    %eq3A_257 = arith.constant 0 : i32
    %eq3A_258 = arith.cmpi eq, %jit3A_256, %eq3A_257 : i32
    %jit3A_259 = arith.constant 1 : i32
    %select_n3A_260 = arith.select %eq3A_258, %jit3A_259, %jit3A_256 : i32
    %rem3A_261 = arith.remsi %add3A_231, %select_n3A_260 : i32
    %ne3A_262 = arith.constant 0 : i32
    %ne3A_263 = arith.cmpi ne, %rem3A_261, %ne3A_262 : i32
    %lt3A_264 = arith.constant 0 : i32
    %lt3A_265 = arith.cmpi slt, %rem3A_261, %lt3A_264 : i32
    %lt3A_266 = arith.constant 0 : i32
    %lt3A_267 = arith.cmpi slt, %select_n3A_260, %lt3A_266 : i32
    %ne3A_268 = arith.xori %lt3A_265, %lt3A_267 : i1
    %and3A_269 = arith.andi %ne3A_268, %ne3A_263 : i1
    %add3A_270 = arith.addi %rem3A_261, %select_n3A_260 : i32
    %select_n3A_271 = arith.select %and3A_269, %add3A_270, %rem3A_261 : i32
    %mul3A_272 = arith.constant 128 : i32
    %mul3A_273 = arith.muli %select_n3A_271, %mul3A_272 : i32
    %dma_wait3A_274 = arith.constant 1 : i32
    %dma_wait3A_275 = arith.constant 2 : i32
    %dma_wait3A_276 = arith.constant 0 : i32
    %dma_wait3A_277 = arith.constant 0 : i32
    %dma_wait3A_278 = tpu.memref_slice %arg6[%dma_wait3A_274, %dma_wait3A_275, %dma_wait3A_276, %dma_wait3A_277] : memref<2x8x128x32xf32, #tpu.memory_space<vmem>> -> memref<1x1x128x32xf32, #tpu.memory_space<vmem>>
    %dma_wait3A_279 = tpu.memref_squeeze %dma_wait3A_278 : memref<1x1x128x32xf32, #tpu.memory_space<vmem>> -> memref<128x32xf32, #tpu.memory_space<vmem>>
    %dma_wait3A_280 = arith.constant 0 : i32
    %dma_wait3A_281 = tpu.memref_slice %arg4[%select_n3A_255, %mul3A_273, %dma_wait3A_280] : memref<50x16384x128xf32, #tpu.memory_space<hbm>> -> memref<1x128x32xf32, #tpu.memory_space<hbm>>
    %dma_wait3A_282 = tpu.memref_squeeze %dma_wait3A_281 : memref<1x128x32xf32, #tpu.memory_space<hbm>> -> memref<128x32xf32, #tpu.memory_space<hbm>>
    %dma_wait3A_283 = arith.constant 0 : i32
    %dma_wait3A_284 = tpu.memref_slice %arg4[%select_n3A_255, %mul3A_273, %dma_wait3A_283] : memref<50x16384x128xf32, #tpu.memory_space<hbm>> -> memref<1x128x32xf32, #tpu.memory_space<hbm>>
    %dma_wait3A_285 = tpu.memref_squeeze %dma_wait3A_284 : memref<1x128x32xf32, #tpu.memory_space<hbm>> -> memref<128x32xf32, #tpu.memory_space<hbm>>
    %dma_wait3A_286 = arith.constant 0 : i32
    %dma_wait3A_287 = arith.constant 0 : i32
    %dma_wait3A_288 = tpu.memref_slice %arg6[%dma_wait3A_274, %dma_wait3A_275, %dma_wait3A_286, %dma_wait3A_287] : memref<2x8x128x32xf32, #tpu.memory_space<vmem>> -> memref<1x1x128x32xf32, #tpu.memory_space<vmem>>
    %dma_wait3A_289 = tpu.memref_squeeze %dma_wait3A_288 : memref<1x1x128x32xf32, #tpu.memory_space<vmem>> -> memref<128x32xf32, #tpu.memory_space<vmem>>
    tpu.wait_dma2 semaphore(%arg10 : memref<!tpu.dma_semaphore, #tpu.memory_space<semaphore_mem>>) src(%dma_wait3A_289 : memref<128x32xf32, #tpu.memory_space<vmem>>) dst(%dma_wait3A_285 : memref<128x32xf32, #tpu.memory_space<hbm>>)
    %mul3A_290 = arith.constant 200 : i32
    %mul3A_291 = arith.muli %add3A, %mul3A_290 : i32
    %add3A_292 = arith.constant 0 : i32
    %add3A_293 = arith.addi %mul3A_291, %add3A_292 : i32
    %add3A_294 = arith.constant 3 : i32
    %add3A_295 = arith.addi %add3A_293, %add3A_294 : i32
    %jit3A_296 = arith.constant 128 : i32
    %div3A_297 = arith.divsi %add3A_295, %jit3A_296 : i32
    %sign3A_298 = arith.constant 0 : i32
    %sign3A_299 = arith.cmpi sgt, %add3A_295, %sign3A_298 : i32
    %sign3A_300 = arith.extui %sign3A_299 : i1 to i32
    %sign3A_301 = arith.constant 0 : i32
    %sign3A_302 = arith.cmpi slt, %add3A_295, %sign3A_301 : i32
    %sign3A_303 = arith.extui %sign3A_302 : i1 to i32
    %sign3A_304 = arith.subi %sign3A_300, %sign3A_303 : i32
    %sign3A_305 = arith.constant 0 : i32
    %sign3A_306 = arith.cmpi sgt, %jit3A_296, %sign3A_305 : i32
    %sign3A_307 = arith.extui %sign3A_306 : i1 to i32
    %sign3A_308 = arith.constant 0 : i32
    %sign3A_309 = arith.cmpi slt, %jit3A_296, %sign3A_308 : i32
    %sign3A_310 = arith.extui %sign3A_309 : i1 to i32
    %sign3A_311 = arith.subi %sign3A_307, %sign3A_310 : i32
    %ne3A_312 = arith.cmpi ne, %sign3A_304, %sign3A_311 : i32
    %rem3A_313 = arith.remsi %add3A_295, %jit3A_296 : i32
    %ne3A_314 = arith.constant 0 : i32
    %ne3A_315 = arith.cmpi ne, %rem3A_313, %ne3A_314 : i32
    %and3A_316 = arith.andi %ne3A_312, %ne3A_315 : i1
    %sub3A_317 = arith.constant 1 : i32
    %sub3A_318 = arith.subi %div3A_297, %sub3A_317 : i32
    %select_n3A_319 = arith.select %and3A_316, %sub3A_318, %div3A_297 : i32
    %jit3A_320 = arith.constant 128 : i32
    %eq3A_321 = arith.constant 0 : i32
    %eq3A_322 = arith.cmpi eq, %jit3A_320, %eq3A_321 : i32
    %jit3A_323 = arith.constant 1 : i32
    %select_n3A_324 = arith.select %eq3A_322, %jit3A_323, %jit3A_320 : i32
    %rem3A_325 = arith.remsi %add3A_295, %select_n3A_324 : i32
    %ne3A_326 = arith.constant 0 : i32
    %ne3A_327 = arith.cmpi ne, %rem3A_325, %ne3A_326 : i32
    %lt3A_328 = arith.constant 0 : i32
    %lt3A_329 = arith.cmpi slt, %rem3A_325, %lt3A_328 : i32
    %lt3A_330 = arith.constant 0 : i32
    %lt3A_331 = arith.cmpi slt, %select_n3A_324, %lt3A_330 : i32
    %ne3A_332 = arith.xori %lt3A_329, %lt3A_331 : i1
    %and3A_333 = arith.andi %ne3A_332, %ne3A_327 : i1
    %add3A_334 = arith.addi %rem3A_325, %select_n3A_324 : i32
    %select_n3A_335 = arith.select %and3A_333, %add3A_334, %rem3A_325 : i32
    %mul3A_336 = arith.constant 128 : i32
    %mul3A_337 = arith.muli %select_n3A_335, %mul3A_336 : i32
    %dma_wait3A_338 = arith.constant 1 : i32
    %dma_wait3A_339 = arith.constant 3 : i32
    %dma_wait3A_340 = arith.constant 0 : i32
    %dma_wait3A_341 = arith.constant 0 : i32
    %dma_wait3A_342 = tpu.memref_slice %arg6[%dma_wait3A_338, %dma_wait3A_339, %dma_wait3A_340, %dma_wait3A_341] : memref<2x8x128x32xf32, #tpu.memory_space<vmem>> -> memref<1x1x128x32xf32, #tpu.memory_space<vmem>>
    %dma_wait3A_343 = tpu.memref_squeeze %dma_wait3A_342 : memref<1x1x128x32xf32, #tpu.memory_space<vmem>> -> memref<128x32xf32, #tpu.memory_space<vmem>>
    %dma_wait3A_344 = arith.constant 0 : i32
    %dma_wait3A_345 = tpu.memref_slice %arg4[%select_n3A_319, %mul3A_337, %dma_wait3A_344] : memref<50x16384x128xf32, #tpu.memory_space<hbm>> -> memref<1x128x32xf32, #tpu.memory_space<hbm>>
    %dma_wait3A_346 = tpu.memref_squeeze %dma_wait3A_345 : memref<1x128x32xf32, #tpu.memory_space<hbm>> -> memref<128x32xf32, #tpu.memory_space<hbm>>
    %dma_wait3A_347 = arith.constant 0 : i32
    %dma_wait3A_348 = tpu.memref_slice %arg4[%select_n3A_319, %mul3A_337, %dma_wait3A_347] : memref<50x16384x128xf32, #tpu.memory_space<hbm>> -> memref<1x128x32xf32, #tpu.memory_space<hbm>>
    %dma_wait3A_349 = tpu.memref_squeeze %dma_wait3A_348 : memref<1x128x32xf32, #tpu.memory_space<hbm>> -> memref<128x32xf32, #tpu.memory_space<hbm>>
    %dma_wait3A_350 = arith.constant 0 : i32
    %dma_wait3A_351 = arith.constant 0 : i32
    %dma_wait3A_352 = tpu.memref_slice %arg6[%dma_wait3A_338, %dma_wait3A_339, %dma_wait3A_350, %dma_wait3A_351] : memref<2x8x128x32xf32, #tpu.memory_space<vmem>> -> memref<1x1x128x32xf32, #tpu.memory_space<vmem>>
    %dma_wait3A_353 = tpu.memref_squeeze %dma_wait3A_352 : memref<1x1x128x32xf32, #tpu.memory_space<vmem>> -> memref<128x32xf32, #tpu.memory_space<vmem>>
    tpu.wait_dma2 semaphore(%arg10 : memref<!tpu.dma_semaphore, #tpu.memory_space<semaphore_mem>>) src(%dma_wait3A_353 : memref<128x32xf32, #tpu.memory_space<vmem>>) dst(%dma_wait3A_349 : memref<128x32xf32, #tpu.memory_space<hbm>>)
    %mul3A_354 = arith.constant 200 : i32
    %mul3A_355 = arith.muli %add3A, %mul3A_354 : i32
    %add3A_356 = arith.constant 0 : i32
    %add3A_357 = arith.addi %mul3A_355, %add3A_356 : i32
    %add3A_358 = arith.constant 4 : i32
    %add3A_359 = arith.addi %add3A_357, %add3A_358 : i32
    %jit3A_360 = arith.constant 128 : i32
    %div3A_361 = arith.divsi %add3A_359, %jit3A_360 : i32
    %sign3A_362 = arith.constant 0 : i32
    %sign3A_363 = arith.cmpi sgt, %add3A_359, %sign3A_362 : i32
    %sign3A_364 = arith.extui %sign3A_363 : i1 to i32
    %sign3A_365 = arith.constant 0 : i32
    %sign3A_366 = arith.cmpi slt, %add3A_359, %sign3A_365 : i32
    %sign3A_367 = arith.extui %sign3A_366 : i1 to i32
    %sign3A_368 = arith.subi %sign3A_364, %sign3A_367 : i32
    %sign3A_369 = arith.constant 0 : i32
    %sign3A_370 = arith.cmpi sgt, %jit3A_360, %sign3A_369 : i32
    %sign3A_371 = arith.extui %sign3A_370 : i1 to i32
    %sign3A_372 = arith.constant 0 : i32
    %sign3A_373 = arith.cmpi slt, %jit3A_360, %sign3A_372 : i32
    %sign3A_374 = arith.extui %sign3A_373 : i1 to i32
    %sign3A_375 = arith.subi %sign3A_371, %sign3A_374 : i32
    %ne3A_376 = arith.cmpi ne, %sign3A_368, %sign3A_375 : i32
    %rem3A_377 = arith.remsi %add3A_359, %jit3A_360 : i32
    %ne3A_378 = arith.constant 0 : i32
    %ne3A_379 = arith.cmpi ne, %rem3A_377, %ne3A_378 : i32
    %and3A_380 = arith.andi %ne3A_376, %ne3A_379 : i1
    %sub3A_381 = arith.constant 1 : i32
    %sub3A_382 = arith.subi %div3A_361, %sub3A_381 : i32
    %select_n3A_383 = arith.select %and3A_380, %sub3A_382, %div3A_361 : i32
    %jit3A_384 = arith.constant 128 : i32
    %eq3A_385 = arith.constant 0 : i32
    %eq3A_386 = arith.cmpi eq, %jit3A_384, %eq3A_385 : i32
    %jit3A_387 = arith.constant 1 : i32
    %select_n3A_388 = arith.select %eq3A_386, %jit3A_387, %jit3A_384 : i32
    %rem3A_389 = arith.remsi %add3A_359, %select_n3A_388 : i32
    %ne3A_390 = arith.constant 0 : i32
    %ne3A_391 = arith.cmpi ne, %rem3A_389, %ne3A_390 : i32
    %lt3A_392 = arith.constant 0 : i32
    %lt3A_393 = arith.cmpi slt, %rem3A_389, %lt3A_392 : i32
    %lt3A_394 = arith.constant 0 : i32
    %lt3A_395 = arith.cmpi slt, %select_n3A_388, %lt3A_394 : i32
    %ne3A_396 = arith.xori %lt3A_393, %lt3A_395 : i1
    %and3A_397 = arith.andi %ne3A_396, %ne3A_391 : i1
    %add3A_398 = arith.addi %rem3A_389, %select_n3A_388 : i32
    %select_n3A_399 = arith.select %and3A_397, %add3A_398, %rem3A_389 : i32
    %mul3A_400 = arith.constant 128 : i32
    %mul3A_401 = arith.muli %select_n3A_399, %mul3A_400 : i32
    %dma_wait3A_402 = arith.constant 1 : i32
    %dma_wait3A_403 = arith.constant 4 : i32
    %dma_wait3A_404 = arith.constant 0 : i32
    %dma_wait3A_405 = arith.constant 0 : i32
    %dma_wait3A_406 = tpu.memref_slice %arg6[%dma_wait3A_402, %dma_wait3A_403, %dma_wait3A_404, %dma_wait3A_405] : memref<2x8x128x32xf32, #tpu.memory_space<vmem>> -> memref<1x1x128x32xf32, #tpu.memory_space<vmem>>
    %dma_wait3A_407 = tpu.memref_squeeze %dma_wait3A_406 : memref<1x1x128x32xf32, #tpu.memory_space<vmem>> -> memref<128x32xf32, #tpu.memory_space<vmem>>
    %dma_wait3A_408 = arith.constant 0 : i32
    %dma_wait3A_409 = tpu.memref_slice %arg4[%select_n3A_383, %mul3A_401, %dma_wait3A_408] : memref<50x16384x128xf32, #tpu.memory_space<hbm>> -> memref<1x128x32xf32, #tpu.memory_space<hbm>>
    %dma_wait3A_410 = tpu.memref_squeeze %dma_wait3A_409 : memref<1x128x32xf32, #tpu.memory_space<hbm>> -> memref<128x32xf32, #tpu.memory_space<hbm>>
    %dma_wait3A_411 = arith.constant 0 : i32
    %dma_wait3A_412 = tpu.memref_slice %arg4[%select_n3A_383, %mul3A_401, %dma_wait3A_411] : memref<50x16384x128xf32, #tpu.memory_space<hbm>> -> memref<1x128x32xf32, #tpu.memory_space<hbm>>
    %dma_wait3A_413 = tpu.memref_squeeze %dma_wait3A_412 : memref<1x128x32xf32, #tpu.memory_space<hbm>> -> memref<128x32xf32, #tpu.memory_space<hbm>>
    %dma_wait3A_414 = arith.constant 0 : i32
    %dma_wait3A_415 = arith.constant 0 : i32
    %dma_wait3A_416 = tpu.memref_slice %arg6[%dma_wait3A_402, %dma_wait3A_403, %dma_wait3A_414, %dma_wait3A_415] : memref<2x8x128x32xf32, #tpu.memory_space<vmem>> -> memref<1x1x128x32xf32, #tpu.memory_space<vmem>>
    %dma_wait3A_417 = tpu.memref_squeeze %dma_wait3A_416 : memref<1x1x128x32xf32, #tpu.memory_space<vmem>> -> memref<128x32xf32, #tpu.memory_space<vmem>>
    tpu.wait_dma2 semaphore(%arg10 : memref<!tpu.dma_semaphore, #tpu.memory_space<semaphore_mem>>) src(%dma_wait3A_417 : memref<128x32xf32, #tpu.memory_space<vmem>>) dst(%dma_wait3A_413 : memref<128x32xf32, #tpu.memory_space<hbm>>)
    %mul3A_418 = arith.constant 200 : i32
    %mul3A_419 = arith.muli %add3A, %mul3A_418 : i32
    %add3A_420 = arith.constant 0 : i32
    %add3A_421 = arith.addi %mul3A_419, %add3A_420 : i32
    %add3A_422 = arith.constant 5 : i32
    %add3A_423 = arith.addi %add3A_421, %add3A_422 : i32
    %jit3A_424 = arith.constant 128 : i32
    %div3A_425 = arith.divsi %add3A_423, %jit3A_424 : i32
    %sign3A_426 = arith.constant 0 : i32
    %sign3A_427 = arith.cmpi sgt, %add3A_423, %sign3A_426 : i32
    %sign3A_428 = arith.extui %sign3A_427 : i1 to i32
    %sign3A_429 = arith.constant 0 : i32
    %sign3A_430 = arith.cmpi slt, %add3A_423, %sign3A_429 : i32
    %sign3A_431 = arith.extui %sign3A_430 : i1 to i32
    %sign3A_432 = arith.subi %sign3A_428, %sign3A_431 : i32
    %sign3A_433 = arith.constant 0 : i32
    %sign3A_434 = arith.cmpi sgt, %jit3A_424, %sign3A_433 : i32
    %sign3A_435 = arith.extui %sign3A_434 : i1 to i32
    %sign3A_436 = arith.constant 0 : i32
    %sign3A_437 = arith.cmpi slt, %jit3A_424, %sign3A_436 : i32
    %sign3A_438 = arith.extui %sign3A_437 : i1 to i32
    %sign3A_439 = arith.subi %sign3A_435, %sign3A_438 : i32
    %ne3A_440 = arith.cmpi ne, %sign3A_432, %sign3A_439 : i32
    %rem3A_441 = arith.remsi %add3A_423, %jit3A_424 : i32
    %ne3A_442 = arith.constant 0 : i32
    %ne3A_443 = arith.cmpi ne, %rem3A_441, %ne3A_442 : i32
    %and3A_444 = arith.andi %ne3A_440, %ne3A_443 : i1
    %sub3A_445 = arith.constant 1 : i32
    %sub3A_446 = arith.subi %div3A_425, %sub3A_445 : i32
    %select_n3A_447 = arith.select %and3A_444, %sub3A_446, %div3A_425 : i32
    %jit3A_448 = arith.constant 128 : i32
    %eq3A_449 = arith.constant 0 : i32
    %eq3A_450 = arith.cmpi eq, %jit3A_448, %eq3A_449 : i32
    %jit3A_451 = arith.constant 1 : i32
    %select_n3A_452 = arith.select %eq3A_450, %jit3A_451, %jit3A_448 : i32
    %rem3A_453 = arith.remsi %add3A_423, %select_n3A_452 : i32
    %ne3A_454 = arith.constant 0 : i32
    %ne3A_455 = arith.cmpi ne, %rem3A_453, %ne3A_454 : i32
    %lt3A_456 = arith.constant 0 : i32
    %lt3A_457 = arith.cmpi slt, %rem3A_453, %lt3A_456 : i32
    %lt3A_458 = arith.constant 0 : i32
    %lt3A_459 = arith.cmpi slt, %select_n3A_452, %lt3A_458 : i32
    %ne3A_460 = arith.xori %lt3A_457, %lt3A_459 : i1
    %and3A_461 = arith.andi %ne3A_460, %ne3A_455 : i1
    %add3A_462 = arith.addi %rem3A_453, %select_n3A_452 : i32
    %select_n3A_463 = arith.select %and3A_461, %add3A_462, %rem3A_453 : i32
    %mul3A_464 = arith.constant 128 : i32
    %mul3A_465 = arith.muli %select_n3A_463, %mul3A_464 : i32
    %dma_wait3A_466 = arith.constant 1 : i32
    %dma_wait3A_467 = arith.constant 5 : i32
    %dma_wait3A_468 = arith.constant 0 : i32
    %dma_wait3A_469 = arith.constant 0 : i32
    %dma_wait3A_470 = tpu.memref_slice %arg6[%dma_wait3A_466, %dma_wait3A_467, %dma_wait3A_468, %dma_wait3A_469] : memref<2x8x128x32xf32, #tpu.memory_space<vmem>> -> memref<1x1x128x32xf32, #tpu.memory_space<vmem>>
    %dma_wait3A_471 = tpu.memref_squeeze %dma_wait3A_470 : memref<1x1x128x32xf32, #tpu.memory_space<vmem>> -> memref<128x32xf32, #tpu.memory_space<vmem>>
    %dma_wait3A_472 = arith.constant 0 : i32
    %dma_wait3A_473 = tpu.memref_slice %arg4[%select_n3A_447, %mul3A_465, %dma_wait3A_472] : memref<50x16384x128xf32, #tpu.memory_space<hbm>> -> memref<1x128x32xf32, #tpu.memory_space<hbm>>
    %dma_wait3A_474 = tpu.memref_squeeze %dma_wait3A_473 : memref<1x128x32xf32, #tpu.memory_space<hbm>> -> memref<128x32xf32, #tpu.memory_space<hbm>>
    %dma_wait3A_475 = arith.constant 0 : i32
    %dma_wait3A_476 = tpu.memref_slice %arg4[%select_n3A_447, %mul3A_465, %dma_wait3A_475] : memref<50x16384x128xf32, #tpu.memory_space<hbm>> -> memref<1x128x32xf32, #tpu.memory_space<hbm>>
    %dma_wait3A_477 = tpu.memref_squeeze %dma_wait3A_476 : memref<1x128x32xf32, #tpu.memory_space<hbm>> -> memref<128x32xf32, #tpu.memory_space<hbm>>
    %dma_wait3A_478 = arith.constant 0 : i32
    %dma_wait3A_479 = arith.constant 0 : i32
    %dma_wait3A_480 = tpu.memref_slice %arg6[%dma_wait3A_466, %dma_wait3A_467, %dma_wait3A_478, %dma_wait3A_479] : memref<2x8x128x32xf32, #tpu.memory_space<vmem>> -> memref<1x1x128x32xf32, #tpu.memory_space<vmem>>
    %dma_wait3A_481 = tpu.memref_squeeze %dma_wait3A_480 : memref<1x1x128x32xf32, #tpu.memory_space<vmem>> -> memref<128x32xf32, #tpu.memory_space<vmem>>
    tpu.wait_dma2 semaphore(%arg10 : memref<!tpu.dma_semaphore, #tpu.memory_space<semaphore_mem>>) src(%dma_wait3A_481 : memref<128x32xf32, #tpu.memory_space<vmem>>) dst(%dma_wait3A_477 : memref<128x32xf32, #tpu.memory_space<hbm>>)
    %mul3A_482 = arith.constant 200 : i32
    %mul3A_483 = arith.muli %add3A, %mul3A_482 : i32
    %add3A_484 = arith.constant 0 : i32
    %add3A_485 = arith.addi %mul3A_483, %add3A_484 : i32
    %add3A_486 = arith.constant 6 : i32
    %add3A_487 = arith.addi %add3A_485, %add3A_486 : i32
    %jit3A_488 = arith.constant 128 : i32
    %div3A_489 = arith.divsi %add3A_487, %jit3A_488 : i32
    %sign3A_490 = arith.constant 0 : i32
    %sign3A_491 = arith.cmpi sgt, %add3A_487, %sign3A_490 : i32
    %sign3A_492 = arith.extui %sign3A_491 : i1 to i32
    %sign3A_493 = arith.constant 0 : i32
    %sign3A_494 = arith.cmpi slt, %add3A_487, %sign3A_493 : i32
    %sign3A_495 = arith.extui %sign3A_494 : i1 to i32
    %sign3A_496 = arith.subi %sign3A_492, %sign3A_495 : i32
    %sign3A_497 = arith.constant 0 : i32
    %sign3A_498 = arith.cmpi sgt, %jit3A_488, %sign3A_497 : i32
    %sign3A_499 = arith.extui %sign3A_498 : i1 to i32
    %sign3A_500 = arith.constant 0 : i32
    %sign3A_501 = arith.cmpi slt, %jit3A_488, %sign3A_500 : i32
    %sign3A_502 = arith.extui %sign3A_501 : i1 to i32
    %sign3A_503 = arith.subi %sign3A_499, %sign3A_502 : i32
    %ne3A_504 = arith.cmpi ne, %sign3A_496, %sign3A_503 : i32
    %rem3A_505 = arith.remsi %add3A_487, %jit3A_488 : i32
    %ne3A_506 = arith.constant 0 : i32
    %ne3A_507 = arith.cmpi ne, %rem3A_505, %ne3A_506 : i32
    %and3A_508 = arith.andi %ne3A_504, %ne3A_507 : i1
    %sub3A_509 = arith.constant 1 : i32
    %sub3A_510 = arith.subi %div3A_489, %sub3A_509 : i32
    %select_n3A_511 = arith.select %and3A_508, %sub3A_510, %div3A_489 : i32
    %jit3A_512 = arith.constant 128 : i32
    %eq3A_513 = arith.constant 0 : i32
    %eq3A_514 = arith.cmpi eq, %jit3A_512, %eq3A_513 : i32
    %jit3A_515 = arith.constant 1 : i32
    %select_n3A_516 = arith.select %eq3A_514, %jit3A_515, %jit3A_512 : i32
    %rem3A_517 = arith.remsi %add3A_487, %select_n3A_516 : i32
    %ne3A_518 = arith.constant 0 : i32
    %ne3A_519 = arith.cmpi ne, %rem3A_517, %ne3A_518 : i32
    %lt3A_520 = arith.constant 0 : i32
    %lt3A_521 = arith.cmpi slt, %rem3A_517, %lt3A_520 : i32
    %lt3A_522 = arith.constant 0 : i32
    %lt3A_523 = arith.cmpi slt, %select_n3A_516, %lt3A_522 : i32
    %ne3A_524 = arith.xori %lt3A_521, %lt3A_523 : i1
    %and3A_525 = arith.andi %ne3A_524, %ne3A_519 : i1
    %add3A_526 = arith.addi %rem3A_517, %select_n3A_516 : i32
    %select_n3A_527 = arith.select %and3A_525, %add3A_526, %rem3A_517 : i32
    %mul3A_528 = arith.constant 128 : i32
    %mul3A_529 = arith.muli %select_n3A_527, %mul3A_528 : i32
    %dma_wait3A_530 = arith.constant 1 : i32
    %dma_wait3A_531 = arith.constant 6 : i32
    %dma_wait3A_532 = arith.constant 0 : i32
    %dma_wait3A_533 = arith.constant 0 : i32
    %dma_wait3A_534 = tpu.memref_slice %arg6[%dma_wait3A_530, %dma_wait3A_531, %dma_wait3A_532, %dma_wait3A_533] : memref<2x8x128x32xf32, #tpu.memory_space<vmem>> -> memref<1x1x128x32xf32, #tpu.memory_space<vmem>>
    %dma_wait3A_535 = tpu.memref_squeeze %dma_wait3A_534 : memref<1x1x128x32xf32, #tpu.memory_space<vmem>> -> memref<128x32xf32, #tpu.memory_space<vmem>>
    %dma_wait3A_536 = arith.constant 0 : i32
    %dma_wait3A_537 = tpu.memref_slice %arg4[%select_n3A_511, %mul3A_529, %dma_wait3A_536] : memref<50x16384x128xf32, #tpu.memory_space<hbm>> -> memref<1x128x32xf32, #tpu.memory_space<hbm>>
    %dma_wait3A_538 = tpu.memref_squeeze %dma_wait3A_537 : memref<1x128x32xf32, #tpu.memory_space<hbm>> -> memref<128x32xf32, #tpu.memory_space<hbm>>
    %dma_wait3A_539 = arith.constant 0 : i32
    %dma_wait3A_540 = tpu.memref_slice %arg4[%select_n3A_511, %mul3A_529, %dma_wait3A_539] : memref<50x16384x128xf32, #tpu.memory_space<hbm>> -> memref<1x128x32xf32, #tpu.memory_space<hbm>>
    %dma_wait3A_541 = tpu.memref_squeeze %dma_wait3A_540 : memref<1x128x32xf32, #tpu.memory_space<hbm>> -> memref<128x32xf32, #tpu.memory_space<hbm>>
    %dma_wait3A_542 = arith.constant 0 : i32
    %dma_wait3A_543 = arith.constant 0 : i32
    %dma_wait3A_544 = tpu.memref_slice %arg6[%dma_wait3A_530, %dma_wait3A_531, %dma_wait3A_542, %dma_wait3A_543] : memref<2x8x128x32xf32, #tpu.memory_space<vmem>> -> memref<1x1x128x32xf32, #tpu.memory_space<vmem>>
    %dma_wait3A_545 = tpu.memref_squeeze %dma_wait3A_544 : memref<1x1x128x32xf32, #tpu.memory_space<vmem>> -> memref<128x32xf32, #tpu.memory_space<vmem>>
    tpu.wait_dma2 semaphore(%arg10 : memref<!tpu.dma_semaphore, #tpu.memory_space<semaphore_mem>>) src(%dma_wait3A_545 : memref<128x32xf32, #tpu.memory_space<vmem>>) dst(%dma_wait3A_541 : memref<128x32xf32, #tpu.memory_space<hbm>>)
    %mul3A_546 = arith.constant 200 : i32
    %mul3A_547 = arith.muli %add3A, %mul3A_546 : i32
    %add3A_548 = arith.constant 0 : i32
    %add3A_549 = arith.addi %mul3A_547, %add3A_548 : i32
    %add3A_550 = arith.constant 7 : i32
    %add3A_551 = arith.addi %add3A_549, %add3A_550 : i32
    %jit3A_552 = arith.constant 128 : i32
    %div3A_553 = arith.divsi %add3A_551, %jit3A_552 : i32
    %sign3A_554 = arith.constant 0 : i32
    %sign3A_555 = arith.cmpi sgt, %add3A_551, %sign3A_554 : i32
    %sign3A_556 = arith.extui %sign3A_555 : i1 to i32
    %sign3A_557 = arith.constant 0 : i32
    %sign3A_558 = arith.cmpi slt, %add3A_551, %sign3A_557 : i32
    %sign3A_559 = arith.extui %sign3A_558 : i1 to i32
    %sign3A_560 = arith.subi %sign3A_556, %sign3A_559 : i32
    %sign3A_561 = arith.constant 0 : i32
    %sign3A_562 = arith.cmpi sgt, %jit3A_552, %sign3A_561 : i32
    %sign3A_563 = arith.extui %sign3A_562 : i1 to i32
    %sign3A_564 = arith.constant 0 : i32
    %sign3A_565 = arith.cmpi slt, %jit3A_552, %sign3A_564 : i32
    %sign3A_566 = arith.extui %sign3A_565 : i1 to i32
    %sign3A_567 = arith.subi %sign3A_563, %sign3A_566 : i32
    %ne3A_568 = arith.cmpi ne, %sign3A_560, %sign3A_567 : i32
    %rem3A_569 = arith.remsi %add3A_551, %jit3A_552 : i32
    %ne3A_570 = arith.constant 0 : i32
    %ne3A_571 = arith.cmpi ne, %rem3A_569, %ne3A_570 : i32
    %and3A_572 = arith.andi %ne3A_568, %ne3A_571 : i1
    %sub3A_573 = arith.constant 1 : i32
    %sub3A_574 = arith.subi %div3A_553, %sub3A_573 : i32
    %select_n3A_575 = arith.select %and3A_572, %sub3A_574, %div3A_553 : i32
    %jit3A_576 = arith.constant 128 : i32
    %eq3A_577 = arith.constant 0 : i32
    %eq3A_578 = arith.cmpi eq, %jit3A_576, %eq3A_577 : i32
    %jit3A_579 = arith.constant 1 : i32
    %select_n3A_580 = arith.select %eq3A_578, %jit3A_579, %jit3A_576 : i32
    %rem3A_581 = arith.remsi %add3A_551, %select_n3A_580 : i32
    %ne3A_582 = arith.constant 0 : i32
    %ne3A_583 = arith.cmpi ne, %rem3A_581, %ne3A_582 : i32
    %lt3A_584 = arith.constant 0 : i32
    %lt3A_585 = arith.cmpi slt, %rem3A_581, %lt3A_584 : i32
    %lt3A_586 = arith.constant 0 : i32
    %lt3A_587 = arith.cmpi slt, %select_n3A_580, %lt3A_586 : i32
    %ne3A_588 = arith.xori %lt3A_585, %lt3A_587 : i1
    %and3A_589 = arith.andi %ne3A_588, %ne3A_583 : i1
    %add3A_590 = arith.addi %rem3A_581, %select_n3A_580 : i32
    %select_n3A_591 = arith.select %and3A_589, %add3A_590, %rem3A_581 : i32
    %mul3A_592 = arith.constant 128 : i32
    %mul3A_593 = arith.muli %select_n3A_591, %mul3A_592 : i32
    %dma_wait3A_594 = arith.constant 1 : i32
    %dma_wait3A_595 = arith.constant 7 : i32
    %dma_wait3A_596 = arith.constant 0 : i32
    %dma_wait3A_597 = arith.constant 0 : i32
    %dma_wait3A_598 = tpu.memref_slice %arg6[%dma_wait3A_594, %dma_wait3A_595, %dma_wait3A_596, %dma_wait3A_597] : memref<2x8x128x32xf32, #tpu.memory_space<vmem>> -> memref<1x1x128x32xf32, #tpu.memory_space<vmem>>
    %dma_wait3A_599 = tpu.memref_squeeze %dma_wait3A_598 : memref<1x1x128x32xf32, #tpu.memory_space<vmem>> -> memref<128x32xf32, #tpu.memory_space<vmem>>
    %dma_wait3A_600 = arith.constant 0 : i32
    %dma_wait3A_601 = tpu.memref_slice %arg4[%select_n3A_575, %mul3A_593, %dma_wait3A_600] : memref<50x16384x128xf32, #tpu.memory_space<hbm>> -> memref<1x128x32xf32, #tpu.memory_space<hbm>>
    %dma_wait3A_602 = tpu.memref_squeeze %dma_wait3A_601 : memref<1x128x32xf32, #tpu.memory_space<hbm>> -> memref<128x32xf32, #tpu.memory_space<hbm>>
    %dma_wait3A_603 = arith.constant 0 : i32
    %dma_wait3A_604 = tpu.memref_slice %arg4[%select_n3A_575, %mul3A_593, %dma_wait3A_603] : memref<50x16384x128xf32, #tpu.memory_space<hbm>> -> memref<1x128x32xf32, #tpu.memory_space<hbm>>
    %dma_wait3A_605 = tpu.memref_squeeze %dma_wait3A_604 : memref<1x128x32xf32, #tpu.memory_space<hbm>> -> memref<128x32xf32, #tpu.memory_space<hbm>>
    %dma_wait3A_606 = arith.constant 0 : i32
    %dma_wait3A_607 = arith.constant 0 : i32
    %dma_wait3A_608 = tpu.memref_slice %arg6[%dma_wait3A_594, %dma_wait3A_595, %dma_wait3A_606, %dma_wait3A_607] : memref<2x8x128x32xf32, #tpu.memory_space<vmem>> -> memref<1x1x128x32xf32, #tpu.memory_space<vmem>>
    %dma_wait3A_609 = tpu.memref_squeeze %dma_wait3A_608 : memref<1x1x128x32xf32, #tpu.memory_space<vmem>> -> memref<128x32xf32, #tpu.memory_space<vmem>>
    tpu.wait_dma2 semaphore(%arg10 : memref<!tpu.dma_semaphore, #tpu.memory_space<semaphore_mem>>) src(%dma_wait3A_609 : memref<128x32xf32, #tpu.memory_space<vmem>>) dst(%dma_wait3A_605 : memref<128x32xf32, #tpu.memory_space<hbm>>)
    %dma_wait3A_610 = arith.constant 0 : i32
    %dma_wait3A_611 = arith.constant 0 : i32
    %dma_wait3A_612 = arith.constant 0 : i32
    %dma_wait3A_613 = arith.constant 0 : i32
    %dma_wait3A_614 = arith.constant 0 : i32
    %dma_wait3A_615 = tpu.memref_slice %arg6[%dma_wait3A_611, %dma_wait3A_612, %dma_wait3A_613, %dma_wait3A_614] : memref<2x8x128x32xf32, #tpu.memory_space<vmem>> -> memref<1x1x128x32xf32, #tpu.memory_space<vmem>>
    %dma_wait3A_616 = tpu.memref_squeeze %dma_wait3A_615 : memref<1x1x128x32xf32, #tpu.memory_space<vmem>> -> memref<128x32xf32, #tpu.memory_space<vmem>>
    %dma_wait3A_617 = arith.constant 0 : i32
    %dma_wait3A_618 = tpu.memref_slice %arg5[%dma_wait3A_610, %dma_wait3A_617] : memref<200x128xi32, #tpu.memory_space<vmem>> -> memref<1x128xi32, #tpu.memory_space<vmem>>
    %dma_wait3A_619 = tpu.memref_squeeze %dma_wait3A_618 : memref<1x128xi32, #tpu.memory_space<vmem>> -> memref<128xi32, #tpu.memory_space<vmem>>
    %dma_wait3A_620 = arith.constant 0 : i32
    %dma_wait3A_621 = arith.constant 0 : i32
    %dma_wait3A_622 = tpu.memref_slice %arg3[%dma_wait3A_620, %dma_wait3A_621] : memref<1000000x32xf32, #tpu.memory_space<hbm>> -> memref<1000000x32xf32, #tpu.memory_space<hbm>>
    tpu.wait_indirect_dma semaphore(%arg7 : memref<!tpu.dma_semaphore, #tpu.memory_space<semaphore_mem>>) src(%dma_wait3A_622 : memref<1000000x32xf32, #tpu.memory_space<hbm>>) dst(%dma_wait3A_616 : memref<128x32xf32, #tpu.memory_space<vmem>>)
    %dma_wait3A_623 = arith.constant 0 : i32
    %dma_wait3A_624 = arith.constant 0 : i32
    %dma_wait3A_625 = arith.constant 1 : i32
    %dma_wait3A_626 = arith.constant 0 : i32
    %dma_wait3A_627 = arith.constant 0 : i32
    %dma_wait3A_628 = tpu.memref_slice %arg6[%dma_wait3A_624, %dma_wait3A_625, %dma_wait3A_626, %dma_wait3A_627] : memref<2x8x128x32xf32, #tpu.memory_space<vmem>> -> memref<1x1x128x32xf32, #tpu.memory_space<vmem>>
    %dma_wait3A_629 = tpu.memref_squeeze %dma_wait3A_628 : memref<1x1x128x32xf32, #tpu.memory_space<vmem>> -> memref<128x32xf32, #tpu.memory_space<vmem>>
    %dma_wait3A_630 = arith.constant 0 : i32
    %dma_wait3A_631 = tpu.memref_slice %arg5[%dma_wait3A_623, %dma_wait3A_630] : memref<200x128xi32, #tpu.memory_space<vmem>> -> memref<1x128xi32, #tpu.memory_space<vmem>>
    %dma_wait3A_632 = tpu.memref_squeeze %dma_wait3A_631 : memref<1x128xi32, #tpu.memory_space<vmem>> -> memref<128xi32, #tpu.memory_space<vmem>>
    %dma_wait3A_633 = arith.constant 0 : i32
    %dma_wait3A_634 = arith.constant 0 : i32
    %dma_wait3A_635 = tpu.memref_slice %arg3[%dma_wait3A_633, %dma_wait3A_634] : memref<1000000x32xf32, #tpu.memory_space<hbm>> -> memref<1000000x32xf32, #tpu.memory_space<hbm>>
    tpu.wait_indirect_dma semaphore(%arg7 : memref<!tpu.dma_semaphore, #tpu.memory_space<semaphore_mem>>) src(%dma_wait3A_635 : memref<1000000x32xf32, #tpu.memory_space<hbm>>) dst(%dma_wait3A_629 : memref<128x32xf32, #tpu.memory_space<vmem>>)
    %dma_wait3A_636 = arith.constant 0 : i32
    %dma_wait3A_637 = arith.constant 0 : i32
    %dma_wait3A_638 = arith.constant 2 : i32
    %dma_wait3A_639 = arith.constant 0 : i32
    %dma_wait3A_640 = arith.constant 0 : i32
    %dma_wait3A_641 = tpu.memref_slice %arg6[%dma_wait3A_637, %dma_wait3A_638, %dma_wait3A_639, %dma_wait3A_640] : memref<2x8x128x32xf32, #tpu.memory_space<vmem>> -> memref<1x1x128x32xf32, #tpu.memory_space<vmem>>
    %dma_wait3A_642 = tpu.memref_squeeze %dma_wait3A_641 : memref<1x1x128x32xf32, #tpu.memory_space<vmem>> -> memref<128x32xf32, #tpu.memory_space<vmem>>
    %dma_wait3A_643 = arith.constant 0 : i32
    %dma_wait3A_644 = tpu.memref_slice %arg5[%dma_wait3A_636, %dma_wait3A_643] : memref<200x128xi32, #tpu.memory_space<vmem>> -> memref<1x128xi32, #tpu.memory_space<vmem>>
    %dma_wait3A_645 = tpu.memref_squeeze %dma_wait3A_644 : memref<1x128xi32, #tpu.memory_space<vmem>> -> memref<128xi32, #tpu.memory_space<vmem>>
    %dma_wait3A_646 = arith.constant 0 : i32
    %dma_wait3A_647 = arith.constant 0 : i32
    %dma_wait3A_648 = tpu.memref_slice %arg3[%dma_wait3A_646, %dma_wait3A_647] : memref<1000000x32xf32, #tpu.memory_space<hbm>> -> memref<1000000x32xf32, #tpu.memory_space<hbm>>
    tpu.wait_indirect_dma semaphore(%arg7 : memref<!tpu.dma_semaphore, #tpu.memory_space<semaphore_mem>>) src(%dma_wait3A_648 : memref<1000000x32xf32, #tpu.memory_space<hbm>>) dst(%dma_wait3A_642 : memref<128x32xf32, #tpu.memory_space<vmem>>)
    %dma_wait3A_649 = arith.constant 0 : i32
    %dma_wait3A_650 = arith.constant 0 : i32
    %dma_wait3A_651 = arith.constant 3 : i32
    %dma_wait3A_652 = arith.constant 0 : i32
    %dma_wait3A_653 = arith.constant 0 : i32
    %dma_wait3A_654 = tpu.memref_slice %arg6[%dma_wait3A_650, %dma_wait3A_651, %dma_wait3A_652, %dma_wait3A_653] : memref<2x8x128x32xf32, #tpu.memory_space<vmem>> -> memref<1x1x128x32xf32, #tpu.memory_space<vmem>>
    %dma_wait3A_655 = tpu.memref_squeeze %dma_wait3A_654 : memref<1x1x128x32xf32, #tpu.memory_space<vmem>> -> memref<128x32xf32, #tpu.memory_space<vmem>>
    %dma_wait3A_656 = arith.constant 0 : i32
    %dma_wait3A_657 = tpu.memref_slice %arg5[%dma_wait3A_649, %dma_wait3A_656] : memref<200x128xi32, #tpu.memory_space<vmem>> -> memref<1x128xi32, #tpu.memory_space<vmem>>
    %dma_wait3A_658 = tpu.memref_squeeze %dma_wait3A_657 : memref<1x128xi32, #tpu.memory_space<vmem>> -> memref<128xi32, #tpu.memory_space<vmem>>
    %dma_wait3A_659 = arith.constant 0 : i32
    %dma_wait3A_660 = arith.constant 0 : i32
    %dma_wait3A_661 = tpu.memref_slice %arg3[%dma_wait3A_659, %dma_wait3A_660] : memref<1000000x32xf32, #tpu.memory_space<hbm>> -> memref<1000000x32xf32, #tpu.memory_space<hbm>>
    tpu.wait_indirect_dma semaphore(%arg7 : memref<!tpu.dma_semaphore, #tpu.memory_space<semaphore_mem>>) src(%dma_wait3A_661 : memref<1000000x32xf32, #tpu.memory_space<hbm>>) dst(%dma_wait3A_655 : memref<128x32xf32, #tpu.memory_space<vmem>>)
    %dma_wait3A_662 = arith.constant 0 : i32
    %dma_wait3A_663 = arith.constant 0 : i32
    %dma_wait3A_664 = arith.constant 4 : i32
    %dma_wait3A_665 = arith.constant 0 : i32
    %dma_wait3A_666 = arith.constant 0 : i32
    %dma_wait3A_667 = tpu.memref_slice %arg6[%dma_wait3A_663, %dma_wait3A_664, %dma_wait3A_665, %dma_wait3A_666] : memref<2x8x128x32xf32, #tpu.memory_space<vmem>> -> memref<1x1x128x32xf32, #tpu.memory_space<vmem>>
    %dma_wait3A_668 = tpu.memref_squeeze %dma_wait3A_667 : memref<1x1x128x32xf32, #tpu.memory_space<vmem>> -> memref<128x32xf32, #tpu.memory_space<vmem>>
    %dma_wait3A_669 = arith.constant 0 : i32
    %dma_wait3A_670 = tpu.memref_slice %arg5[%dma_wait3A_662, %dma_wait3A_669] : memref<200x128xi32, #tpu.memory_space<vmem>> -> memref<1x128xi32, #tpu.memory_space<vmem>>
    %dma_wait3A_671 = tpu.memref_squeeze %dma_wait3A_670 : memref<1x128xi32, #tpu.memory_space<vmem>> -> memref<128xi32, #tpu.memory_space<vmem>>
    %dma_wait3A_672 = arith.constant 0 : i32
    %dma_wait3A_673 = arith.constant 0 : i32
    %dma_wait3A_674 = tpu.memref_slice %arg3[%dma_wait3A_672, %dma_wait3A_673] : memref<1000000x32xf32, #tpu.memory_space<hbm>> -> memref<1000000x32xf32, #tpu.memory_space<hbm>>
    tpu.wait_indirect_dma semaphore(%arg7 : memref<!tpu.dma_semaphore, #tpu.memory_space<semaphore_mem>>) src(%dma_wait3A_674 : memref<1000000x32xf32, #tpu.memory_space<hbm>>) dst(%dma_wait3A_668 : memref<128x32xf32, #tpu.memory_space<vmem>>)
    %dma_wait3A_675 = arith.constant 0 : i32
    %dma_wait3A_676 = arith.constant 0 : i32
    %dma_wait3A_677 = arith.constant 5 : i32
    %dma_wait3A_678 = arith.constant 0 : i32
    %dma_wait3A_679 = arith.constant 0 : i32
    %dma_wait3A_680 = tpu.memref_slice %arg6[%dma_wait3A_676, %dma_wait3A_677, %dma_wait3A_678, %dma_wait3A_679] : memref<2x8x128x32xf32, #tpu.memory_space<vmem>> -> memref<1x1x128x32xf32, #tpu.memory_space<vmem>>
    %dma_wait3A_681 = tpu.memref_squeeze %dma_wait3A_680 : memref<1x1x128x32xf32, #tpu.memory_space<vmem>> -> memref<128x32xf32, #tpu.memory_space<vmem>>
    %dma_wait3A_682 = arith.constant 0 : i32
    %dma_wait3A_683 = tpu.memref_slice %arg5[%dma_wait3A_675, %dma_wait3A_682] : memref<200x128xi32, #tpu.memory_space<vmem>> -> memref<1x128xi32, #tpu.memory_space<vmem>>
    %dma_wait3A_684 = tpu.memref_squeeze %dma_wait3A_683 : memref<1x128xi32, #tpu.memory_space<vmem>> -> memref<128xi32, #tpu.memory_space<vmem>>
    %dma_wait3A_685 = arith.constant 0 : i32
    %dma_wait3A_686 = arith.constant 0 : i32
    %dma_wait3A_687 = tpu.memref_slice %arg3[%dma_wait3A_685, %dma_wait3A_686] : memref<1000000x32xf32, #tpu.memory_space<hbm>> -> memref<1000000x32xf32, #tpu.memory_space<hbm>>
    tpu.wait_indirect_dma semaphore(%arg7 : memref<!tpu.dma_semaphore, #tpu.memory_space<semaphore_mem>>) src(%dma_wait3A_687 : memref<1000000x32xf32, #tpu.memory_space<hbm>>) dst(%dma_wait3A_681 : memref<128x32xf32, #tpu.memory_space<vmem>>)
    %dma_wait3A_688 = arith.constant 0 : i32
    %dma_wait3A_689 = arith.constant 0 : i32
    %dma_wait3A_690 = arith.constant 6 : i32
    %dma_wait3A_691 = arith.constant 0 : i32
    %dma_wait3A_692 = arith.constant 0 : i32
    %dma_wait3A_693 = tpu.memref_slice %arg6[%dma_wait3A_689, %dma_wait3A_690, %dma_wait3A_691, %dma_wait3A_692] : memref<2x8x128x32xf32, #tpu.memory_space<vmem>> -> memref<1x1x128x32xf32, #tpu.memory_space<vmem>>
    %dma_wait3A_694 = tpu.memref_squeeze %dma_wait3A_693 : memref<1x1x128x32xf32, #tpu.memory_space<vmem>> -> memref<128x32xf32, #tpu.memory_space<vmem>>
    %dma_wait3A_695 = arith.constant 0 : i32
    %dma_wait3A_696 = tpu.memref_slice %arg5[%dma_wait3A_688, %dma_wait3A_695] : memref<200x128xi32, #tpu.memory_space<vmem>> -> memref<1x128xi32, #tpu.memory_space<vmem>>
    %dma_wait3A_697 = tpu.memref_squeeze %dma_wait3A_696 : memref<1x128xi32, #tpu.memory_space<vmem>> -> memref<128xi32, #tpu.memory_space<vmem>>
    %dma_wait3A_698 = arith.constant 0 : i32
    %dma_wait3A_699 = arith.constant 0 : i32
    %dma_wait3A_700 = tpu.memref_slice %arg3[%dma_wait3A_698, %dma_wait3A_699] : memref<1000000x32xf32, #tpu.memory_space<hbm>> -> memref<1000000x32xf32, #tpu.memory_space<hbm>>
    tpu.wait_indirect_dma semaphore(%arg7 : memref<!tpu.dma_semaphore, #tpu.memory_space<semaphore_mem>>) src(%dma_wait3A_700 : memref<1000000x32xf32, #tpu.memory_space<hbm>>) dst(%dma_wait3A_694 : memref<128x32xf32, #tpu.memory_space<vmem>>)
    %dma_wait3A_701 = arith.constant 0 : i32
    %dma_wait3A_702 = arith.constant 0 : i32
    %dma_wait3A_703 = arith.constant 7 : i32
    %dma_wait3A_704 = arith.constant 0 : i32
    %dma_wait3A_705 = arith.constant 0 : i32
    %dma_wait3A_706 = tpu.memref_slice %arg6[%dma_wait3A_702, %dma_wait3A_703, %dma_wait3A_704, %dma_wait3A_705] : memref<2x8x128x32xf32, #tpu.memory_space<vmem>> -> memref<1x1x128x32xf32, #tpu.memory_space<vmem>>
    %dma_wait3A_707 = tpu.memref_squeeze %dma_wait3A_706 : memref<1x1x128x32xf32, #tpu.memory_space<vmem>> -> memref<128x32xf32, #tpu.memory_space<vmem>>
    %dma_wait3A_708 = arith.constant 0 : i32
    %dma_wait3A_709 = tpu.memref_slice %arg5[%dma_wait3A_701, %dma_wait3A_708] : memref<200x128xi32, #tpu.memory_space<vmem>> -> memref<1x128xi32, #tpu.memory_space<vmem>>
    %dma_wait3A_710 = tpu.memref_squeeze %dma_wait3A_709 : memref<1x128xi32, #tpu.memory_space<vmem>> -> memref<128xi32, #tpu.memory_space<vmem>>
    %dma_wait3A_711 = arith.constant 0 : i32
    %dma_wait3A_712 = arith.constant 0 : i32
    %dma_wait3A_713 = tpu.memref_slice %arg3[%dma_wait3A_711, %dma_wait3A_712] : memref<1000000x32xf32, #tpu.memory_space<hbm>> -> memref<1000000x32xf32, #tpu.memory_space<hbm>>
    tpu.wait_indirect_dma semaphore(%arg7 : memref<!tpu.dma_semaphore, #tpu.memory_space<semaphore_mem>>) src(%dma_wait3A_713 : memref<1000000x32xf32, #tpu.memory_space<hbm>>) dst(%dma_wait3A_707 : memref<128x32xf32, #tpu.memory_space<vmem>>)
    %mul3A_714 = arith.constant 200 : i32
    %mul3A_715 = arith.muli %add3A, %mul3A_714 : i32
    %add3A_716 = arith.constant 192 : i32
    %add3A_717 = arith.addi %mul3A_715, %add3A_716 : i32
    %add3A_718 = arith.constant 0 : i32
    %add3A_719 = arith.addi %add3A_717, %add3A_718 : i32
    %jit3A_720 = arith.constant 128 : i32
    %div3A_721 = arith.divsi %add3A_719, %jit3A_720 : i32
    %sign3A_722 = arith.constant 0 : i32
    %sign3A_723 = arith.cmpi sgt, %add3A_719, %sign3A_722 : i32
    %sign3A_724 = arith.extui %sign3A_723 : i1 to i32
    %sign3A_725 = arith.constant 0 : i32
    %sign3A_726 = arith.cmpi slt, %add3A_719, %sign3A_725 : i32
    %sign3A_727 = arith.extui %sign3A_726 : i1 to i32
    %sign3A_728 = arith.subi %sign3A_724, %sign3A_727 : i32
    %sign3A_729 = arith.constant 0 : i32
    %sign3A_730 = arith.cmpi sgt, %jit3A_720, %sign3A_729 : i32
    %sign3A_731 = arith.extui %sign3A_730 : i1 to i32
    %sign3A_732 = arith.constant 0 : i32
    %sign3A_733 = arith.cmpi slt, %jit3A_720, %sign3A_732 : i32
    %sign3A_734 = arith.extui %sign3A_733 : i1 to i32
    %sign3A_735 = arith.subi %sign3A_731, %sign3A_734 : i32
    %ne3A_736 = arith.cmpi ne, %sign3A_728, %sign3A_735 : i32
    %rem3A_737 = arith.remsi %add3A_719, %jit3A_720 : i32
    %ne3A_738 = arith.constant 0 : i32
    %ne3A_739 = arith.cmpi ne, %rem3A_737, %ne3A_738 : i32
    %and3A_740 = arith.andi %ne3A_736, %ne3A_739 : i1
    %sub3A_741 = arith.constant 1 : i32
    %sub3A_742 = arith.subi %div3A_721, %sub3A_741 : i32
    %select_n3A_743 = arith.select %and3A_740, %sub3A_742, %div3A_721 : i32
    %jit3A_744 = arith.constant 128 : i32
    %eq3A_745 = arith.constant 0 : i32
    %eq3A_746 = arith.cmpi eq, %jit3A_744, %eq3A_745 : i32
    %jit3A_747 = arith.constant 1 : i32
    %select_n3A_748 = arith.select %eq3A_746, %jit3A_747, %jit3A_744 : i32
    %rem3A_749 = arith.remsi %add3A_719, %select_n3A_748 : i32
    %ne3A_750 = arith.constant 0 : i32
    %ne3A_751 = arith.cmpi ne, %rem3A_749, %ne3A_750 : i32
    %lt3A_752 = arith.constant 0 : i32
    %lt3A_753 = arith.cmpi slt, %rem3A_749, %lt3A_752 : i32
    %lt3A_754 = arith.constant 0 : i32
    %lt3A_755 = arith.cmpi slt, %select_n3A_748, %lt3A_754 : i32
    %ne3A_756 = arith.xori %lt3A_753, %lt3A_755 : i1
    %and3A_757 = arith.andi %ne3A_756, %ne3A_751 : i1
    %add3A_758 = arith.addi %rem3A_749, %select_n3A_748 : i32
    %select_n3A_759 = arith.select %and3A_757, %add3A_758, %rem3A_749 : i32
    %mul3A_760 = arith.constant 128 : i32
    %mul3A_761 = arith.muli %select_n3A_759, %mul3A_760 : i32
    %dma_start3A_762 = arith.constant 0 : i32
    %dma_start3A_763 = arith.constant 0 : i32
    %dma_start3A_764 = arith.constant 0 : i32
    %dma_start3A_765 = arith.constant 0 : i32
    %dma_start3A_766 = tpu.memref_slice %arg6[%dma_start3A_762, %dma_start3A_763, %dma_start3A_764, %dma_start3A_765] : memref<2x8x128x32xf32, #tpu.memory_space<vmem>> -> memref<1x1x128x32xf32, #tpu.memory_space<vmem>>
    %dma_start3A_767 = tpu.memref_squeeze %dma_start3A_766 : memref<1x1x128x32xf32, #tpu.memory_space<vmem>> -> memref<128x32xf32, #tpu.memory_space<vmem>>
    %dma_start3A_768 = arith.constant 0 : i32
    %dma_start3A_769 = tpu.memref_slice %arg4[%select_n3A_743, %mul3A_761, %dma_start3A_768] : memref<50x16384x128xf32, #tpu.memory_space<hbm>> -> memref<1x128x32xf32, #tpu.memory_space<hbm>>
    %dma_start3A_770 = tpu.memref_squeeze %dma_start3A_769 : memref<1x128x32xf32, #tpu.memory_space<hbm>> -> memref<128x32xf32, #tpu.memory_space<hbm>>
    %dma_start3A_771 = arith.constant 0 : i32
    %dma_start3A_772 = tpu.memref_slice %arg4[%select_n3A_743, %mul3A_761, %dma_start3A_771] : memref<50x16384x128xf32, #tpu.memory_space<hbm>> -> memref<1x128x32xf32, #tpu.memory_space<hbm>>
    %dma_start3A_773 = tpu.memref_squeeze %dma_start3A_772 : memref<1x128x32xf32, #tpu.memory_space<hbm>> -> memref<128x32xf32, #tpu.memory_space<hbm>>
    %dma_start3A_774 = arith.constant 0 : i32
    %dma_start3A_775 = arith.constant 0 : i32
    %dma_start3A_776 = tpu.memref_slice %arg6[%dma_start3A_762, %dma_start3A_763, %dma_start3A_774, %dma_start3A_775] : memref<2x8x128x32xf32, #tpu.memory_space<vmem>> -> memref<1x1x128x32xf32, #tpu.memory_space<vmem>>
    %dma_start3A_777 = tpu.memref_squeeze %dma_start3A_776 : memref<1x1x128x32xf32, #tpu.memory_space<vmem>> -> memref<128x32xf32, #tpu.memory_space<vmem>>
    tpu.enqueue_dma source(%dma_start3A_777 : memref<128x32xf32, #tpu.memory_space<vmem>>) target(%dma_start3A_773 : memref<128x32xf32, #tpu.memory_space<hbm>>) target_semaphore(%arg9 : memref<!tpu.dma_semaphore, #tpu.memory_space<semaphore_mem>>)
    %mul3A_778 = arith.constant 200 : i32
    %mul3A_779 = arith.muli %add3A, %mul3A_778 : i32
    %add3A_780 = arith.constant 192 : i32
    %add3A_781 = arith.addi %mul3A_779, %add3A_780 : i32
    %add3A_782 = arith.constant 1 : i32
    %add3A_783 = arith.addi %add3A_781, %add3A_782 : i32
    %jit3A_784 = arith.constant 128 : i32
    %div3A_785 = arith.divsi %add3A_783, %jit3A_784 : i32
    %sign3A_786 = arith.constant 0 : i32
    %sign3A_787 = arith.cmpi sgt, %add3A_783, %sign3A_786 : i32
    %sign3A_788 = arith.extui %sign3A_787 : i1 to i32
    %sign3A_789 = arith.constant 0 : i32
    %sign3A_790 = arith.cmpi slt, %add3A_783, %sign3A_789 : i32
    %sign3A_791 = arith.extui %sign3A_790 : i1 to i32
    %sign3A_792 = arith.subi %sign3A_788, %sign3A_791 : i32
    %sign3A_793 = arith.constant 0 : i32
    %sign3A_794 = arith.cmpi sgt, %jit3A_784, %sign3A_793 : i32
    %sign3A_795 = arith.extui %sign3A_794 : i1 to i32
    %sign3A_796 = arith.constant 0 : i32
    %sign3A_797 = arith.cmpi slt, %jit3A_784, %sign3A_796 : i32
    %sign3A_798 = arith.extui %sign3A_797 : i1 to i32
    %sign3A_799 = arith.subi %sign3A_795, %sign3A_798 : i32
    %ne3A_800 = arith.cmpi ne, %sign3A_792, %sign3A_799 : i32
    %rem3A_801 = arith.remsi %add3A_783, %jit3A_784 : i32
    %ne3A_802 = arith.constant 0 : i32
    %ne3A_803 = arith.cmpi ne, %rem3A_801, %ne3A_802 : i32
    %and3A_804 = arith.andi %ne3A_800, %ne3A_803 : i1
    %sub3A_805 = arith.constant 1 : i32
    %sub3A_806 = arith.subi %div3A_785, %sub3A_805 : i32
    %select_n3A_807 = arith.select %and3A_804, %sub3A_806, %div3A_785 : i32
    %jit3A_808 = arith.constant 128 : i32
    %eq3A_809 = arith.constant 0 : i32
    %eq3A_810 = arith.cmpi eq, %jit3A_808, %eq3A_809 : i32
    %jit3A_811 = arith.constant 1 : i32
    %select_n3A_812 = arith.select %eq3A_810, %jit3A_811, %jit3A_808 : i32
    %rem3A_813 = arith.remsi %add3A_783, %select_n3A_812 : i32
    %ne3A_814 = arith.constant 0 : i32
    %ne3A_815 = arith.cmpi ne, %rem3A_813, %ne3A_814 : i32
    %lt3A_816 = arith.constant 0 : i32
    %lt3A_817 = arith.cmpi slt, %rem3A_813, %lt3A_816 : i32
    %lt3A_818 = arith.constant 0 : i32
    %lt3A_819 = arith.cmpi slt, %select_n3A_812, %lt3A_818 : i32
    %ne3A_820 = arith.xori %lt3A_817, %lt3A_819 : i1
    %and3A_821 = arith.andi %ne3A_820, %ne3A_815 : i1
    %add3A_822 = arith.addi %rem3A_813, %select_n3A_812 : i32
    %select_n3A_823 = arith.select %and3A_821, %add3A_822, %rem3A_813 : i32
    %mul3A_824 = arith.constant 128 : i32
    %mul3A_825 = arith.muli %select_n3A_823, %mul3A_824 : i32
    %dma_start3A_826 = arith.constant 0 : i32
    %dma_start3A_827 = arith.constant 1 : i32
    %dma_start3A_828 = arith.constant 0 : i32
    %dma_start3A_829 = arith.constant 0 : i32
    %dma_start3A_830 = tpu.memref_slice %arg6[%dma_start3A_826, %dma_start3A_827, %dma_start3A_828, %dma_start3A_829] : memref<2x8x128x32xf32, #tpu.memory_space<vmem>> -> memref<1x1x128x32xf32, #tpu.memory_space<vmem>>
    %dma_start3A_831 = tpu.memref_squeeze %dma_start3A_830 : memref<1x1x128x32xf32, #tpu.memory_space<vmem>> -> memref<128x32xf32, #tpu.memory_space<vmem>>
    %dma_start3A_832 = arith.constant 0 : i32
    %dma_start3A_833 = tpu.memref_slice %arg4[%select_n3A_807, %mul3A_825, %dma_start3A_832] : memref<50x16384x128xf32, #tpu.memory_space<hbm>> -> memref<1x128x32xf32, #tpu.memory_space<hbm>>
    %dma_start3A_834 = tpu.memref_squeeze %dma_start3A_833 : memref<1x128x32xf32, #tpu.memory_space<hbm>> -> memref<128x32xf32, #tpu.memory_space<hbm>>
    %dma_start3A_835 = arith.constant 0 : i32
    %dma_start3A_836 = tpu.memref_slice %arg4[%select_n3A_807, %mul3A_825, %dma_start3A_835] : memref<50x16384x128xf32, #tpu.memory_space<hbm>> -> memref<1x128x32xf32, #tpu.memory_space<hbm>>
    %dma_start3A_837 = tpu.memref_squeeze %dma_start3A_836 : memref<1x128x32xf32, #tpu.memory_space<hbm>> -> memref<128x32xf32, #tpu.memory_space<hbm>>
    %dma_start3A_838 = arith.constant 0 : i32
    %dma_start3A_839 = arith.constant 0 : i32
    %dma_start3A_840 = tpu.memref_slice %arg6[%dma_start3A_826, %dma_start3A_827, %dma_start3A_838, %dma_start3A_839] : memref<2x8x128x32xf32, #tpu.memory_space<vmem>> -> memref<1x1x128x32xf32, #tpu.memory_space<vmem>>
    %dma_start3A_841 = tpu.memref_squeeze %dma_start3A_840 : memref<1x1x128x32xf32, #tpu.memory_space<vmem>> -> memref<128x32xf32, #tpu.memory_space<vmem>>
    tpu.enqueue_dma source(%dma_start3A_841 : memref<128x32xf32, #tpu.memory_space<vmem>>) target(%dma_start3A_837 : memref<128x32xf32, #tpu.memory_space<hbm>>) target_semaphore(%arg9 : memref<!tpu.dma_semaphore, #tpu.memory_space<semaphore_mem>>)
    %mul3A_842 = arith.constant 200 : i32
    %mul3A_843 = arith.muli %add3A, %mul3A_842 : i32
    %add3A_844 = arith.constant 192 : i32
    %add3A_845 = arith.addi %mul3A_843, %add3A_844 : i32
    %add3A_846 = arith.constant 2 : i32
    %add3A_847 = arith.addi %add3A_845, %add3A_846 : i32
    %jit3A_848 = arith.constant 128 : i32
    %div3A_849 = arith.divsi %add3A_847, %jit3A_848 : i32
    %sign3A_850 = arith.constant 0 : i32
    %sign3A_851 = arith.cmpi sgt, %add3A_847, %sign3A_850 : i32
    %sign3A_852 = arith.extui %sign3A_851 : i1 to i32
    %sign3A_853 = arith.constant 0 : i32
    %sign3A_854 = arith.cmpi slt, %add3A_847, %sign3A_853 : i32
    %sign3A_855 = arith.extui %sign3A_854 : i1 to i32
    %sign3A_856 = arith.subi %sign3A_852, %sign3A_855 : i32
    %sign3A_857 = arith.constant 0 : i32
    %sign3A_858 = arith.cmpi sgt, %jit3A_848, %sign3A_857 : i32
    %sign3A_859 = arith.extui %sign3A_858 : i1 to i32
    %sign3A_860 = arith.constant 0 : i32
    %sign3A_861 = arith.cmpi slt, %jit3A_848, %sign3A_860 : i32
    %sign3A_862 = arith.extui %sign3A_861 : i1 to i32
    %sign3A_863 = arith.subi %sign3A_859, %sign3A_862 : i32
    %ne3A_864 = arith.cmpi ne, %sign3A_856, %sign3A_863 : i32
    %rem3A_865 = arith.remsi %add3A_847, %jit3A_848 : i32
    %ne3A_866 = arith.constant 0 : i32
    %ne3A_867 = arith.cmpi ne, %rem3A_865, %ne3A_866 : i32
    %and3A_868 = arith.andi %ne3A_864, %ne3A_867 : i1
    %sub3A_869 = arith.constant 1 : i32
    %sub3A_870 = arith.subi %div3A_849, %sub3A_869 : i32
    %select_n3A_871 = arith.select %and3A_868, %sub3A_870, %div3A_849 : i32
    %jit3A_872 = arith.constant 128 : i32
    %eq3A_873 = arith.constant 0 : i32
    %eq3A_874 = arith.cmpi eq, %jit3A_872, %eq3A_873 : i32
    %jit3A_875 = arith.constant 1 : i32
    %select_n3A_876 = arith.select %eq3A_874, %jit3A_875, %jit3A_872 : i32
    %rem3A_877 = arith.remsi %add3A_847, %select_n3A_876 : i32
    %ne3A_878 = arith.constant 0 : i32
    %ne3A_879 = arith.cmpi ne, %rem3A_877, %ne3A_878 : i32
    %lt3A_880 = arith.constant 0 : i32
    %lt3A_881 = arith.cmpi slt, %rem3A_877, %lt3A_880 : i32
    %lt3A_882 = arith.constant 0 : i32
    %lt3A_883 = arith.cmpi slt, %select_n3A_876, %lt3A_882 : i32
    %ne3A_884 = arith.xori %lt3A_881, %lt3A_883 : i1
    %and3A_885 = arith.andi %ne3A_884, %ne3A_879 : i1
    %add3A_886 = arith.addi %rem3A_877, %select_n3A_876 : i32
    %select_n3A_887 = arith.select %and3A_885, %add3A_886, %rem3A_877 : i32
    %mul3A_888 = arith.constant 128 : i32
    %mul3A_889 = arith.muli %select_n3A_887, %mul3A_888 : i32
    %dma_start3A_890 = arith.constant 0 : i32
    %dma_start3A_891 = arith.constant 2 : i32
    %dma_start3A_892 = arith.constant 0 : i32
    %dma_start3A_893 = arith.constant 0 : i32
    %dma_start3A_894 = tpu.memref_slice %arg6[%dma_start3A_890, %dma_start3A_891, %dma_start3A_892, %dma_start3A_893] : memref<2x8x128x32xf32, #tpu.memory_space<vmem>> -> memref<1x1x128x32xf32, #tpu.memory_space<vmem>>
    %dma_start3A_895 = tpu.memref_squeeze %dma_start3A_894 : memref<1x1x128x32xf32, #tpu.memory_space<vmem>> -> memref<128x32xf32, #tpu.memory_space<vmem>>
    %dma_start3A_896 = arith.constant 0 : i32
    %dma_start3A_897 = tpu.memref_slice %arg4[%select_n3A_871, %mul3A_889, %dma_start3A_896] : memref<50x16384x128xf32, #tpu.memory_space<hbm>> -> memref<1x128x32xf32, #tpu.memory_space<hbm>>
    %dma_start3A_898 = tpu.memref_squeeze %dma_start3A_897 : memref<1x128x32xf32, #tpu.memory_space<hbm>> -> memref<128x32xf32, #tpu.memory_space<hbm>>
    %dma_start3A_899 = arith.constant 0 : i32
    %dma_start3A_900 = tpu.memref_slice %arg4[%select_n3A_871, %mul3A_889, %dma_start3A_899] : memref<50x16384x128xf32, #tpu.memory_space<hbm>> -> memref<1x128x32xf32, #tpu.memory_space<hbm>>
    %dma_start3A_901 = tpu.memref_squeeze %dma_start3A_900 : memref<1x128x32xf32, #tpu.memory_space<hbm>> -> memref<128x32xf32, #tpu.memory_space<hbm>>
    %dma_start3A_902 = arith.constant 0 : i32
    %dma_start3A_903 = arith.constant 0 : i32
    %dma_start3A_904 = tpu.memref_slice %arg6[%dma_start3A_890, %dma_start3A_891, %dma_start3A_902, %dma_start3A_903] : memref<2x8x128x32xf32, #tpu.memory_space<vmem>> -> memref<1x1x128x32xf32, #tpu.memory_space<vmem>>
    %dma_start3A_905 = tpu.memref_squeeze %dma_start3A_904 : memref<1x1x128x32xf32, #tpu.memory_space<vmem>> -> memref<128x32xf32, #tpu.memory_space<vmem>>
    tpu.enqueue_dma source(%dma_start3A_905 : memref<128x32xf32, #tpu.memory_space<vmem>>) target(%dma_start3A_901 : memref<128x32xf32, #tpu.memory_space<hbm>>) target_semaphore(%arg9 : memref<!tpu.dma_semaphore, #tpu.memory_space<semaphore_mem>>)
    %mul3A_906 = arith.constant 200 : i32
    %mul3A_907 = arith.muli %add3A, %mul3A_906 : i32
    %add3A_908 = arith.constant 192 : i32
    %add3A_909 = arith.addi %mul3A_907, %add3A_908 : i32
    %add3A_910 = arith.constant 3 : i32
    %add3A_911 = arith.addi %add3A_909, %add3A_910 : i32
    %jit3A_912 = arith.constant 128 : i32
    %div3A_913 = arith.divsi %add3A_911, %jit3A_912 : i32
    %sign3A_914 = arith.constant 0 : i32
    %sign3A_915 = arith.cmpi sgt, %add3A_911, %sign3A_914 : i32
    %sign3A_916 = arith.extui %sign3A_915 : i1 to i32
    %sign3A_917 = arith.constant 0 : i32
    %sign3A_918 = arith.cmpi slt, %add3A_911, %sign3A_917 : i32
    %sign3A_919 = arith.extui %sign3A_918 : i1 to i32
    %sign3A_920 = arith.subi %sign3A_916, %sign3A_919 : i32
    %sign3A_921 = arith.constant 0 : i32
    %sign3A_922 = arith.cmpi sgt, %jit3A_912, %sign3A_921 : i32
    %sign3A_923 = arith.extui %sign3A_922 : i1 to i32
    %sign3A_924 = arith.constant 0 : i32
    %sign3A_925 = arith.cmpi slt, %jit3A_912, %sign3A_924 : i32
    %sign3A_926 = arith.extui %sign3A_925 : i1 to i32
    %sign3A_927 = arith.subi %sign3A_923, %sign3A_926 : i32
    %ne3A_928 = arith.cmpi ne, %sign3A_920, %sign3A_927 : i32
    %rem3A_929 = arith.remsi %add3A_911, %jit3A_912 : i32
    %ne3A_930 = arith.constant 0 : i32
    %ne3A_931 = arith.cmpi ne, %rem3A_929, %ne3A_930 : i32
    %and3A_932 = arith.andi %ne3A_928, %ne3A_931 : i1
    %sub3A_933 = arith.constant 1 : i32
    %sub3A_934 = arith.subi %div3A_913, %sub3A_933 : i32
    %select_n3A_935 = arith.select %and3A_932, %sub3A_934, %div3A_913 : i32
    %jit3A_936 = arith.constant 128 : i32
    %eq3A_937 = arith.constant 0 : i32
    %eq3A_938 = arith.cmpi eq, %jit3A_936, %eq3A_937 : i32
    %jit3A_939 = arith.constant 1 : i32
    %select_n3A_940 = arith.select %eq3A_938, %jit3A_939, %jit3A_936 : i32
    %rem3A_941 = arith.remsi %add3A_911, %select_n3A_940 : i32
    %ne3A_942 = arith.constant 0 : i32
    %ne3A_943 = arith.cmpi ne, %rem3A_941, %ne3A_942 : i32
    %lt3A_944 = arith.constant 0 : i32
    %lt3A_945 = arith.cmpi slt, %rem3A_941, %lt3A_944 : i32
    %lt3A_946 = arith.constant 0 : i32
    %lt3A_947 = arith.cmpi slt, %select_n3A_940, %lt3A_946 : i32
    %ne3A_948 = arith.xori %lt3A_945, %lt3A_947 : i1
    %and3A_949 = arith.andi %ne3A_948, %ne3A_943 : i1
    %add3A_950 = arith.addi %rem3A_941, %select_n3A_940 : i32
    %select_n3A_951 = arith.select %and3A_949, %add3A_950, %rem3A_941 : i32
    %mul3A_952 = arith.constant 128 : i32
    %mul3A_953 = arith.muli %select_n3A_951, %mul3A_952 : i32
    %dma_start3A_954 = arith.constant 0 : i32
    %dma_start3A_955 = arith.constant 3 : i32
    %dma_start3A_956 = arith.constant 0 : i32
    %dma_start3A_957 = arith.constant 0 : i32
    %dma_start3A_958 = tpu.memref_slice %arg6[%dma_start3A_954, %dma_start3A_955, %dma_start3A_956, %dma_start3A_957] : memref<2x8x128x32xf32, #tpu.memory_space<vmem>> -> memref<1x1x128x32xf32, #tpu.memory_space<vmem>>
    %dma_start3A_959 = tpu.memref_squeeze %dma_start3A_958 : memref<1x1x128x32xf32, #tpu.memory_space<vmem>> -> memref<128x32xf32, #tpu.memory_space<vmem>>
    %dma_start3A_960 = arith.constant 0 : i32
    %dma_start3A_961 = tpu.memref_slice %arg4[%select_n3A_935, %mul3A_953, %dma_start3A_960] : memref<50x16384x128xf32, #tpu.memory_space<hbm>> -> memref<1x128x32xf32, #tpu.memory_space<hbm>>
    %dma_start3A_962 = tpu.memref_squeeze %dma_start3A_961 : memref<1x128x32xf32, #tpu.memory_space<hbm>> -> memref<128x32xf32, #tpu.memory_space<hbm>>
    %dma_start3A_963 = arith.constant 0 : i32
    %dma_start3A_964 = tpu.memref_slice %arg4[%select_n3A_935, %mul3A_953, %dma_start3A_963] : memref<50x16384x128xf32, #tpu.memory_space<hbm>> -> memref<1x128x32xf32, #tpu.memory_space<hbm>>
    %dma_start3A_965 = tpu.memref_squeeze %dma_start3A_964 : memref<1x128x32xf32, #tpu.memory_space<hbm>> -> memref<128x32xf32, #tpu.memory_space<hbm>>
    %dma_start3A_966 = arith.constant 0 : i32
    %dma_start3A_967 = arith.constant 0 : i32
    %dma_start3A_968 = tpu.memref_slice %arg6[%dma_start3A_954, %dma_start3A_955, %dma_start3A_966, %dma_start3A_967] : memref<2x8x128x32xf32, #tpu.memory_space<vmem>> -> memref<1x1x128x32xf32, #tpu.memory_space<vmem>>
    %dma_start3A_969 = tpu.memref_squeeze %dma_start3A_968 : memref<1x1x128x32xf32, #tpu.memory_space<vmem>> -> memref<128x32xf32, #tpu.memory_space<vmem>>
    tpu.enqueue_dma source(%dma_start3A_969 : memref<128x32xf32, #tpu.memory_space<vmem>>) target(%dma_start3A_965 : memref<128x32xf32, #tpu.memory_space<hbm>>) target_semaphore(%arg9 : memref<!tpu.dma_semaphore, #tpu.memory_space<semaphore_mem>>)
    %mul3A_970 = arith.constant 200 : i32
    %mul3A_971 = arith.muli %add3A, %mul3A_970 : i32
    %add3A_972 = arith.constant 192 : i32
    %add3A_973 = arith.addi %mul3A_971, %add3A_972 : i32
    %add3A_974 = arith.constant 4 : i32
    %add3A_975 = arith.addi %add3A_973, %add3A_974 : i32
    %jit3A_976 = arith.constant 128 : i32
    %div3A_977 = arith.divsi %add3A_975, %jit3A_976 : i32
    %sign3A_978 = arith.constant 0 : i32
    %sign3A_979 = arith.cmpi sgt, %add3A_975, %sign3A_978 : i32
    %sign3A_980 = arith.extui %sign3A_979 : i1 to i32
    %sign3A_981 = arith.constant 0 : i32
    %sign3A_982 = arith.cmpi slt, %add3A_975, %sign3A_981 : i32
    %sign3A_983 = arith.extui %sign3A_982 : i1 to i32
    %sign3A_984 = arith.subi %sign3A_980, %sign3A_983 : i32
    %sign3A_985 = arith.constant 0 : i32
    %sign3A_986 = arith.cmpi sgt, %jit3A_976, %sign3A_985 : i32
    %sign3A_987 = arith.extui %sign3A_986 : i1 to i32
    %sign3A_988 = arith.constant 0 : i32
    %sign3A_989 = arith.cmpi slt, %jit3A_976, %sign3A_988 : i32
    %sign3A_990 = arith.extui %sign3A_989 : i1 to i32
    %sign3A_991 = arith.subi %sign3A_987, %sign3A_990 : i32
    %ne3A_992 = arith.cmpi ne, %sign3A_984, %sign3A_991 : i32
    %rem3A_993 = arith.remsi %add3A_975, %jit3A_976 : i32
    %ne3A_994 = arith.constant 0 : i32
    %ne3A_995 = arith.cmpi ne, %rem3A_993, %ne3A_994 : i32
    %and3A_996 = arith.andi %ne3A_992, %ne3A_995 : i1
    %sub3A_997 = arith.constant 1 : i32
    %sub3A_998 = arith.subi %div3A_977, %sub3A_997 : i32
    %select_n3A_999 = arith.select %and3A_996, %sub3A_998, %div3A_977 : i32
    %jit3A_1000 = arith.constant 128 : i32
    %eq3A_1001 = arith.constant 0 : i32
    %eq3A_1002 = arith.cmpi eq, %jit3A_1000, %eq3A_1001 : i32
    %jit3A_1003 = arith.constant 1 : i32
    %select_n3A_1004 = arith.select %eq3A_1002, %jit3A_1003, %jit3A_1000 : i32
    %rem3A_1005 = arith.remsi %add3A_975, %select_n3A_1004 : i32
    %ne3A_1006 = arith.constant 0 : i32
    %ne3A_1007 = arith.cmpi ne, %rem3A_1005, %ne3A_1006 : i32
    %lt3A_1008 = arith.constant 0 : i32
    %lt3A_1009 = arith.cmpi slt, %rem3A_1005, %lt3A_1008 : i32
    %lt3A_1010 = arith.constant 0 : i32
    %lt3A_1011 = arith.cmpi slt, %select_n3A_1004, %lt3A_1010 : i32
    %ne3A_1012 = arith.xori %lt3A_1009, %lt3A_1011 : i1
    %and3A_1013 = arith.andi %ne3A_1012, %ne3A_1007 : i1
    %add3A_1014 = arith.addi %rem3A_1005, %select_n3A_1004 : i32
    %select_n3A_1015 = arith.select %and3A_1013, %add3A_1014, %rem3A_1005 : i32
    %mul3A_1016 = arith.constant 128 : i32
    %mul3A_1017 = arith.muli %select_n3A_1015, %mul3A_1016 : i32
    %dma_start3A_1018 = arith.constant 0 : i32
    %dma_start3A_1019 = arith.constant 4 : i32
    %dma_start3A_1020 = arith.constant 0 : i32
    %dma_start3A_1021 = arith.constant 0 : i32
    %dma_start3A_1022 = tpu.memref_slice %arg6[%dma_start3A_1018, %dma_start3A_1019, %dma_start3A_1020, %dma_start3A_1021] : memref<2x8x128x32xf32, #tpu.memory_space<vmem>> -> memref<1x1x128x32xf32, #tpu.memory_space<vmem>>
    %dma_start3A_1023 = tpu.memref_squeeze %dma_start3A_1022 : memref<1x1x128x32xf32, #tpu.memory_space<vmem>> -> memref<128x32xf32, #tpu.memory_space<vmem>>
    %dma_start3A_1024 = arith.constant 0 : i32
    %dma_start3A_1025 = tpu.memref_slice %arg4[%select_n3A_999, %mul3A_1017, %dma_start3A_1024] : memref<50x16384x128xf32, #tpu.memory_space<hbm>> -> memref<1x128x32xf32, #tpu.memory_space<hbm>>
    %dma_start3A_1026 = tpu.memref_squeeze %dma_start3A_1025 : memref<1x128x32xf32, #tpu.memory_space<hbm>> -> memref<128x32xf32, #tpu.memory_space<hbm>>
    %dma_start3A_1027 = arith.constant 0 : i32
    %dma_start3A_1028 = tpu.memref_slice %arg4[%select_n3A_999, %mul3A_1017, %dma_start3A_1027] : memref<50x16384x128xf32, #tpu.memory_space<hbm>> -> memref<1x128x32xf32, #tpu.memory_space<hbm>>
    %dma_start3A_1029 = tpu.memref_squeeze %dma_start3A_1028 : memref<1x128x32xf32, #tpu.memory_space<hbm>> -> memref<128x32xf32, #tpu.memory_space<hbm>>
    %dma_start3A_1030 = arith.constant 0 : i32
    %dma_start3A_1031 = arith.constant 0 : i32
    %dma_start3A_1032 = tpu.memref_slice %arg6[%dma_start3A_1018, %dma_start3A_1019, %dma_start3A_1030, %dma_start3A_1031] : memref<2x8x128x32xf32, #tpu.memory_space<vmem>> -> memref<1x1x128x32xf32, #tpu.memory_space<vmem>>
    %dma_start3A_1033 = tpu.memref_squeeze %dma_start3A_1032 : memref<1x1x128x32xf32, #tpu.memory_space<vmem>> -> memref<128x32xf32, #tpu.memory_space<vmem>>
    tpu.enqueue_dma source(%dma_start3A_1033 : memref<128x32xf32, #tpu.memory_space<vmem>>) target(%dma_start3A_1029 : memref<128x32xf32, #tpu.memory_space<hbm>>) target_semaphore(%arg9 : memref<!tpu.dma_semaphore, #tpu.memory_space<semaphore_mem>>)
    %mul3A_1034 = arith.constant 200 : i32
    %mul3A_1035 = arith.muli %add3A, %mul3A_1034 : i32
    %add3A_1036 = arith.constant 192 : i32
    %add3A_1037 = arith.addi %mul3A_1035, %add3A_1036 : i32
    %add3A_1038 = arith.constant 5 : i32
    %add3A_1039 = arith.addi %add3A_1037, %add3A_1038 : i32
    %jit3A_1040 = arith.constant 128 : i32
    %div3A_1041 = arith.divsi %add3A_1039, %jit3A_1040 : i32
    %sign3A_1042 = arith.constant 0 : i32
    %sign3A_1043 = arith.cmpi sgt, %add3A_1039, %sign3A_1042 : i32
    %sign3A_1044 = arith.extui %sign3A_1043 : i1 to i32
    %sign3A_1045 = arith.constant 0 : i32
    %sign3A_1046 = arith.cmpi slt, %add3A_1039, %sign3A_1045 : i32
    %sign3A_1047 = arith.extui %sign3A_1046 : i1 to i32
    %sign3A_1048 = arith.subi %sign3A_1044, %sign3A_1047 : i32
    %sign3A_1049 = arith.constant 0 : i32
    %sign3A_1050 = arith.cmpi sgt, %jit3A_1040, %sign3A_1049 : i32
    %sign3A_1051 = arith.extui %sign3A_1050 : i1 to i32
    %sign3A_1052 = arith.constant 0 : i32
    %sign3A_1053 = arith.cmpi slt, %jit3A_1040, %sign3A_1052 : i32
    %sign3A_1054 = arith.extui %sign3A_1053 : i1 to i32
    %sign3A_1055 = arith.subi %sign3A_1051, %sign3A_1054 : i32
    %ne3A_1056 = arith.cmpi ne, %sign3A_1048, %sign3A_1055 : i32
    %rem3A_1057 = arith.remsi %add3A_1039, %jit3A_1040 : i32
    %ne3A_1058 = arith.constant 0 : i32
    %ne3A_1059 = arith.cmpi ne, %rem3A_1057, %ne3A_1058 : i32
    %and3A_1060 = arith.andi %ne3A_1056, %ne3A_1059 : i1
    %sub3A_1061 = arith.constant 1 : i32
    %sub3A_1062 = arith.subi %div3A_1041, %sub3A_1061 : i32
    %select_n3A_1063 = arith.select %and3A_1060, %sub3A_1062, %div3A_1041 : i32
    %jit3A_1064 = arith.constant 128 : i32
    %eq3A_1065 = arith.constant 0 : i32
    %eq3A_1066 = arith.cmpi eq, %jit3A_1064, %eq3A_1065 : i32
    %jit3A_1067 = arith.constant 1 : i32
    %select_n3A_1068 = arith.select %eq3A_1066, %jit3A_1067, %jit3A_1064 : i32
    %rem3A_1069 = arith.remsi %add3A_1039, %select_n3A_1068 : i32
    %ne3A_1070 = arith.constant 0 : i32
    %ne3A_1071 = arith.cmpi ne, %rem3A_1069, %ne3A_1070 : i32
    %lt3A_1072 = arith.constant 0 : i32
    %lt3A_1073 = arith.cmpi slt, %rem3A_1069, %lt3A_1072 : i32
    %lt3A_1074 = arith.constant 0 : i32
    %lt3A_1075 = arith.cmpi slt, %select_n3A_1068, %lt3A_1074 : i32
    %ne3A_1076 = arith.xori %lt3A_1073, %lt3A_1075 : i1
    %and3A_1077 = arith.andi %ne3A_1076, %ne3A_1071 : i1
    %add3A_1078 = arith.addi %rem3A_1069, %select_n3A_1068 : i32
    %select_n3A_1079 = arith.select %and3A_1077, %add3A_1078, %rem3A_1069 : i32
    %mul3A_1080 = arith.constant 128 : i32
    %mul3A_1081 = arith.muli %select_n3A_1079, %mul3A_1080 : i32
    %dma_start3A_1082 = arith.constant 0 : i32
    %dma_start3A_1083 = arith.constant 5 : i32
    %dma_start3A_1084 = arith.constant 0 : i32
    %dma_start3A_1085 = arith.constant 0 : i32
    %dma_start3A_1086 = tpu.memref_slice %arg6[%dma_start3A_1082, %dma_start3A_1083, %dma_start3A_1084, %dma_start3A_1085] : memref<2x8x128x32xf32, #tpu.memory_space<vmem>> -> memref<1x1x128x32xf32, #tpu.memory_space<vmem>>
    %dma_start3A_1087 = tpu.memref_squeeze %dma_start3A_1086 : memref<1x1x128x32xf32, #tpu.memory_space<vmem>> -> memref<128x32xf32, #tpu.memory_space<vmem>>
    %dma_start3A_1088 = arith.constant 0 : i32
    %dma_start3A_1089 = tpu.memref_slice %arg4[%select_n3A_1063, %mul3A_1081, %dma_start3A_1088] : memref<50x16384x128xf32, #tpu.memory_space<hbm>> -> memref<1x128x32xf32, #tpu.memory_space<hbm>>
    %dma_start3A_1090 = tpu.memref_squeeze %dma_start3A_1089 : memref<1x128x32xf32, #tpu.memory_space<hbm>> -> memref<128x32xf32, #tpu.memory_space<hbm>>
    %dma_start3A_1091 = arith.constant 0 : i32
    %dma_start3A_1092 = tpu.memref_slice %arg4[%select_n3A_1063, %mul3A_1081, %dma_start3A_1091] : memref<50x16384x128xf32, #tpu.memory_space<hbm>> -> memref<1x128x32xf32, #tpu.memory_space<hbm>>
    %dma_start3A_1093 = tpu.memref_squeeze %dma_start3A_1092 : memref<1x128x32xf32, #tpu.memory_space<hbm>> -> memref<128x32xf32, #tpu.memory_space<hbm>>
    %dma_start3A_1094 = arith.constant 0 : i32
    %dma_start3A_1095 = arith.constant 0 : i32
    %dma_start3A_1096 = tpu.memref_slice %arg6[%dma_start3A_1082, %dma_start3A_1083, %dma_start3A_1094, %dma_start3A_1095] : memref<2x8x128x32xf32, #tpu.memory_space<vmem>> -> memref<1x1x128x32xf32, #tpu.memory_space<vmem>>
    %dma_start3A_1097 = tpu.memref_squeeze %dma_start3A_1096 : memref<1x1x128x32xf32, #tpu.memory_space<vmem>> -> memref<128x32xf32, #tpu.memory_space<vmem>>
    tpu.enqueue_dma source(%dma_start3A_1097 : memref<128x32xf32, #tpu.memory_space<vmem>>) target(%dma_start3A_1093 : memref<128x32xf32, #tpu.memory_space<hbm>>) target_semaphore(%arg9 : memref<!tpu.dma_semaphore, #tpu.memory_space<semaphore_mem>>)
    %mul3A_1098 = arith.constant 200 : i32
    %mul3A_1099 = arith.muli %add3A, %mul3A_1098 : i32
    %add3A_1100 = arith.constant 192 : i32
    %add3A_1101 = arith.addi %mul3A_1099, %add3A_1100 : i32
    %add3A_1102 = arith.constant 6 : i32
    %add3A_1103 = arith.addi %add3A_1101, %add3A_1102 : i32
    %jit3A_1104 = arith.constant 128 : i32
    %div3A_1105 = arith.divsi %add3A_1103, %jit3A_1104 : i32
    %sign3A_1106 = arith.constant 0 : i32
    %sign3A_1107 = arith.cmpi sgt, %add3A_1103, %sign3A_1106 : i32
    %sign3A_1108 = arith.extui %sign3A_1107 : i1 to i32
    %sign3A_1109 = arith.constant 0 : i32
    %sign3A_1110 = arith.cmpi slt, %add3A_1103, %sign3A_1109 : i32
    %sign3A_1111 = arith.extui %sign3A_1110 : i1 to i32
    %sign3A_1112 = arith.subi %sign3A_1108, %sign3A_1111 : i32
    %sign3A_1113 = arith.constant 0 : i32
    %sign3A_1114 = arith.cmpi sgt, %jit3A_1104, %sign3A_1113 : i32
    %sign3A_1115 = arith.extui %sign3A_1114 : i1 to i32
    %sign3A_1116 = arith.constant 0 : i32
    %sign3A_1117 = arith.cmpi slt, %jit3A_1104, %sign3A_1116 : i32
    %sign3A_1118 = arith.extui %sign3A_1117 : i1 to i32
    %sign3A_1119 = arith.subi %sign3A_1115, %sign3A_1118 : i32
    %ne3A_1120 = arith.cmpi ne, %sign3A_1112, %sign3A_1119 : i32
    %rem3A_1121 = arith.remsi %add3A_1103, %jit3A_1104 : i32
    %ne3A_1122 = arith.constant 0 : i32
    %ne3A_1123 = arith.cmpi ne, %rem3A_1121, %ne3A_1122 : i32
    %and3A_1124 = arith.andi %ne3A_1120, %ne3A_1123 : i1
    %sub3A_1125 = arith.constant 1 : i32
    %sub3A_1126 = arith.subi %div3A_1105, %sub3A_1125 : i32
    %select_n3A_1127 = arith.select %and3A_1124, %sub3A_1126, %div3A_1105 : i32
    %jit3A_1128 = arith.constant 128 : i32
    %eq3A_1129 = arith.constant 0 : i32
    %eq3A_1130 = arith.cmpi eq, %jit3A_1128, %eq3A_1129 : i32
    %jit3A_1131 = arith.constant 1 : i32
    %select_n3A_1132 = arith.select %eq3A_1130, %jit3A_1131, %jit3A_1128 : i32
    %rem3A_1133 = arith.remsi %add3A_1103, %select_n3A_1132 : i32
    %ne3A_1134 = arith.constant 0 : i32
    %ne3A_1135 = arith.cmpi ne, %rem3A_1133, %ne3A_1134 : i32
    %lt3A_1136 = arith.constant 0 : i32
    %lt3A_1137 = arith.cmpi slt, %rem3A_1133, %lt3A_1136 : i32
    %lt3A_1138 = arith.constant 0 : i32
    %lt3A_1139 = arith.cmpi slt, %select_n3A_1132, %lt3A_1138 : i32
    %ne3A_1140 = arith.xori %lt3A_1137, %lt3A_1139 : i1
    %and3A_1141 = arith.andi %ne3A_1140, %ne3A_1135 : i1
    %add3A_1142 = arith.addi %rem3A_1133, %select_n3A_1132 : i32
    %select_n3A_1143 = arith.select %and3A_1141, %add3A_1142, %rem3A_1133 : i32
    %mul3A_1144 = arith.constant 128 : i32
    %mul3A_1145 = arith.muli %select_n3A_1143, %mul3A_1144 : i32
    %dma_start3A_1146 = arith.constant 0 : i32
    %dma_start3A_1147 = arith.constant 6 : i32
    %dma_start3A_1148 = arith.constant 0 : i32
    %dma_start3A_1149 = arith.constant 0 : i32
    %dma_start3A_1150 = tpu.memref_slice %arg6[%dma_start3A_1146, %dma_start3A_1147, %dma_start3A_1148, %dma_start3A_1149] : memref<2x8x128x32xf32, #tpu.memory_space<vmem>> -> memref<1x1x128x32xf32, #tpu.memory_space<vmem>>
    %dma_start3A_1151 = tpu.memref_squeeze %dma_start3A_1150 : memref<1x1x128x32xf32, #tpu.memory_space<vmem>> -> memref<128x32xf32, #tpu.memory_space<vmem>>
    %dma_start3A_1152 = arith.constant 0 : i32
    %dma_start3A_1153 = tpu.memref_slice %arg4[%select_n3A_1127, %mul3A_1145, %dma_start3A_1152] : memref<50x16384x128xf32, #tpu.memory_space<hbm>> -> memref<1x128x32xf32, #tpu.memory_space<hbm>>
    %dma_start3A_1154 = tpu.memref_squeeze %dma_start3A_1153 : memref<1x128x32xf32, #tpu.memory_space<hbm>> -> memref<128x32xf32, #tpu.memory_space<hbm>>
    %dma_start3A_1155 = arith.constant 0 : i32
    %dma_start3A_1156 = tpu.memref_slice %arg4[%select_n3A_1127, %mul3A_1145, %dma_start3A_1155] : memref<50x16384x128xf32, #tpu.memory_space<hbm>> -> memref<1x128x32xf32, #tpu.memory_space<hbm>>
    %dma_start3A_1157 = tpu.memref_squeeze %dma_start3A_1156 : memref<1x128x32xf32, #tpu.memory_space<hbm>> -> memref<128x32xf32, #tpu.memory_space<hbm>>
    %dma_start3A_1158 = arith.constant 0 : i32
    %dma_start3A_1159 = arith.constant 0 : i32
    %dma_start3A_1160 = tpu.memref_slice %arg6[%dma_start3A_1146, %dma_start3A_1147, %dma_start3A_1158, %dma_start3A_1159] : memref<2x8x128x32xf32, #tpu.memory_space<vmem>> -> memref<1x1x128x32xf32, #tpu.memory_space<vmem>>
    %dma_start3A_1161 = tpu.memref_squeeze %dma_start3A_1160 : memref<1x1x128x32xf32, #tpu.memory_space<vmem>> -> memref<128x32xf32, #tpu.memory_space<vmem>>
    tpu.enqueue_dma source(%dma_start3A_1161 : memref<128x32xf32, #tpu.memory_space<vmem>>) target(%dma_start3A_1157 : memref<128x32xf32, #tpu.memory_space<hbm>>) target_semaphore(%arg9 : memref<!tpu.dma_semaphore, #tpu.memory_space<semaphore_mem>>)
    %mul3A_1162 = arith.constant 200 : i32
    %mul3A_1163 = arith.muli %add3A, %mul3A_1162 : i32
    %add3A_1164 = arith.constant 192 : i32
    %add3A_1165 = arith.addi %mul3A_1163, %add3A_1164 : i32
    %add3A_1166 = arith.constant 7 : i32
    %add3A_1167 = arith.addi %add3A_1165, %add3A_1166 : i32
    %jit3A_1168 = arith.constant 128 : i32
    %div3A_1169 = arith.divsi %add3A_1167, %jit3A_1168 : i32
    %sign3A_1170 = arith.constant 0 : i32
    %sign3A_1171 = arith.cmpi sgt, %add3A_1167, %sign3A_1170 : i32
    %sign3A_1172 = arith.extui %sign3A_1171 : i1 to i32
    %sign3A_1173 = arith.constant 0 : i32
    %sign3A_1174 = arith.cmpi slt, %add3A_1167, %sign3A_1173 : i32
    %sign3A_1175 = arith.extui %sign3A_1174 : i1 to i32
    %sign3A_1176 = arith.subi %sign3A_1172, %sign3A_1175 : i32
    %sign3A_1177 = arith.constant 0 : i32
    %sign3A_1178 = arith.cmpi sgt, %jit3A_1168, %sign3A_1177 : i32
    %sign3A_1179 = arith.extui %sign3A_1178 : i1 to i32
    %sign3A_1180 = arith.constant 0 : i32
    %sign3A_1181 = arith.cmpi slt, %jit3A_1168, %sign3A_1180 : i32
    %sign3A_1182 = arith.extui %sign3A_1181 : i1 to i32
    %sign3A_1183 = arith.subi %sign3A_1179, %sign3A_1182 : i32
    %ne3A_1184 = arith.cmpi ne, %sign3A_1176, %sign3A_1183 : i32
    %rem3A_1185 = arith.remsi %add3A_1167, %jit3A_1168 : i32
    %ne3A_1186 = arith.constant 0 : i32
    %ne3A_1187 = arith.cmpi ne, %rem3A_1185, %ne3A_1186 : i32
    %and3A_1188 = arith.andi %ne3A_1184, %ne3A_1187 : i1
    %sub3A_1189 = arith.constant 1 : i32
    %sub3A_1190 = arith.subi %div3A_1169, %sub3A_1189 : i32
    %select_n3A_1191 = arith.select %and3A_1188, %sub3A_1190, %div3A_1169 : i32
    %jit3A_1192 = arith.constant 128 : i32
    %eq3A_1193 = arith.constant 0 : i32
    %eq3A_1194 = arith.cmpi eq, %jit3A_1192, %eq3A_1193 : i32
    %jit3A_1195 = arith.constant 1 : i32
    %select_n3A_1196 = arith.select %eq3A_1194, %jit3A_1195, %jit3A_1192 : i32
    %rem3A_1197 = arith.remsi %add3A_1167, %select_n3A_1196 : i32
    %ne3A_1198 = arith.constant 0 : i32
    %ne3A_1199 = arith.cmpi ne, %rem3A_1197, %ne3A_1198 : i32
    %lt3A_1200 = arith.constant 0 : i32
    %lt3A_1201 = arith.cmpi slt, %rem3A_1197, %lt3A_1200 : i32
    %lt3A_1202 = arith.constant 0 : i32
    %lt3A_1203 = arith.cmpi slt, %select_n3A_1196, %lt3A_1202 : i32
    %ne3A_1204 = arith.xori %lt3A_1201, %lt3A_1203 : i1
    %and3A_1205 = arith.andi %ne3A_1204, %ne3A_1199 : i1
    %add3A_1206 = arith.addi %rem3A_1197, %select_n3A_1196 : i32
    %select_n3A_1207 = arith.select %and3A_1205, %add3A_1206, %rem3A_1197 : i32
    %mul3A_1208 = arith.constant 128 : i32
    %mul3A_1209 = arith.muli %select_n3A_1207, %mul3A_1208 : i32
    %dma_start3A_1210 = arith.constant 0 : i32
    %dma_start3A_1211 = arith.constant 7 : i32
    %dma_start3A_1212 = arith.constant 0 : i32
    %dma_start3A_1213 = arith.constant 0 : i32
    %dma_start3A_1214 = tpu.memref_slice %arg6[%dma_start3A_1210, %dma_start3A_1211, %dma_start3A_1212, %dma_start3A_1213] : memref<2x8x128x32xf32, #tpu.memory_space<vmem>> -> memref<1x1x128x32xf32, #tpu.memory_space<vmem>>
    %dma_start3A_1215 = tpu.memref_squeeze %dma_start3A_1214 : memref<1x1x128x32xf32, #tpu.memory_space<vmem>> -> memref<128x32xf32, #tpu.memory_space<vmem>>
    %dma_start3A_1216 = arith.constant 0 : i32
    %dma_start3A_1217 = tpu.memref_slice %arg4[%select_n3A_1191, %mul3A_1209, %dma_start3A_1216] : memref<50x16384x128xf32, #tpu.memory_space<hbm>> -> memref<1x128x32xf32, #tpu.memory_space<hbm>>
    %dma_start3A_1218 = tpu.memref_squeeze %dma_start3A_1217 : memref<1x128x32xf32, #tpu.memory_space<hbm>> -> memref<128x32xf32, #tpu.memory_space<hbm>>
    %dma_start3A_1219 = arith.constant 0 : i32
    %dma_start3A_1220 = tpu.memref_slice %arg4[%select_n3A_1191, %mul3A_1209, %dma_start3A_1219] : memref<50x16384x128xf32, #tpu.memory_space<hbm>> -> memref<1x128x32xf32, #tpu.memory_space<hbm>>
    %dma_start3A_1221 = tpu.memref_squeeze %dma_start3A_1220 : memref<1x128x32xf32, #tpu.memory_space<hbm>> -> memref<128x32xf32, #tpu.memory_space<hbm>>
    %dma_start3A_1222 = arith.constant 0 : i32
    %dma_start3A_1223 = arith.constant 0 : i32
    %dma_start3A_1224 = tpu.memref_slice %arg6[%dma_start3A_1210, %dma_start3A_1211, %dma_start3A_1222, %dma_start3A_1223] : memref<2x8x128x32xf32, #tpu.memory_space<vmem>> -> memref<1x1x128x32xf32, #tpu.memory_space<vmem>>
    %dma_start3A_1225 = tpu.memref_squeeze %dma_start3A_1224 : memref<1x1x128x32xf32, #tpu.memory_space<vmem>> -> memref<128x32xf32, #tpu.memory_space<vmem>>
    tpu.enqueue_dma source(%dma_start3A_1225 : memref<128x32xf32, #tpu.memory_space<vmem>>) target(%dma_start3A_1221 : memref<128x32xf32, #tpu.memory_space<hbm>>) target_semaphore(%arg9 : memref<!tpu.dma_semaphore, #tpu.memory_space<semaphore_mem>>)
    %mul3A_1226 = arith.constant 200 : i32
    %mul3A_1227 = arith.muli %add3A, %mul3A_1226 : i32
    %add3A_1228 = arith.constant 0 : i32
    %add3A_1229 = arith.addi %mul3A_1227, %add3A_1228 : i32
    %add3A_1230 = arith.constant 0 : i32
    %add3A_1231 = arith.addi %add3A_1229, %add3A_1230 : i32
    %jit3A_1232 = arith.constant 128 : i32
    %div3A_1233 = arith.divsi %add3A_1231, %jit3A_1232 : i32
    %sign3A_1234 = arith.constant 0 : i32
    %sign3A_1235 = arith.cmpi sgt, %add3A_1231, %sign3A_1234 : i32
    %sign3A_1236 = arith.extui %sign3A_1235 : i1 to i32
    %sign3A_1237 = arith.constant 0 : i32
    %sign3A_1238 = arith.cmpi slt, %add3A_1231, %sign3A_1237 : i32
    %sign3A_1239 = arith.extui %sign3A_1238 : i1 to i32
    %sign3A_1240 = arith.subi %sign3A_1236, %sign3A_1239 : i32
    %sign3A_1241 = arith.constant 0 : i32
    %sign3A_1242 = arith.cmpi sgt, %jit3A_1232, %sign3A_1241 : i32
    %sign3A_1243 = arith.extui %sign3A_1242 : i1 to i32
    %sign3A_1244 = arith.constant 0 : i32
    %sign3A_1245 = arith.cmpi slt, %jit3A_1232, %sign3A_1244 : i32
    %sign3A_1246 = arith.extui %sign3A_1245 : i1 to i32
    %sign3A_1247 = arith.subi %sign3A_1243, %sign3A_1246 : i32
    %ne3A_1248 = arith.cmpi ne, %sign3A_1240, %sign3A_1247 : i32
    %rem3A_1249 = arith.remsi %add3A_1231, %jit3A_1232 : i32
    %ne3A_1250 = arith.constant 0 : i32
    %ne3A_1251 = arith.cmpi ne, %rem3A_1249, %ne3A_1250 : i32
    %and3A_1252 = arith.andi %ne3A_1248, %ne3A_1251 : i1
    %sub3A_1253 = arith.constant 1 : i32
    %sub3A_1254 = arith.subi %div3A_1233, %sub3A_1253 : i32
    %select_n3A_1255 = arith.select %and3A_1252, %sub3A_1254, %div3A_1233 : i32
    %jit3A_1256 = arith.constant 128 : i32
    %eq3A_1257 = arith.constant 0 : i32
    %eq3A_1258 = arith.cmpi eq, %jit3A_1256, %eq3A_1257 : i32
    %jit3A_1259 = arith.constant 1 : i32
    %select_n3A_1260 = arith.select %eq3A_1258, %jit3A_1259, %jit3A_1256 : i32
    %rem3A_1261 = arith.remsi %add3A_1231, %select_n3A_1260 : i32
    %ne3A_1262 = arith.constant 0 : i32
    %ne3A_1263 = arith.cmpi ne, %rem3A_1261, %ne3A_1262 : i32
    %lt3A_1264 = arith.constant 0 : i32
    %lt3A_1265 = arith.cmpi slt, %rem3A_1261, %lt3A_1264 : i32
    %lt3A_1266 = arith.constant 0 : i32
    %lt3A_1267 = arith.cmpi slt, %select_n3A_1260, %lt3A_1266 : i32
    %ne3A_1268 = arith.xori %lt3A_1265, %lt3A_1267 : i1
    %and3A_1269 = arith.andi %ne3A_1268, %ne3A_1263 : i1
    %add3A_1270 = arith.addi %rem3A_1261, %select_n3A_1260 : i32
    %select_n3A_1271 = arith.select %and3A_1269, %add3A_1270, %rem3A_1261 : i32
    %mul3A_1272 = arith.constant 128 : i32
    %mul3A_1273 = arith.muli %select_n3A_1271, %mul3A_1272 : i32
    %dma_wait3A_1274 = arith.constant 0 : i32
    %dma_wait3A_1275 = arith.constant 0 : i32
    %dma_wait3A_1276 = arith.constant 0 : i32
    %dma_wait3A_1277 = arith.constant 0 : i32
    %dma_wait3A_1278 = tpu.memref_slice %arg6[%dma_wait3A_1274, %dma_wait3A_1275, %dma_wait3A_1276, %dma_wait3A_1277] : memref<2x8x128x32xf32, #tpu.memory_space<vmem>> -> memref<1x1x128x32xf32, #tpu.memory_space<vmem>>
    %dma_wait3A_1279 = tpu.memref_squeeze %dma_wait3A_1278 : memref<1x1x128x32xf32, #tpu.memory_space<vmem>> -> memref<128x32xf32, #tpu.memory_space<vmem>>
    %dma_wait3A_1280 = arith.constant 0 : i32
    %dma_wait3A_1281 = tpu.memref_slice %arg4[%select_n3A_1255, %mul3A_1273, %dma_wait3A_1280] : memref<50x16384x128xf32, #tpu.memory_space<hbm>> -> memref<1x128x32xf32, #tpu.memory_space<hbm>>
    %dma_wait3A_1282 = tpu.memref_squeeze %dma_wait3A_1281 : memref<1x128x32xf32, #tpu.memory_space<hbm>> -> memref<128x32xf32, #tpu.memory_space<hbm>>
    %dma_wait3A_1283 = arith.constant 0 : i32
    %dma_wait3A_1284 = tpu.memref_slice %arg4[%select_n3A_1255, %mul3A_1273, %dma_wait3A_1283] : memref<50x16384x128xf32, #tpu.memory_space<hbm>> -> memref<1x128x32xf32, #tpu.memory_space<hbm>>
    %dma_wait3A_1285 = tpu.memref_squeeze %dma_wait3A_1284 : memref<1x128x32xf32, #tpu.memory_space<hbm>> -> memref<128x32xf32, #tpu.memory_space<hbm>>
    %dma_wait3A_1286 = arith.constant 0 : i32
    %dma_wait3A_1287 = arith.constant 0 : i32
    %dma_wait3A_1288 = tpu.memref_slice %arg6[%dma_wait3A_1274, %dma_wait3A_1275, %dma_wait3A_1286, %dma_wait3A_1287] : memref<2x8x128x32xf32, #tpu.memory_space<vmem>> -> memref<1x1x128x32xf32, #tpu.memory_space<vmem>>
    %dma_wait3A_1289 = tpu.memref_squeeze %dma_wait3A_1288 : memref<1x1x128x32xf32, #tpu.memory_space<vmem>> -> memref<128x32xf32, #tpu.memory_space<vmem>>
    tpu.wait_dma2 semaphore(%arg9 : memref<!tpu.dma_semaphore, #tpu.memory_space<semaphore_mem>>) src(%dma_wait3A_1289 : memref<128x32xf32, #tpu.memory_space<vmem>>) dst(%dma_wait3A_1285 : memref<128x32xf32, #tpu.memory_space<hbm>>)
    %mul3A_1290 = arith.constant 200 : i32
    %mul3A_1291 = arith.muli %add3A, %mul3A_1290 : i32
    %add3A_1292 = arith.constant 0 : i32
    %add3A_1293 = arith.addi %mul3A_1291, %add3A_1292 : i32
    %add3A_1294 = arith.constant 1 : i32
    %add3A_1295 = arith.addi %add3A_1293, %add3A_1294 : i32
    %jit3A_1296 = arith.constant 128 : i32
    %div3A_1297 = arith.divsi %add3A_1295, %jit3A_1296 : i32
    %sign3A_1298 = arith.constant 0 : i32
    %sign3A_1299 = arith.cmpi sgt, %add3A_1295, %sign3A_1298 : i32
    %sign3A_1300 = arith.extui %sign3A_1299 : i1 to i32
    %sign3A_1301 = arith.constant 0 : i32
    %sign3A_1302 = arith.cmpi slt, %add3A_1295, %sign3A_1301 : i32
    %sign3A_1303 = arith.extui %sign3A_1302 : i1 to i32
    %sign3A_1304 = arith.subi %sign3A_1300, %sign3A_1303 : i32
    %sign3A_1305 = arith.constant 0 : i32
    %sign3A_1306 = arith.cmpi sgt, %jit3A_1296, %sign3A_1305 : i32
    %sign3A_1307 = arith.extui %sign3A_1306 : i1 to i32
    %sign3A_1308 = arith.constant 0 : i32
    %sign3A_1309 = arith.cmpi slt, %jit3A_1296, %sign3A_1308 : i32
    %sign3A_1310 = arith.extui %sign3A_1309 : i1 to i32
    %sign3A_1311 = arith.subi %sign3A_1307, %sign3A_1310 : i32
    %ne3A_1312 = arith.cmpi ne, %sign3A_1304, %sign3A_1311 : i32
    %rem3A_1313 = arith.remsi %add3A_1295, %jit3A_1296 : i32
    %ne3A_1314 = arith.constant 0 : i32
    %ne3A_1315 = arith.cmpi ne, %rem3A_1313, %ne3A_1314 : i32
    %and3A_1316 = arith.andi %ne3A_1312, %ne3A_1315 : i1
    %sub3A_1317 = arith.constant 1 : i32
    %sub3A_1318 = arith.subi %div3A_1297, %sub3A_1317 : i32
    %select_n3A_1319 = arith.select %and3A_1316, %sub3A_1318, %div3A_1297 : i32
    %jit3A_1320 = arith.constant 128 : i32
    %eq3A_1321 = arith.constant 0 : i32
    %eq3A_1322 = arith.cmpi eq, %jit3A_1320, %eq3A_1321 : i32
    %jit3A_1323 = arith.constant 1 : i32
    %select_n3A_1324 = arith.select %eq3A_1322, %jit3A_1323, %jit3A_1320 : i32
    %rem3A_1325 = arith.remsi %add3A_1295, %select_n3A_1324 : i32
    %ne3A_1326 = arith.constant 0 : i32
    %ne3A_1327 = arith.cmpi ne, %rem3A_1325, %ne3A_1326 : i32
    %lt3A_1328 = arith.constant 0 : i32
    %lt3A_1329 = arith.cmpi slt, %rem3A_1325, %lt3A_1328 : i32
    %lt3A_1330 = arith.constant 0 : i32
    %lt3A_1331 = arith.cmpi slt, %select_n3A_1324, %lt3A_1330 : i32
    %ne3A_1332 = arith.xori %lt3A_1329, %lt3A_1331 : i1
    %and3A_1333 = arith.andi %ne3A_1332, %ne3A_1327 : i1
    %add3A_1334 = arith.addi %rem3A_1325, %select_n3A_1324 : i32
    %select_n3A_1335 = arith.select %and3A_1333, %add3A_1334, %rem3A_1325 : i32
    %mul3A_1336 = arith.constant 128 : i32
    %mul3A_1337 = arith.muli %select_n3A_1335, %mul3A_1336 : i32
    %dma_wait3A_1338 = arith.constant 0 : i32
    %dma_wait3A_1339 = arith.constant 1 : i32
    %dma_wait3A_1340 = arith.constant 0 : i32
    %dma_wait3A_1341 = arith.constant 0 : i32
    %dma_wait3A_1342 = tpu.memref_slice %arg6[%dma_wait3A_1338, %dma_wait3A_1339, %dma_wait3A_1340, %dma_wait3A_1341] : memref<2x8x128x32xf32, #tpu.memory_space<vmem>> -> memref<1x1x128x32xf32, #tpu.memory_space<vmem>>
    %dma_wait3A_1343 = tpu.memref_squeeze %dma_wait3A_1342 : memref<1x1x128x32xf32, #tpu.memory_space<vmem>> -> memref<128x32xf32, #tpu.memory_space<vmem>>
    %dma_wait3A_1344 = arith.constant 0 : i32
    %dma_wait3A_1345 = tpu.memref_slice %arg4[%select_n3A_1319, %mul3A_1337, %dma_wait3A_1344] : memref<50x16384x128xf32, #tpu.memory_space<hbm>> -> memref<1x128x32xf32, #tpu.memory_space<hbm>>
    %dma_wait3A_1346 = tpu.memref_squeeze %dma_wait3A_1345 : memref<1x128x32xf32, #tpu.memory_space<hbm>> -> memref<128x32xf32, #tpu.memory_space<hbm>>
    %dma_wait3A_1347 = arith.constant 0 : i32
    %dma_wait3A_1348 = tpu.memref_slice %arg4[%select_n3A_1319, %mul3A_1337, %dma_wait3A_1347] : memref<50x16384x128xf32, #tpu.memory_space<hbm>> -> memref<1x128x32xf32, #tpu.memory_space<hbm>>
    %dma_wait3A_1349 = tpu.memref_squeeze %dma_wait3A_1348 : memref<1x128x32xf32, #tpu.memory_space<hbm>> -> memref<128x32xf32, #tpu.memory_space<hbm>>
    %dma_wait3A_1350 = arith.constant 0 : i32
    %dma_wait3A_1351 = arith.constant 0 : i32
    %dma_wait3A_1352 = tpu.memref_slice %arg6[%dma_wait3A_1338, %dma_wait3A_1339, %dma_wait3A_1350, %dma_wait3A_1351] : memref<2x8x128x32xf32, #tpu.memory_space<vmem>> -> memref<1x1x128x32xf32, #tpu.memory_space<vmem>>
    %dma_wait3A_1353 = tpu.memref_squeeze %dma_wait3A_1352 : memref<1x1x128x32xf32, #tpu.memory_space<vmem>> -> memref<128x32xf32, #tpu.memory_space<vmem>>
    tpu.wait_dma2 semaphore(%arg9 : memref<!tpu.dma_semaphore, #tpu.memory_space<semaphore_mem>>) src(%dma_wait3A_1353 : memref<128x32xf32, #tpu.memory_space<vmem>>) dst(%dma_wait3A_1349 : memref<128x32xf32, #tpu.memory_space<hbm>>)
    %mul3A_1354 = arith.constant 200 : i32
    %mul3A_1355 = arith.muli %add3A, %mul3A_1354 : i32
    %add3A_1356 = arith.constant 0 : i32
    %add3A_1357 = arith.addi %mul3A_1355, %add3A_1356 : i32
    %add3A_1358 = arith.constant 2 : i32
    %add3A_1359 = arith.addi %add3A_1357, %add3A_1358 : i32
    %jit3A_1360 = arith.constant 128 : i32
    %div3A_1361 = arith.divsi %add3A_1359, %jit3A_1360 : i32
    %sign3A_1362 = arith.constant 0 : i32
    %sign3A_1363 = arith.cmpi sgt, %add3A_1359, %sign3A_1362 : i32
    %sign3A_1364 = arith.extui %sign3A_1363 : i1 to i32
    %sign3A_1365 = arith.constant 0 : i32
    %sign3A_1366 = arith.cmpi slt, %add3A_1359, %sign3A_1365 : i32
    %sign3A_1367 = arith.extui %sign3A_1366 : i1 to i32
    %sign3A_1368 = arith.subi %sign3A_1364, %sign3A_1367 : i32
    %sign3A_1369 = arith.constant 0 : i32
    %sign3A_1370 = arith.cmpi sgt, %jit3A_1360, %sign3A_1369 : i32
    %sign3A_1371 = arith.extui %sign3A_1370 : i1 to i32
    %sign3A_1372 = arith.constant 0 : i32
    %sign3A_1373 = arith.cmpi slt, %jit3A_1360, %sign3A_1372 : i32
    %sign3A_1374 = arith.extui %sign3A_1373 : i1 to i32
    %sign3A_1375 = arith.subi %sign3A_1371, %sign3A_1374 : i32
    %ne3A_1376 = arith.cmpi ne, %sign3A_1368, %sign3A_1375 : i32
    %rem3A_1377 = arith.remsi %add3A_1359, %jit3A_1360 : i32
    %ne3A_1378 = arith.constant 0 : i32
    %ne3A_1379 = arith.cmpi ne, %rem3A_1377, %ne3A_1378 : i32
    %and3A_1380 = arith.andi %ne3A_1376, %ne3A_1379 : i1
    %sub3A_1381 = arith.constant 1 : i32
    %sub3A_1382 = arith.subi %div3A_1361, %sub3A_1381 : i32
    %select_n3A_1383 = arith.select %and3A_1380, %sub3A_1382, %div3A_1361 : i32
    %jit3A_1384 = arith.constant 128 : i32
    %eq3A_1385 = arith.constant 0 : i32
    %eq3A_1386 = arith.cmpi eq, %jit3A_1384, %eq3A_1385 : i32
    %jit3A_1387 = arith.constant 1 : i32
    %select_n3A_1388 = arith.select %eq3A_1386, %jit3A_1387, %jit3A_1384 : i32
    %rem3A_1389 = arith.remsi %add3A_1359, %select_n3A_1388 : i32
    %ne3A_1390 = arith.constant 0 : i32
    %ne3A_1391 = arith.cmpi ne, %rem3A_1389, %ne3A_1390 : i32
    %lt3A_1392 = arith.constant 0 : i32
    %lt3A_1393 = arith.cmpi slt, %rem3A_1389, %lt3A_1392 : i32
    %lt3A_1394 = arith.constant 0 : i32
    %lt3A_1395 = arith.cmpi slt, %select_n3A_1388, %lt3A_1394 : i32
    %ne3A_1396 = arith.xori %lt3A_1393, %lt3A_1395 : i1
    %and3A_1397 = arith.andi %ne3A_1396, %ne3A_1391 : i1
    %add3A_1398 = arith.addi %rem3A_1389, %select_n3A_1388 : i32
    %select_n3A_1399 = arith.select %and3A_1397, %add3A_1398, %rem3A_1389 : i32
    %mul3A_1400 = arith.constant 128 : i32
    %mul3A_1401 = arith.muli %select_n3A_1399, %mul3A_1400 : i32
    %dma_wait3A_1402 = arith.constant 0 : i32
    %dma_wait3A_1403 = arith.constant 2 : i32
    %dma_wait3A_1404 = arith.constant 0 : i32
    %dma_wait3A_1405 = arith.constant 0 : i32
    %dma_wait3A_1406 = tpu.memref_slice %arg6[%dma_wait3A_1402, %dma_wait3A_1403, %dma_wait3A_1404, %dma_wait3A_1405] : memref<2x8x128x32xf32, #tpu.memory_space<vmem>> -> memref<1x1x128x32xf32, #tpu.memory_space<vmem>>
    %dma_wait3A_1407 = tpu.memref_squeeze %dma_wait3A_1406 : memref<1x1x128x32xf32, #tpu.memory_space<vmem>> -> memref<128x32xf32, #tpu.memory_space<vmem>>
    %dma_wait3A_1408 = arith.constant 0 : i32
    %dma_wait3A_1409 = tpu.memref_slice %arg4[%select_n3A_1383, %mul3A_1401, %dma_wait3A_1408] : memref<50x16384x128xf32, #tpu.memory_space<hbm>> -> memref<1x128x32xf32, #tpu.memory_space<hbm>>
    %dma_wait3A_1410 = tpu.memref_squeeze %dma_wait3A_1409 : memref<1x128x32xf32, #tpu.memory_space<hbm>> -> memref<128x32xf32, #tpu.memory_space<hbm>>
    %dma_wait3A_1411 = arith.constant 0 : i32
    %dma_wait3A_1412 = tpu.memref_slice %arg4[%select_n3A_1383, %mul3A_1401, %dma_wait3A_1411] : memref<50x16384x128xf32, #tpu.memory_space<hbm>> -> memref<1x128x32xf32, #tpu.memory_space<hbm>>
    %dma_wait3A_1413 = tpu.memref_squeeze %dma_wait3A_1412 : memref<1x128x32xf32, #tpu.memory_space<hbm>> -> memref<128x32xf32, #tpu.memory_space<hbm>>
    %dma_wait3A_1414 = arith.constant 0 : i32
    %dma_wait3A_1415 = arith.constant 0 : i32
    %dma_wait3A_1416 = tpu.memref_slice %arg6[%dma_wait3A_1402, %dma_wait3A_1403, %dma_wait3A_1414, %dma_wait3A_1415] : memref<2x8x128x32xf32, #tpu.memory_space<vmem>> -> memref<1x1x128x32xf32, #tpu.memory_space<vmem>>
    %dma_wait3A_1417 = tpu.memref_squeeze %dma_wait3A_1416 : memref<1x1x128x32xf32, #tpu.memory_space<vmem>> -> memref<128x32xf32, #tpu.memory_space<vmem>>
    tpu.wait_dma2 semaphore(%arg9 : memref<!tpu.dma_semaphore, #tpu.memory_space<semaphore_mem>>) src(%dma_wait3A_1417 : memref<128x32xf32, #tpu.memory_space<vmem>>) dst(%dma_wait3A_1413 : memref<128x32xf32, #tpu.memory_space<hbm>>)
    %mul3A_1418 = arith.constant 200 : i32
    %mul3A_1419 = arith.muli %add3A, %mul3A_1418 : i32
    %add3A_1420 = arith.constant 0 : i32
    %add3A_1421 = arith.addi %mul3A_1419, %add3A_1420 : i32
    %add3A_1422 = arith.constant 3 : i32
    %add3A_1423 = arith.addi %add3A_1421, %add3A_1422 : i32
    %jit3A_1424 = arith.constant 128 : i32
    %div3A_1425 = arith.divsi %add3A_1423, %jit3A_1424 : i32
    %sign3A_1426 = arith.constant 0 : i32
    %sign3A_1427 = arith.cmpi sgt, %add3A_1423, %sign3A_1426 : i32
    %sign3A_1428 = arith.extui %sign3A_1427 : i1 to i32
    %sign3A_1429 = arith.constant 0 : i32
    %sign3A_1430 = arith.cmpi slt, %add3A_1423, %sign3A_1429 : i32
    %sign3A_1431 = arith.extui %sign3A_1430 : i1 to i32
    %sign3A_1432 = arith.subi %sign3A_1428, %sign3A_1431 : i32
    %sign3A_1433 = arith.constant 0 : i32
    %sign3A_1434 = arith.cmpi sgt, %jit3A_1424, %sign3A_1433 : i32
    %sign3A_1435 = arith.extui %sign3A_1434 : i1 to i32
    %sign3A_1436 = arith.constant 0 : i32
    %sign3A_1437 = arith.cmpi slt, %jit3A_1424, %sign3A_1436 : i32
    %sign3A_1438 = arith.extui %sign3A_1437 : i1 to i32
    %sign3A_1439 = arith.subi %sign3A_1435, %sign3A_1438 : i32
    %ne3A_1440 = arith.cmpi ne, %sign3A_1432, %sign3A_1439 : i32
    %rem3A_1441 = arith.remsi %add3A_1423, %jit3A_1424 : i32
    %ne3A_1442 = arith.constant 0 : i32
    %ne3A_1443 = arith.cmpi ne, %rem3A_1441, %ne3A_1442 : i32
    %and3A_1444 = arith.andi %ne3A_1440, %ne3A_1443 : i1
    %sub3A_1445 = arith.constant 1 : i32
    %sub3A_1446 = arith.subi %div3A_1425, %sub3A_1445 : i32
    %select_n3A_1447 = arith.select %and3A_1444, %sub3A_1446, %div3A_1425 : i32
    %jit3A_1448 = arith.constant 128 : i32
    %eq3A_1449 = arith.constant 0 : i32
    %eq3A_1450 = arith.cmpi eq, %jit3A_1448, %eq3A_1449 : i32
    %jit3A_1451 = arith.constant 1 : i32
    %select_n3A_1452 = arith.select %eq3A_1450, %jit3A_1451, %jit3A_1448 : i32
    %rem3A_1453 = arith.remsi %add3A_1423, %select_n3A_1452 : i32
    %ne3A_1454 = arith.constant 0 : i32
    %ne3A_1455 = arith.cmpi ne, %rem3A_1453, %ne3A_1454 : i32
    %lt3A_1456 = arith.constant 0 : i32
    %lt3A_1457 = arith.cmpi slt, %rem3A_1453, %lt3A_1456 : i32
    %lt3A_1458 = arith.constant 0 : i32
    %lt3A_1459 = arith.cmpi slt, %select_n3A_1452, %lt3A_1458 : i32
    %ne3A_1460 = arith.xori %lt3A_1457, %lt3A_1459 : i1
    %and3A_1461 = arith.andi %ne3A_1460, %ne3A_1455 : i1
    %add3A_1462 = arith.addi %rem3A_1453, %select_n3A_1452 : i32
    %select_n3A_1463 = arith.select %and3A_1461, %add3A_1462, %rem3A_1453 : i32
    %mul3A_1464 = arith.constant 128 : i32
    %mul3A_1465 = arith.muli %select_n3A_1463, %mul3A_1464 : i32
    %dma_wait3A_1466 = arith.constant 0 : i32
    %dma_wait3A_1467 = arith.constant 3 : i32
    %dma_wait3A_1468 = arith.constant 0 : i32
    %dma_wait3A_1469 = arith.constant 0 : i32
    %dma_wait3A_1470 = tpu.memref_slice %arg6[%dma_wait3A_1466, %dma_wait3A_1467, %dma_wait3A_1468, %dma_wait3A_1469] : memref<2x8x128x32xf32, #tpu.memory_space<vmem>> -> memref<1x1x128x32xf32, #tpu.memory_space<vmem>>
    %dma_wait3A_1471 = tpu.memref_squeeze %dma_wait3A_1470 : memref<1x1x128x32xf32, #tpu.memory_space<vmem>> -> memref<128x32xf32, #tpu.memory_space<vmem>>
    %dma_wait3A_1472 = arith.constant 0 : i32
    %dma_wait3A_1473 = tpu.memref_slice %arg4[%select_n3A_1447, %mul3A_1465, %dma_wait3A_1472] : memref<50x16384x128xf32, #tpu.memory_space<hbm>> -> memref<1x128x32xf32, #tpu.memory_space<hbm>>
    %dma_wait3A_1474 = tpu.memref_squeeze %dma_wait3A_1473 : memref<1x128x32xf32, #tpu.memory_space<hbm>> -> memref<128x32xf32, #tpu.memory_space<hbm>>
    %dma_wait3A_1475 = arith.constant 0 : i32
    %dma_wait3A_1476 = tpu.memref_slice %arg4[%select_n3A_1447, %mul3A_1465, %dma_wait3A_1475] : memref<50x16384x128xf32, #tpu.memory_space<hbm>> -> memref<1x128x32xf32, #tpu.memory_space<hbm>>
    %dma_wait3A_1477 = tpu.memref_squeeze %dma_wait3A_1476 : memref<1x128x32xf32, #tpu.memory_space<hbm>> -> memref<128x32xf32, #tpu.memory_space<hbm>>
    %dma_wait3A_1478 = arith.constant 0 : i32
    %dma_wait3A_1479 = arith.constant 0 : i32
    %dma_wait3A_1480 = tpu.memref_slice %arg6[%dma_wait3A_1466, %dma_wait3A_1467, %dma_wait3A_1478, %dma_wait3A_1479] : memref<2x8x128x32xf32, #tpu.memory_space<vmem>> -> memref<1x1x128x32xf32, #tpu.memory_space<vmem>>
    %dma_wait3A_1481 = tpu.memref_squeeze %dma_wait3A_1480 : memref<1x1x128x32xf32, #tpu.memory_space<vmem>> -> memref<128x32xf32, #tpu.memory_space<vmem>>
    tpu.wait_dma2 semaphore(%arg9 : memref<!tpu.dma_semaphore, #tpu.memory_space<semaphore_mem>>) src(%dma_wait3A_1481 : memref<128x32xf32, #tpu.memory_space<vmem>>) dst(%dma_wait3A_1477 : memref<128x32xf32, #tpu.memory_space<hbm>>)
    %mul3A_1482 = arith.constant 200 : i32
    %mul3A_1483 = arith.muli %add3A, %mul3A_1482 : i32
    %add3A_1484 = arith.constant 0 : i32
    %add3A_1485 = arith.addi %mul3A_1483, %add3A_1484 : i32
    %add3A_1486 = arith.constant 4 : i32
    %add3A_1487 = arith.addi %add3A_1485, %add3A_1486 : i32
    %jit3A_1488 = arith.constant 128 : i32
    %div3A_1489 = arith.divsi %add3A_1487, %jit3A_1488 : i32
    %sign3A_1490 = arith.constant 0 : i32
    %sign3A_1491 = arith.cmpi sgt, %add3A_1487, %sign3A_1490 : i32
    %sign3A_1492 = arith.extui %sign3A_1491 : i1 to i32
    %sign3A_1493 = arith.constant 0 : i32
    %sign3A_1494 = arith.cmpi slt, %add3A_1487, %sign3A_1493 : i32
    %sign3A_1495 = arith.extui %sign3A_1494 : i1 to i32
    %sign3A_1496 = arith.subi %sign3A_1492, %sign3A_1495 : i32
    %sign3A_1497 = arith.constant 0 : i32
    %sign3A_1498 = arith.cmpi sgt, %jit3A_1488, %sign3A_1497 : i32
    %sign3A_1499 = arith.extui %sign3A_1498 : i1 to i32
    %sign3A_1500 = arith.constant 0 : i32
    %sign3A_1501 = arith.cmpi slt, %jit3A_1488, %sign3A_1500 : i32
    %sign3A_1502 = arith.extui %sign3A_1501 : i1 to i32
    %sign3A_1503 = arith.subi %sign3A_1499, %sign3A_1502 : i32
    %ne3A_1504 = arith.cmpi ne, %sign3A_1496, %sign3A_1503 : i32
    %rem3A_1505 = arith.remsi %add3A_1487, %jit3A_1488 : i32
    %ne3A_1506 = arith.constant 0 : i32
    %ne3A_1507 = arith.cmpi ne, %rem3A_1505, %ne3A_1506 : i32
    %and3A_1508 = arith.andi %ne3A_1504, %ne3A_1507 : i1
    %sub3A_1509 = arith.constant 1 : i32
    %sub3A_1510 = arith.subi %div3A_1489, %sub3A_1509 : i32
    %select_n3A_1511 = arith.select %and3A_1508, %sub3A_1510, %div3A_1489 : i32
    %jit3A_1512 = arith.constant 128 : i32
    %eq3A_1513 = arith.constant 0 : i32
    %eq3A_1514 = arith.cmpi eq, %jit3A_1512, %eq3A_1513 : i32
    %jit3A_1515 = arith.constant 1 : i32
    %select_n3A_1516 = arith.select %eq3A_1514, %jit3A_1515, %jit3A_1512 : i32
    %rem3A_1517 = arith.remsi %add3A_1487, %select_n3A_1516 : i32
    %ne3A_1518 = arith.constant 0 : i32
    %ne3A_1519 = arith.cmpi ne, %rem3A_1517, %ne3A_1518 : i32
    %lt3A_1520 = arith.constant 0 : i32
    %lt3A_1521 = arith.cmpi slt, %rem3A_1517, %lt3A_1520 : i32
    %lt3A_1522 = arith.constant 0 : i32
    %lt3A_1523 = arith.cmpi slt, %select_n3A_1516, %lt3A_1522 : i32
    %ne3A_1524 = arith.xori %lt3A_1521, %lt3A_1523 : i1
    %and3A_1525 = arith.andi %ne3A_1524, %ne3A_1519 : i1
    %add3A_1526 = arith.addi %rem3A_1517, %select_n3A_1516 : i32
    %select_n3A_1527 = arith.select %and3A_1525, %add3A_1526, %rem3A_1517 : i32
    %mul3A_1528 = arith.constant 128 : i32
    %mul3A_1529 = arith.muli %select_n3A_1527, %mul3A_1528 : i32
    %dma_wait3A_1530 = arith.constant 0 : i32
    %dma_wait3A_1531 = arith.constant 4 : i32
    %dma_wait3A_1532 = arith.constant 0 : i32
    %dma_wait3A_1533 = arith.constant 0 : i32
    %dma_wait3A_1534 = tpu.memref_slice %arg6[%dma_wait3A_1530, %dma_wait3A_1531, %dma_wait3A_1532, %dma_wait3A_1533] : memref<2x8x128x32xf32, #tpu.memory_space<vmem>> -> memref<1x1x128x32xf32, #tpu.memory_space<vmem>>
    %dma_wait3A_1535 = tpu.memref_squeeze %dma_wait3A_1534 : memref<1x1x128x32xf32, #tpu.memory_space<vmem>> -> memref<128x32xf32, #tpu.memory_space<vmem>>
    %dma_wait3A_1536 = arith.constant 0 : i32
    %dma_wait3A_1537 = tpu.memref_slice %arg4[%select_n3A_1511, %mul3A_1529, %dma_wait3A_1536] : memref<50x16384x128xf32, #tpu.memory_space<hbm>> -> memref<1x128x32xf32, #tpu.memory_space<hbm>>
    %dma_wait3A_1538 = tpu.memref_squeeze %dma_wait3A_1537 : memref<1x128x32xf32, #tpu.memory_space<hbm>> -> memref<128x32xf32, #tpu.memory_space<hbm>>
    %dma_wait3A_1539 = arith.constant 0 : i32
    %dma_wait3A_1540 = tpu.memref_slice %arg4[%select_n3A_1511, %mul3A_1529, %dma_wait3A_1539] : memref<50x16384x128xf32, #tpu.memory_space<hbm>> -> memref<1x128x32xf32, #tpu.memory_space<hbm>>
    %dma_wait3A_1541 = tpu.memref_squeeze %dma_wait3A_1540 : memref<1x128x32xf32, #tpu.memory_space<hbm>> -> memref<128x32xf32, #tpu.memory_space<hbm>>
    %dma_wait3A_1542 = arith.constant 0 : i32
    %dma_wait3A_1543 = arith.constant 0 : i32
    %dma_wait3A_1544 = tpu.memref_slice %arg6[%dma_wait3A_1530, %dma_wait3A_1531, %dma_wait3A_1542, %dma_wait3A_1543] : memref<2x8x128x32xf32, #tpu.memory_space<vmem>> -> memref<1x1x128x32xf32, #tpu.memory_space<vmem>>
    %dma_wait3A_1545 = tpu.memref_squeeze %dma_wait3A_1544 : memref<1x1x128x32xf32, #tpu.memory_space<vmem>> -> memref<128x32xf32, #tpu.memory_space<vmem>>
    tpu.wait_dma2 semaphore(%arg9 : memref<!tpu.dma_semaphore, #tpu.memory_space<semaphore_mem>>) src(%dma_wait3A_1545 : memref<128x32xf32, #tpu.memory_space<vmem>>) dst(%dma_wait3A_1541 : memref<128x32xf32, #tpu.memory_space<hbm>>)
    %mul3A_1546 = arith.constant 200 : i32
    %mul3A_1547 = arith.muli %add3A, %mul3A_1546 : i32
    %add3A_1548 = arith.constant 0 : i32
    %add3A_1549 = arith.addi %mul3A_1547, %add3A_1548 : i32
    %add3A_1550 = arith.constant 5 : i32
    %add3A_1551 = arith.addi %add3A_1549, %add3A_1550 : i32
    %jit3A_1552 = arith.constant 128 : i32
    %div3A_1553 = arith.divsi %add3A_1551, %jit3A_1552 : i32
    %sign3A_1554 = arith.constant 0 : i32
    %sign3A_1555 = arith.cmpi sgt, %add3A_1551, %sign3A_1554 : i32
    %sign3A_1556 = arith.extui %sign3A_1555 : i1 to i32
    %sign3A_1557 = arith.constant 0 : i32
    %sign3A_1558 = arith.cmpi slt, %add3A_1551, %sign3A_1557 : i32
    %sign3A_1559 = arith.extui %sign3A_1558 : i1 to i32
    %sign3A_1560 = arith.subi %sign3A_1556, %sign3A_1559 : i32
    %sign3A_1561 = arith.constant 0 : i32
    %sign3A_1562 = arith.cmpi sgt, %jit3A_1552, %sign3A_1561 : i32
    %sign3A_1563 = arith.extui %sign3A_1562 : i1 to i32
    %sign3A_1564 = arith.constant 0 : i32
    %sign3A_1565 = arith.cmpi slt, %jit3A_1552, %sign3A_1564 : i32
    %sign3A_1566 = arith.extui %sign3A_1565 : i1 to i32
    %sign3A_1567 = arith.subi %sign3A_1563, %sign3A_1566 : i32
    %ne3A_1568 = arith.cmpi ne, %sign3A_1560, %sign3A_1567 : i32
    %rem3A_1569 = arith.remsi %add3A_1551, %jit3A_1552 : i32
    %ne3A_1570 = arith.constant 0 : i32
    %ne3A_1571 = arith.cmpi ne, %rem3A_1569, %ne3A_1570 : i32
    %and3A_1572 = arith.andi %ne3A_1568, %ne3A_1571 : i1
    %sub3A_1573 = arith.constant 1 : i32
    %sub3A_1574 = arith.subi %div3A_1553, %sub3A_1573 : i32
    %select_n3A_1575 = arith.select %and3A_1572, %sub3A_1574, %div3A_1553 : i32
    %jit3A_1576 = arith.constant 128 : i32
    %eq3A_1577 = arith.constant 0 : i32
    %eq3A_1578 = arith.cmpi eq, %jit3A_1576, %eq3A_1577 : i32
    %jit3A_1579 = arith.constant 1 : i32
    %select_n3A_1580 = arith.select %eq3A_1578, %jit3A_1579, %jit3A_1576 : i32
    %rem3A_1581 = arith.remsi %add3A_1551, %select_n3A_1580 : i32
    %ne3A_1582 = arith.constant 0 : i32
    %ne3A_1583 = arith.cmpi ne, %rem3A_1581, %ne3A_1582 : i32
    %lt3A_1584 = arith.constant 0 : i32
    %lt3A_1585 = arith.cmpi slt, %rem3A_1581, %lt3A_1584 : i32
    %lt3A_1586 = arith.constant 0 : i32
    %lt3A_1587 = arith.cmpi slt, %select_n3A_1580, %lt3A_1586 : i32
    %ne3A_1588 = arith.xori %lt3A_1585, %lt3A_1587 : i1
    %and3A_1589 = arith.andi %ne3A_1588, %ne3A_1583 : i1
    %add3A_1590 = arith.addi %rem3A_1581, %select_n3A_1580 : i32
    %select_n3A_1591 = arith.select %and3A_1589, %add3A_1590, %rem3A_1581 : i32
    %mul3A_1592 = arith.constant 128 : i32
    %mul3A_1593 = arith.muli %select_n3A_1591, %mul3A_1592 : i32
    %dma_wait3A_1594 = arith.constant 0 : i32
    %dma_wait3A_1595 = arith.constant 5 : i32
    %dma_wait3A_1596 = arith.constant 0 : i32
    %dma_wait3A_1597 = arith.constant 0 : i32
    %dma_wait3A_1598 = tpu.memref_slice %arg6[%dma_wait3A_1594, %dma_wait3A_1595, %dma_wait3A_1596, %dma_wait3A_1597] : memref<2x8x128x32xf32, #tpu.memory_space<vmem>> -> memref<1x1x128x32xf32, #tpu.memory_space<vmem>>
    %dma_wait3A_1599 = tpu.memref_squeeze %dma_wait3A_1598 : memref<1x1x128x32xf32, #tpu.memory_space<vmem>> -> memref<128x32xf32, #tpu.memory_space<vmem>>
    %dma_wait3A_1600 = arith.constant 0 : i32
    %dma_wait3A_1601 = tpu.memref_slice %arg4[%select_n3A_1575, %mul3A_1593, %dma_wait3A_1600] : memref<50x16384x128xf32, #tpu.memory_space<hbm>> -> memref<1x128x32xf32, #tpu.memory_space<hbm>>
    %dma_wait3A_1602 = tpu.memref_squeeze %dma_wait3A_1601 : memref<1x128x32xf32, #tpu.memory_space<hbm>> -> memref<128x32xf32, #tpu.memory_space<hbm>>
    %dma_wait3A_1603 = arith.constant 0 : i32
    %dma_wait3A_1604 = tpu.memref_slice %arg4[%select_n3A_1575, %mul3A_1593, %dma_wait3A_1603] : memref<50x16384x128xf32, #tpu.memory_space<hbm>> -> memref<1x128x32xf32, #tpu.memory_space<hbm>>
    %dma_wait3A_1605 = tpu.memref_squeeze %dma_wait3A_1604 : memref<1x128x32xf32, #tpu.memory_space<hbm>> -> memref<128x32xf32, #tpu.memory_space<hbm>>
    %dma_wait3A_1606 = arith.constant 0 : i32
    %dma_wait3A_1607 = arith.constant 0 : i32
    %dma_wait3A_1608 = tpu.memref_slice %arg6[%dma_wait3A_1594, %dma_wait3A_1595, %dma_wait3A_1606, %dma_wait3A_1607] : memref<2x8x128x32xf32, #tpu.memory_space<vmem>> -> memref<1x1x128x32xf32, #tpu.memory_space<vmem>>
    %dma_wait3A_1609 = tpu.memref_squeeze %dma_wait3A_1608 : memref<1x1x128x32xf32, #tpu.memory_space<vmem>> -> memref<128x32xf32, #tpu.memory_space<vmem>>
    tpu.wait_dma2 semaphore(%arg9 : memref<!tpu.dma_semaphore, #tpu.memory_space<semaphore_mem>>) src(%dma_wait3A_1609 : memref<128x32xf32, #tpu.memory_space<vmem>>) dst(%dma_wait3A_1605 : memref<128x32xf32, #tpu.memory_space<hbm>>)
    %mul3A_1610 = arith.constant 200 : i32
    %mul3A_1611 = arith.muli %add3A, %mul3A_1610 : i32
    %add3A_1612 = arith.constant 0 : i32
    %add3A_1613 = arith.addi %mul3A_1611, %add3A_1612 : i32
    %add3A_1614 = arith.constant 6 : i32
    %add3A_1615 = arith.addi %add3A_1613, %add3A_1614 : i32
    %jit3A_1616 = arith.constant 128 : i32
    %div3A_1617 = arith.divsi %add3A_1615, %jit3A_1616 : i32
    %sign3A_1618 = arith.constant 0 : i32
    %sign3A_1619 = arith.cmpi sgt, %add3A_1615, %sign3A_1618 : i32
    %sign3A_1620 = arith.extui %sign3A_1619 : i1 to i32
    %sign3A_1621 = arith.constant 0 : i32
    %sign3A_1622 = arith.cmpi slt, %add3A_1615, %sign3A_1621 : i32
    %sign3A_1623 = arith.extui %sign3A_1622 : i1 to i32
    %sign3A_1624 = arith.subi %sign3A_1620, %sign3A_1623 : i32
    %sign3A_1625 = arith.constant 0 : i32
    %sign3A_1626 = arith.cmpi sgt, %jit3A_1616, %sign3A_1625 : i32
    %sign3A_1627 = arith.extui %sign3A_1626 : i1 to i32
    %sign3A_1628 = arith.constant 0 : i32
    %sign3A_1629 = arith.cmpi slt, %jit3A_1616, %sign3A_1628 : i32
    %sign3A_1630 = arith.extui %sign3A_1629 : i1 to i32
    %sign3A_1631 = arith.subi %sign3A_1627, %sign3A_1630 : i32
    %ne3A_1632 = arith.cmpi ne, %sign3A_1624, %sign3A_1631 : i32
    %rem3A_1633 = arith.remsi %add3A_1615, %jit3A_1616 : i32
    %ne3A_1634 = arith.constant 0 : i32
    %ne3A_1635 = arith.cmpi ne, %rem3A_1633, %ne3A_1634 : i32
    %and3A_1636 = arith.andi %ne3A_1632, %ne3A_1635 : i1
    %sub3A_1637 = arith.constant 1 : i32
    %sub3A_1638 = arith.subi %div3A_1617, %sub3A_1637 : i32
    %select_n3A_1639 = arith.select %and3A_1636, %sub3A_1638, %div3A_1617 : i32
    %jit3A_1640 = arith.constant 128 : i32
    %eq3A_1641 = arith.constant 0 : i32
    %eq3A_1642 = arith.cmpi eq, %jit3A_1640, %eq3A_1641 : i32
    %jit3A_1643 = arith.constant 1 : i32
    %select_n3A_1644 = arith.select %eq3A_1642, %jit3A_1643, %jit3A_1640 : i32
    %rem3A_1645 = arith.remsi %add3A_1615, %select_n3A_1644 : i32
    %ne3A_1646 = arith.constant 0 : i32
    %ne3A_1647 = arith.cmpi ne, %rem3A_1645, %ne3A_1646 : i32
    %lt3A_1648 = arith.constant 0 : i32
    %lt3A_1649 = arith.cmpi slt, %rem3A_1645, %lt3A_1648 : i32
    %lt3A_1650 = arith.constant 0 : i32
    %lt3A_1651 = arith.cmpi slt, %select_n3A_1644, %lt3A_1650 : i32
    %ne3A_1652 = arith.xori %lt3A_1649, %lt3A_1651 : i1
    %and3A_1653 = arith.andi %ne3A_1652, %ne3A_1647 : i1
    %add3A_1654 = arith.addi %rem3A_1645, %select_n3A_1644 : i32
    %select_n3A_1655 = arith.select %and3A_1653, %add3A_1654, %rem3A_1645 : i32
    %mul3A_1656 = arith.constant 128 : i32
    %mul3A_1657 = arith.muli %select_n3A_1655, %mul3A_1656 : i32
    %dma_wait3A_1658 = arith.constant 0 : i32
    %dma_wait3A_1659 = arith.constant 6 : i32
    %dma_wait3A_1660 = arith.constant 0 : i32
    %dma_wait3A_1661 = arith.constant 0 : i32
    %dma_wait3A_1662 = tpu.memref_slice %arg6[%dma_wait3A_1658, %dma_wait3A_1659, %dma_wait3A_1660, %dma_wait3A_1661] : memref<2x8x128x32xf32, #tpu.memory_space<vmem>> -> memref<1x1x128x32xf32, #tpu.memory_space<vmem>>
    %dma_wait3A_1663 = tpu.memref_squeeze %dma_wait3A_1662 : memref<1x1x128x32xf32, #tpu.memory_space<vmem>> -> memref<128x32xf32, #tpu.memory_space<vmem>>
    %dma_wait3A_1664 = arith.constant 0 : i32
    %dma_wait3A_1665 = tpu.memref_slice %arg4[%select_n3A_1639, %mul3A_1657, %dma_wait3A_1664] : memref<50x16384x128xf32, #tpu.memory_space<hbm>> -> memref<1x128x32xf32, #tpu.memory_space<hbm>>
    %dma_wait3A_1666 = tpu.memref_squeeze %dma_wait3A_1665 : memref<1x128x32xf32, #tpu.memory_space<hbm>> -> memref<128x32xf32, #tpu.memory_space<hbm>>
    %dma_wait3A_1667 = arith.constant 0 : i32
    %dma_wait3A_1668 = tpu.memref_slice %arg4[%select_n3A_1639, %mul3A_1657, %dma_wait3A_1667] : memref<50x16384x128xf32, #tpu.memory_space<hbm>> -> memref<1x128x32xf32, #tpu.memory_space<hbm>>
    %dma_wait3A_1669 = tpu.memref_squeeze %dma_wait3A_1668 : memref<1x128x32xf32, #tpu.memory_space<hbm>> -> memref<128x32xf32, #tpu.memory_space<hbm>>
    %dma_wait3A_1670 = arith.constant 0 : i32
    %dma_wait3A_1671 = arith.constant 0 : i32
    %dma_wait3A_1672 = tpu.memref_slice %arg6[%dma_wait3A_1658, %dma_wait3A_1659, %dma_wait3A_1670, %dma_wait3A_1671] : memref<2x8x128x32xf32, #tpu.memory_space<vmem>> -> memref<1x1x128x32xf32, #tpu.memory_space<vmem>>
    %dma_wait3A_1673 = tpu.memref_squeeze %dma_wait3A_1672 : memref<1x1x128x32xf32, #tpu.memory_space<vmem>> -> memref<128x32xf32, #tpu.memory_space<vmem>>
    tpu.wait_dma2 semaphore(%arg9 : memref<!tpu.dma_semaphore, #tpu.memory_space<semaphore_mem>>) src(%dma_wait3A_1673 : memref<128x32xf32, #tpu.memory_space<vmem>>) dst(%dma_wait3A_1669 : memref<128x32xf32, #tpu.memory_space<hbm>>)
    %mul3A_1674 = arith.constant 200 : i32
    %mul3A_1675 = arith.muli %add3A, %mul3A_1674 : i32
    %add3A_1676 = arith.constant 0 : i32
    %add3A_1677 = arith.addi %mul3A_1675, %add3A_1676 : i32
    %add3A_1678 = arith.constant 7 : i32
    %add3A_1679 = arith.addi %add3A_1677, %add3A_1678 : i32
    %jit3A_1680 = arith.constant 128 : i32
    %div3A_1681 = arith.divsi %add3A_1679, %jit3A_1680 : i32
    %sign3A_1682 = arith.constant 0 : i32
    %sign3A_1683 = arith.cmpi sgt, %add3A_1679, %sign3A_1682 : i32
    %sign3A_1684 = arith.extui %sign3A_1683 : i1 to i32
    %sign3A_1685 = arith.constant 0 : i32
    %sign3A_1686 = arith.cmpi slt, %add3A_1679, %sign3A_1685 : i32
    %sign3A_1687 = arith.extui %sign3A_1686 : i1 to i32
    %sign3A_1688 = arith.subi %sign3A_1684, %sign3A_1687 : i32
    %sign3A_1689 = arith.constant 0 : i32
    %sign3A_1690 = arith.cmpi sgt, %jit3A_1680, %sign3A_1689 : i32
    %sign3A_1691 = arith.extui %sign3A_1690 : i1 to i32
    %sign3A_1692 = arith.constant 0 : i32
    %sign3A_1693 = arith.cmpi slt, %jit3A_1680, %sign3A_1692 : i32
    %sign3A_1694 = arith.extui %sign3A_1693 : i1 to i32
    %sign3A_1695 = arith.subi %sign3A_1691, %sign3A_1694 : i32
    %ne3A_1696 = arith.cmpi ne, %sign3A_1688, %sign3A_1695 : i32
    %rem3A_1697 = arith.remsi %add3A_1679, %jit3A_1680 : i32
    %ne3A_1698 = arith.constant 0 : i32
    %ne3A_1699 = arith.cmpi ne, %rem3A_1697, %ne3A_1698 : i32
    %and3A_1700 = arith.andi %ne3A_1696, %ne3A_1699 : i1
    %sub3A_1701 = arith.constant 1 : i32
    %sub3A_1702 = arith.subi %div3A_1681, %sub3A_1701 : i32
    %select_n3A_1703 = arith.select %and3A_1700, %sub3A_1702, %div3A_1681 : i32
    %jit3A_1704 = arith.constant 128 : i32
    %eq3A_1705 = arith.constant 0 : i32
    %eq3A_1706 = arith.cmpi eq, %jit3A_1704, %eq3A_1705 : i32
    %jit3A_1707 = arith.constant 1 : i32
    %select_n3A_1708 = arith.select %eq3A_1706, %jit3A_1707, %jit3A_1704 : i32
    %rem3A_1709 = arith.remsi %add3A_1679, %select_n3A_1708 : i32
    %ne3A_1710 = arith.constant 0 : i32
    %ne3A_1711 = arith.cmpi ne, %rem3A_1709, %ne3A_1710 : i32
    %lt3A_1712 = arith.constant 0 : i32
    %lt3A_1713 = arith.cmpi slt, %rem3A_1709, %lt3A_1712 : i32
    %lt3A_1714 = arith.constant 0 : i32
    %lt3A_1715 = arith.cmpi slt, %select_n3A_1708, %lt3A_1714 : i32
    %ne3A_1716 = arith.xori %lt3A_1713, %lt3A_1715 : i1
    %and3A_1717 = arith.andi %ne3A_1716, %ne3A_1711 : i1
    %add3A_1718 = arith.addi %rem3A_1709, %select_n3A_1708 : i32
    %select_n3A_1719 = arith.select %and3A_1717, %add3A_1718, %rem3A_1709 : i32
    %mul3A_1720 = arith.constant 128 : i32
    %mul3A_1721 = arith.muli %select_n3A_1719, %mul3A_1720 : i32
    %dma_wait3A_1722 = arith.constant 0 : i32
    %dma_wait3A_1723 = arith.constant 7 : i32
    %dma_wait3A_1724 = arith.constant 0 : i32
    %dma_wait3A_1725 = arith.constant 0 : i32
    %dma_wait3A_1726 = tpu.memref_slice %arg6[%dma_wait3A_1722, %dma_wait3A_1723, %dma_wait3A_1724, %dma_wait3A_1725] : memref<2x8x128x32xf32, #tpu.memory_space<vmem>> -> memref<1x1x128x32xf32, #tpu.memory_space<vmem>>
    %dma_wait3A_1727 = tpu.memref_squeeze %dma_wait3A_1726 : memref<1x1x128x32xf32, #tpu.memory_space<vmem>> -> memref<128x32xf32, #tpu.memory_space<vmem>>
    %dma_wait3A_1728 = arith.constant 0 : i32
    %dma_wait3A_1729 = tpu.memref_slice %arg4[%select_n3A_1703, %mul3A_1721, %dma_wait3A_1728] : memref<50x16384x128xf32, #tpu.memory_space<hbm>> -> memref<1x128x32xf32, #tpu.memory_space<hbm>>
    %dma_wait3A_1730 = tpu.memref_squeeze %dma_wait3A_1729 : memref<1x128x32xf32, #tpu.memory_space<hbm>> -> memref<128x32xf32, #tpu.memory_space<hbm>>
    %dma_wait3A_1731 = arith.constant 0 : i32
    %dma_wait3A_1732 = tpu.memref_slice %arg4[%select_n3A_1703, %mul3A_1721, %dma_wait3A_1731] : memref<50x16384x128xf32, #tpu.memory_space<hbm>> -> memref<1x128x32xf32, #tpu.memory_space<hbm>>
    %dma_wait3A_1733 = tpu.memref_squeeze %dma_wait3A_1732 : memref<1x128x32xf32, #tpu.memory_space<hbm>> -> memref<128x32xf32, #tpu.memory_space<hbm>>
    %dma_wait3A_1734 = arith.constant 0 : i32
    %dma_wait3A_1735 = arith.constant 0 : i32
    %dma_wait3A_1736 = tpu.memref_slice %arg6[%dma_wait3A_1722, %dma_wait3A_1723, %dma_wait3A_1734, %dma_wait3A_1735] : memref<2x8x128x32xf32, #tpu.memory_space<vmem>> -> memref<1x1x128x32xf32, #tpu.memory_space<vmem>>
    %dma_wait3A_1737 = tpu.memref_squeeze %dma_wait3A_1736 : memref<1x1x128x32xf32, #tpu.memory_space<vmem>> -> memref<128x32xf32, #tpu.memory_space<vmem>>
    tpu.wait_dma2 semaphore(%arg9 : memref<!tpu.dma_semaphore, #tpu.memory_space<semaphore_mem>>) src(%dma_wait3A_1737 : memref<128x32xf32, #tpu.memory_space<vmem>>) dst(%dma_wait3A_1733 : memref<128x32xf32, #tpu.memory_space<hbm>>)
    return
  }
}

module attributes {stable_mosaic.version = 14 : i64} {
  func.func @_out_body(%arg0: i32, %arg1: i32, %arg2: memref<1x2048x128xf32, #tpu.memory_space<vmem>>, %arg3: memref<1x32x2048xf32, #tpu.memory_space<vmem>>) attributes {dimension_semantics = [#tpu.dimension_semantics<arbitrary>, #tpu.dimension_semantics<arbitrary>], iteration_bounds = array<i64: 50, 8>, scalar_prefetch = 0 : i64, scratch_operands = 0 : i64, tpu.core_type = #tpu.core_type<tc>, window_params = [{transform_indices = @transform_0, window_bounds = array<i64: 1, 2048, 128>}, {transform_indices = @transform_1, window_bounds = array<i64: 1, 32, 2048>}]} {
    %get3A = arith.constant 0 : index
    %get3A_0 = arith.constant 0 : index
    %get3A_1 = arith.constant 0 : index
    %get3A_2 = vector.load %arg2[%get3A, %get3A_0, %get3A_1] : memref<1x2048x128xf32, #tpu.memory_space<vmem>>, vector<1x2048x128xf32>
    %get3A_3 = vector.shape_cast %get3A_2 : vector<1x2048x128xf32> to vector<2048x128xf32>
    %slice3A = vector.extract_strided_slice %get3A_3 {offsets = [0, 0], sizes = [2048, 32], strides = [1, 1]} : vector<2048x128xf32> to vector<2048x32xf32>
    %transpose3A = tpu.transpose %slice3A, [1, 0] : vector<2048x32xf32> -> vector<32x2048xf32>
    %swap3A = arith.constant 0 : index
    %swap3A_4 = arith.constant 0 : index
    %swap3A_5 = arith.constant 0 : index
    %swap3A_6 = vector.load %arg3[%swap3A, %swap3A_4, %swap3A_5] : memref<1x32x2048xf32, #tpu.memory_space<vmem>>, vector<1x32x2048xf32>
    %swap3A_7 = vector.shape_cast %swap3A_6 : vector<1x32x2048xf32> to vector<32x2048xf32>
    %swap3A_8 = vector.shape_cast %transpose3A : vector<32x2048xf32> to vector<1x32x2048xf32>
    tpu.vector_store %arg3[%swap3A, %swap3A_4, %swap3A_5], %swap3A_8 {strides = array<i32>} : memref<1x32x2048xf32, #tpu.memory_space<vmem>>, vector<1x32x2048xf32>,
    return
  }
  func.func @transform_0(%arg0: i32, %arg1: i32) -> (i32, i32, i32) {
    %c0_i32 = arith.constant 0 : i32
    %c0_i32_0 = arith.constant 0 : i32
    return %arg0, %arg1, %c0_i32 : i32, i32, i32
  }
  func.func @transform_1(%arg0: i32, %arg1: i32) -> (i32, i32, i32) {
    %c0_i32 = arith.constant 0 : i32
    %c0_i32_0 = arith.constant 0 : i32
    return %arg0, %c0_i32, %arg1 : i32, i32, i32
  }
}

module attributes {stable_mosaic.version = 14 : i64} {
  func.func @_linearize_body(%arg0: i32, %arg1: memref<32x4096xf32, #tpu.memory_space<vmem>>, %arg2: memref<1024x128xf32, #tpu.memory_space<vmem>>) attributes {dimension_semantics = [#tpu.dimension_semantics<arbitrary>], iteration_bounds = array<i64: 245>, scalar_prefetch = 0 : i64, scratch_operands = 0 : i64, tpu.core_type = #tpu.core_type<tc>, window_params = [{transform_indices = @transform_0, window_bounds = array<i64: 32, 4096>}, {transform_indices = @transform_1, window_bounds = array<i64: 1024, 128>}]} {
    %get3A = arith.constant 0 : index
    %get3A_0 = arith.constant 0 : index
    %get3A_1 = vector.load %arg1[%get3A, %get3A_0] : memref<32x4096xf32, #tpu.memory_space<vmem>>, vector<32x4096xf32>
    %transpose3A = tpu.transpose %get3A_1, [1, 0] : vector<32x4096xf32> -> vector<4096x32xf32>
    %reshape3A = vector.shape_cast %transpose3A : vector<4096x32xf32> to vector<1024x4x32xf32>
    %slice3A = vector.extract_strided_slice %reshape3A {offsets = [0, 0, 0], sizes = [1024, 1, 32], strides = [1, 1, 1]} : vector<1024x4x32xf32> to vector<1024x1x32xf32>
    %squeeze3A = vector.shape_cast %slice3A : vector<1024x1x32xf32> to vector<1024x32xf32>
    %slice3A_2 = vector.extract_strided_slice %reshape3A {offsets = [0, 1, 0], sizes = [1024, 1, 32], strides = [1, 1, 1]} : vector<1024x4x32xf32> to vector<1024x1x32xf32>
    %squeeze3A_3 = vector.shape_cast %slice3A_2 : vector<1024x1x32xf32> to vector<1024x32xf32>
    %slice3A_4 = vector.extract_strided_slice %reshape3A {offsets = [0, 2, 0], sizes = [1024, 1, 32], strides = [1, 1, 1]} : vector<1024x4x32xf32> to vector<1024x1x32xf32>
    %squeeze3A_5 = vector.shape_cast %slice3A_4 : vector<1024x1x32xf32> to vector<1024x32xf32>
    %slice3A_6 = vector.extract_strided_slice %reshape3A {offsets = [0, 3, 0], sizes = [1024, 1, 32], strides = [1, 1, 1]} : vector<1024x4x32xf32> to vector<1024x1x32xf32>
    %squeeze3A_7 = vector.shape_cast %slice3A_6 : vector<1024x1x32xf32> to vector<1024x32xf32>
    %concatenate3A = tpu.concatenate %squeeze3A, %squeeze3A_3, %squeeze3A_5, %squeeze3A_7 in 1 : vector<1024x32xf32>, vector<1024x32xf32>, vector<1024x32xf32>, vector<1024x32xf32> -> vector<1024x128xf32>
    %swap3A = arith.constant 0 : index
    %swap3A_8 = arith.constant 0 : index
    %swap3A_9 = vector.load %arg2[%swap3A, %swap3A_8] : memref<1024x128xf32, #tpu.memory_space<vmem>>, vector<1024x128xf32>
    tpu.vector_store %arg2[%swap3A, %swap3A_8], %concatenate3A {strides = array<i32>} : memref<1024x128xf32, #tpu.memory_space<vmem>>, vector<1024x128xf32>,
    return
  }
  func.func @transform_0(%arg0: i32) -> (i32, i32) {
    %c0_i32 = arith.constant 0 : i32
    %c0_i32_0 = arith.constant 0 : i32
    return %c0_i32, %arg0 : i32, i32
  }
  func.func @transform_1(%arg0: i32) -> (i32, i32) {
    %c0_i32 = arith.constant 0 : i32
    %c0_i32_0 = arith.constant 0 : i32
    return %arg0, %c0_i32 : i32, i32
  }
}

</mosaic_0001>

<sc_bundles>
// kernel: kernel.5.cloned.1.call-start
scs
__scs_entry_jumppad:
0x0: {  	(pc) =	sbr.rel $0x88, $3  }
0x1: {  	(tag) =	ssettag $0x0;
	lr =	simm.s32 $0x1  }
0x2: {  	[smem:$0x3F9F] =	sst lr;
	_ =	strace $0xD0000000  }
0x3: {  	_ = 	snop  }
0x4: {  	_ = 	snop  }
0x5: {  	_ = 	snop  }
0x6: {  	_ = 	snop  }
0x7: {  	_ = 	snop  }
__scs_overlays_trampoline_lowered:
0x8: {  	[smem:$0x3FAE] =	sst s0  }
0x9: {  	[smem:$0x3FAF] =	sst s1  }
0xa: {  	[smem:$0x3FB0] =	sst s2  }
0xb: {  	[smem:$0x3FB1] =	sst s3  }
0xc: {  	[smem:$0x3FB2] =	sst s4  }
0xd: {  	[smem:$0x3FB3] =	sst s5  }
0xe: {  	[smem:$0x3FB4] =	sst s6  }
0xf: {  	[smem:$0x3FB5] =	sst s7  }
0x10: {  	[smem:$0x3FB6] =	sst s8  }
0x11: {  	[smem:$0x3FB7] =	sst s9;
	s0 =	simm.s32 @!p0 $0x0  }
0x12: {  	s1 =	sld [smem:$0x3F9D];
	s0 =	simm.s32 @p0 $0x1  }
0x13: {  	[smem:$0x3FB8] =	sst s0;
	s0 =	simm.s32 @!p1 $0x0  }
0x14: {  	s2 =	sld [smem:$0x3F9C];
	s0 =	simm.s32 @p1 $0x1  }
0x15: {  	[smem:$0x3FB9] =	sst s0;
	s0 =	simm.s32 @!p2 $0x0  }
0x16: {  	s3 =	sld [smem:$0x3FDB];
	s0 =	simm.s32 @p2 $0x1  }
0x17: {  	s4 =	simm.s32 $0x1BF5;
	[smem:$0x3FBB] =	sst s0  }
0x18: {  	s0 =	sld [smem:$0x3F9E];
	_ =	swait.ge [sflag:s4], $0x0  }
0x19: {  	s7 =	sld [smem:$0x3F9F]  }
0x1a: {  	s8 =	sadd.s32 $0xFFFFE003, lr  }
0x1b: {  	s9 =	sadd.s32 $0xFFFFFEF7, lr;
	s5 =	simm.s32 $0xFFFFFFFF;
	p2 =	slt.u32 s8, $0xFFFFF086  }
0x1c: {  	p1 =	slt.u32 s9, $0xF7A;
	s5 =	simm.s32 @!p2 $0x0  }
0x1d: {  	s5 =	simm.s32 @p1 $0x1;
	p0 =	seq.s32 s7, s2  }
0x1e: {  	s7 =	smul.u32 @!p0 $0xF7A, s2;
	p2 =	seq.s32 @!p0 s5, $0x0  }
0x1f: {  	s9 =	smul.u32 $0xF7A, s1;
	s8 =	simm.s32 @!p0 $0x1BF5;
	p2 =	por !p2, p0  }
0x20: {  	[sflag:s8] =	ssyncset.s32 @!p0 $0xFFFFF086;
	s6 =	sadd.s32 @!p0 s3, s7;
	s7 =	simm.s32 @!p0 $0x108  }
0x21: {  	s3 =	sadd.s32 s3, s9;
	s6 =	sadd.s32 @!p0 $0x88, s6;
	s7 =	simm.s32 @p2 $0x1082  }
0x22: {  	[simem:s7], [sflag:s8] =	dma.local @!p0 [hbm:s6], $0xF7A  }
0x23: {  	s9 =	sor.u32 $0xD0000000, s2;
	s6 =	simm.s32 $0x108;
	_ =	swait.ge @!p0 [sflag:s8], $0x0  }
0x24: {  	s3 =	sadd.s32 $0x88, s3;
	s6 =	simm.s32 @!p1 $0x1082;
	[sflag:s4] =	ssyncset.s32 $0xFFFFF086  }
0x25: {  	[simem:s6], [sflag:s4] =	dma.local [hbm:s3], $0xF7A  }
0x26: {  	[smem:$0x3F9F] =	sst s1;
	(tag) =	ssettag s2;
	_ =	strace s9  }
0x27: {  	s1 =	sld [smem:$0x3FAF]  }
0x28: {  	s2 =	sld [smem:$0x3FB0]  }
0x29: {  	s4 =	sld [smem:$0x3FB2]  }
0x2a: {  	p0 =	seq.s32 s5, $0x0;
	s5 =	sld [smem:$0x3FB3]  }
0x2b: {  	s6 =	sld [smem:$0x3FB4]  }
0x2c: {  	s7 =	sld [smem:$0x3FB5]  }
0x2d: {  	s3 =	simm.s32 $0x108;
	s8 =	sld [smem:$0x3FB6]  }
0x2e: {  	s3 =	simm.s32 @!p0 $0x1082;
	s9 =	sld [smem:$0x3FB7]  }
0x2f: {  	lr =	sadd.s32 s0, s3;
	s0 =	sld [smem:$0x3FAE]  }
0x30: {  	s3 =	sld [smem:$0x3FB1]  }
0x31: {  	[smem:$0x3FBA] =	sst s10  }
0x32: {  	s10 =	sld [smem:$0x3FB8];
	_ =	sdelay $0x3  }
0x33: {  	p0 =	seq.s32 s10, $0x1;
	s10 =	sld [smem:$0x3FBA];
	_ =	sdelay $0x3  }
0x34: {  	[smem:$0x3FBA] =	sst s10  }
0x35: {  	s10 =	sld [smem:$0x3FB9];
	_ =	sdelay $0x3  }
0x36: {  	p1 =	seq.s32 s10, $0x1;
	s10 =	sld [smem:$0x3FBA];
	_ =	sdelay $0x3  }
0x37: {  	[smem:$0x3FBA] =	sst s10  }
0x38: {  	s10 =	sld [smem:$0x3FBB]  }
0x39: {  	_ = 	snop;
	(pc) =	sbr.ind lr, $3  }
0x3a: {  	_ = 	snop  }
0x3b: {  	_ = 	snop  }
0x3c: {  	p2 =	seq.s32 s10, $0x1;
	s10 =	sld [smem:$0x3FBA]  }
0x3d: {  	_ =	shalt  }
0x3e: {  	_ =	shalt  }
0x3f: {  	_ =	shalt  }
0x40: {  	_ =	shalt  }
0x41: {  	_ =	shalt  }
0x42: {  	_ =	shalt  }
0x43: {  	_ =	shalt  }
0x44: {  	_ =	shalt  }
0x45: {  	_ =	shalt  }
0x46: {  	_ =	shalt  }
0x47: {  	_ =	shalt  }
0x48: {  	_ =	shalt  }
0x49: {  	_ =	shalt  }
0x4a: {  	_ =	shalt  }
0x4b: {  	_ =	shalt  }
0x4c: {  	_ =	shalt  }
0x4d: {  	_ =	shalt  }
0x4e: {  	_ =	shalt  }
0x4f: {  	_ =	shalt  }
0x50: {  	_ =	shalt  }
0x51: {  	_ =	shalt  }
0x52: {  	_ =	shalt  }
0x53: {  	_ =	shalt  }
0x54: {  	_ =	shalt  }
0x55: {  	_ =	shalt  }
0x56: {  	_ =	shalt  }
0x57: {  	_ =	shalt  }
0x58: {  	_ =	shalt  }
0x59: {  	_ =	shalt  }
0x5a: {  	_ =	shalt  }
0x5b: {  	_ =	shalt  }
0x5c: {  	_ =	shalt  }
0x5d: {  	_ =	shalt  }
0x5e: {  	_ =	shalt  }
0x5f: {  	_ =	shalt  }
0x60: {  	_ =	shalt  }
0x61: {  	_ =	shalt  }
0x62: {  	_ =	shalt  }
0x63: {  	_ =	shalt  }
0x64: {  	_ =	shalt  }
0x65: {  	_ =	shalt  }
0x66: {  	_ =	shalt  }
0x67: {  	_ =	shalt  }
0x68: {  	_ =	shalt  }
0x69: {  	_ =	shalt  }
0x6a: {  	_ =	shalt  }
0x6b: {  	_ =	shalt  }
0x6c: {  	_ =	shalt  }
0x6d: {  	_ =	shalt  }
0x6e: {  	_ =	shalt  }
0x6f: {  	_ =	shalt  }
0x70: {  	_ =	shalt  }
0x71: {  	_ =	shalt  }
0x72: {  	_ =	shalt  }
0x73: {  	_ =	shalt  }
0x74: {  	_ =	shalt  }
0x75: {  	_ =	shalt  }
0x76: {  	_ =	shalt  }
0x77: {  	_ =	shalt  }
0x78: {  	_ =	shalt  }
0x79: {  	_ =	shalt  }
0x7a: {  	_ =	shalt  }
0x7b: {  	_ =	shalt  }
0x7c: {  	_ =	shalt  }
0x7d: {  	_ =	shalt  }
0x7e: {  	_ =	shalt  }
0x7f: {  	_ =	shalt  }
0x80: {  	_ =	shalt  }
0x81: {  	_ =	shalt  }
0x82: {  	_ =	shalt  }
0x83: {  	_ =	shalt  }
0x84: {  	_ =	shalt  }
0x85: {  	_ =	shalt  }
0x86: {  	_ =	shalt  }
0x87: {  	_ =	shalt  }
.Lfunc_end0:
.L_simem_size_0:
called_computation_lowered:
.L_overlay_start_0:
0x88: {  	s2 =	sld [smem:$0x3FD9]  }
0x89: {  	s3 =	sld [smem:$0x3FFE];
	_ =	sdelay $0x1  }
0x8a: {  	s1 =	srdreg.scid  }
0x8b: {  	s0 =	sand.u32 $0x1, s1  }
0x8c: {  	s17 =	sshll.u32 s0, $0xA;
	s2 =	sadd.s32 s3, s2  }
0x8d: {  	s2 =	sadd.s32 s2, s17  }
0x8e: {  	[smem:$0x3FC6] =	sst s2  }
0x8f: {  	_ = 	snop  }
0x90: {  	s2 =	sld [smem:$0x3FD0];
	(tm) =	ssettm $0x1  }
0x91: {  	s18 =	sld [smem:$0x3FFB];
	_ =	sdelay $0x3  }
0x92: {  	_ =	strace s18  }
0x93: {  	s3 =	sld [smem:$0x3FFC];
	_ =	sdelay $0x3  }
0x94: {  	_ =	strace s3  }
0x95: {  	s3 =	sld [smem:$0x3FFD];
	_ =	sdelay $0x3  }
0x96: {  	_ =	strace s3  }
0x97: {  	_ =	strace $0x8FFFFFFF  }
0x98: {  	s19 =	sld [smem:$0x3FDB];
	_ =	sdelay $0x1  }
0x99: {  	s4 =	simm.s32 $_scs_section_size  }
0x9a: {  	s5 =	simm.s32 $_size__tile_overlayer_lowered;
	s6 =	simm.s32 $_tile_overlayer_lowered  }
0x9b: {  	s22 =	simm.s32 $0x1BFF;
	s21 =	sshll.u32 s6, $0x1;
	s3 =	sadd.s32 s4, s19  }
0x9c: {  	s7 =	simm.s32 $0x0;
	s20 =	sshll.u32 s5, $0x1;
	s5 =	sadd.s32 s21, s3  }
0x9d: {  	[timem:s7], [sflag:s22] =	dma.local [hbm:s5], s20  }
0x9e: {  	_ =	swait.ge [sflag:s22], s20  }
0x9f: {  	s4 =	ssub.s32 $0x0, s20;
	[sflag:s22] =	ssyncset.done $0x0  }
0xa0: {  	[sflag:s22] =	ssyncadd.s32 s4;
	_ =	sdelay $0x1  }
0xa1: {  	s23 =	simm.s32 $0x1B8B  }
0xa2: {  	_ =	swait.ge [sflag:s23], $0x1  }
0xa3: {  	[sflag:s23] =	ssyncset.done $0x0  }
0xa4: {  	s25 =	simm.s32 $0x1B8E;
	s24 =	sld [smem:$0x3FFE];
	[sflag:s23] =	ssyncadd.s32 $0xFFFFFFFF  }
0xa5: {  	s26 =	simm.s32 $execute0_lowered;
	[smem:$0x3FD2] =	sst s25  }
0xa6: {  	s5 =	sshll.u32 s26, $0x1;
	_ =	strace $0x80000046;
	[dreg:$0x1] =	wrdreg $0xFFFFFFFF  }
0xa7: {  	s28 =	simm.s32 $_size_execute0_lowered;
	s3 =	sadd.s32 s3, s5;
	[dreg:$0x0] =	wrdreg $0x0  }
0xa8: {  	s5 =	sshll.u32 s28, $0x1;
	[dreg:$0x2] =	wrdreg s3  }
0xa9: {  	[dreg:$0x3] =	wrdreg s5  }
0xaa: {  	[dreg:$0x4] =	wrdreg $0xC0  }
0xab: {  	_ =	task [dreg:s7], $0x5FFFF  }
0xac: {  	[dreg:$0x1] =	wrdreg $0xFFFFFFFF  }
0xad: {  	[dreg:$0x0] =	wrdreg $0x60  }
0xae: {  	[dreg:$0x2] =	wrdreg s2  }
0xaf: {  	[dreg:$0x3] =	wrdreg s24  }
0xb0: {  	[dreg:$0x4] =	wrdreg $0x9  }
0xb1: {  	_ =	task.clear_ibuf [dreg:s7], $0x5FFFF;
	_ =	strace $0x90000046  }
0xb2: {  	s29 =	simm.s32 $0x9;
	_ =	strace $0x80000048  }
0xb3: {  	_ =	swait.ge [sflag:s29], $0x1  }
0xb4: {  	[sflag:s29] =	ssyncadd.s32 $0xFFFFFFFF  }
0xb5: {  	_ =	strace $0x90000048  }
0xb6: {  	_ =	sfence  }
0xb7: {  	s30 =	sld [smem:$0x0];
	_ =	sdelay $0x2  }
0xb8: {  	s31 =	sshll.u32 s1, $0xD;
	s1 =	sshrl.u32 s1, $0x2  }
0xb9: {  	s3 =	sand.u32 $0x4000, s31;
	s1 =	sadd.s32 s1, s30  }
0xba: {  	s0 =	sor.u32 s3, s0;
	s1 =	sshll.u32 s1, $0x11  }
0xbb: {  	s0 =	sor.u32 s1, s0  }
0xbc: {  	s0 =	sadd.s32 $0x8F2B, s0  }
0xbd: {  	[sflag:s0] =	ssyncadd.remote.s32 $0x1  }
0xbe: {  	_ =	sfence.sel $0xFFFF  }
0xbf: {  	[dreg:$0x0] =	wrdreg $0xFFFFFFFF;
	(pc) =	sbr.abs _section_cstart, $3  }
0xc0: {  	[dreg:$0x1] =	wrdreg $0xFFFFFFFF  }
0xc1: {  	_ =	task.clear_ibuf [dreg:s7], $0x2FFFF;
	_ =	strace $0x9FFFFFFF  }
0xc2: {  	(tm) =	ssettm $0x7FFFFFFF  }
0xc3: {  	_ =	shalt  }
tec
execute0_lowered:
.L_overlay_start_1:
0x0: {  	(tag) =	ssettag $0x1  }
0x1: {  	s0 =	rddreg [dreg:$0x0];
	s1 =	srdreg.scid  }
0x2: {  	s9 =	stileid.u32;
	s2 =	rddreg [dreg:$0x1];
	s5 =	simm.s32 $0x0  }
0x3: {  	s29 =	simm.s32 $0xB400;
	s31 =	simm.s32 $0xC400;
	s28 =	simm.s32 $0x11400  }
0x4: {  	s30 =	simm.s32 $0x12400;
	s11 =	simm.s32 $0x0;
	s18 =	smul.u32 $0x190, s9  }
0x5: {  	s1 =	sand.u32 $0x1, s1;
	s3 =	sshll.u32 s9, $0x1;
	s24 =	smul.u32 $0xC8000, s9  }
0x6: {  	[smem:$0x7FF] =	sst s5;
	s4 =	sor.u32 s1, s3;
	s21 =	smul.u32 $0xC8, s1  }
0x7: {  	_ =	strace $0x80000047;
	s6 =	ssub.s32 $0x2, s1;
	s1 =	smul.u32 $0x64000, s1  }
0x8: {  	s9 =	simm.s32 $0x2;
	s3 =	sadd.s32 $0x3D0E00, s2;
	s15 =	smul.u32 $0x320000, s4  }
0x9: {  	s7 =	sshrl.u32 s6, $0x1;
	s8 =	smul.u32 $0xC80, s4;
	s4 =	sadd.s32 $0x400, s2  }
0xa: {  	s16 =	ssub.s32 s6, s7;
	s1 =	sadd.s32 s1, s24;
	s24 =	simm.s32 $0x9400  }
0xb: {  	s5 =	sshrl.u32 s15, $0x3;
	s0 =	sadd.s32 s0, s8;
	[dreg:$0xd] =	wrdreg s1  }
0xc: {  	s2 =	smax.u32 s16, $0x1;
	s5 =	sadd.s32 s3, s5;
	[dreg:$0x3] =	wrdreg s0  }
0xd: {  	s6 =	simm.s32 $0x1;
	[dreg:$0xc] =	wrdreg s2;
	s17 =	sadd.s32 $0x60000, s5  }
0xe: {  	s7 =	simm.s32 $0x20;
	s19 =	sadd.s32 $0x60800, s5;
	[dreg:$0x4] =	wrdreg s17  }
0xf: {  	s1 =	simm.s32 $0x13400;
	s20 =	sadd.s32 $0x61000, s5;
	[dreg:$0x5] =	wrdreg s19  }
0x10: {  	s8 =	simm.s32 $0x3;
	s22 =	sadd.s32 $0x61800, s5;
	[dreg:$0x6] =	wrdreg s20  }
0x11: {  	s0 =	sadd.s32 s21, s18;
	s23 =	sadd.s32 $0x62000, s5;
	[dreg:$0x7] =	wrdreg s22  }
0x12: {  	s18 =	simm.s32 $0x80;
	s25 =	sadd.s32 $0x62800, s5;
	[dreg:$0x8] =	wrdreg s23  }
0x13: {  	s21 =	simm.s32 $0xE400;
	s26 =	sadd.s32 $0x63000, s5;
	[dreg:$0x9] =	wrdreg s25  }
0x14: {  	s5 =	sadd.s32 $0x63800, s5;
	s0 =	sshll.u32 s0, $0xB;
	[dreg:$0xa] =	wrdreg s26  }
0x15: {  	s2 =	simm.s32 $0x14400;
	[dreg:$0xb] =	wrdreg s5;
	s0 =	sadd.s32 $0x4000, s0  }
0x16: {  	s19 =	simm.s32 $0x6400;
	s20 =	simm.s32 $0x7400;
	s22 =	simm.s32 $0x8400  }
0x17: {  	s26 =	simm.s32 $0xA400;
	s23 =	simm.s32 $0xF400;
	s25 =	simm.s32 $0x10400  }
0x18: {  	s5 =	simm.s32 $0x15400;
	[dreg:$0xe] =	wrdreg s0;
	s0 =	simm.s32 $0xD400  }
.LBB2_1:
0x19: {  	[dreg:$0xf] =	wrdreg s11  }
0x1a: {  	s10 =	simm.s32 $0x0;
	s14 =	rddreg [dreg:$0x3];
	s15 =	simm.s32 $0x5  }
0x1b: {  	[tilespmem:s10], [sflag:$0x5] =	stream.linear.gather [hbm4b:s14+s10], $0x6400, $0x38;
	[tilespmem:$0x16400] =	vst v63  }
0x1c: {  	_ =	swait.ge [sflag:s15], $0x6400  }
0x1d: {  	[sflag:s15] =	ssyncset.done $0x0  }
0x1e: {  	[sflag:s15] =	ssyncadd.s32 $0xFFFF9C00  }
0x1f: {  	[tilespmem:s19], [sflag:$0x1] =	stream.indirect.gather [hbm4b:s4+s18], $0x20, s10, s18, $0xb8;
	[tilespmem:$0x16400] =	vst v63  }
0x20: {  	_ = 	snop  }
0x21: {  	[tilespmem:s20], [sflag:$0x1] =	stream.indirect.gather [hbm4b:s4+s18], $0x20, s18, s18, $0xb8;
	[tilespmem:$0x16400] =	vst v63  }
0x22: {  	s16 =	simm.s32 $0x100  }
0x23: {  	[tilespmem:s22], [sflag:$0x1] =	stream.indirect.gather [hbm4b:s4+s18], $0x20, s16, s18, $0xb8;
	[tilespmem:$0x16400] =	vst v63  }
0x24: {  	s17 =	simm.s32 $0x180  }
0x25: {  	[tilespmem:s24], [sflag:$0x1] =	stream.indirect.gather [hbm4b:s4+s18], $0x20, s17, s18, $0xb8;
	[tilespmem:$0x16400] =	vst v63  }
0x26: {  	s11 =	simm.s32 $0x200  }
0x27: {  	[tilespmem:s26], [sflag:$0x1] =	stream.indirect.gather [hbm4b:s4+s18], $0x20, s11, s18, $0xb8;
	[tilespmem:$0x16400] =	vst v63  }
0x28: {  	s12 =	simm.s32 $0x280;
	p0 =	por $0x1, $0x1  }
0x29: {  	[tilespmem:s29], [sflag:$0x1] =	stream.indirect.gather [hbm4b:s4+s18], $0x20, s12, s18, $0xb8;
	[tilespmem:$0x16400] =	vst v63  }
0x2a: {  	s13 =	simm.s32 $0x300;
	p0 =	por p0, p0  }
0x2b: {  	[tilespmem:s31], [sflag:$0x1] =	stream.indirect.gather [hbm4b:s4+s18], $0x20, s13, s18, $0xb8;
	[tilespmem:$0x16400] =	vst v63  }
0x2c: {  	s14 =	simm.s32 $0x380;
	s12 =	simm.s32 @!p0 $0x4  }
0x2d: {  	[tilespmem:s0], [sflag:$0x1] =	stream.indirect.gather [hbm4b:s4+s18], $0x20, s14, s18, $0xb8;
	[tilespmem:$0x16400] =	vst v63  }
0x2e: {  	_ =	swait.ge @!p0 [sflag:s12], $0x1000  }
0x2f: {  	[sflag:s12] =	ssyncset.done @!p0 $0x0  }
0x30: {  	[sflag:s12] =	ssyncadd.s32 @!p0 $0xFFFFF000  }
0x31: {  	_ =	swait.ge @!p0 [sflag:s12], $0x1000  }
0x32: {  	[sflag:s12] =	ssyncset.done @!p0 $0x0  }
0x33: {  	[sflag:s12] =	ssyncadd.s32 @!p0 $0xFFFFF000  }
0x34: {  	_ =	swait.ge @!p0 [sflag:s12], $0x1000  }
0x35: {  	[sflag:s12] =	ssyncset.done @!p0 $0x0  }
0x36: {  	[sflag:s12] =	ssyncadd.s32 @!p0 $0xFFFFF000  }
0x37: {  	_ =	swait.ge @!p0 [sflag:s12], $0x1000  }
0x38: {  	[sflag:s12] =	ssyncset.done @!p0 $0x0  }
0x39: {  	[sflag:s12] =	ssyncadd.s32 @!p0 $0xFFFFF000  }
0x3a: {  	_ =	swait.ge @!p0 [sflag:s12], $0x1000  }
0x3b: {  	[sflag:s12] =	ssyncset.done @!p0 $0x0  }
0x3c: {  	[sflag:s12] =	ssyncadd.s32 @!p0 $0xFFFFF000  }
0x3d: {  	_ =	swait.ge @!p0 [sflag:s12], $0x1000  }
0x3e: {  	[sflag:s12] =	ssyncset.done @!p0 $0x0  }
0x3f: {  	[sflag:s12] =	ssyncadd.s32 @!p0 $0xFFFFF000  }
0x40: {  	_ =	swait.ge @!p0 [sflag:s12], $0x1000  }
0x41: {  	[sflag:s12] =	ssyncset.done @!p0 $0x0  }
0x42: {  	[sflag:s12] =	ssyncadd.s32 @!p0 $0xFFFFF000  }
0x43: {  	_ =	swait.ge @!p0 [sflag:s12], $0x1000  }
0x44: {  	[sflag:s12] =	ssyncset.done @!p0 $0x0  }
0x45: {  	s15 =	simm.s32 $0x400;
	[sflag:s12] =	ssyncadd.s32 @!p0 $0xFFFFF000  }
0x46: {  	[tilespmem:s21], [sflag:$0x2] =	stream.indirect.gather [hbm4b:s4+s18], $0x20, s15, s18, $0xb8;
	[tilespmem:$0x16400] =	vst v63  }
0x47: {  	s16 =	simm.s32 $0x480  }
0x48: {  	[tilespmem:s23], [sflag:$0x2] =	stream.indirect.gather [hbm4b:s4+s18], $0x20, s16, s18, $0xb8;
	[tilespmem:$0x16400] =	vst v63  }
0x49: {  	s17 =	simm.s32 $0x500  }
0x4a: {  	[tilespmem:s25], [sflag:$0x2] =	stream.indirect.gather [hbm4b:s4+s18], $0x20, s17, s18, $0xb8;
	[tilespmem:$0x16400] =	vst v63  }
0x4b: {  	s10 =	simm.s32 $0x580  }
0x4c: {  	[tilespmem:s28], [sflag:$0x2] =	stream.indirect.gather [hbm4b:s4+s18], $0x20, s10, s18, $0xb8;
	[tilespmem:$0x16400] =	vst v63  }
0x4d: {  	s11 =	simm.s32 $0x600  }
0x4e: {  	[tilespmem:s30], [sflag:$0x2] =	stream.indirect.gather [hbm4b:s4+s18], $0x20, s11, s18, $0xb8;
	[tilespmem:$0x16400] =	vst v63  }
0x4f: {  	s13 =	simm.s32 $0x680  }
0x50: {  	[tilespmem:s1], [sflag:$0x2] =	stream.indirect.gather [hbm4b:s4+s18], $0x20, s13, s18, $0xb8;
	[tilespmem:$0x16400] =	vst v63  }
0x51: {  	s14 =	simm.s32 $0x700  }
0x52: {  	[tilespmem:s2], [sflag:$0x2] =	stream.indirect.gather [hbm4b:s4+s18], $0x20, s14, s18, $0xb8;
	[tilespmem:$0x16400] =	vst v63  }
0x53: {  	s15 =	simm.s32 $0x780  }
0x54: {  	[tilespmem:s5], [sflag:$0x2] =	stream.indirect.gather [hbm4b:s4+s18], $0x20, s15, s18, $0xb8;
	[tilespmem:$0x16400] =	vst v63  }
0x55: {  	_ =	swait.ge [sflag:s6], $0x1000  }
0x56: {  	[sflag:s6] =	ssyncset.done $0x0  }
0x57: {  	[sflag:s6] =	ssyncadd.s32 $0xFFFFF000  }
0x58: {  	_ =	swait.ge [sflag:s6], $0x1000  }
0x59: {  	[sflag:s6] =	ssyncset.done $0x0  }
0x5a: {  	[sflag:s6] =	ssyncadd.s32 $0xFFFFF000  }
0x5b: {  	_ =	swait.ge [sflag:s6], $0x1000  }
0x5c: {  	[sflag:s6] =	ssyncset.done $0x0  }
0x5d: {  	[sflag:s6] =	ssyncadd.s32 $0xFFFFF000  }
0x5e: {  	_ =	swait.ge [sflag:s6], $0x1000  }
0x5f: {  	[sflag:s6] =	ssyncset.done $0x0  }
0x60: {  	[sflag:s6] =	ssyncadd.s32 $0xFFFFF000  }
0x61: {  	_ =	swait.ge [sflag:s6], $0x1000  }
0x62: {  	[sflag:s6] =	ssyncset.done $0x0  }
0x63: {  	[sflag:s6] =	ssyncadd.s32 $0xFFFFF000  }
0x64: {  	_ =	swait.ge [sflag:s6], $0x1000  }
0x65: {  	[sflag:s6] =	ssyncset.done $0x0  }
0x66: {  	[sflag:s6] =	ssyncadd.s32 $0xFFFFF000  }
0x67: {  	_ =	swait.ge [sflag:s6], $0x1000  }
0x68: {  	[sflag:s6] =	ssyncset.done $0x0  }
0x69: {  	[sflag:s6] =	ssyncadd.s32 $0xFFFFF000  }
0x6a: {  	_ =	swait.ge [sflag:s6], $0x1000  }
0x6b: {  	s10 =	rddreg [dreg:$0xd]  }
0x6c: {  	[sflag:s6] =	ssyncset.done $0x0;
	s16 =	sand.u32 $0xFFC0000, s10;
	s13 =	sadd.s32 s10, s3  }
0x6d: {  	[sflag:s6] =	ssyncadd.s32 $0xFFFFF000;
	s14 =	sand.u32 $0x3C000, s10;
	s12 =	sadd.s32 s3, s16  }
0x6e: {  	[hbm4b:s13+s7] =	stream.strided.scatter [tilespmem:s19], [sflag:$0x3], $0x1000, s18, s7, $0x38;
	[tilespmem:$0x16400] =	vst v63  }
0x6f: {  	s12 =	sadd.s32 s14, s12  }
0x70: {  	s17 =	sadd.s32 $0x800, s12  }
0x71: {  	[hbm4b:s17+s7] =	stream.strided.scatter [tilespmem:s20], [sflag:$0x3], $0x1000, s18, s7, $0x38;
	[tilespmem:$0x16400] =	vst v63  }
0x72: {  	s11 =	sadd.s32 $0x1000, s12  }
0x73: {  	[hbm4b:s11+s7] =	stream.strided.scatter [tilespmem:s22], [sflag:$0x3], $0x1000, s18, s7, $0x38;
	[tilespmem:$0x16400] =	vst v63  }
0x74: {  	s14 =	sadd.s32 $0x1800, s12  }
0x75: {  	[hbm4b:s14+s7] =	stream.strided.scatter [tilespmem:s24], [sflag:$0x3], $0x1000, s18, s7, $0x38;
	[tilespmem:$0x16400] =	vst v63  }
0x76: {  	s15 =	sadd.s32 $0x2000, s12  }
0x77: {  	[hbm4b:s15+s7] =	stream.strided.scatter [tilespmem:s26], [sflag:$0x3], $0x1000, s18, s7, $0x38;
	[tilespmem:$0x16400] =	vst v63  }
0x78: {  	s16 =	sadd.s32 $0x2800, s12  }
0x79: {  	[hbm4b:s16+s7] =	stream.strided.scatter [tilespmem:s29], [sflag:$0x3], $0x1000, s18, s7, $0x38;
	[tilespmem:$0x16400] =	vst v63  }
0x7a: {  	s17 =	sadd.s32 $0x3000, s12  }
0x7b: {  	[hbm4b:s17+s7] =	stream.strided.scatter [tilespmem:s31], [sflag:$0x3], $0x1000, s18, s7, $0x38;
	[tilespmem:$0x16400] =	vst v63  }
0x7c: {  	s12 =	sadd.s32 $0x3800, s12  }
0x7d: {  	[hbm4b:s12+s7] =	stream.strided.scatter [tilespmem:s0], [sflag:$0x3], $0x1000, s18, s7, $0x38;
	[tilespmem:$0x16400] =	vst v63  }
0x7e: {  	_ =	swait.ge [sflag:s8], $0x1000  }
0x7f: {  	[sflag:s8] =	ssyncset.done $0x0  }
0x80: {  	[sflag:s8] =	ssyncadd.s32 $0xFFFFF000  }
0x81: {  	_ =	swait.ge [sflag:s8], $0x1000  }
0x82: {  	[sflag:s8] =	ssyncset.done $0x0  }
0x83: {  	[sflag:s8] =	ssyncadd.s32 $0xFFFFF000  }
0x84: {  	_ =	swait.ge [sflag:s8], $0x1000  }
0x85: {  	[sflag:s8] =	ssyncset.done $0x0  }
0x86: {  	[sflag:s8] =	ssyncadd.s32 $0xFFFFF000  }
0x87: {  	_ =	swait.ge [sflag:s8], $0x1000  }
0x88: {  	[sflag:s8] =	ssyncset.done $0x0  }
0x89: {  	[sflag:s8] =	ssyncadd.s32 $0xFFFFF000  }
0x8a: {  	_ =	swait.ge [sflag:s8], $0x1000  }
0x8b: {  	[sflag:s8] =	ssyncset.done $0x0  }
0x8c: {  	[sflag:s8] =	ssyncadd.s32 $0xFFFFF000  }
0x8d: {  	_ =	swait.ge [sflag:s8], $0x1000  }
0x8e: {  	[sflag:s8] =	ssyncset.done $0x0  }
0x8f: {  	[sflag:s8] =	ssyncadd.s32 $0xFFFFF000  }
0x90: {  	_ =	swait.ge [sflag:s8], $0x1000  }
0x91: {  	[sflag:s8] =	ssyncset.done $0x0  }
0x92: {  	[sflag:s8] =	ssyncadd.s32 $0xFFFFF000  }
0x93: {  	_ =	swait.ge [sflag:s8], $0x1000  }
0x94: {  	[sflag:s8] =	ssyncset.done $0x0  }
0x95: {  	s11 =	simm.s32 $0x800;
	[sflag:s8] =	ssyncadd.s32 $0xFFFFF000  }
0x96: {  	[tilespmem:s19], [sflag:$0x1] =	stream.indirect.gather [hbm4b:s4+s18], $0x20, s11, s18, $0xb8;
	[tilespmem:$0x16400] =	vst v63  }
0x97: {  	s13 =	simm.s32 $0x880  }
0x98: {  	[tilespmem:s20], [sflag:$0x1] =	stream.indirect.gather [hbm4b:s4+s18], $0x20, s13, s18, $0xb8;
	[tilespmem:$0x16400] =	vst v63  }
0x99: {  	s14 =	simm.s32 $0x900  }
0x9a: {  	[tilespmem:s22], [sflag:$0x1] =	stream.indirect.gather [hbm4b:s4+s18], $0x20, s14, s18, $0xb8;
	[tilespmem:$0x16400] =	vst v63  }
0x9b: {  	s15 =	simm.s32 $0x980  }
0x9c: {  	[tilespmem:s24], [sflag:$0x1] =	stream.indirect.gather [hbm4b:s4+s18], $0x20, s15, s18, $0xb8;
	[tilespmem:$0x16400] =	vst v63  }
0x9d: {  	s16 =	simm.s32 $0xA00  }
0x9e: {  	[tilespmem:s26], [sflag:$0x1] =	stream.indirect.gather [hbm4b:s4+s18], $0x20, s16, s18, $0xb8;
	[tilespmem:$0x16400] =	vst v63  }
0x9f: {  	s17 =	simm.s32 $0xA80  }
0xa0: {  	[tilespmem:s29], [sflag:$0x1] =	stream.indirect.gather [hbm4b:s4+s18], $0x20, s17, s18, $0xb8;
	[tilespmem:$0x16400] =	vst v63  }
0xa1: {  	s11 =	simm.s32 $0xB00  }
0xa2: {  	[tilespmem:s31], [sflag:$0x1] =	stream.indirect.gather [hbm4b:s4+s18], $0x20, s11, s18, $0xb8;
	[tilespmem:$0x16400] =	vst v63  }
0xa3: {  	s13 =	simm.s32 $0xB80  }
0xa4: {  	[tilespmem:s0], [sflag:$0x1] =	stream.indirect.gather [hbm4b:s4+s18], $0x20, s13, s18, $0xb8;
	[tilespmem:$0x16400] =	vst v63  }
0xa5: {  	_ =	swait.ge [sflag:s9], $0x1000  }
0xa6: {  	[sflag:s9] =	ssyncset.done $0x0  }
0xa7: {  	[sflag:s9] =	ssyncadd.s32 $0xFFFFF000  }
0xa8: {  	_ =	swait.ge [sflag:s9], $0x1000  }
0xa9: {  	[sflag:s9] =	ssyncset.done $0x0  }
0xaa: {  	[sflag:s9] =	ssyncadd.s32 $0xFFFFF000  }
0xab: {  	_ =	swait.ge [sflag:s9], $0x1000  }
0xac: {  	[sflag:s9] =	ssyncset.done $0x0  }
0xad: {  	[sflag:s9] =	ssyncadd.s32 $0xFFFFF000  }
0xae: {  	_ =	swait.ge [sflag:s9], $0x1000  }
0xaf: {  	[sflag:s9] =	ssyncset.done $0x0  }
0xb0: {  	[sflag:s9] =	ssyncadd.s32 $0xFFFFF000  }
0xb1: {  	_ =	swait.ge [sflag:s9], $0x1000  }
0xb2: {  	[sflag:s9] =	ssyncset.done $0x0  }
0xb3: {  	[sflag:s9] =	ssyncadd.s32 $0xFFFFF000  }
0xb4: {  	_ =	swait.ge [sflag:s9], $0x1000  }
0xb5: {  	[sflag:s9] =	ssyncset.done $0x0  }
0xb6: {  	[sflag:s9] =	ssyncadd.s32 $0xFFFFF000  }
0xb7: {  	_ =	swait.ge [sflag:s9], $0x1000  }
0xb8: {  	[sflag:s9] =	ssyncset.done $0x0  }
0xb9: {  	s14 =	sadd.s32 $0x4000, s10;
	[sflag:s9] =	ssyncadd.s32 $0xFFFFF000  }
0xba: {  	s12 =	sand.u32 $0x3C000, s14;
	s15 =	sand.u32 $0xFFC0000, s14;
	_ =	swait.ge [sflag:s9], $0x1000  }
0xbb: {  	s13 =	sadd.s32 s3, s15;
	[sflag:s9] =	ssyncset.done $0x0;
	s11 =	rddreg [dreg:$0xe]  }
0xbc: {  	s12 =	sadd.s32 s12, s13;
	[sflag:s9] =	ssyncadd.s32 $0xFFFFF000;
	s16 =	sadd.s32 s11, s3  }
0xbd: {  	[hbm4b:s16+s7] =	stream.strided.scatter [tilespmem:s21], [sflag:$0x4], $0x1000, s18, s7, $0x38;
	[tilespmem:$0x16400] =	vst v63  }
0xbe: {  	s13 =	sadd.s32 $0x800, s12  }
0xbf: {  	[hbm4b:s13+s7] =	stream.strided.scatter [tilespmem:s23], [sflag:$0x4], $0x1000, s18, s7, $0x38;
	[tilespmem:$0x16400] =	vst v63  }
0xc0: {  	s17 =	sadd.s32 $0x1000, s12  }
0xc1: {  	[hbm4b:s17+s7] =	stream.strided.scatter [tilespmem:s25], [sflag:$0x4], $0x1000, s18, s7, $0x38;
	[tilespmem:$0x16400] =	vst v63  }
0xc2: {  	s14 =	sadd.s32 $0x1800, s12  }
0xc3: {  	[hbm4b:s14+s7] =	stream.strided.scatter [tilespmem:s28], [sflag:$0x4], $0x1000, s18, s7, $0x38;
	[tilespmem:$0x16400] =	vst v63  }
0xc4: {  	p6 =	por $0x0, $0x0;
	s15 =	sadd.s32 $0x2000, s12  }
0xc5: {  	[hbm4b:s15+s7] =	stream.strided.scatter [tilespmem:s30], [sflag:$0x4], $0x1000, s18, s7, $0x38;
	[tilespmem:$0x16400] =	vst v63  }
0xc6: {  	p0 =	por p6, p6;
	s16 =	sadd.s32 $0x2800, s12  }
0xc7: {  	[hbm4b:s16+s7] =	stream.strided.scatter [tilespmem:s1], [sflag:$0x4], $0x1000, s18, s7, $0x38;
	[tilespmem:$0x16400] =	vst v63  }
0xc8: {  	s13 =	sadd.s32 $0x8000, s10;
	s17 =	sadd.s32 $0x3000, s12;
	s14 =	simm.s32 $0x2000  }
0xc9: {  	[hbm4b:s17+s7] =	stream.strided.scatter [tilespmem:s2], [sflag:$0x4], $0x1000, s18, s7, $0x38;
	[tilespmem:$0x16400] =	vst v63  }
0xca: {  	s16 =	sadd.s32 $0x3800, s12;
	s12 =	sadd.s32 $0x8000, s11;
	s17 =	simm.s32 $0x4000  }
.LBB2_2:
0xcb: {  	p2 =	seq.s32 s17, $0x0  }
0xcc: {  	s15 =	simm.s32 @!p0 $0x4;
	s11 =	smov.u32 s17;
	s17 =	sadd.s32 $0x2000, s17  }
0xcd: {  	[hbm4b:s16+s7] =	stream.strided.scatter [tilespmem:s5], [sflag:$0x4], $0x1000, s18, s7, $0x38;
	[tilespmem:$0x16400] =	vst v63  }
0xce: {  	p1 =	sne.s32 s17, $0x18000;
	_ =	swait.ge @!p0 [sflag:s15], $0x1000  }
0xcf: {  	[sflag:s15] =	ssyncset.done @!p0 $0x0  }
0xd0: {  	[sflag:s15] =	ssyncadd.s32 @!p0 $0xFFFFF000  }
0xd1: {  	_ =	swait.ge @!p0 [sflag:s15], $0x1000  }
0xd2: {  	[sflag:s15] =	ssyncset.done @!p0 $0x0  }
0xd3: {  	[sflag:s15] =	ssyncadd.s32 @!p0 $0xFFFFF000  }
0xd4: {  	_ =	swait.ge @!p0 [sflag:s15], $0x1000  }
0xd5: {  	[sflag:s15] =	ssyncset.done @!p0 $0x0  }
0xd6: {  	[sflag:s15] =	ssyncadd.s32 @!p0 $0xFFFFF000  }
0xd7: {  	_ =	swait.ge @!p0 [sflag:s15], $0x1000  }
0xd8: {  	[sflag:s15] =	ssyncset.done @!p0 $0x0  }
0xd9: {  	[sflag:s15] =	ssyncadd.s32 @!p0 $0xFFFFF000  }
0xda: {  	_ =	swait.ge @!p0 [sflag:s15], $0x1000  }
0xdb: {  	[sflag:s15] =	ssyncset.done @!p0 $0x0  }
0xdc: {  	[sflag:s15] =	ssyncadd.s32 @!p0 $0xFFFFF000  }
0xdd: {  	_ =	swait.ge @!p0 [sflag:s15], $0x1000  }
0xde: {  	[sflag:s15] =	ssyncset.done @!p0 $0x0  }
0xdf: {  	[sflag:s15] =	ssyncadd.s32 @!p0 $0xFFFFF000  }
0xe0: {  	_ =	swait.ge @!p0 [sflag:s15], $0x1000  }
0xe1: {  	[sflag:s15] =	ssyncset.done @!p0 $0x0  }
0xe2: {  	[sflag:s15] =	ssyncadd.s32 @!p0 $0xFFFFF000  }
0xe3: {  	_ =	swait.ge @!p0 [sflag:s15], $0x1000  }
0xe4: {  	s16 =	sshra.s32 s14, $0x2;
	s14 =	smov.u32 s11;
	[sflag:s15] =	ssyncset.done @!p0 $0x0  }
0xe5: {  	s11 =	sadd.s32 $0x400, s16;
	[sflag:s15] =	ssyncadd.s32 @!p0 $0xFFFFF000;
	p0 =	por p2, p2  }
0xe6: {  	[tilespmem:s21], [sflag:$0x2] =	stream.indirect.gather [hbm4b:s4+s18], $0x20, s11, s18, $0xb8;
	[tilespmem:$0x16400] =	vst v63  }
0xe7: {  	s11 =	sadd.s32 $0x480, s16  }
0xe8: {  	[tilespmem:s23], [sflag:$0x2] =	stream.indirect.gather [hbm4b:s4+s18], $0x20, s11, s18, $0xb8;
	[tilespmem:$0x16400] =	vst v63  }
0xe9: {  	s11 =	sadd.s32 $0x500, s16  }
0xea: {  	[tilespmem:s25], [sflag:$0x2] =	stream.indirect.gather [hbm4b:s4+s18], $0x20, s11, s18, $0xb8;
	[tilespmem:$0x16400] =	vst v63  }
0xeb: {  	s11 =	sadd.s32 $0x580, s16  }
0xec: {  	[tilespmem:s28], [sflag:$0x2] =	stream.indirect.gather [hbm4b:s4+s18], $0x20, s11, s18, $0xb8;
	[tilespmem:$0x16400] =	vst v63  }
0xed: {  	s11 =	sadd.s32 $0x600, s16  }
0xee: {  	[tilespmem:s30], [sflag:$0x2] =	stream.indirect.gather [hbm4b:s4+s18], $0x20, s11, s18, $0xb8;
	[tilespmem:$0x16400] =	vst v63  }
0xef: {  	s11 =	sadd.s32 $0x680, s16  }
0xf0: {  	[tilespmem:s1], [sflag:$0x2] =	stream.indirect.gather [hbm4b:s4+s18], $0x20, s11, s18, $0xb8;
	[tilespmem:$0x16400] =	vst v63  }
0xf1: {  	s11 =	sadd.s32 $0x700, s16  }
0xf2: {  	[tilespmem:s2], [sflag:$0x2] =	stream.indirect.gather [hbm4b:s4+s18], $0x20, s11, s18, $0xb8;
	[tilespmem:$0x16400] =	vst v63  }
0xf3: {  	s11 =	sadd.s32 $0x780, s16  }
0xf4: {  	[tilespmem:s5], [sflag:$0x2] =	stream.indirect.gather [hbm4b:s4+s18], $0x20, s11, s18, $0xb8;
	[tilespmem:$0x16400] =	vst v63  }
0xf5: {  	_ =	swait.ge [sflag:s6], $0x1000  }
0xf6: {  	[sflag:s6] =	ssyncset.done $0x0  }
0xf7: {  	[sflag:s6] =	ssyncadd.s32 $0xFFFFF000  }
0xf8: {  	_ =	swait.ge [sflag:s6], $0x1000  }
0xf9: {  	[sflag:s6] =	ssyncset.done $0x0  }
0xfa: {  	[sflag:s6] =	ssyncadd.s32 $0xFFFFF000  }
0xfb: {  	_ =	swait.ge [sflag:s6], $0x1000  }
0xfc: {  	[sflag:s6] =	ssyncset.done $0x0  }
0xfd: {  	[sflag:s6] =	ssyncadd.s32 $0xFFFFF000  }
0xfe: {  	_ =	swait.ge [sflag:s6], $0x1000  }
0xff: {  	[sflag:s6] =	ssyncset.done $0x0  }
0x100: {  	[sflag:s6] =	ssyncadd.s32 $0xFFFFF000  }
0x101: {  	_ =	swait.ge [sflag:s6], $0x1000  }
0x102: {  	[sflag:s6] =	ssyncset.done $0x0  }
0x103: {  	[sflag:s6] =	ssyncadd.s32 $0xFFFFF000  }
0x104: {  	_ =	swait.ge [sflag:s6], $0x1000  }
0x105: {  	[sflag:s6] =	ssyncset.done $0x0  }
0x106: {  	[sflag:s6] =	ssyncadd.s32 $0xFFFFF000  }
0x107: {  	_ =	swait.ge [sflag:s6], $0x1000  }
0x108: {  	[sflag:s6] =	ssyncset.done $0x0  }
0x109: {  	[sflag:s6] =	ssyncadd.s32 $0xFFFFF000  }
0x10a: {  	_ =	swait.ge [sflag:s6], $0x1000  }
0x10b: {  	s15 =	sadd.s32 s13, s3;
	s11 =	sand.u32 $0xFFC0000, s13;
	[sflag:s6] =	ssyncset.done $0x0  }
0x10c: {  	s10 =	sand.u32 $0x3C000, s13;
	s11 =	sadd.s32 s3, s11;
	[sflag:s6] =	ssyncadd.s32 $0xFFFFF000  }
0x10d: {  	[hbm4b:s15+s7] =	stream.strided.scatter [tilespmem:s19], [sflag:$0x3], $0x1000, s18, s7, $0x38;
	[tilespmem:$0x16400] =	vst v63  }
0x10e: {  	s10 =	sadd.s32 s10, s11  }
0x10f: {  	s11 =	sadd.s32 $0x800, s10;
	s15 =	sadd.s32 $0x1000, s10  }
0x110: {  	[hbm4b:s11+s7] =	stream.strided.scatter [tilespmem:s20], [sflag:$0x3], $0x1000, s18, s7, $0x38;
	[tilespmem:$0x16400] =	vst v63  }
0x111: {  	s11 =	sadd.s32 $0x1800, s10  }
0x112: {  	[hbm4b:s15+s7] =	stream.strided.scatter [tilespmem:s22], [sflag:$0x3], $0x1000, s18, s7, $0x38;
	[tilespmem:$0x16400] =	vst v63  }
0x113: {  	s15 =	sadd.s32 $0x2000, s10  }
0x114: {  	[hbm4b:s11+s7] =	stream.strided.scatter [tilespmem:s24], [sflag:$0x3], $0x1000, s18, s7, $0x38;
	[tilespmem:$0x16400] =	vst v63  }
0x115: {  	s11 =	sadd.s32 $0x2800, s10  }
0x116: {  	[hbm4b:s15+s7] =	stream.strided.scatter [tilespmem:s26], [sflag:$0x3], $0x1000, s18, s7, $0x38;
	[tilespmem:$0x16400] =	vst v63  }
0x117: {  	s15 =	sadd.s32 $0x3000, s10  }
0x118: {  	[hbm4b:s11+s7] =	stream.strided.scatter [tilespmem:s29], [sflag:$0x3], $0x1000, s18, s7, $0x38;
	[tilespmem:$0x16400] =	vst v63  }
0x119: {  	s10 =	sadd.s32 $0x3800, s10  }
0x11a: {  	[hbm4b:s15+s7] =	stream.strided.scatter [tilespmem:s31], [sflag:$0x3], $0x1000, s18, s7, $0x38;
	[tilespmem:$0x16400] =	vst v63  }
0x11b: {  	_ = 	snop  }
0x11c: {  	[hbm4b:s10+s7] =	stream.strided.scatter [tilespmem:s0], [sflag:$0x3], $0x1000, s18, s7, $0x38;
	[tilespmem:$0x16400] =	vst v63  }
0x11d: {  	_ =	swait.ge [sflag:s8], $0x1000  }
0x11e: {  	[sflag:s8] =	ssyncset.done $0x0  }
0x11f: {  	[sflag:s8] =	ssyncadd.s32 $0xFFFFF000  }
0x120: {  	_ =	swait.ge [sflag:s8], $0x1000  }
0x121: {  	[sflag:s8] =	ssyncset.done $0x0  }
0x122: {  	[sflag:s8] =	ssyncadd.s32 $0xFFFFF000  }
0x123: {  	_ =	swait.ge [sflag:s8], $0x1000  }
0x124: {  	[sflag:s8] =	ssyncset.done $0x0  }
0x125: {  	[sflag:s8] =	ssyncadd.s32 $0xFFFFF000  }
0x126: {  	_ =	swait.ge [sflag:s8], $0x1000  }
0x127: {  	[sflag:s8] =	ssyncset.done $0x0  }
0x128: {  	[sflag:s8] =	ssyncadd.s32 $0xFFFFF000  }
0x129: {  	_ =	swait.ge [sflag:s8], $0x1000  }
0x12a: {  	[sflag:s8] =	ssyncset.done $0x0  }
0x12b: {  	[sflag:s8] =	ssyncadd.s32 $0xFFFFF000  }
0x12c: {  	_ =	swait.ge [sflag:s8], $0x1000  }
0x12d: {  	[sflag:s8] =	ssyncset.done $0x0  }
0x12e: {  	[sflag:s8] =	ssyncadd.s32 $0xFFFFF000  }
0x12f: {  	_ =	swait.ge [sflag:s8], $0x1000  }
0x130: {  	[sflag:s8] =	ssyncset.done $0x0  }
0x131: {  	[sflag:s8] =	ssyncadd.s32 $0xFFFFF000  }
0x132: {  	_ =	swait.ge [sflag:s8], $0x1000  }
0x133: {  	s10 =	sadd.s32 $0x800, s16;
	[sflag:s8] =	ssyncset.done $0x0  }
0x134: {  	s11 =	sadd.s32 $0x880, s16;
	[sflag:s8] =	ssyncadd.s32 $0xFFFFF000  }
0x135: {  	[tilespmem:s19], [sflag:$0x1] =	stream.indirect.gather [hbm4b:s4+s18], $0x20, s10, s18, $0xb8;
	[tilespmem:$0x16400] =	vst v63  }
0x136: {  	s10 =	sadd.s32 $0x900, s16  }
0x137: {  	[tilespmem:s20], [sflag:$0x1] =	stream.indirect.gather [hbm4b:s4+s18], $0x20, s11, s18, $0xb8;
	[tilespmem:$0x16400] =	vst v63  }
0x138: {  	s11 =	sadd.s32 $0x980, s16  }
0x139: {  	[tilespmem:s22], [sflag:$0x1] =	stream.indirect.gather [hbm4b:s4+s18], $0x20, s10, s18, $0xb8;
	[tilespmem:$0x16400] =	vst v63  }
0x13a: {  	s10 =	sadd.s32 $0xA00, s16  }
0x13b: {  	[tilespmem:s24], [sflag:$0x1] =	stream.indirect.gather [hbm4b:s4+s18], $0x20, s11, s18, $0xb8;
	[tilespmem:$0x16400] =	vst v63  }
0x13c: {  	_ = 	snop  }
0x13d: {  	[tilespmem:s26], [sflag:$0x1] =	stream.indirect.gather [hbm4b:s4+s18], $0x20, s10, s18, $0xb8;
	[tilespmem:$0x16400] =	vst v63  }
0x13e: {  	s11 =	sadd.s32 $0xB00, s16;
	s10 =	sadd.s32 $0xA80, s16  }
0x13f: {  	[tilespmem:s29], [sflag:$0x1] =	stream.indirect.gather [hbm4b:s4+s18], $0x20, s10, s18, $0xb8;
	[tilespmem:$0x16400] =	vst v63  }
0x140: {  	s10 =	sadd.s32 $0xB80, s16  }
0x141: {  	[tilespmem:s31], [sflag:$0x1] =	stream.indirect.gather [hbm4b:s4+s18], $0x20, s11, s18, $0xb8;
	[tilespmem:$0x16400] =	vst v63  }
0x142: {  	_ = 	snop  }
0x143: {  	[tilespmem:s0], [sflag:$0x1] =	stream.indirect.gather [hbm4b:s4+s18], $0x20, s10, s18, $0xb8;
	[tilespmem:$0x16400] =	vst v63  }
0x144: {  	_ =	swait.ge [sflag:s9], $0x1000  }
0x145: {  	[sflag:s9] =	ssyncset.done $0x0  }
0x146: {  	[sflag:s9] =	ssyncadd.s32 $0xFFFFF000  }
0x147: {  	_ =	swait.ge [sflag:s9], $0x1000  }
0x148: {  	[sflag:s9] =	ssyncset.done $0x0  }
0x149: {  	[sflag:s9] =	ssyncadd.s32 $0xFFFFF000  }
0x14a: {  	_ =	swait.ge [sflag:s9], $0x1000  }
0x14b: {  	[sflag:s9] =	ssyncset.done $0x0  }
0x14c: {  	[sflag:s9] =	ssyncadd.s32 $0xFFFFF000  }
0x14d: {  	_ =	swait.ge [sflag:s9], $0x1000  }
0x14e: {  	[sflag:s9] =	ssyncset.done $0x0  }
0x14f: {  	[sflag:s9] =	ssyncadd.s32 $0xFFFFF000  }
0x150: {  	_ =	swait.ge [sflag:s9], $0x1000  }
0x151: {  	[sflag:s9] =	ssyncset.done $0x0  }
0x152: {  	[sflag:s9] =	ssyncadd.s32 $0xFFFFF000  }
0x153: {  	_ =	swait.ge [sflag:s9], $0x1000  }
0x154: {  	[sflag:s9] =	ssyncset.done $0x0  }
0x155: {  	[sflag:s9] =	ssyncadd.s32 $0xFFFFF000  }
0x156: {  	_ =	swait.ge [sflag:s9], $0x1000  }
0x157: {  	[sflag:s9] =	ssyncset.done $0x0  }
0x158: {  	s10 =	sadd.s32 $0x4000, s13;
	[sflag:s9] =	ssyncadd.s32 $0xFFFFF000  }
0x159: {  	s11 =	sand.u32 $0xFFC0000, s10;
	_ =	swait.ge [sflag:s9], $0x1000  }
0x15a: {  	s10 =	sand.u32 $0x3C000, s10;
	s11 =	sadd.s32 s3, s11;
	[sflag:s9] =	ssyncset.done $0x0  }
0x15b: {  	s15 =	sadd.s32 s12, s3;
	s10 =	sadd.s32 s10, s11;
	[sflag:s9] =	ssyncadd.s32 $0xFFFFF000  }
0x15c: {  	[hbm4b:s15+s7] =	stream.strided.scatter [tilespmem:s21], [sflag:$0x4], $0x1000, s18, s7, $0x38;
	[tilespmem:$0x16400] =	vst v63  }
0x15d: {  	s11 =	sadd.s32 $0x800, s10;
	s15 =	sadd.s32 $0x1000, s10  }
0x15e: {  	[hbm4b:s11+s7] =	stream.strided.scatter [tilespmem:s23], [sflag:$0x4], $0x1000, s18, s7, $0x38;
	[tilespmem:$0x16400] =	vst v63  }
0x15f: {  	s11 =	sadd.s32 $0x1800, s10  }
0x160: {  	[hbm4b:s15+s7] =	stream.strided.scatter [tilespmem:s25], [sflag:$0x4], $0x1000, s18, s7, $0x38;
	[tilespmem:$0x16400] =	vst v63  }
0x161: {  	s15 =	sadd.s32 $0x2000, s10  }
0x162: {  	[hbm4b:s11+s7] =	stream.strided.scatter [tilespmem:s28], [sflag:$0x4], $0x1000, s18, s7, $0x38;
	[tilespmem:$0x16400] =	vst v63  }
0x163: {  	s11 =	sadd.s32 $0x2800, s10  }
0x164: {  	[hbm4b:s15+s7] =	stream.strided.scatter [tilespmem:s30], [sflag:$0x4], $0x1000, s18, s7, $0x38;
	[tilespmem:$0x16400] =	vst v63  }
.Ltmp0:
0x165: {  	_ = 	snop;
	(pc) =	sbr.rel @p1 .LBB2_2-.Ltmp0, $4  }
0x166: {  	s15 =	sadd.s32 $0x3000, s10  }
0x167: {  	[hbm4b:s11+s7] =	stream.strided.scatter [tilespmem:s1], [sflag:$0x4], $0x1000, s18, s7, $0x38;
	[tilespmem:$0x16400] =	vst v63  }
0x168: {  	s12 =	sadd.s32 $0x8000, s12;
	s13 =	sadd.s32 $0x8000, s13;
	s16 =	sadd.s32 $0x3800, s10  }
0x169: {  	[hbm4b:s15+s7] =	stream.strided.scatter [tilespmem:s2], [sflag:$0x4], $0x1000, s18, s7, $0x38;
	[tilespmem:$0x16400] =	vst v63  }
0x16a: {  	s10 =	simm.s32 @!p0 $0x4  }
0x16b: {  	[hbm4b:s16+s7] =	stream.strided.scatter [tilespmem:s5], [sflag:$0x4], $0x1000, s18, s7, $0x38;
	[tilespmem:$0x16400] =	vst v63  }
0x16c: {  	_ =	swait.ge @!p0 [sflag:s10], $0x1000  }
0x16d: {  	[sflag:s10] =	ssyncset.done @!p0 $0x0  }
0x16e: {  	[sflag:s10] =	ssyncadd.s32 @!p0 $0xFFFFF000  }
0x16f: {  	_ =	swait.ge @!p0 [sflag:s10], $0x1000  }
0x170: {  	[sflag:s10] =	ssyncset.done @!p0 $0x0  }
0x171: {  	[sflag:s10] =	ssyncadd.s32 @!p0 $0xFFFFF000  }
0x172: {  	_ =	swait.ge @!p0 [sflag:s10], $0x1000  }
0x173: {  	[sflag:s10] =	ssyncset.done @!p0 $0x0  }
0x174: {  	[sflag:s10] =	ssyncadd.s32 @!p0 $0xFFFFF000  }
0x175: {  	_ =	swait.ge @!p0 [sflag:s10], $0x1000  }
0x176: {  	[sflag:s10] =	ssyncset.done @!p0 $0x0  }
0x177: {  	[sflag:s10] =	ssyncadd.s32 @!p0 $0xFFFFF000  }
0x178: {  	_ =	swait.ge @!p0 [sflag:s10], $0x1000  }
0x179: {  	[sflag:s10] =	ssyncset.done @!p0 $0x0  }
0x17a: {  	[sflag:s10] =	ssyncadd.s32 @!p0 $0xFFFFF000  }
0x17b: {  	_ =	swait.ge @!p0 [sflag:s10], $0x1000  }
0x17c: {  	[sflag:s10] =	ssyncset.done @!p0 $0x0  }
0x17d: {  	[sflag:s10] =	ssyncadd.s32 @!p0 $0xFFFFF000  }
0x17e: {  	_ =	swait.ge @!p0 [sflag:s10], $0x1000  }
0x17f: {  	[sflag:s10] =	ssyncset.done @!p0 $0x0  }
0x180: {  	[sflag:s10] =	ssyncadd.s32 @!p0 $0xFFFFF000  }
0x181: {  	_ =	swait.ge @!p0 [sflag:s10], $0x1000  }
0x182: {  	s14 =	sshra.s32 s14, $0x2;
	[sflag:s10] =	ssyncset.done @!p0 $0x0  }
0x183: {  	s15 =	sadd.s32 $0x400, s14;
	[sflag:s10] =	ssyncadd.s32 @!p0 $0xFFFFF000  }
0x184: {  	[tilespmem:s21], [sflag:$0x2] =	stream.indirect.gather [hbm4b:s4+s18], $0x20, s15, s18, $0xb8;
	[tilespmem:$0x16400] =	vst v63  }
0x185: {  	s16 =	sadd.s32 $0x480, s14  }
0x186: {  	[tilespmem:s23], [sflag:$0x2] =	stream.indirect.gather [hbm4b:s4+s18], $0x20, s16, s18, $0xb8;
	[tilespmem:$0x16400] =	vst v63  }
0x187: {  	s17 =	sadd.s32 $0x500, s14  }
0x188: {  	[tilespmem:s25], [sflag:$0x2] =	stream.indirect.gather [hbm4b:s4+s18], $0x20, s17, s18, $0xb8;
	[tilespmem:$0x16400] =	vst v63  }
0x189: {  	s11 =	sadd.s32 $0x580, s14  }
0x18a: {  	[tilespmem:s28], [sflag:$0x2] =	stream.indirect.gather [hbm4b:s4+s18], $0x20, s11, s18, $0xb8;
	[tilespmem:$0x16400] =	vst v63  }
0x18b: {  	s15 =	sadd.s32 $0x600, s14  }
0x18c: {  	[tilespmem:s30], [sflag:$0x2] =	stream.indirect.gather [hbm4b:s4+s18], $0x20, s15, s18, $0xb8;
	[tilespmem:$0x16400] =	vst v63  }
0x18d: {  	s16 =	sadd.s32 $0x680, s14  }
0x18e: {  	[tilespmem:s1], [sflag:$0x2] =	stream.indirect.gather [hbm4b:s4+s18], $0x20, s16, s18, $0xb8;
	[tilespmem:$0x16400] =	vst v63  }
0x18f: {  	s17 =	sadd.s32 $0x700, s14  }
0x190: {  	[tilespmem:s2], [sflag:$0x2] =	stream.indirect.gather [hbm4b:s4+s18], $0x20, s17, s18, $0xb8;
	[tilespmem:$0x16400] =	vst v63  }
0x191: {  	s11 =	sadd.s32 $0x780, s14  }
0x192: {  	[tilespmem:s5], [sflag:$0x2] =	stream.indirect.gather [hbm4b:s4+s18], $0x20, s11, s18, $0xb8;
	[tilespmem:$0x16400] =	vst v63  }
0x193: {  	_ =	swait.ge [sflag:s6], $0x1000  }
0x194: {  	[sflag:s6] =	ssyncset.done $0x0  }
0x195: {  	[sflag:s6] =	ssyncadd.s32 $0xFFFFF000  }
0x196: {  	_ =	swait.ge [sflag:s6], $0x1000  }
0x197: {  	[sflag:s6] =	ssyncset.done $0x0  }
0x198: {  	[sflag:s6] =	ssyncadd.s32 $0xFFFFF000  }
0x199: {  	_ =	swait.ge [sflag:s6], $0x1000  }
0x19a: {  	[sflag:s6] =	ssyncset.done $0x0  }
0x19b: {  	[sflag:s6] =	ssyncadd.s32 $0xFFFFF000  }
0x19c: {  	_ =	swait.ge [sflag:s6], $0x1000  }
0x19d: {  	[sflag:s6] =	ssyncset.done $0x0  }
0x19e: {  	[sflag:s6] =	ssyncadd.s32 $0xFFFFF000  }
0x19f: {  	_ =	swait.ge [sflag:s6], $0x1000  }
0x1a0: {  	[sflag:s6] =	ssyncset.done $0x0  }
0x1a1: {  	[sflag:s6] =	ssyncadd.s32 $0xFFFFF000  }
0x1a2: {  	_ =	swait.ge [sflag:s6], $0x1000  }
0x1a3: {  	[sflag:s6] =	ssyncset.done $0x0  }
0x1a4: {  	[sflag:s6] =	ssyncadd.s32 $0xFFFFF000  }
0x1a5: {  	_ =	swait.ge [sflag:s6], $0x1000  }
0x1a6: {  	[sflag:s6] =	ssyncset.done $0x0  }
0x1a7: {  	[sflag:s6] =	ssyncadd.s32 $0xFFFFF000  }
0x1a8: {  	s15 =	sand.u32 $0xFFC0000, s13;
	_ =	swait.ge [sflag:s6], $0x1000  }
0x1a9: {  	s10 =	sadd.s32 s3, s15;
	s16 =	sand.u32 $0x3C000, s13;
	[sflag:s6] =	ssyncset.done $0x0  }
0x1aa: {  	s10 =	sadd.s32 s16, s10;
	s11 =	sadd.s32 s13, s3;
	[sflag:s6] =	ssyncadd.s32 $0xFFFFF000  }
0x1ab: {  	[hbm4b:s11+s7] =	stream.strided.scatter [tilespmem:s19], [sflag:$0x3], $0x1000, s18, s7, $0x38;
	[tilespmem:$0x16400] =	vst v63  }
0x1ac: {  	s11 =	sadd.s32 $0x800, s10  }
0x1ad: {  	[hbm4b:s11+s7] =	stream.strided.scatter [tilespmem:s20], [sflag:$0x3], $0x1000, s18, s7, $0x38;
	[tilespmem:$0x16400] =	vst v63  }
0x1ae: {  	s17 =	sadd.s32 $0x1000, s10  }
0x1af: {  	[hbm4b:s17+s7] =	stream.strided.scatter [tilespmem:s22], [sflag:$0x3], $0x1000, s18, s7, $0x38;
	[tilespmem:$0x16400] =	vst v63  }
0x1b0: {  	s15 =	sadd.s32 $0x1800, s10  }
0x1b1: {  	[hbm4b:s15+s7] =	stream.strided.scatter [tilespmem:s24], [sflag:$0x3], $0x1000, s18, s7, $0x38;
	[tilespmem:$0x16400] =	vst v63  }
0x1b2: {  	s16 =	sadd.s32 $0x2000, s10  }
0x1b3: {  	[hbm4b:s16+s7] =	stream.strided.scatter [tilespmem:s26], [sflag:$0x3], $0x1000, s18, s7, $0x38;
	[tilespmem:$0x16400] =	vst v63  }
0x1b4: {  	s17 =	sadd.s32 $0x2800, s10  }
0x1b5: {  	[hbm4b:s17+s7] =	stream.strided.scatter [tilespmem:s29], [sflag:$0x3], $0x1000, s18, s7, $0x38;
	[tilespmem:$0x16400] =	vst v63  }
0x1b6: {  	s15 =	sadd.s32 $0x3000, s10  }
0x1b7: {  	[hbm4b:s15+s7] =	stream.strided.scatter [tilespmem:s31], [sflag:$0x3], $0x1000, s18, s7, $0x38;
	[tilespmem:$0x16400] =	vst v63  }
0x1b8: {  	s10 =	sadd.s32 $0x3800, s10  }
0x1b9: {  	[hbm4b:s10+s7] =	stream.strided.scatter [tilespmem:s0], [sflag:$0x3], $0x1000, s18, s7, $0x38;
	[tilespmem:$0x16400] =	vst v63  }
0x1ba: {  	_ =	swait.ge [sflag:s8], $0x1000  }
0x1bb: {  	[sflag:s8] =	ssyncset.done $0x0  }
0x1bc: {  	[sflag:s8] =	ssyncadd.s32 $0xFFFFF000  }
0x1bd: {  	_ =	swait.ge [sflag:s8], $0x1000  }
0x1be: {  	[sflag:s8] =	ssyncset.done $0x0  }
0x1bf: {  	[sflag:s8] =	ssyncadd.s32 $0xFFFFF000  }
0x1c0: {  	_ =	swait.ge [sflag:s8], $0x1000  }
0x1c1: {  	[sflag:s8] =	ssyncset.done $0x0  }
0x1c2: {  	[sflag:s8] =	ssyncadd.s32 $0xFFFFF000  }
0x1c3: {  	_ =	swait.ge [sflag:s8], $0x1000  }
0x1c4: {  	[sflag:s8] =	ssyncset.done $0x0  }
0x1c5: {  	[sflag:s8] =	ssyncadd.s32 $0xFFFFF000  }
0x1c6: {  	_ =	swait.ge [sflag:s8], $0x1000  }
0x1c7: {  	[sflag:s8] =	ssyncset.done $0x0  }
0x1c8: {  	[sflag:s8] =	ssyncadd.s32 $0xFFFFF000  }
0x1c9: {  	_ =	swait.ge [sflag:s8], $0x1000  }
0x1ca: {  	[sflag:s8] =	ssyncset.done $0x0  }
0x1cb: {  	[sflag:s8] =	ssyncadd.s32 $0xFFFFF000  }
0x1cc: {  	_ =	swait.ge [sflag:s8], $0x1000  }
0x1cd: {  	[sflag:s8] =	ssyncset.done $0x0  }
0x1ce: {  	[sflag:s8] =	ssyncadd.s32 $0xFFFFF000  }
0x1cf: {  	_ =	swait.ge [sflag:s8], $0x1000  }
0x1d0: {  	[sflag:s8] =	ssyncset.done $0x0  }
0x1d1: {  	s16 =	sadd.s32 $0x800, s14;
	[sflag:s8] =	ssyncadd.s32 $0xFFFFF000  }
0x1d2: {  	[tilespmem:s19], [sflag:$0x1] =	stream.indirect.gather [hbm4b:s4+s18], $0x20, s16, s18, $0xb8;
	[tilespmem:$0x16400] =	vst v63  }
0x1d3: {  	s17 =	sadd.s32 $0x880, s14  }
0x1d4: {  	[tilespmem:s20], [sflag:$0x1] =	stream.indirect.gather [hbm4b:s4+s18], $0x20, s17, s18, $0xb8;
	[tilespmem:$0x16400] =	vst v63  }
0x1d5: {  	s11 =	sadd.s32 $0x900, s14  }
0x1d6: {  	[tilespmem:s22], [sflag:$0x1] =	stream.indirect.gather [hbm4b:s4+s18], $0x20, s11, s18, $0xb8;
	[tilespmem:$0x16400] =	vst v63  }
0x1d7: {  	s15 =	sadd.s32 $0x980, s14  }
0x1d8: {  	[tilespmem:s24], [sflag:$0x1] =	stream.indirect.gather [hbm4b:s4+s18], $0x20, s15, s18, $0xb8;
	[tilespmem:$0x16400] =	vst v63  }
0x1d9: {  	s16 =	sadd.s32 $0xA00, s14  }
0x1da: {  	[tilespmem:s26], [sflag:$0x1] =	stream.indirect.gather [hbm4b:s4+s18], $0x20, s16, s18, $0xb8;
	[tilespmem:$0x16400] =	vst v63  }
0x1db: {  	s17 =	sadd.s32 $0xA80, s14  }
0x1dc: {  	[tilespmem:s29], [sflag:$0x1] =	stream.indirect.gather [hbm4b:s4+s18], $0x20, s17, s18, $0xb8;
	[tilespmem:$0x16400] =	vst v63  }
0x1dd: {  	s11 =	sadd.s32 $0xB00, s14  }
0x1de: {  	[tilespmem:s31], [sflag:$0x1] =	stream.indirect.gather [hbm4b:s4+s18], $0x20, s11, s18, $0xb8;
	[tilespmem:$0x16400] =	vst v63  }
0x1df: {  	s15 =	sadd.s32 $0xB80, s14  }
0x1e0: {  	[tilespmem:s0], [sflag:$0x1] =	stream.indirect.gather [hbm4b:s4+s18], $0x20, s15, s18, $0xb8;
	[tilespmem:$0x16400] =	vst v63  }
0x1e1: {  	_ =	swait.ge [sflag:s9], $0x1000  }
0x1e2: {  	[sflag:s9] =	ssyncset.done $0x0  }
0x1e3: {  	[sflag:s9] =	ssyncadd.s32 $0xFFFFF000  }
0x1e4: {  	_ =	swait.ge [sflag:s9], $0x1000  }
0x1e5: {  	[sflag:s9] =	ssyncset.done $0x0  }
0x1e6: {  	[sflag:s9] =	ssyncadd.s32 $0xFFFFF000  }
0x1e7: {  	_ =	swait.ge [sflag:s9], $0x1000  }
0x1e8: {  	[sflag:s9] =	ssyncset.done $0x0  }
0x1e9: {  	[sflag:s9] =	ssyncadd.s32 $0xFFFFF000  }
0x1ea: {  	_ =	swait.ge [sflag:s9], $0x1000  }
0x1eb: {  	[sflag:s9] =	ssyncset.done $0x0  }
0x1ec: {  	[sflag:s9] =	ssyncadd.s32 $0xFFFFF000  }
0x1ed: {  	_ =	swait.ge [sflag:s9], $0x1000  }
0x1ee: {  	[sflag:s9] =	ssyncset.done $0x0  }
0x1ef: {  	[sflag:s9] =	ssyncadd.s32 $0xFFFFF000  }
0x1f0: {  	_ =	swait.ge [sflag:s9], $0x1000  }
0x1f1: {  	[sflag:s9] =	ssyncset.done $0x0  }
0x1f2: {  	[sflag:s9] =	ssyncadd.s32 $0xFFFFF000  }
0x1f3: {  	_ =	swait.ge [sflag:s9], $0x1000  }
0x1f4: {  	[sflag:s9] =	ssyncset.done $0x0  }
0x1f5: {  	s16 =	sadd.s32 $0x4000, s13;
	[sflag:s9] =	ssyncadd.s32 $0xFFFFF000  }
0x1f6: {  	s17 =	sand.u32 $0xFFC0000, s16;
	_ =	swait.ge [sflag:s9], $0x1000  }
0x1f7: {  	s10 =	sand.u32 $0x3C000, s16;
	s11 =	sadd.s32 s3, s17;
	[sflag:s9] =	ssyncset.done $0x0  }
0x1f8: {  	s13 =	sadd.s32 s12, s3;
	s10 =	sadd.s32 s10, s11;
	[sflag:s9] =	ssyncadd.s32 $0xFFFFF000  }
0x1f9: {  	[hbm4b:s13+s7] =	stream.strided.scatter [tilespmem:s21], [sflag:$0x4], $0x1000, s18, s7, $0x38;
	[tilespmem:$0x16400] =	vst v63  }
0x1fa: {  	s14 =	sadd.s32 $0x800, s10  }
0x1fb: {  	[hbm4b:s14+s7] =	stream.strided.scatter [tilespmem:s23], [sflag:$0x4], $0x1000, s18, s7, $0x38;
	[tilespmem:$0x16400] =	vst v63  }
0x1fc: {  	s15 =	sadd.s32 $0x1000, s10  }
0x1fd: {  	[hbm4b:s15+s7] =	stream.strided.scatter [tilespmem:s25], [sflag:$0x4], $0x1000, s18, s7, $0x38;
	[tilespmem:$0x16400] =	vst v63  }
0x1fe: {  	s16 =	sadd.s32 $0x1800, s10  }
0x1ff: {  	[hbm4b:s16+s7] =	stream.strided.scatter [tilespmem:s28], [sflag:$0x4], $0x1000, s18, s7, $0x38;
	[tilespmem:$0x16400] =	vst v63  }
0x200: {  	s17 =	sadd.s32 $0x2000, s10  }
0x201: {  	[hbm4b:s17+s7] =	stream.strided.scatter [tilespmem:s30], [sflag:$0x4], $0x1000, s18, s7, $0x38;
	[tilespmem:$0x16400] =	vst v63  }
0x202: {  	s12 =	sadd.s32 $0x2800, s10  }
0x203: {  	[hbm4b:s12+s7] =	stream.strided.scatter [tilespmem:s1], [sflag:$0x4], $0x1000, s18, s7, $0x38;
	[tilespmem:$0x16400] =	vst v63  }
0x204: {  	s13 =	sadd.s32 $0x3000, s10  }
0x205: {  	[hbm4b:s13+s7] =	stream.strided.scatter [tilespmem:s2], [sflag:$0x4], $0x1000, s18, s7, $0x38;
	[tilespmem:$0x16400] =	vst v63  }
0x206: {  	s10 =	sadd.s32 $0x3800, s10;
	s14 =	simm.s32 $0x4  }
0x207: {  	[hbm4b:s10+s7] =	stream.strided.scatter [tilespmem:s5], [sflag:$0x4], $0x1000, s18, s7, $0x38;
	[tilespmem:$0x16400] =	vst v63  }
0x208: {  	_ =	swait.ge [sflag:s14], $0x1000  }
0x209: {  	[sflag:s14] =	ssyncset.done $0x0  }
0x20a: {  	[sflag:s14] =	ssyncadd.s32 $0xFFFFF000  }
0x20b: {  	_ =	swait.ge [sflag:s14], $0x1000  }
0x20c: {  	[sflag:s14] =	ssyncset.done $0x0  }
0x20d: {  	[sflag:s14] =	ssyncadd.s32 $0xFFFFF000  }
0x20e: {  	_ =	swait.ge [sflag:s14], $0x1000  }
0x20f: {  	[sflag:s14] =	ssyncset.done $0x0  }
0x210: {  	[sflag:s14] =	ssyncadd.s32 $0xFFFFF000  }
0x211: {  	_ =	swait.ge [sflag:s14], $0x1000  }
0x212: {  	[sflag:s14] =	ssyncset.done $0x0  }
0x213: {  	[sflag:s14] =	ssyncadd.s32 $0xFFFFF000  }
0x214: {  	_ =	swait.ge [sflag:s14], $0x1000  }
0x215: {  	[sflag:s14] =	ssyncset.done $0x0  }
0x216: {  	[sflag:s14] =	ssyncadd.s32 $0xFFFFF000  }
0x217: {  	_ =	swait.ge [sflag:s14], $0x1000  }
0x218: {  	[sflag:s14] =	ssyncset.done $0x0  }
0x219: {  	[sflag:s14] =	ssyncadd.s32 $0xFFFFF000  }
0x21a: {  	_ =	swait.ge [sflag:s14], $0x1000  }
0x21b: {  	[sflag:s14] =	ssyncset.done $0x0  }
0x21c: {  	[sflag:s14] =	ssyncadd.s32 $0xFFFFF000  }
0x21d: {  	_ =	swait.ge [sflag:s14], $0x1000  }
0x21e: {  	[sflag:s14] =	ssyncset.done $0x0  }
0x21f: {  	[sflag:s14] =	ssyncadd.s32 $0xFFFFF000  }
0x220: {  	_ =	swait.ge [sflag:s6], $0x1000  }
0x221: {  	[sflag:s6] =	ssyncset.done $0x0  }
0x222: {  	[sflag:s6] =	ssyncadd.s32 $0xFFFFF000  }
0x223: {  	_ =	swait.ge [sflag:s6], $0x1000  }
0x224: {  	[sflag:s6] =	ssyncset.done $0x0  }
0x225: {  	[sflag:s6] =	ssyncadd.s32 $0xFFFFF000  }
0x226: {  	_ =	swait.ge [sflag:s6], $0x1000  }
0x227: {  	[sflag:s6] =	ssyncset.done $0x0  }
0x228: {  	[sflag:s6] =	ssyncadd.s32 $0xFFFFF000  }
0x229: {  	_ =	swait.ge [sflag:s6], $0x1000  }
0x22a: {  	[sflag:s6] =	ssyncset.done $0x0  }
0x22b: {  	[sflag:s6] =	ssyncadd.s32 $0xFFFFF000  }
0x22c: {  	_ =	swait.ge [sflag:s6], $0x1000  }
0x22d: {  	[sflag:s6] =	ssyncset.done $0x0  }
0x22e: {  	[sflag:s6] =	ssyncadd.s32 $0xFFFFF000  }
0x22f: {  	_ =	swait.ge [sflag:s6], $0x1000  }
0x230: {  	[sflag:s6] =	ssyncset.done $0x0  }
0x231: {  	[sflag:s6] =	ssyncadd.s32 $0xFFFFF000  }
0x232: {  	_ =	swait.ge [sflag:s6], $0x1000  }
0x233: {  	[sflag:s6] =	ssyncset.done $0x0  }
0x234: {  	[sflag:s6] =	ssyncadd.s32 $0xFFFFF000  }
0x235: {  	_ =	swait.ge [sflag:s6], $0x1000  }
0x236: {  	[sflag:s6] =	ssyncset.done $0x0  }
0x237: {  	s15 =	rddreg [dreg:$0x4];
	[sflag:s6] =	ssyncadd.s32 $0xFFFFF000  }
0x238: {  	[hbm4b:s15+s7] =	stream.strided.scatter [tilespmem:s19], [sflag:$0x3], $0x1000, s18, s7, $0x38;
	[tilespmem:$0x16400] =	vst v63  }
0x239: {  	s16 =	rddreg [dreg:$0x5]  }
0x23a: {  	[hbm4b:s16+s7] =	stream.strided.scatter [tilespmem:s20], [sflag:$0x3], $0x1000, s18, s7, $0x38;
	[tilespmem:$0x16400] =	vst v63  }
0x23b: {  	s17 =	rddreg [dreg:$0x6]  }
0x23c: {  	[hbm4b:s17+s7] =	stream.strided.scatter [tilespmem:s22], [sflag:$0x3], $0x1000, s18, s7, $0x38;
	[tilespmem:$0x16400] =	vst v63  }
0x23d: {  	s11 =	rddreg [dreg:$0x7]  }
0x23e: {  	[hbm4b:s11+s7] =	stream.strided.scatter [tilespmem:s24], [sflag:$0x3], $0x1000, s18, s7, $0x38;
	[tilespmem:$0x16400] =	vst v63  }
0x23f: {  	s12 =	rddreg [dreg:$0x8]  }
0x240: {  	[hbm4b:s12+s7] =	stream.strided.scatter [tilespmem:s26], [sflag:$0x3], $0x1000, s18, s7, $0x38;
	[tilespmem:$0x16400] =	vst v63  }
0x241: {  	s13 =	rddreg [dreg:$0x9]  }
0x242: {  	[hbm4b:s13+s7] =	stream.strided.scatter [tilespmem:s29], [sflag:$0x3], $0x1000, s18, s7, $0x38;
	[tilespmem:$0x16400] =	vst v63  }
0x243: {  	s14 =	rddreg [dreg:$0xa]  }
0x244: {  	[hbm4b:s14+s7] =	stream.strided.scatter [tilespmem:s31], [sflag:$0x3], $0x1000, s18, s7, $0x38;
	[tilespmem:$0x16400] =	vst v63  }
0x245: {  	s15 =	rddreg [dreg:$0xb]  }
0x246: {  	[hbm4b:s15+s7] =	stream.strided.scatter [tilespmem:s0], [sflag:$0x3], $0x1000, s18, s7, $0x38;
	[tilespmem:$0x16400] =	vst v63  }
0x247: {  	_ =	swait.ge [sflag:s8], $0x1000  }
0x248: {  	[sflag:s8] =	ssyncset.done $0x0  }
0x249: {  	[sflag:s8] =	ssyncadd.s32 $0xFFFFF000  }
0x24a: {  	_ =	swait.ge [sflag:s8], $0x1000  }
0x24b: {  	[sflag:s8] =	ssyncset.done $0x0  }
0x24c: {  	[sflag:s8] =	ssyncadd.s32 $0xFFFFF000  }
0x24d: {  	_ =	swait.ge [sflag:s8], $0x1000  }
0x24e: {  	[sflag:s8] =	ssyncset.done $0x0  }
0x24f: {  	[sflag:s8] =	ssyncadd.s32 $0xFFFFF000  }
0x250: {  	_ =	swait.ge [sflag:s8], $0x1000  }
0x251: {  	[sflag:s8] =	ssyncset.done $0x0  }
0x252: {  	[sflag:s8] =	ssyncadd.s32 $0xFFFFF000  }
0x253: {  	_ =	swait.ge [sflag:s8], $0x1000  }
0x254: {  	[sflag:s8] =	ssyncset.done $0x0  }
0x255: {  	[sflag:s8] =	ssyncadd.s32 $0xFFFFF000  }
0x256: {  	_ =	swait.ge [sflag:s8], $0x1000  }
0x257: {  	[sflag:s8] =	ssyncset.done $0x0  }
0x258: {  	[sflag:s8] =	ssyncadd.s32 $0xFFFFF000  }
0x259: {  	_ =	swait.ge [sflag:s8], $0x1000  }
0x25a: {  	[sflag:s8] =	ssyncset.done $0x0  }
0x25b: {  	[sflag:s8] =	ssyncadd.s32 $0xFFFFF000  }
0x25c: {  	_ =	swait.ge [sflag:s8], $0x1000  }
0x25d: {  	s16 =	rddreg [dreg:$0xf]  }
0x25e: {  	s17 =	rddreg [dreg:$0xc];
	s11 =	sadd.s32 $0x1, s16  }
0x25f: {  	p0 =	sne.s32 s11, s17  }
.Ltmp1:
0x260: {  	_ = 	snop;
	(pc) =	sbr.rel @p0 .LBB2_1-.Ltmp1, $3  }
0x261: {  	_ =	sdelay $0x1  }
0x262: {  	[sflag:s8] =	ssyncset.done $0x0  }
0x263: {  	[sflag:s8] =	ssyncadd.s32 $0xFFFFF000  }
0x264: {  	_ =	sfence.sel $0x180000  }
0x265: {  	[bflag:$0x0] =	sbarrier.arrive $0xFFFF  }
0x266: {  	_ =	strace $0x90000047  }
0x267: {  	s0 =	stileid.u32;
	[bflag:$0x2] =	sbarrier.arrive $0xFFFF  }
0x268: {  	p0 =	sne.s32 s0, $0x0;
	s0 =	rddreg [dreg:$0x2]  }
0x269: {  	s0 =	sadd.s32 @!p0 $0x100000, s0  }
0x26a: {  	[sflag:s0] =	ssyncadd.tile.s32 @!p0 $0x1;
	_ =	shalt  }
.Lfunc_end2:
_tile_overlayer_lowered:
.L_overlay_start_2:
0x26b: {  	(tag) =	ssettag $0x2  }
0x26c: {  	s0 =	rddreg [dreg:$0x0];
	s2 =	stileid.u32  }
0x26d: {  	s1 =	rddreg [dreg:$0x1];
	p0 =	sne.s32 s2, $0x0  }
0x26e: {  	s3 =	rddreg [dreg:$0x2];
	[bflag:$0x3] =	sbarrier.arrive $0xFFFF;
	s2 =	simm.s32 @!p0 $0x1C05  }
0x26f: {  	[timem:s3], [sflag:s2] =	dma.local @!p0 [hbm:s0], s1  }
0x270: {  	s0 =	simm.s32 @!p0 $0x5  }
0x271: {  	_ =	swait.ge @!p0 [sflag:s0], s1  }
0x272: {  	s1 =	ssub.s32 @!p0 $0x0, s1;
	[sflag:s0] =	ssyncset.done @!p0 $0x0  }
0x273: {  	[sflag:s0] =	ssyncadd.s32 @!p0 s1  }
0x274: {  	[bflag:$0x3] =	sbarrier.arrive $0xFFFF  }
0x275: {  	_ =	shalt  }

</sc_bundles>
